<compile_context>
chip_gen: v7x
topology: tpu7x:2x2x1
jax: 0.10.2.dev20260603
libtpu: 0.0.44.dev20260713+nightly
codegen_flags: <defaults>
</compile_context>

<pallas_src>
import jax
import jax.numpy as jnp
from jax import lax
from jax.experimental import pallas as pl
from jax.experimental.pallas import tpu as pltpu
from jax.experimental.pallas import tpu_sc as plsc

N = 10000
IN = 128
H = 64
E = 160000

NC = 2
NS = 16
D1 = 128
D2 = 128
CHUNK = 96
EPW = E // NS
FULL = EPW // CHUNK
TAIL = EPW - FULL * CHUNK
NP = 10240
RPT = NP // NS

BR = 2000
GRID = N // BR


def _mm(a, w):
    return lax.dot_general(a, w, (((1,), (1,)), ((), ())),
                           preferred_element_type=jnp.float32)


def _proj_body(x_ref, wpl_ref, wpr_ref, bpr_ref, wnl_ref, wnr_ref, bnr_ref,
               tabp_ref, tabn_ref, basep_ref, basen_ref):
    x = x_ref[...]
    ones = jnp.ones((BR, 1), jnp.float32)
    zeros = jnp.zeros((BR, D1 - H - 1), jnp.float32)
    tabp_ref[...] = jnp.concatenate([_mm(x, wpl_ref[...]), ones, zeros], axis=1)
    tabn_ref[...] = jnp.concatenate([_mm(x, wnl_ref[...]), ones, zeros], axis=1)
    basep_ref[...] = _mm(x, wpr_ref[...]) + bpr_ref[...]
    basen_ref[...] = _mm(x, wnr_ref[...]) + bnr_ref[...]


def _tc_project(x, wpl, wpr, bpr, wnl, wnr, bnr):
    row = lambda i: (i, 0)
    full = lambda i: (0, 0)
    return pl.pallas_call(
        _proj_body,
        grid=(GRID,),
        in_specs=[
            pl.BlockSpec((BR, IN), row),
            pl.BlockSpec((H, IN), full), pl.BlockSpec((H, IN), full),
            pl.BlockSpec((1, H), full),
            pl.BlockSpec((H, IN), full), pl.BlockSpec((H, IN), full),
            pl.BlockSpec((1, H), full),
        ],
        out_specs=[
            pl.BlockSpec((BR, D1), row), pl.BlockSpec((BR, D1), row),
            pl.BlockSpec((BR, H), row), pl.BlockSpec((BR, H), row),
        ],
        out_shape=[
            jax.ShapeDtypeStruct((N, D1), jnp.float32),
            jax.ShapeDtypeStruct((N, D1), jnp.float32),
            jax.ShapeDtypeStruct((N, H), jnp.float32),
            jax.ShapeDtypeStruct((N, H), jnp.float32),
        ],
    )(x, wpl, wpr, bpr, wnl, wnr, bnr)


def _combine_body(sp_ref, sn_ref, basep_ref, basen_ref, h_ref):
    sp = sp_ref[0]
    sn = sn_ref[0]
    cp = jnp.maximum(sp[:, H:H + 1], 1.0)
    cn = jnp.maximum(sn[:, H:H + 1], 1.0)
    op = sp[:, :H] / cp + basep_ref[...]
    on = sn[:, :H] / cn + basen_ref[...]
    h_ref[...] = jnp.maximum(jnp.concatenate([op, on], axis=1), 0.0)


def _tc_combine(s1, basep, basen):
    row = lambda i: (i, 0)
    pos = lambda i: (0, i, 0)
    neg = lambda i: (1, i, 0)
    return pl.pallas_call(
        _combine_body,
        grid=(GRID,),
        in_specs=[
            pl.BlockSpec((1, BR, D1), pos), pl.BlockSpec((1, BR, D1), neg),
            pl.BlockSpec((BR, H), row), pl.BlockSpec((BR, H), row),
        ],
        out_specs=pl.BlockSpec((BR, 2 * H), row),
        out_shape=jax.ShapeDtypeStruct((N, 2 * H), jnp.float32),
    )(s1, s1, basep, basen)


def _final_body(ap_ref, an_ref, h_ref, sp_ref, sn_ref,
                wpl2_ref, wpr2_ref, bpr2_ref, wnl2_ref, wnr2_ref, bnr2_ref,
                z_ref):
    cp = jnp.maximum(sp_ref[0, :, H:H + 1], 1.0)
    cn = jnp.maximum(sn_ref[0, :, H:H + 1], 1.0)
    mp = ap_ref[0] / cp
    mn = an_ref[0] / cn
    h = h_ref[...]
    pos_in = jnp.concatenate([mp[:, :H], mn[:, H:]], axis=1)
    neg_in = jnp.concatenate([mp[:, H:], mn[:, :H]], axis=1)
    op = _mm(pos_in, wpl2_ref[...]) + _mm(h[:, :H], wpr2_ref[...]) + bpr2_ref[...]
    on = _mm(neg_in, wnl2_ref[...]) + _mm(h[:, H:], wnr2_ref[...]) + bnr2_ref[...]
    z_ref[...] = jnp.maximum(jnp.concatenate([op, on], axis=1), 0.0)


def _tc_final(s2, h, s1, wpl2, wpr2, bpr2, wnl2, wnr2, bnr2):
    row = lambda i: (i, 0)
    full = lambda i: (0, 0)
    pos = lambda i: (0, i, 0)
    neg = lambda i: (1, i, 0)
    return pl.pallas_call(
        _final_body,
        grid=(GRID,),
        in_specs=[
            pl.BlockSpec((1, BR, 2 * H), pos), pl.BlockSpec((1, BR, 2 * H), neg),
            pl.BlockSpec((BR, 2 * H), row),
            pl.BlockSpec((1, BR, D1), pos), pl.BlockSpec((1, BR, D1), neg),
            pl.BlockSpec((H, 2 * H), full), pl.BlockSpec((H, H), full),
            pl.BlockSpec((1, H), full),
            pl.BlockSpec((H, 2 * H), full), pl.BlockSpec((H, H), full),
            pl.BlockSpec((1, H), full),
        ],
        out_specs=pl.BlockSpec((BR, 2 * H), row),
        out_shape=jax.ShapeDtypeStruct((N, 2 * H), jnp.float32),
    )(s2, s2, h, s1, s1, wpl2, wpr2, bpr2, wnl2, wnr2, bnr2)


def _make_agg(d, shared_table):
    mesh = plsc.VectorSubcoreMesh(core_axis_name="c", subcore_axis_name="s",
                                  num_cores=NC, num_subcores=NS)

    def body(*refs):
        if shared_table:
            (tab, pe, ne, out, accum, sidx, didx, rows, sem) = refs
            tab_p = tab_n = tab
        else:
            (tab_p, tab_n, pe, ne, out, accum, sidx, didx, rows, sem) = refs
        c = lax.axis_index("c")
        s = lax.axis_index("s")
        r0 = s * RPT

        def run(tab, edges, ci):
            zv = jnp.zeros((16,), jnp.float32)

            def zrow(i, carry):
                for t in range(d // 16):
                    rows[0, i, pl.ds(t * 16, 16)] = zv
                return carry

            lax.fori_loop(0, CHUNK, zrow, 0)
            for i in range(RPT // CHUNK):
                pltpu.sync_copy(rows.at[0], accum.at[pl.ds(r0 + i * CHUNK,
                                                           CHUNK)])
            rem = RPT - (RPT // CHUNK) * CHUNK
            if rem:
                pltpu.sync_copy(rows.at[0, pl.ds(0, rem)],
                                accum.at[pl.ds(r0 + RPT - rem, rem)])
            base = s * EPW
            pltpu.sync_copy(edges.at[pl.ds(base, EPW)], sidx)
            pltpu.sync_copy(edges.at[pl.ds(E + base, EPW)], didx)
            plsc.subcore_barrier()

            def issue(k, j):
                pltpu.async_copy(tab.at[sidx.at[pl.ds(k * CHUNK, CHUNK)]],
                                 rows.at[j], sem)

            def gwait(j):
                pltpu.make_async_copy(tab.at[pl.ds(0, CHUNK)],
                                      rows.at[j], sem).wait()

            def scat(k, j):
                pltpu.sync_copy(rows.at[j],
                                accum.at[didx.at[pl.ds(k * CHUNK, CHUNK)]],
                                add=True)

            issue(0, 0)

            def pair(kk, carry):
                k0 = 2 * kk
                gwait(0)
                issue(k0 + 1, 1)
                scat(k0, 0)
                gwait(1)
                issue(k0 + 2, 0)
                scat(k0 + 1, 1)
                return carry

            lax.fori_loop(0, (FULL - 2) // 2, pair, 0)
            gwait(0)
            issue(FULL - 1, 1)
            scat(FULL - 2, 0)
            gwait(1)
            pltpu.async_copy(
                tab.at[sidx.at[pl.ds(FULL * CHUNK, TAIL)]],
                rows.at[0, pl.ds(0, TAIL)], sem)
            scat(FULL - 1, 1)
            pltpu.make_async_copy(tab.at[pl.ds(0, TAIL)],
                                  rows.at[0, pl.ds(0, TAIL)], sem).wait()
            pltpu.sync_copy(rows.at[0, pl.ds(0, TAIL)],
                            accum.at[didx.at[pl.ds(FULL * CHUNK, TAIL)]],
                            add=True)
            plsc.subcore_barrier()
            pltpu.sync_copy(accum.at[pl.ds(r0, RPT)],
                            out.at[ci, pl.ds(r0, RPT)])

        @pl.when(c == 0)
        def _():
            run(tab_p, pe, 0)

        @pl.when(c == 1)
        def _():
            run(tab_n, ne, 1)

    kern = pl.kernel(
        body,
        out_type=jax.ShapeDtypeStruct((2, NP, d), jnp.float32),
        mesh=mesh,
        scratch_types=[
            pltpu.VMEM_SHARED((NP, d), jnp.float32),
            pltpu.VMEM((EPW,), jnp.int32),
            pltpu.VMEM((EPW,), jnp.int32),
            pltpu.VMEM((2, CHUNK, d), jnp.float32),
            pltpu.SemaphoreType.DMA,
        ],
    )
    return kern


_agg1 = None
_agg2 = None


def kernel(x, pos_edge_index, neg_edge_index,
           W_pl1, W_pr1, b_pr1, W_nl1, W_nr1, b_nr1,
           W_pl2, W_pr2, b_pr2, W_nl2, W_nr2, b_nr2):
    global _agg1, _agg2
    if _agg1 is None:
        _agg1 = _make_agg(D1, shared_table=False)
        _agg2 = _make_agg(D2, shared_table=True)

    tabp, tabn, basep, basen = _tc_project(
        x, W_pl1, W_pr1, b_pr1.reshape(1, H), W_nl1, W_nr1, b_nr1.reshape(1, H))

    pe = pos_edge_index.reshape(-1)
    ne = neg_edge_index.reshape(-1)
    s1 = _agg1(tabp, tabn, pe, ne)

    h = _tc_combine(s1, basep, basen)

    s2 = _agg2(h, pe, ne)

    z = _tc_final(s2, h, s1,
                  W_pl2, W_pr2, b_pr2.reshape(1, H),
                  W_nl2, W_nr2, b_nr2.reshape(1, H))
    return z

# --- scband reference (transcript-rebuilt; emitter-appended) ---
"""Pipeline reference for scband-signed-gcn-66125316489286 (READ-ONLY COPY).

The authoritative reference and input builder live on the scoring server;
editing this copy changes nothing except your own understanding.
"""

import jax, jax.numpy as jnp
import numpy as np

N = 10000
IN = 128
H = 64  # hidden_channels // 2
E = 160000


def _mean_agg(x_src, src, dst, num_nodes):
    msg = jnp.take(x_src, src, axis=0)
    s = jax.ops.segment_sum(msg, dst, num_segments=num_nodes)
    cnt = jax.ops.segment_sum(jnp.ones((src.shape[0],), dtype=x_src.dtype), dst, num_segments=num_nodes)
    return s / jnp.clip(cnt, 1.0)[:, None]


def setup_inputs(seed: int = 0):
    key = jax.random.key(seed)
    ks = [jax.random.fold_in(key, i) for i in range(20)]
    inp = {}
    inp['x'] = jax.random.normal(ks[0], (N, IN), dtype=jnp.float32)
    inp['pos_edge_index'] = jax.random.randint(ks[1], (2, E), 0, N, dtype=jnp.int32)
    inp['neg_edge_index'] = jax.random.randint(ks[2], (2, E), 0, N, dtype=jnp.int32)
    # conv1 (first_aggr=True): lin_*_l: Linear(IN, H, bias=False); lin_*_r: Linear(IN, H, bias=True)
    s_in = 1.0 / np.sqrt(IN)
    inp['W_pl1'] = jax.random.uniform(ks[3], (H, IN), jnp.float32, -s_in, s_in)
    inp['W_pr1'] = jax.random.uniform(ks[4], (H, IN), jnp.float32, -s_in, s_in)
    inp['b_pr1'] = jax.random.uniform(ks[5], (H,), jnp.float32, -s_in, s_in)
    inp['W_nl1'] = jax.random.uniform(ks[6], (H, IN), jnp.float32, -s_in, s_in)
    inp['W_nr1'] = jax.random.uniform(ks[7], (H, IN), jnp.float32, -s_in, s_in)
    inp['b_nr1'] = jax.random.uniform(ks[8], (H,), jnp.float32, -s_in, s_in)
    # conv2 (first_aggr=False): lin_*_l: Linear(2H, H, bias=False); lin_*_r: Linear(H, H, bias=True)
    s_2h = 1.0 / np.sqrt(2 * H)
    s_h = 1.0 / np.sqrt(H)
    inp['W_pl2'] = jax.random.uniform(ks[9], (H, 2 * H), jnp.float32, -s_2h, s_2h)
    inp['W_pr2'] = jax.random.uniform(ks[10], (H, H), jnp.float32, -s_h, s_h)
    inp['b_pr2'] = jax.random.uniform(ks[11], (H,), jnp.float32, -s_h, s_h)
    inp['W_nl2'] = jax.random.uniform(ks[12], (H, 2 * H), jnp.float32, -s_2h, s_2h)
    inp['W_nr2'] = jax.random.uniform(ks[13], (H, H), jnp.float32, -s_h, s_h)
    inp['b_nr2'] = jax.random.uniform(ks[14], (H,), jnp.float32, -s_h, s_h)
    return inp


def reference(x, pos_edge_index, neg_edge_index,
              W_pl1, W_pr1, b_pr1, W_nl1, W_nr1, b_nr1,
              W_pl2, W_pr2, b_pr2, W_nl2, W_nr2, b_nr2):
    ps, pd = pos_edge_index[0], pos_edge_index[1]
    ns, nd = neg_edge_index[0], neg_edge_index[1]

    # --- SignedConv layer 1 (first_aggr=True) ---
    agg_p = _mean_agg(x, ps, pd, N)
    agg_n = _mean_agg(x, ns, nd, N)
    out_pos = agg_p @ W_pl1.T + (x @ W_pr1.T + b_pr1)
    out_neg = agg_n @ W_nl1.T + (x @ W_nr1.T + b_nr1)
    h = jax.nn.relu(jnp.concatenate([out_pos, out_neg], axis=-1))  # [N, 2H]

    # --- SignedConv layer 2 (first_aggr=False) ---
    h_pos = h[:, :H]
    h_neg = h[:, H:]
    out_pos1 = _mean_agg(h_pos, ps, pd, N)
    out_pos2 = _mean_agg(h_neg, ns, nd, N)
    out_pos = jnp.concatenate([out_pos1, out_pos2], axis=-1) @ W_pl2.T + (h_pos @ W_pr2.T + b_pr2)
    out_neg1 = _mean_agg(h_neg, ps, pd, N)
    out_neg2 = _mean_agg(h_pos, ns, nd, N)
    out_neg = jnp.concatenate([out_neg1, out_neg2], axis=-1) @ W_nl2.T + (h_neg @ W_nr2.T + b_nr2)
    z = jax.nn.relu(jnp.concatenate([out_pos, out_neg], axis=-1))  # [N, 2H]
    return z

if __name__ == "__main__":
    import jax
    _d = setup_inputs()
    print(jax.jit(kernel)(*tuple(_d.values())))

</pallas_src>

<mosaic_0001>
#map = affine_map<(d0, d1) -> (0, 0)>
#map1 = affine_map<(d0, d1) -> (0)>
#map2 = affine_map<(d0, d1) -> (0, 0, 0)>
module attributes {stable_mosaic.version = 14 : i64} {
  func.func @body(%arg0: i32, %arg1: i32, %arg2: memref<10000x128xf32, #tpu.memory_space<hbm>>, %arg3: memref<320000xi32, #tpu.memory_space<hbm>>, %arg4: memref<320000xi32, #tpu.memory_space<hbm>>, %arg5: memref<2x10240x128xf32, #tpu.memory_space<hbm>>, %arg6: memref<10240x128xf32, #tpu.memory_space<vmem_shared>>, %arg7: memref<10000xi32, #tpu.memory_space<vmem>>, %arg8: memref<10000xi32, #tpu.memory_space<vmem>>, %arg9: memref<2x96x128xf32, #tpu.memory_space<vmem>>, %arg10: memref<!tpu.dma_semaphore, #tpu.memory_space<semaphore_mem>>) attributes {dimension_semantics = [#tpu.dimension_semantics<core_parallel>, #tpu.dimension_semantics<subcore_parallel>], iteration_bounds = array<i64: 2, 16>, scalar_prefetch = 0 : i64, scratch_operands = 5 : i64, tpu.core_type = #tpu.core_type<sc_vector_subcore>, window_params = [{transform_indices = #map}, {transform_indices = #map1}, {transform_indices = #map1}, {transform_indices = #map2}]} {
    %mul3A = arith.constant 640 : i32
    %mul3A_0 = arith.muli %arg1, %mul3A : i32
    %eq3A = arith.constant 0 : i32
    %eq3A_1 = arith.cmpi eq, %arg0, %eq3A : i32
    %convert_element_type3A = arith.extui %eq3A_1 : i1 to i32
    %cond3A = arith.constant 0 : i32
    %cond3A_2 = arith.cmpi ne, %convert_element_type3A, %cond3A : i32
    scf.if %cond3A_2 {
      %broadcast_in_dim3A = arith.constant 0.000000e+00 : f32
      %broadcast_in_dim3A_8 = vector.broadcast %broadcast_in_dim3A : f32 to vector<16xf32>
      %scan3A = arith.constant 0 : i32
      %scan3A_9 = arith.constant 0 : i32
      %scan3A_10 = arith.constant 96 : i32
      %scan3A_11 = arith.addi %scan3A_9, %scan3A_10 : i32
      %scan3A_12 = arith.constant 1 : i32
      scf.for %scan3A_122 = %scan3A_9 to %scan3A_11 step %scan3A_12  : i32 {
        %swap3A = arith.constant 0 : i32
        %swap3A_123 = arith.index_cast %swap3A : i32 to index
        %swap3A_124 = arith.index_cast %scan3A_122 : i32 to index
        %swap3A_125 = arith.constant 0 : index
        %swap3A_126 = tpu.vector_load %arg9[%swap3A_123, %swap3A_124, %swap3A_125] {strides = array<i32>} : memref<2x96x128xf32, #tpu.memory_space<vmem>>, vector<1x1x16xf32>,
        %swap3A_127 = vector.shape_cast %swap3A_126 : vector<1x1x16xf32> to vector<16xf32>
        %swap3A_128 = vector.shape_cast %broadcast_in_dim3A_8 : vector<16xf32> to vector<1x1x16xf32>
        tpu.vector_store %arg9[%swap3A_123, %swap3A_124, %swap3A_125], %swap3A_128 {strides = array<i32>} : memref<2x96x128xf32, #tpu.memory_space<vmem>>, vector<1x1x16xf32>,
        %swap3A_129 = arith.constant 0 : i32
        %swap3A_130 = arith.index_cast %swap3A_129 : i32 to index
        %swap3A_131 = arith.index_cast %scan3A_122 : i32 to index
        %swap3A_132 = arith.constant 16 : index
        %swap3A_133 = tpu.vector_load %arg9[%swap3A_130, %swap3A_131, %swap3A_132] {strides = array<i32>} : memref<2x96x128xf32, #tpu.memory_space<vmem>>, vector<1x1x16xf32>,
        %swap3A_134 = vector.shape_cast %swap3A_133 : vector<1x1x16xf32> to vector<16xf32>
        %swap3A_135 = vector.shape_cast %broadcast_in_dim3A_8 : vector<16xf32> to vector<1x1x16xf32>
        tpu.vector_store %arg9[%swap3A_130, %swap3A_131, %swap3A_132], %swap3A_135 {strides = array<i32>} : memref<2x96x128xf32, #tpu.memory_space<vmem>>, vector<1x1x16xf32>,
        %swap3A_136 = arith.constant 0 : i32
        %swap3A_137 = arith.index_cast %swap3A_136 : i32 to index
        %swap3A_138 = arith.index_cast %scan3A_122 : i32 to index
        %swap3A_139 = arith.constant 32 : index
        %swap3A_140 = tpu.vector_load %arg9[%swap3A_137, %swap3A_138, %swap3A_139] {strides = array<i32>} : memref<2x96x128xf32, #tpu.memory_space<vmem>>, vector<1x1x16xf32>,
        %swap3A_141 = vector.shape_cast %swap3A_140 : vector<1x1x16xf32> to vector<16xf32>
        %swap3A_142 = vector.shape_cast %broadcast_in_dim3A_8 : vector<16xf32> to vector<1x1x16xf32>
        tpu.vector_store %arg9[%swap3A_137, %swap3A_138, %swap3A_139], %swap3A_142 {strides = array<i32>} : memref<2x96x128xf32, #tpu.memory_space<vmem>>, vector<1x1x16xf32>,
        %swap3A_143 = arith.constant 0 : i32
        %swap3A_144 = arith.index_cast %swap3A_143 : i32 to index
        %swap3A_145 = arith.index_cast %scan3A_122 : i32 to index
        %swap3A_146 = arith.constant 48 : index
        %swap3A_147 = tpu.vector_load %arg9[%swap3A_144, %swap3A_145, %swap3A_146] {strides = array<i32>} : memref<2x96x128xf32, #tpu.memory_space<vmem>>, vector<1x1x16xf32>,
        %swap3A_148 = vector.shape_cast %swap3A_147 : vector<1x1x16xf32> to vector<16xf32>
        %swap3A_149 = vector.shape_cast %broadcast_in_dim3A_8 : vector<16xf32> to vector<1x1x16xf32>
        tpu.vector_store %arg9[%swap3A_144, %swap3A_145, %swap3A_146], %swap3A_149 {strides = array<i32>} : memref<2x96x128xf32, #tpu.memory_space<vmem>>, vector<1x1x16xf32>,
        %swap3A_150 = arith.constant 0 : i32
        %swap3A_151 = arith.index_cast %swap3A_150 : i32 to index
        %swap3A_152 = arith.index_cast %scan3A_122 : i32 to index
        %swap3A_153 = arith.constant 64 : index
        %swap3A_154 = tpu.vector_load %arg9[%swap3A_151, %swap3A_152, %swap3A_153] {strides = array<i32>} : memref<2x96x128xf32, #tpu.memory_space<vmem>>, vector<1x1x16xf32>,
        %swap3A_155 = vector.shape_cast %swap3A_154 : vector<1x1x16xf32> to vector<16xf32>
        %swap3A_156 = vector.shape_cast %broadcast_in_dim3A_8 : vector<16xf32> to vector<1x1x16xf32>
        tpu.vector_store %arg9[%swap3A_151, %swap3A_152, %swap3A_153], %swap3A_156 {strides = array<i32>} : memref<2x96x128xf32, #tpu.memory_space<vmem>>, vector<1x1x16xf32>,
        %swap3A_157 = arith.constant 0 : i32
        %swap3A_158 = arith.index_cast %swap3A_157 : i32 to index
        %swap3A_159 = arith.index_cast %scan3A_122 : i32 to index
        %swap3A_160 = arith.constant 80 : index
        %swap3A_161 = tpu.vector_load %arg9[%swap3A_158, %swap3A_159, %swap3A_160] {strides = array<i32>} : memref<2x96x128xf32, #tpu.memory_space<vmem>>, vector<1x1x16xf32>,
        %swap3A_162 = vector.shape_cast %swap3A_161 : vector<1x1x16xf32> to vector<16xf32>
        %swap3A_163 = vector.shape_cast %broadcast_in_dim3A_8 : vector<16xf32> to vector<1x1x16xf32>
        tpu.vector_store %arg9[%swap3A_158, %swap3A_159, %swap3A_160], %swap3A_163 {strides = array<i32>} : memref<2x96x128xf32, #tpu.memory_space<vmem>>, vector<1x1x16xf32>,
        %swap3A_164 = arith.constant 0 : i32
        %swap3A_165 = arith.index_cast %swap3A_164 : i32 to index
        %swap3A_166 = arith.index_cast %scan3A_122 : i32 to index
        %swap3A_167 = arith.constant 96 : index
        %swap3A_168 = tpu.vector_load %arg9[%swap3A_165, %swap3A_166, %swap3A_167] {strides = array<i32>} : memref<2x96x128xf32, #tpu.memory_space<vmem>>, vector<1x1x16xf32>,
        %swap3A_169 = vector.shape_cast %swap3A_168 : vector<1x1x16xf32> to vector<16xf32>
        %swap3A_170 = vector.shape_cast %broadcast_in_dim3A_8 : vector<16xf32> to vector<1x1x16xf32>
        tpu.vector_store %arg9[%swap3A_165, %swap3A_166, %swap3A_167], %swap3A_170 {strides = array<i32>} : memref<2x96x128xf32, #tpu.memory_space<vmem>>, vector<1x1x16xf32>,
        %swap3A_171 = arith.constant 0 : i32
        %swap3A_172 = arith.index_cast %swap3A_171 : i32 to index
        %swap3A_173 = arith.index_cast %scan3A_122 : i32 to index
        %swap3A_174 = arith.constant 112 : index
        %swap3A_175 = tpu.vector_load %arg9[%swap3A_172, %swap3A_173, %swap3A_174] {strides = array<i32>} : memref<2x96x128xf32, #tpu.memory_space<vmem>>, vector<1x1x16xf32>,
        %swap3A_176 = vector.shape_cast %swap3A_175 : vector<1x1x16xf32> to vector<16xf32>
        %swap3A_177 = vector.shape_cast %broadcast_in_dim3A_8 : vector<16xf32> to vector<1x1x16xf32>
        tpu.vector_store %arg9[%swap3A_172, %swap3A_173, %swap3A_174], %swap3A_177 {strides = array<i32>} : memref<2x96x128xf32, #tpu.memory_space<vmem>>, vector<1x1x16xf32>,
      }
      %scan3A_13 = arith.constant 96 : i32
      %add3A = arith.constant 0 : i32
      %add3A_14 = arith.addi %mul3A_0, %add3A : i32
      %run_scoped3A = arith.constant 0 : i32
      "tpu.region"() ({
        %run_scoped3A_122 = tpu.sem_alloc : memref<!tpu.dma_semaphore, #tpu.memory_space<semaphore_mem>>
        %dma_start3A_123 = arith.constant 0 : i32
        %dma_start3A_124 = arith.constant 0 : i32
        %dma_start3A_125 = tpu.memref_slice %arg9[%run_scoped3A, %dma_start3A_123, %dma_start3A_124] : memref<2x96x128xf32, #tpu.memory_space<vmem>> -> memref<1x96x128xf32, #tpu.memory_space<vmem>>
        %dma_start3A_126 = tpu.memref_squeeze %dma_start3A_125 : memref<1x96x128xf32, #tpu.memory_space<vmem>> -> memref<96x128xf32, #tpu.memory_space<vmem>>
        %dma_start3A_127 = arith.constant 0 : i32
        %dma_start3A_128 = tpu.memref_slice %arg6[%add3A_14, %dma_start3A_127] : memref<10240x128xf32, #tpu.memory_space<vmem_shared>> -> memref<96x128xf32, #tpu.memory_space<vmem_shared>>
        %dma_start3A_129 = arith.constant 0 : i32
        %dma_start3A_130 = tpu.memref_slice %arg6[%add3A_14, %dma_start3A_129] : memref<10240x128xf32, #tpu.memory_space<vmem_shared>> -> memref<96x128xf32, #tpu.memory_space<vmem_shared>>
        %dma_start3A_131 = arith.constant 0 : i32
        %dma_start3A_132 = arith.constant 0 : i32
        %dma_start3A_133 = tpu.memref_slice %arg9[%run_scoped3A, %dma_start3A_131, %dma_start3A_132] : memref<2x96x128xf32, #tpu.memory_space<vmem>> -> memref<1x96x128xf32, #tpu.memory_space<vmem>>
        %dma_start3A_134 = tpu.memref_squeeze %dma_start3A_133 : memref<1x96x128xf32, #tpu.memory_space<vmem>> -> memref<96x128xf32, #tpu.memory_space<vmem>>
        tpu.enqueue_dma source(%dma_start3A_134 : memref<96x128xf32, #tpu.memory_space<vmem>>) target(%dma_start3A_130 : memref<96x128xf32, #tpu.memory_space<vmem_shared>>) target_semaphore(%run_scoped3A_122 : memref<!tpu.dma_semaphore, #tpu.memory_space<semaphore_mem>>)
        %dma_wait3A_135 = arith.constant 0 : i32
        %dma_wait3A_136 = arith.constant 0 : i32
        %dma_wait3A_137 = tpu.memref_slice %arg9[%run_scoped3A, %dma_wait3A_135, %dma_wait3A_136] : memref<2x96x128xf32, #tpu.memory_space<vmem>> -> memref<1x96x128xf32, #tpu.memory_space<vmem>>
        %dma_wait3A_138 = tpu.memref_squeeze %dma_wait3A_137 : memref<1x96x128xf32, #tpu.memory_space<vmem>> -> memref<96x128xf32, #tpu.memory_space<vmem>>
        %dma_wait3A_139 = arith.constant 0 : i32
        %dma_wait3A_140 = tpu.memref_slice %arg6[%add3A_14, %dma_wait3A_139] : memref<10240x128xf32, #tpu.memory_space<vmem_shared>> -> memref<96x128xf32, #tpu.memory_space<vmem_shared>>
        %dma_wait3A_141 = arith.constant 0 : i32
        %dma_wait3A_142 = tpu.memref_slice %arg6[%add3A_14, %dma_wait3A_141] : memref<10240x128xf32, #tpu.memory_space<vmem_shared>> -> memref<96x128xf32, #tpu.memory_space<vmem_shared>>
        %dma_wait3A_143 = arith.constant 0 : i32
        %dma_wait3A_144 = arith.constant 0 : i32
        %dma_wait3A_145 = tpu.memref_slice %arg9[%run_scoped3A, %dma_wait3A_143, %dma_wait3A_144] : memref<2x96x128xf32, #tpu.memory_space<vmem>> -> memref<1x96x128xf32, #tpu.memory_space<vmem>>
        %dma_wait3A_146 = tpu.memref_squeeze %dma_wait3A_145 : memref<1x96x128xf32, #tpu.memory_space<vmem>> -> memref<96x128xf32, #tpu.memory_space<vmem>>
        tpu.wait_dma2 semaphore(%run_scoped3A_122 : memref<!tpu.dma_semaphore, #tpu.memory_space<semaphore_mem>>) src(%dma_wait3A_146 : memref<96x128xf32, #tpu.memory_space<vmem>>) dst(%dma_wait3A_142 : memref<96x128xf32, #tpu.memory_space<vmem_shared>>)
        tpu.yield
      }) : () -> ()
      %add3A_15 = arith.constant 96 : i32
      %add3A_16 = arith.addi %mul3A_0, %add3A_15 : i32
      %run_scoped3A_17 = arith.constant 0 : i32
      "tpu.region"() ({
        %run_scoped3A_122 = tpu.sem_alloc : memref<!tpu.dma_semaphore, #tpu.memory_space<semaphore_mem>>
        %dma_start3A_123 = arith.constant 0 : i32
        %dma_start3A_124 = arith.constant 0 : i32
        %dma_start3A_125 = tpu.memref_slice %arg9[%run_scoped3A_17, %dma_start3A_123, %dma_start3A_124] : memref<2x96x128xf32, #tpu.memory_space<vmem>> -> memref<1x96x128xf32, #tpu.memory_space<vmem>>
        %dma_start3A_126 = tpu.memref_squeeze %dma_start3A_125 : memref<1x96x128xf32, #tpu.memory_space<vmem>> -> memref<96x128xf32, #tpu.memory_space<vmem>>
        %dma_start3A_127 = arith.constant 0 : i32
        %dma_start3A_128 = tpu.memref_slice %arg6[%add3A_16, %dma_start3A_127] : memref<10240x128xf32, #tpu.memory_space<vmem_shared>> -> memref<96x128xf32, #tpu.memory_space<vmem_shared>>
        %dma_start3A_129 = arith.constant 0 : i32
        %dma_start3A_130 = tpu.memref_slice %arg6[%add3A_16, %dma_start3A_129] : memref<10240x128xf32, #tpu.memory_space<vmem_shared>> -> memref<96x128xf32, #tpu.memory_space<vmem_shared>>
        %dma_start3A_131 = arith.constant 0 : i32
        %dma_start3A_132 = arith.constant 0 : i32
        %dma_start3A_133 = tpu.memref_slice %arg9[%run_scoped3A_17, %dma_start3A_131, %dma_start3A_132] : memref<2x96x128xf32, #tpu.memory_space<vmem>> -> memref<1x96x128xf32, #tpu.memory_space<vmem>>
        %dma_start3A_134 = tpu.memref_squeeze %dma_start3A_133 : memref<1x96x128xf32, #tpu.memory_space<vmem>> -> memref<96x128xf32, #tpu.memory_space<vmem>>
        tpu.enqueue_dma source(%dma_start3A_134 : memref<96x128xf32, #tpu.memory_space<vmem>>) target(%dma_start3A_130 : memref<96x128xf32, #tpu.memory_space<vmem_shared>>) target_semaphore(%run_scoped3A_122 : memref<!tpu.dma_semaphore, #tpu.memory_space<semaphore_mem>>)
        %dma_wait3A_135 = arith.constant 0 : i32
        %dma_wait3A_136 = arith.constant 0 : i32
        %dma_wait3A_137 = tpu.memref_slice %arg9[%run_scoped3A_17, %dma_wait3A_135, %dma_wait3A_136] : memref<2x96x128xf32, #tpu.memory_space<vmem>> -> memref<1x96x128xf32, #tpu.memory_space<vmem>>
        %dma_wait3A_138 = tpu.memref_squeeze %dma_wait3A_137 : memref<1x96x128xf32, #tpu.memory_space<vmem>> -> memref<96x128xf32, #tpu.memory_space<vmem>>
        %dma_wait3A_139 = arith.constant 0 : i32
        %dma_wait3A_140 = tpu.memref_slice %arg6[%add3A_16, %dma_wait3A_139] : memref<10240x128xf32, #tpu.memory_space<vmem_shared>> -> memref<96x128xf32, #tpu.memory_space<vmem_shared>>
        %dma_wait3A_141 = arith.constant 0 : i32
        %dma_wait3A_142 = tpu.memref_slice %arg6[%add3A_16, %dma_wait3A_141] : memref<10240x128xf32, #tpu.memory_space<vmem_shared>> -> memref<96x128xf32, #tpu.memory_space<vmem_shared>>
        %dma_wait3A_143 = arith.constant 0 : i32
        %dma_wait3A_144 = arith.constant 0 : i32
        %dma_wait3A_145 = tpu.memref_slice %arg9[%run_scoped3A_17, %dma_wait3A_143, %dma_wait3A_144] : memref<2x96x128xf32, #tpu.memory_space<vmem>> -> memref<1x96x128xf32, #tpu.memory_space<vmem>>
        %dma_wait3A_146 = tpu.memref_squeeze %dma_wait3A_145 : memref<1x96x128xf32, #tpu.memory_space<vmem>> -> memref<96x128xf32, #tpu.memory_space<vmem>>
        tpu.wait_dma2 semaphore(%run_scoped3A_122 : memref<!tpu.dma_semaphore, #tpu.memory_space<semaphore_mem>>) src(%dma_wait3A_146 : memref<96x128xf32, #tpu.memory_space<vmem>>) dst(%dma_wait3A_142 : memref<96x128xf32, #tpu.memory_space<vmem_shared>>)
        tpu.yield
      }) : () -> ()
      %add3A_18 = arith.constant 192 : i32
      %add3A_19 = arith.addi %mul3A_0, %add3A_18 : i32
      %run_scoped3A_20 = arith.constant 0 : i32
      "tpu.region"() ({
        %run_scoped3A_122 = tpu.sem_alloc : memref<!tpu.dma_semaphore, #tpu.memory_space<semaphore_mem>>
        %dma_start3A_123 = arith.constant 0 : i32
        %dma_start3A_124 = arith.constant 0 : i32
        %dma_start3A_125 = tpu.memref_slice %arg9[%run_scoped3A_20, %dma_start3A_123, %dma_start3A_124] : memref<2x96x128xf32, #tpu.memory_space<vmem>> -> memref<1x96x128xf32, #tpu.memory_space<vmem>>
        %dma_start3A_126 = tpu.memref_squeeze %dma_start3A_125 : memref<1x96x128xf32, #tpu.memory_space<vmem>> -> memref<96x128xf32, #tpu.memory_space<vmem>>
        %dma_start3A_127 = arith.constant 0 : i32
        %dma_start3A_128 = tpu.memref_slice %arg6[%add3A_19, %dma_start3A_127] : memref<10240x128xf32, #tpu.memory_space<vmem_shared>> -> memref<96x128xf32, #tpu.memory_space<vmem_shared>>
        %dma_start3A_129 = arith.constant 0 : i32
        %dma_start3A_130 = tpu.memref_slice %arg6[%add3A_19, %dma_start3A_129] : memref<10240x128xf32, #tpu.memory_space<vmem_shared>> -> memref<96x128xf32, #tpu.memory_space<vmem_shared>>
        %dma_start3A_131 = arith.constant 0 : i32
        %dma_start3A_132 = arith.constant 0 : i32
        %dma_start3A_133 = tpu.memref_slice %arg9[%run_scoped3A_20, %dma_start3A_131, %dma_start3A_132] : memref<2x96x128xf32, #tpu.memory_space<vmem>> -> memref<1x96x128xf32, #tpu.memory_space<vmem>>
        %dma_start3A_134 = tpu.memref_squeeze %dma_start3A_133 : memref<1x96x128xf32, #tpu.memory_space<vmem>> -> memref<96x128xf32, #tpu.memory_space<vmem>>
        tpu.enqueue_dma source(%dma_start3A_134 : memref<96x128xf32, #tpu.memory_space<vmem>>) target(%dma_start3A_130 : memref<96x128xf32, #tpu.memory_space<vmem_shared>>) target_semaphore(%run_scoped3A_122 : memref<!tpu.dma_semaphore, #tpu.memory_space<semaphore_mem>>)
        %dma_wait3A_135 = arith.constant 0 : i32
        %dma_wait3A_136 = arith.constant 0 : i32
        %dma_wait3A_137 = tpu.memref_slice %arg9[%run_scoped3A_20, %dma_wait3A_135, %dma_wait3A_136] : memref<2x96x128xf32, #tpu.memory_space<vmem>> -> memref<1x96x128xf32, #tpu.memory_space<vmem>>
        %dma_wait3A_138 = tpu.memref_squeeze %dma_wait3A_137 : memref<1x96x128xf32, #tpu.memory_space<vmem>> -> memref<96x128xf32, #tpu.memory_space<vmem>>
        %dma_wait3A_139 = arith.constant 0 : i32
        %dma_wait3A_140 = tpu.memref_slice %arg6[%add3A_19, %dma_wait3A_139] : memref<10240x128xf32, #tpu.memory_space<vmem_shared>> -> memref<96x128xf32, #tpu.memory_space<vmem_shared>>
        %dma_wait3A_141 = arith.constant 0 : i32
        %dma_wait3A_142 = tpu.memref_slice %arg6[%add3A_19, %dma_wait3A_141] : memref<10240x128xf32, #tpu.memory_space<vmem_shared>> -> memref<96x128xf32, #tpu.memory_space<vmem_shared>>
        %dma_wait3A_143 = arith.constant 0 : i32
        %dma_wait3A_144 = arith.constant 0 : i32
        %dma_wait3A_145 = tpu.memref_slice %arg9[%run_scoped3A_20, %dma_wait3A_143, %dma_wait3A_144] : memref<2x96x128xf32, #tpu.memory_space<vmem>> -> memref<1x96x128xf32, #tpu.memory_space<vmem>>
        %dma_wait3A_146 = tpu.memref_squeeze %dma_wait3A_145 : memref<1x96x128xf32, #tpu.memory_space<vmem>> -> memref<96x128xf32, #tpu.memory_space<vmem>>
        tpu.wait_dma2 semaphore(%run_scoped3A_122 : memref<!tpu.dma_semaphore, #tpu.memory_space<semaphore_mem>>) src(%dma_wait3A_146 : memref<96x128xf32, #tpu.memory_space<vmem>>) dst(%dma_wait3A_142 : memref<96x128xf32, #tpu.memory_space<vmem_shared>>)
        tpu.yield
      }) : () -> ()
      %add3A_21 = arith.constant 288 : i32
      %add3A_22 = arith.addi %mul3A_0, %add3A_21 : i32
      %run_scoped3A_23 = arith.constant 0 : i32
      "tpu.region"() ({
        %run_scoped3A_122 = tpu.sem_alloc : memref<!tpu.dma_semaphore, #tpu.memory_space<semaphore_mem>>
        %dma_start3A_123 = arith.constant 0 : i32
        %dma_start3A_124 = arith.constant 0 : i32
        %dma_start3A_125 = tpu.memref_slice %arg9[%run_scoped3A_23, %dma_start3A_123, %dma_start3A_124] : memref<2x96x128xf32, #tpu.memory_space<vmem>> -> memref<1x96x128xf32, #tpu.memory_space<vmem>>
        %dma_start3A_126 = tpu.memref_squeeze %dma_start3A_125 : memref<1x96x128xf32, #tpu.memory_space<vmem>> -> memref<96x128xf32, #tpu.memory_space<vmem>>
        %dma_start3A_127 = arith.constant 0 : i32
        %dma_start3A_128 = tpu.memref_slice %arg6[%add3A_22, %dma_start3A_127] : memref<10240x128xf32, #tpu.memory_space<vmem_shared>> -> memref<96x128xf32, #tpu.memory_space<vmem_shared>>
        %dma_start3A_129 = arith.constant 0 : i32
        %dma_start3A_130 = tpu.memref_slice %arg6[%add3A_22, %dma_start3A_129] : memref<10240x128xf32, #tpu.memory_space<vmem_shared>> -> memref<96x128xf32, #tpu.memory_space<vmem_shared>>
        %dma_start3A_131 = arith.constant 0 : i32
        %dma_start3A_132 = arith.constant 0 : i32
        %dma_start3A_133 = tpu.memref_slice %arg9[%run_scoped3A_23, %dma_start3A_131, %dma_start3A_132] : memref<2x96x128xf32, #tpu.memory_space<vmem>> -> memref<1x96x128xf32, #tpu.memory_space<vmem>>
        %dma_start3A_134 = tpu.memref_squeeze %dma_start3A_133 : memref<1x96x128xf32, #tpu.memory_space<vmem>> -> memref<96x128xf32, #tpu.memory_space<vmem>>
        tpu.enqueue_dma source(%dma_start3A_134 : memref<96x128xf32, #tpu.memory_space<vmem>>) target(%dma_start3A_130 : memref<96x128xf32, #tpu.memory_space<vmem_shared>>) target_semaphore(%run_scoped3A_122 : memref<!tpu.dma_semaphore, #tpu.memory_space<semaphore_mem>>)
        %dma_wait3A_135 = arith.constant 0 : i32
        %dma_wait3A_136 = arith.constant 0 : i32
        %dma_wait3A_137 = tpu.memref_slice %arg9[%run_scoped3A_23, %dma_wait3A_135, %dma_wait3A_136] : memref<2x96x128xf32, #tpu.memory_space<vmem>> -> memref<1x96x128xf32, #tpu.memory_space<vmem>>
        %dma_wait3A_138 = tpu.memref_squeeze %dma_wait3A_137 : memref<1x96x128xf32, #tpu.memory_space<vmem>> -> memref<96x128xf32, #tpu.memory_space<vmem>>
        %dma_wait3A_139 = arith.constant 0 : i32
        %dma_wait3A_140 = tpu.memref_slice %arg6[%add3A_22, %dma_wait3A_139] : memref<10240x128xf32, #tpu.memory_space<vmem_shared>> -> memref<96x128xf32, #tpu.memory_space<vmem_shared>>
        %dma_wait3A_141 = arith.constant 0 : i32
        %dma_wait3A_142 = tpu.memref_slice %arg6[%add3A_22, %dma_wait3A_141] : memref<10240x128xf32, #tpu.memory_space<vmem_shared>> -> memref<96x128xf32, #tpu.memory_space<vmem_shared>>
        %dma_wait3A_143 = arith.constant 0 : i32
        %dma_wait3A_144 = arith.constant 0 : i32
        %dma_wait3A_145 = tpu.memref_slice %arg9[%run_scoped3A_23, %dma_wait3A_143, %dma_wait3A_144] : memref<2x96x128xf32, #tpu.memory_space<vmem>> -> memref<1x96x128xf32, #tpu.memory_space<vmem>>
        %dma_wait3A_146 = tpu.memref_squeeze %dma_wait3A_145 : memref<1x96x128xf32, #tpu.memory_space<vmem>> -> memref<96x128xf32, #tpu.memory_space<vmem>>
        tpu.wait_dma2 semaphore(%run_scoped3A_122 : memref<!tpu.dma_semaphore, #tpu.memory_space<semaphore_mem>>) src(%dma_wait3A_146 : memref<96x128xf32, #tpu.memory_space<vmem>>) dst(%dma_wait3A_142 : memref<96x128xf32, #tpu.memory_space<vmem_shared>>)
        tpu.yield
      }) : () -> ()
      %add3A_24 = arith.constant 384 : i32
      %add3A_25 = arith.addi %mul3A_0, %add3A_24 : i32
      %run_scoped3A_26 = arith.constant 0 : i32
      "tpu.region"() ({
        %run_scoped3A_122 = tpu.sem_alloc : memref<!tpu.dma_semaphore, #tpu.memory_space<semaphore_mem>>
        %dma_start3A_123 = arith.constant 0 : i32
        %dma_start3A_124 = arith.constant 0 : i32
        %dma_start3A_125 = tpu.memref_slice %arg9[%run_scoped3A_26, %dma_start3A_123, %dma_start3A_124] : memref<2x96x128xf32, #tpu.memory_space<vmem>> -> memref<1x96x128xf32, #tpu.memory_space<vmem>>
        %dma_start3A_126 = tpu.memref_squeeze %dma_start3A_125 : memref<1x96x128xf32, #tpu.memory_space<vmem>> -> memref<96x128xf32, #tpu.memory_space<vmem>>
        %dma_start3A_127 = arith.constant 0 : i32
        %dma_start3A_128 = tpu.memref_slice %arg6[%add3A_25, %dma_start3A_127] : memref<10240x128xf32, #tpu.memory_space<vmem_shared>> -> memref<96x128xf32, #tpu.memory_space<vmem_shared>>
        %dma_start3A_129 = arith.constant 0 : i32
        %dma_start3A_130 = tpu.memref_slice %arg6[%add3A_25, %dma_start3A_129] : memref<10240x128xf32, #tpu.memory_space<vmem_shared>> -> memref<96x128xf32, #tpu.memory_space<vmem_shared>>
        %dma_start3A_131 = arith.constant 0 : i32
        %dma_start3A_132 = arith.constant 0 : i32
        %dma_start3A_133 = tpu.memref_slice %arg9[%run_scoped3A_26, %dma_start3A_131, %dma_start3A_132] : memref<2x96x128xf32, #tpu.memory_space<vmem>> -> memref<1x96x128xf32, #tpu.memory_space<vmem>>
        %dma_start3A_134 = tpu.memref_squeeze %dma_start3A_133 : memref<1x96x128xf32, #tpu.memory_space<vmem>> -> memref<96x128xf32, #tpu.memory_space<vmem>>
        tpu.enqueue_dma source(%dma_start3A_134 : memref<96x128xf32, #tpu.memory_space<vmem>>) target(%dma_start3A_130 : memref<96x128xf32, #tpu.memory_space<vmem_shared>>) target_semaphore(%run_scoped3A_122 : memref<!tpu.dma_semaphore, #tpu.memory_space<semaphore_mem>>)
        %dma_wait3A_135 = arith.constant 0 : i32
        %dma_wait3A_136 = arith.constant 0 : i32
        %dma_wait3A_137 = tpu.memref_slice %arg9[%run_scoped3A_26, %dma_wait3A_135, %dma_wait3A_136] : memref<2x96x128xf32, #tpu.memory_space<vmem>> -> memref<1x96x128xf32, #tpu.memory_space<vmem>>
        %dma_wait3A_138 = tpu.memref_squeeze %dma_wait3A_137 : memref<1x96x128xf32, #tpu.memory_space<vmem>> -> memref<96x128xf32, #tpu.memory_space<vmem>>
        %dma_wait3A_139 = arith.constant 0 : i32
        %dma_wait3A_140 = tpu.memref_slice %arg6[%add3A_25, %dma_wait3A_139] : memref<10240x128xf32, #tpu.memory_space<vmem_shared>> -> memref<96x128xf32, #tpu.memory_space<vmem_shared>>
        %dma_wait3A_141 = arith.constant 0 : i32
        %dma_wait3A_142 = tpu.memref_slice %arg6[%add3A_25, %dma_wait3A_141] : memref<10240x128xf32, #tpu.memory_space<vmem_shared>> -> memref<96x128xf32, #tpu.memory_space<vmem_shared>>
        %dma_wait3A_143 = arith.constant 0 : i32
        %dma_wait3A_144 = arith.constant 0 : i32
        %dma_wait3A_145 = tpu.memref_slice %arg9[%run_scoped3A_26, %dma_wait3A_143, %dma_wait3A_144] : memref<2x96x128xf32, #tpu.memory_space<vmem>> -> memref<1x96x128xf32, #tpu.memory_space<vmem>>
        %dma_wait3A_146 = tpu.memref_squeeze %dma_wait3A_145 : memref<1x96x128xf32, #tpu.memory_space<vmem>> -> memref<96x128xf32, #tpu.memory_space<vmem>>
        tpu.wait_dma2 semaphore(%run_scoped3A_122 : memref<!tpu.dma_semaphore, #tpu.memory_space<semaphore_mem>>) src(%dma_wait3A_146 : memref<96x128xf32, #tpu.memory_space<vmem>>) dst(%dma_wait3A_142 : memref<96x128xf32, #tpu.memory_space<vmem_shared>>)
        tpu.yield
      }) : () -> ()
      %add3A_27 = arith.constant 480 : i32
      %add3A_28 = arith.addi %mul3A_0, %add3A_27 : i32
      %run_scoped3A_29 = arith.constant 0 : i32
      "tpu.region"() ({
        %run_scoped3A_122 = tpu.sem_alloc : memref<!tpu.dma_semaphore, #tpu.memory_space<semaphore_mem>>
        %dma_start3A_123 = arith.constant 0 : i32
        %dma_start3A_124 = arith.constant 0 : i32
        %dma_start3A_125 = tpu.memref_slice %arg9[%run_scoped3A_29, %dma_start3A_123, %dma_start3A_124] : memref<2x96x128xf32, #tpu.memory_space<vmem>> -> memref<1x96x128xf32, #tpu.memory_space<vmem>>
        %dma_start3A_126 = tpu.memref_squeeze %dma_start3A_125 : memref<1x96x128xf32, #tpu.memory_space<vmem>> -> memref<96x128xf32, #tpu.memory_space<vmem>>
        %dma_start3A_127 = arith.constant 0 : i32
        %dma_start3A_128 = tpu.memref_slice %arg6[%add3A_28, %dma_start3A_127] : memref<10240x128xf32, #tpu.memory_space<vmem_shared>> -> memref<96x128xf32, #tpu.memory_space<vmem_shared>>
        %dma_start3A_129 = arith.constant 0 : i32
        %dma_start3A_130 = tpu.memref_slice %arg6[%add3A_28, %dma_start3A_129] : memref<10240x128xf32, #tpu.memory_space<vmem_shared>> -> memref<96x128xf32, #tpu.memory_space<vmem_shared>>
        %dma_start3A_131 = arith.constant 0 : i32
        %dma_start3A_132 = arith.constant 0 : i32
        %dma_start3A_133 = tpu.memref_slice %arg9[%run_scoped3A_29, %dma_start3A_131, %dma_start3A_132] : memref<2x96x128xf32, #tpu.memory_space<vmem>> -> memref<1x96x128xf32, #tpu.memory_space<vmem>>
        %dma_start3A_134 = tpu.memref_squeeze %dma_start3A_133 : memref<1x96x128xf32, #tpu.memory_space<vmem>> -> memref<96x128xf32, #tpu.memory_space<vmem>>
        tpu.enqueue_dma source(%dma_start3A_134 : memref<96x128xf32, #tpu.memory_space<vmem>>) target(%dma_start3A_130 : memref<96x128xf32, #tpu.memory_space<vmem_shared>>) target_semaphore(%run_scoped3A_122 : memref<!tpu.dma_semaphore, #tpu.memory_space<semaphore_mem>>)
        %dma_wait3A_135 = arith.constant 0 : i32
        %dma_wait3A_136 = arith.constant 0 : i32
        %dma_wait3A_137 = tpu.memref_slice %arg9[%run_scoped3A_29, %dma_wait3A_135, %dma_wait3A_136] : memref<2x96x128xf32, #tpu.memory_space<vmem>> -> memref<1x96x128xf32, #tpu.memory_space<vmem>>
        %dma_wait3A_138 = tpu.memref_squeeze %dma_wait3A_137 : memref<1x96x128xf32, #tpu.memory_space<vmem>> -> memref<96x128xf32, #tpu.memory_space<vmem>>
        %dma_wait3A_139 = arith.constant 0 : i32
        %dma_wait3A_140 = tpu.memref_slice %arg6[%add3A_28, %dma_wait3A_139] : memref<10240x128xf32, #tpu.memory_space<vmem_shared>> -> memref<96x128xf32, #tpu.memory_space<vmem_shared>>
        %dma_wait3A_141 = arith.constant 0 : i32
        %dma_wait3A_142 = tpu.memref_slice %arg6[%add3A_28, %dma_wait3A_141] : memref<10240x128xf32, #tpu.memory_space<vmem_shared>> -> memref<96x128xf32, #tpu.memory_space<vmem_shared>>
        %dma_wait3A_143 = arith.constant 0 : i32
        %dma_wait3A_144 = arith.constant 0 : i32
        %dma_wait3A_145 = tpu.memref_slice %arg9[%run_scoped3A_29, %dma_wait3A_143, %dma_wait3A_144] : memref<2x96x128xf32, #tpu.memory_space<vmem>> -> memref<1x96x128xf32, #tpu.memory_space<vmem>>
        %dma_wait3A_146 = tpu.memref_squeeze %dma_wait3A_145 : memref<1x96x128xf32, #tpu.memory_space<vmem>> -> memref<96x128xf32, #tpu.memory_space<vmem>>
        tpu.wait_dma2 semaphore(%run_scoped3A_122 : memref<!tpu.dma_semaphore, #tpu.memory_space<semaphore_mem>>) src(%dma_wait3A_146 : memref<96x128xf32, #tpu.memory_space<vmem>>) dst(%dma_wait3A_142 : memref<96x128xf32, #tpu.memory_space<vmem_shared>>)
        tpu.yield
      }) : () -> ()
      %add3A_30 = arith.constant 640 : i32
      %add3A_31 = arith.addi %mul3A_0, %add3A_30 : i32
      %sub3A = arith.constant 64 : i32
      %sub3A_32 = arith.subi %add3A_31, %sub3A : i32
      %run_scoped3A_33 = arith.constant 0 : i32
      "tpu.region"() ({
        %run_scoped3A_122 = tpu.sem_alloc : memref<!tpu.dma_semaphore, #tpu.memory_space<semaphore_mem>>
        %dma_start3A_123 = arith.constant 0 : i32
        %dma_start3A_124 = arith.constant 0 : i32
        %dma_start3A_125 = tpu.memref_slice %arg9[%run_scoped3A_33, %dma_start3A_123, %dma_start3A_124] : memref<2x96x128xf32, #tpu.memory_space<vmem>> -> memref<1x64x128xf32, #tpu.memory_space<vmem>>
        %dma_start3A_126 = tpu.memref_squeeze %dma_start3A_125 : memref<1x64x128xf32, #tpu.memory_space<vmem>> -> memref<64x128xf32, #tpu.memory_space<vmem>>
        %dma_start3A_127 = arith.constant 0 : i32
        %dma_start3A_128 = tpu.memref_slice %arg6[%sub3A_32, %dma_start3A_127] : memref<10240x128xf32, #tpu.memory_space<vmem_shared>> -> memref<64x128xf32, #tpu.memory_space<vmem_shared>>
        %dma_start3A_129 = arith.constant 0 : i32
        %dma_start3A_130 = tpu.memref_slice %arg6[%sub3A_32, %dma_start3A_129] : memref<10240x128xf32, #tpu.memory_space<vmem_shared>> -> memref<64x128xf32, #tpu.memory_space<vmem_shared>>
        %dma_start3A_131 = arith.constant 0 : i32
        %dma_start3A_132 = arith.constant 0 : i32
        %dma_start3A_133 = tpu.memref_slice %arg9[%run_scoped3A_33, %dma_start3A_131, %dma_start3A_132] : memref<2x96x128xf32, #tpu.memory_space<vmem>> -> memref<1x64x128xf32, #tpu.memory_space<vmem>>
        %dma_start3A_134 = tpu.memref_squeeze %dma_start3A_133 : memref<1x64x128xf32, #tpu.memory_space<vmem>> -> memref<64x128xf32, #tpu.memory_space<vmem>>
        tpu.enqueue_dma source(%dma_start3A_134 : memref<64x128xf32, #tpu.memory_space<vmem>>) target(%dma_start3A_130 : memref<64x128xf32, #tpu.memory_space<vmem_shared>>) target_semaphore(%run_scoped3A_122 : memref<!tpu.dma_semaphore, #tpu.memory_space<semaphore_mem>>)
        %dma_wait3A_135 = arith.constant 0 : i32
        %dma_wait3A_136 = arith.constant 0 : i32
        %dma_wait3A_137 = tpu.memref_slice %arg9[%run_scoped3A_33, %dma_wait3A_135, %dma_wait3A_136] : memref<2x96x128xf32, #tpu.memory_space<vmem>> -> memref<1x64x128xf32, #tpu.memory_space<vmem>>
        %dma_wait3A_138 = tpu.memref_squeeze %dma_wait3A_137 : memref<1x64x128xf32, #tpu.memory_space<vmem>> -> memref<64x128xf32, #tpu.memory_space<vmem>>
        %dma_wait3A_139 = arith.constant 0 : i32
        %dma_wait3A_140 = tpu.memref_slice %arg6[%sub3A_32, %dma_wait3A_139] : memref<10240x128xf32, #tpu.memory_space<vmem_shared>> -> memref<64x128xf32, #tpu.memory_space<vmem_shared>>
        %dma_wait3A_141 = arith.constant 0 : i32
        %dma_wait3A_142 = tpu.memref_slice %arg6[%sub3A_32, %dma_wait3A_141] : memref<10240x128xf32, #tpu.memory_space<vmem_shared>> -> memref<64x128xf32, #tpu.memory_space<vmem_shared>>
        %dma_wait3A_143 = arith.constant 0 : i32
        %dma_wait3A_144 = arith.constant 0 : i32
        %dma_wait3A_145 = tpu.memref_slice %arg9[%run_scoped3A_33, %dma_wait3A_143, %dma_wait3A_144] : memref<2x96x128xf32, #tpu.memory_space<vmem>> -> memref<1x64x128xf32, #tpu.memory_space<vmem>>
        %dma_wait3A_146 = tpu.memref_squeeze %dma_wait3A_145 : memref<1x64x128xf32, #tpu.memory_space<vmem>> -> memref<64x128xf32, #tpu.memory_space<vmem>>
        tpu.wait_dma2 semaphore(%run_scoped3A_122 : memref<!tpu.dma_semaphore, #tpu.memory_space<semaphore_mem>>) src(%dma_wait3A_146 : memref<64x128xf32, #tpu.memory_space<vmem>>) dst(%dma_wait3A_142 : memref<64x128xf32, #tpu.memory_space<vmem_shared>>)
        tpu.yield
      }) : () -> ()
      %mul3A_34 = arith.constant 10000 : i32
      %mul3A_35 = arith.muli %arg1, %mul3A_34 : i32
      "tpu.region"() ({
        %run_scoped3A_122 = tpu.sem_alloc : memref<!tpu.dma_semaphore, #tpu.memory_space<semaphore_mem>>
        %dma_start3A_123 = tpu.memref_slice %arg3[%mul3A_35] : memref<320000xi32, #tpu.memory_space<hbm>> -> memref<10000xi32, #tpu.memory_space<hbm>>
        %dma_start3A_124 = tpu.memref_slice %arg3[%mul3A_35] : memref<320000xi32, #tpu.memory_space<hbm>> -> memref<10000xi32, #tpu.memory_space<hbm>>
        tpu.enqueue_dma source(%dma_start3A_124 : memref<10000xi32, #tpu.memory_space<hbm>>) target(%arg7 : memref<10000xi32, #tpu.memory_space<vmem>>) target_semaphore(%run_scoped3A_122 : memref<!tpu.dma_semaphore, #tpu.memory_space<semaphore_mem>>)
        %dma_wait3A_125 = tpu.memref_slice %arg3[%mul3A_35] : memref<320000xi32, #tpu.memory_space<hbm>> -> memref<10000xi32, #tpu.memory_space<hbm>>
        %dma_wait3A_126 = tpu.memref_slice %arg3[%mul3A_35] : memref<320000xi32, #tpu.memory_space<hbm>> -> memref<10000xi32, #tpu.memory_space<hbm>>
        tpu.wait_dma2 semaphore(%run_scoped3A_122 : memref<!tpu.dma_semaphore, #tpu.memory_space<semaphore_mem>>) src(%dma_wait3A_126 : memref<10000xi32, #tpu.memory_space<hbm>>) dst(%arg7 : memref<10000xi32, #tpu.memory_space<vmem>>)
        tpu.yield
      }) : () -> ()
      %add3A_36 = arith.constant 160000 : i32
      %add3A_37 = arith.addi %add3A_36, %mul3A_35 : i32
      "tpu.region"() ({
        %run_scoped3A_122 = tpu.sem_alloc : memref<!tpu.dma_semaphore, #tpu.memory_space<semaphore_mem>>
        %dma_start3A_123 = tpu.memref_slice %arg3[%add3A_37] : memref<320000xi32, #tpu.memory_space<hbm>> -> memref<10000xi32, #tpu.memory_space<hbm>>
        %dma_start3A_124 = tpu.memref_slice %arg3[%add3A_37] : memref<320000xi32, #tpu.memory_space<hbm>> -> memref<10000xi32, #tpu.memory_space<hbm>>
        tpu.enqueue_dma source(%dma_start3A_124 : memref<10000xi32, #tpu.memory_space<hbm>>) target(%arg8 : memref<10000xi32, #tpu.memory_space<vmem>>) target_semaphore(%run_scoped3A_122 : memref<!tpu.dma_semaphore, #tpu.memory_space<semaphore_mem>>)
        %dma_wait3A_125 = tpu.memref_slice %arg3[%add3A_37] : memref<320000xi32, #tpu.memory_space<hbm>> -> memref<10000xi32, #tpu.memory_space<hbm>>
        %dma_wait3A_126 = tpu.memref_slice %arg3[%add3A_37] : memref<320000xi32, #tpu.memory_space<hbm>> -> memref<10000xi32, #tpu.memory_space<hbm>>
        tpu.wait_dma2 semaphore(%run_scoped3A_122 : memref<!tpu.dma_semaphore, #tpu.memory_space<semaphore_mem>>) src(%dma_wait3A_126 : memref<10000xi32, #tpu.memory_space<hbm>>) dst(%arg8 : memref<10000xi32, #tpu.memory_space<vmem>>)
        tpu.yield
      }) : () -> ()
      %barrier3A = arith.constant 0 : index
      tpu.barrier barrier_id(%barrier3A)
      %dma_start3A = arith.constant 0 : i32
      %dma_start3A_38 = arith.constant 0 : i32
      %dma_start3A_39 = arith.constant 0 : i32
      %dma_start3A_40 = tpu.memref_slice %arg9[%dma_start3A, %dma_start3A_38, %dma_start3A_39] : memref<2x96x128xf32, #tpu.memory_space<vmem>> -> memref<1x96x128xf32, #tpu.memory_space<vmem>>
      %dma_start3A_41 = tpu.memref_squeeze %dma_start3A_40 : memref<1x96x128xf32, #tpu.memory_space<vmem>> -> memref<96x128xf32, #tpu.memory_space<vmem>>
      %dma_start3A_42 = arith.constant 0 : i32
      %dma_start3A_43 = tpu.memref_slice %arg7[%dma_start3A_42] : memref<10000xi32, #tpu.memory_space<vmem>> -> memref<96xi32, #tpu.memory_space<vmem>>
      %dma_start3A_44 = arith.constant 0 : i32
      %dma_start3A_45 = arith.constant 0 : i32
      %dma_start3A_46 = tpu.memref_slice %arg2[%dma_start3A_44, %dma_start3A_45] : memref<10000x128xf32, #tpu.memory_space<hbm>> -> memref<10000x128xf32, #tpu.memory_space<hbm>>
      tpu.enqueue_indirect_dma source(%dma_start3A_46 : memref<10000x128xf32, #tpu.memory_space<hbm>>) target(%dma_start3A_41 : memref<96x128xf32, #tpu.memory_space<vmem>>) offsets(%dma_start3A_43 : memref<96xi32, #tpu.memory_space<vmem>>) semaphore(%arg10 : memref<!tpu.dma_semaphore, #tpu.memory_space<semaphore_mem>>)
      %scan3A_47 = arith.constant 0 : i32
      %scan3A_48 = arith.constant 0 : i32
      %scan3A_49 = arith.constant 51 : i32
      %scan3A_50 = arith.addi %scan3A_48, %scan3A_49 : i32
      %scan3A_51 = arith.constant 1 : i32
      scf.for %scan3A_122 = %scan3A_48 to %scan3A_50 step %scan3A_51  : i32 {
        %mul3A_123 = arith.constant 2 : i32
        %mul3A_124 = arith.muli %mul3A_123, %scan3A_122 : i32
        %dma_wait3A_125 = arith.constant 0 : i32
        %dma_wait3A_126 = arith.constant 0 : i32
        %dma_wait3A_127 = arith.constant 0 : i32
        %dma_wait3A_128 = tpu.memref_slice %arg9[%dma_wait3A_125, %dma_wait3A_126, %dma_wait3A_127] : memref<2x96x128xf32, #tpu.memory_space<vmem>> -> memref<1x96x128xf32, #tpu.memory_space<vmem>>
        %dma_wait3A_129 = tpu.memref_squeeze %dma_wait3A_128 : memref<1x96x128xf32, #tpu.memory_space<vmem>> -> memref<96x128xf32, #tpu.memory_space<vmem>>
        %dma_wait3A_130 = arith.constant 0 : i32
        %dma_wait3A_131 = arith.constant 0 : i32
        %dma_wait3A_132 = tpu.memref_slice %arg2[%dma_wait3A_130, %dma_wait3A_131] : memref<10000x128xf32, #tpu.memory_space<hbm>> -> memref<96x128xf32, #tpu.memory_space<hbm>>
        %dma_wait3A_133 = arith.constant 0 : i32
        %dma_wait3A_134 = arith.constant 0 : i32
        %dma_wait3A_135 = tpu.memref_slice %arg9[%dma_wait3A_125, %dma_wait3A_133, %dma_wait3A_134] : memref<2x96x128xf32, #tpu.memory_space<vmem>> -> memref<1x96x128xf32, #tpu.memory_space<vmem>>
        %dma_wait3A_136 = tpu.memref_squeeze %dma_wait3A_135 : memref<1x96x128xf32, #tpu.memory_space<vmem>> -> memref<96x128xf32, #tpu.memory_space<vmem>>
        %dma_wait3A_137 = arith.constant 0 : i32
        %dma_wait3A_138 = arith.constant 0 : i32
        %dma_wait3A_139 = tpu.memref_slice %arg2[%dma_wait3A_137, %dma_wait3A_138] : memref<10000x128xf32, #tpu.memory_space<hbm>> -> memref<96x128xf32, #tpu.memory_space<hbm>>
        tpu.wait_dma2 semaphore(%arg10 : memref<!tpu.dma_semaphore, #tpu.memory_space<semaphore_mem>>) src(%dma_wait3A_139 : memref<96x128xf32, #tpu.memory_space<hbm>>) dst(%dma_wait3A_136 : memref<96x128xf32, #tpu.memory_space<vmem>>)
        %add3A_140 = arith.constant 1 : i32
        %add3A_141 = arith.addi %mul3A_124, %add3A_140 : i32
        %mul3A_142 = arith.constant 96 : i32
        %mul3A_143 = arith.muli %add3A_141, %mul3A_142 : i32
        %dma_start3A_144 = arith.constant 1 : i32
        %dma_start3A_145 = arith.constant 0 : i32
        %dma_start3A_146 = arith.constant 0 : i32
        %dma_start3A_147 = tpu.memref_slice %arg9[%dma_start3A_144, %dma_start3A_145, %dma_start3A_146] : memref<2x96x128xf32, #tpu.memory_space<vmem>> -> memref<1x96x128xf32, #tpu.memory_space<vmem>>
        %dma_start3A_148 = tpu.memref_squeeze %dma_start3A_147 : memref<1x96x128xf32, #tpu.memory_space<vmem>> -> memref<96x128xf32, #tpu.memory_space<vmem>>
        %dma_start3A_149 = tpu.memref_slice %arg7[%mul3A_143] : memref<10000xi32, #tpu.memory_space<vmem>> -> memref<96xi32, #tpu.memory_space<vmem>>
        %dma_start3A_150 = arith.constant 0 : i32
        %dma_start3A_151 = arith.constant 0 : i32
        %dma_start3A_152 = tpu.memref_slice %arg2[%dma_start3A_150, %dma_start3A_151] : memref<10000x128xf32, #tpu.memory_space<hbm>> -> memref<10000x128xf32, #tpu.memory_space<hbm>>
        tpu.enqueue_indirect_dma source(%dma_start3A_152 : memref<10000x128xf32, #tpu.memory_space<hbm>>) target(%dma_start3A_148 : memref<96x128xf32, #tpu.memory_space<vmem>>) offsets(%dma_start3A_149 : memref<96xi32, #tpu.memory_space<vmem>>) semaphore(%arg10 : memref<!tpu.dma_semaphore, #tpu.memory_space<semaphore_mem>>)
        %mul3A_153 = arith.constant 96 : i32
        %mul3A_154 = arith.muli %mul3A_124, %mul3A_153 : i32
        %run_scoped3A_155 = arith.constant 0 : i32
        "tpu.region"() ({
          %run_scoped3A_189 = tpu.sem_alloc : memref<!tpu.dma_semaphore, #tpu.memory_space<semaphore_mem>>
          %dma_start3A_190 = arith.constant 0 : i32
          %dma_start3A_191 = arith.constant 0 : i32
          %dma_start3A_192 = tpu.memref_slice %arg9[%run_scoped3A_155, %dma_start3A_190, %dma_start3A_191] : memref<2x96x128xf32, #tpu.memory_space<vmem>> -> memref<1x96x128xf32, #tpu.memory_space<vmem>>
          %dma_start3A_193 = tpu.memref_squeeze %dma_start3A_192 : memref<1x96x128xf32, #tpu.memory_space<vmem>> -> memref<96x128xf32, #tpu.memory_space<vmem>>
          %dma_start3A_194 = tpu.memref_slice %arg8[%mul3A_154] : memref<10000xi32, #tpu.memory_space<vmem>> -> memref<96xi32, #tpu.memory_space<vmem>>
          %dma_start3A_195 = arith.constant 0 : i32
          %dma_start3A_196 = arith.constant 0 : i32
          %dma_start3A_197 = tpu.memref_slice %arg6[%dma_start3A_195, %dma_start3A_196] : memref<10240x128xf32, #tpu.memory_space<vmem_shared>> -> memref<10240x128xf32, #tpu.memory_space<vmem_shared>>
          tpu.enqueue_indirect_dma source(%dma_start3A_193 : memref<96x128xf32, #tpu.memory_space<vmem>>) target(%dma_start3A_197 : memref<10240x128xf32, #tpu.memory_space<vmem_shared>>) offsets(%dma_start3A_194 : memref<96xi32, #tpu.memory_space<vmem>>) semaphore(%run_scoped3A_189 : memref<!tpu.dma_semaphore, #tpu.memory_space<semaphore_mem>>) {add = true}
          %dma_wait3A_198 = arith.constant 0 : i32
          %dma_wait3A_199 = arith.constant 0 : i32
          %dma_wait3A_200 = tpu.memref_slice %arg9[%run_scoped3A_155, %dma_wait3A_198, %dma_wait3A_199] : memref<2x96x128xf32, #tpu.memory_space<vmem>> -> memref<1x96x128xf32, #tpu.memory_space<vmem>>
          %dma_wait3A_201 = tpu.memref_squeeze %dma_wait3A_200 : memref<1x96x128xf32, #tpu.memory_space<vmem>> -> memref<96x128xf32, #tpu.memory_space<vmem>>
          %dma_wait3A_202 = tpu.memref_slice %arg8[%mul3A_154] : memref<10000xi32, #tpu.memory_space<vmem>> -> memref<96xi32, #tpu.memory_space<vmem>>
          %dma_wait3A_203 = arith.constant 0 : i32
          %dma_wait3A_204 = arith.constant 0 : i32
          %dma_wait3A_205 = tpu.memref_slice %arg6[%dma_wait3A_203, %dma_wait3A_204] : memref<10240x128xf32, #tpu.memory_space<vmem_shared>> -> memref<10240x128xf32, #tpu.memory_space<vmem_shared>>
          tpu.wait_indirect_dma semaphore(%run_scoped3A_189 : memref<!tpu.dma_semaphore, #tpu.memory_space<semaphore_mem>>) src(%dma_wait3A_201 : memref<96x128xf32, #tpu.memory_space<vmem>>) dst(%dma_wait3A_205 : memref<10240x128xf32, #tpu.memory_space<vmem_shared>>)
          tpu.yield
        }) : () -> ()
        %dma_wait3A_156 = arith.constant 1 : i32
        %dma_wait3A_157 = arith.constant 0 : i32
        %dma_wait3A_158 = arith.constant 0 : i32
        %dma_wait3A_159 = tpu.memref_slice %arg9[%dma_wait3A_156, %dma_wait3A_157, %dma_wait3A_158] : memref<2x96x128xf32, #tpu.memory_space<vmem>> -> memref<1x96x128xf32, #tpu.memory_space<vmem>>
        %dma_wait3A_160 = tpu.memref_squeeze %dma_wait3A_159 : memref<1x96x128xf32, #tpu.memory_space<vmem>> -> memref<96x128xf32, #tpu.memory_space<vmem>>
        %dma_wait3A_161 = arith.constant 0 : i32
        %dma_wait3A_162 = arith.constant 0 : i32
        %dma_wait3A_163 = tpu.memref_slice %arg2[%dma_wait3A_161, %dma_wait3A_162] : memref<10000x128xf32, #tpu.memory_space<hbm>> -> memref<96x128xf32, #tpu.memory_space<hbm>>
        %dma_wait3A_164 = arith.constant 0 : i32
        %dma_wait3A_165 = arith.constant 0 : i32
        %dma_wait3A_166 = tpu.memref_slice %arg9[%dma_wait3A_156, %dma_wait3A_164, %dma_wait3A_165] : memref<2x96x128xf32, #tpu.memory_space<vmem>> -> memref<1x96x128xf32, #tpu.memory_space<vmem>>
        %dma_wait3A_167 = tpu.memref_squeeze %dma_wait3A_166 : memref<1x96x128xf32, #tpu.memory_space<vmem>> -> memref<96x128xf32, #tpu.memory_space<vmem>>
        %dma_wait3A_168 = arith.constant 0 : i32
        %dma_wait3A_169 = arith.constant 0 : i32
        %dma_wait3A_170 = tpu.memref_slice %arg2[%dma_wait3A_168, %dma_wait3A_169] : memref<10000x128xf32, #tpu.memory_space<hbm>> -> memref<96x128xf32, #tpu.memory_space<hbm>>
        tpu.wait_dma2 semaphore(%arg10 : memref<!tpu.dma_semaphore, #tpu.memory_space<semaphore_mem>>) src(%dma_wait3A_170 : memref<96x128xf32, #tpu.memory_space<hbm>>) dst(%dma_wait3A_167 : memref<96x128xf32, #tpu.memory_space<vmem>>)
        %add3A_171 = arith.constant 2 : i32
        %add3A_172 = arith.addi %mul3A_124, %add3A_171 : i32
        %mul3A_173 = arith.constant 96 : i32
        %mul3A_174 = arith.muli %add3A_172, %mul3A_173 : i32
        %dma_start3A_175 = arith.constant 0 : i32
        %dma_start3A_176 = arith.constant 0 : i32
        %dma_start3A_177 = arith.constant 0 : i32
        %dma_start3A_178 = tpu.memref_slice %arg9[%dma_start3A_175, %dma_start3A_176, %dma_start3A_177] : memref<2x96x128xf32, #tpu.memory_space<vmem>> -> memref<1x96x128xf32, #tpu.memory_space<vmem>>
        %dma_start3A_179 = tpu.memref_squeeze %dma_start3A_178 : memref<1x96x128xf32, #tpu.memory_space<vmem>> -> memref<96x128xf32, #tpu.memory_space<vmem>>
        %dma_start3A_180 = tpu.memref_slice %arg7[%mul3A_174] : memref<10000xi32, #tpu.memory_space<vmem>> -> memref<96xi32, #tpu.memory_space<vmem>>
        %dma_start3A_181 = arith.constant 0 : i32
        %dma_start3A_182 = arith.constant 0 : i32
        %dma_start3A_183 = tpu.memref_slice %arg2[%dma_start3A_181, %dma_start3A_182] : memref<10000x128xf32, #tpu.memory_space<hbm>> -> memref<10000x128xf32, #tpu.memory_space<hbm>>
        tpu.enqueue_indirect_dma source(%dma_start3A_183 : memref<10000x128xf32, #tpu.memory_space<hbm>>) target(%dma_start3A_179 : memref<96x128xf32, #tpu.memory_space<vmem>>) offsets(%dma_start3A_180 : memref<96xi32, #tpu.memory_space<vmem>>) semaphore(%arg10 : memref<!tpu.dma_semaphore, #tpu.memory_space<semaphore_mem>>)
        %add3A_184 = arith.constant 1 : i32
        %add3A_185 = arith.addi %mul3A_124, %add3A_184 : i32
        %mul3A_186 = arith.constant 96 : i32
        %mul3A_187 = arith.muli %add3A_185, %mul3A_186 : i32
        %run_scoped3A_188 = arith.constant 1 : i32
        "tpu.region"() ({
          %run_scoped3A_189 = tpu.sem_alloc : memref<!tpu.dma_semaphore, #tpu.memory_space<semaphore_mem>>
          %dma_start3A_190 = arith.constant 0 : i32
          %dma_start3A_191 = arith.constant 0 : i32
          %dma_start3A_192 = tpu.memref_slice %arg9[%run_scoped3A_188, %dma_start3A_190, %dma_start3A_191] : memref<2x96x128xf32, #tpu.memory_space<vmem>> -> memref<1x96x128xf32, #tpu.memory_space<vmem>>
          %dma_start3A_193 = tpu.memref_squeeze %dma_start3A_192 : memref<1x96x128xf32, #tpu.memory_space<vmem>> -> memref<96x128xf32, #tpu.memory_space<vmem>>
          %dma_start3A_194 = tpu.memref_slice %arg8[%mul3A_187] : memref<10000xi32, #tpu.memory_space<vmem>> -> memref<96xi32, #tpu.memory_space<vmem>>
          %dma_start3A_195 = arith.constant 0 : i32
          %dma_start3A_196 = arith.constant 0 : i32
          %dma_start3A_197 = tpu.memref_slice %arg6[%dma_start3A_195, %dma_start3A_196] : memref<10240x128xf32, #tpu.memory_space<vmem_shared>> -> memref<10240x128xf32, #tpu.memory_space<vmem_shared>>
          tpu.enqueue_indirect_dma source(%dma_start3A_193 : memref<96x128xf32, #tpu.memory_space<vmem>>) target(%dma_start3A_197 : memref<10240x128xf32, #tpu.memory_space<vmem_shared>>) offsets(%dma_start3A_194 : memref<96xi32, #tpu.memory_space<vmem>>) semaphore(%run_scoped3A_189 : memref<!tpu.dma_semaphore, #tpu.memory_space<semaphore_mem>>) {add = true}
          %dma_wait3A_198 = arith.constant 0 : i32
          %dma_wait3A_199 = arith.constant 0 : i32
          %dma_wait3A_200 = tpu.memref_slice %arg9[%run_scoped3A_188, %dma_wait3A_198, %dma_wait3A_199] : memref<2x96x128xf32, #tpu.memory_space<vmem>> -> memref<1x96x128xf32, #tpu.memory_space<vmem>>
          %dma_wait3A_201 = tpu.memref_squeeze %dma_wait3A_200 : memref<1x96x128xf32, #tpu.memory_space<vmem>> -> memref<96x128xf32, #tpu.memory_space<vmem>>
          %dma_wait3A_202 = tpu.memref_slice %arg8[%mul3A_187] : memref<10000xi32, #tpu.memory_space<vmem>> -> memref<96xi32, #tpu.memory_space<vmem>>
          %dma_wait3A_203 = arith.constant 0 : i32
          %dma_wait3A_204 = arith.constant 0 : i32
          %dma_wait3A_205 = tpu.memref_slice %arg6[%dma_wait3A_203, %dma_wait3A_204] : memref<10240x128xf32, #tpu.memory_space<vmem_shared>> -> memref<10240x128xf32, #tpu.memory_space<vmem_shared>>
          tpu.wait_indirect_dma semaphore(%run_scoped3A_189 : memref<!tpu.dma_semaphore, #tpu.memory_space<semaphore_mem>>) src(%dma_wait3A_201 : memref<96x128xf32, #tpu.memory_space<vmem>>) dst(%dma_wait3A_205 : memref<10240x128xf32, #tpu.memory_space<vmem_shared>>)
          tpu.yield
        }) : () -> ()
      }
      %scan3A_52 = arith.constant 51 : i32
      %dma_wait3A = arith.constant 0 : i32
      %dma_wait3A_53 = arith.constant 0 : i32
      %dma_wait3A_54 = arith.constant 0 : i32
      %dma_wait3A_55 = tpu.memref_slice %arg9[%dma_wait3A, %dma_wait3A_53, %dma_wait3A_54] : memref<2x96x128xf32, #tpu.memory_space<vmem>> -> memref<1x96x128xf32, #tpu.memory_space<vmem>>
      %dma_wait3A_56 = tpu.memref_squeeze %dma_wait3A_55 : memref<1x96x128xf32, #tpu.memory_space<vmem>> -> memref<96x128xf32, #tpu.memory_space<vmem>>
      %dma_wait3A_57 = arith.constant 0 : i32
      %dma_wait3A_58 = arith.constant 0 : i32
      %dma_wait3A_59 = tpu.memref_slice %arg2[%dma_wait3A_57, %dma_wait3A_58] : memref<10000x128xf32, #tpu.memory_space<hbm>> -> memref<96x128xf32, #tpu.memory_space<hbm>>
      %dma_wait3A_60 = arith.constant 0 : i32
      %dma_wait3A_61 = arith.constant 0 : i32
      %dma_wait3A_62 = tpu.memref_slice %arg9[%dma_wait3A, %dma_wait3A_60, %dma_wait3A_61] : memref<2x96x128xf32, #tpu.memory_space<vmem>> -> memref<1x96x128xf32, #tpu.memory_space<vmem>>
      %dma_wait3A_63 = tpu.memref_squeeze %dma_wait3A_62 : memref<1x96x128xf32, #tpu.memory_space<vmem>> -> memref<96x128xf32, #tpu.memory_space<vmem>>
      %dma_wait3A_64 = arith.constant 0 : i32
      %dma_wait3A_65 = arith.constant 0 : i32
      %dma_wait3A_66 = tpu.memref_slice %arg2[%dma_wait3A_64, %dma_wait3A_65] : memref<10000x128xf32, #tpu.memory_space<hbm>> -> memref<96x128xf32, #tpu.memory_space<hbm>>
      tpu.wait_dma2 semaphore(%arg10 : memref<!tpu.dma_semaphore, #tpu.memory_space<semaphore_mem>>) src(%dma_wait3A_66 : memref<96x128xf32, #tpu.memory_space<hbm>>) dst(%dma_wait3A_63 : memref<96x128xf32, #tpu.memory_space<vmem>>)
      %dma_start3A_67 = arith.constant 1 : i32
      %dma_start3A_68 = arith.constant 0 : i32
      %dma_start3A_69 = arith.constant 0 : i32
      %dma_start3A_70 = tpu.memref_slice %arg9[%dma_start3A_67, %dma_start3A_68, %dma_start3A_69] : memref<2x96x128xf32, #tpu.memory_space<vmem>> -> memref<1x96x128xf32, #tpu.memory_space<vmem>>
      %dma_start3A_71 = tpu.memref_squeeze %dma_start3A_70 : memref<1x96x128xf32, #tpu.memory_space<vmem>> -> memref<96x128xf32, #tpu.memory_space<vmem>>
      %dma_start3A_72 = arith.constant 9888 : i32
      %dma_start3A_73 = tpu.memref_slice %arg7[%dma_start3A_72] : memref<10000xi32, #tpu.memory_space<vmem>> -> memref<96xi32, #tpu.memory_space<vmem>>
      %dma_start3A_74 = arith.constant 0 : i32
      %dma_start3A_75 = arith.constant 0 : i32
      %dma_start3A_76 = tpu.memref_slice %arg2[%dma_start3A_74, %dma_start3A_75] : memref<10000x128xf32, #tpu.memory_space<hbm>> -> memref<10000x128xf32, #tpu.memory_space<hbm>>
      tpu.enqueue_indirect_dma source(%dma_start3A_76 : memref<10000x128xf32, #tpu.memory_space<hbm>>) target(%dma_start3A_71 : memref<96x128xf32, #tpu.memory_space<vmem>>) offsets(%dma_start3A_73 : memref<96xi32, #tpu.memory_space<vmem>>) semaphore(%arg10 : memref<!tpu.dma_semaphore, #tpu.memory_space<semaphore_mem>>)
      %run_scoped3A_77 = arith.constant 0 : i32
      "tpu.region"() ({
        %run_scoped3A_122 = tpu.sem_alloc : memref<!tpu.dma_semaphore, #tpu.memory_space<semaphore_mem>>
        %dma_start3A_123 = arith.constant 0 : i32
        %dma_start3A_124 = arith.constant 0 : i32
        %dma_start3A_125 = tpu.memref_slice %arg9[%run_scoped3A_77, %dma_start3A_123, %dma_start3A_124] : memref<2x96x128xf32, #tpu.memory_space<vmem>> -> memref<1x96x128xf32, #tpu.memory_space<vmem>>
        %dma_start3A_126 = tpu.memref_squeeze %dma_start3A_125 : memref<1x96x128xf32, #tpu.memory_space<vmem>> -> memref<96x128xf32, #tpu.memory_space<vmem>>
        %dma_start3A_127 = arith.constant 9792 : i32
        %dma_start3A_128 = tpu.memref_slice %arg8[%dma_start3A_127] : memref<10000xi32, #tpu.memory_space<vmem>> -> memref<96xi32, #tpu.memory_space<vmem>>
        %dma_start3A_129 = arith.constant 0 : i32
        %dma_start3A_130 = arith.constant 0 : i32
        %dma_start3A_131 = tpu.memref_slice %arg6[%dma_start3A_129, %dma_start3A_130] : memref<10240x128xf32, #tpu.memory_space<vmem_shared>> -> memref<10240x128xf32, #tpu.memory_space<vmem_shared>>
        tpu.enqueue_indirect_dma source(%dma_start3A_126 : memref<96x128xf32, #tpu.memory_space<vmem>>) target(%dma_start3A_131 : memref<10240x128xf32, #tpu.memory_space<vmem_shared>>) offsets(%dma_start3A_128 : memref<96xi32, #tpu.memory_space<vmem>>) semaphore(%run_scoped3A_122 : memref<!tpu.dma_semaphore, #tpu.memory_space<semaphore_mem>>) {add = true}
        %dma_wait3A_132 = arith.constant 0 : i32
        %dma_wait3A_133 = arith.constant 0 : i32
        %dma_wait3A_134 = tpu.memref_slice %arg9[%run_scoped3A_77, %dma_wait3A_132, %dma_wait3A_133] : memref<2x96x128xf32, #tpu.memory_space<vmem>> -> memref<1x96x128xf32, #tpu.memory_space<vmem>>
        %dma_wait3A_135 = tpu.memref_squeeze %dma_wait3A_134 : memref<1x96x128xf32, #tpu.memory_space<vmem>> -> memref<96x128xf32, #tpu.memory_space<vmem>>
        %dma_wait3A_136 = arith.constant 9792 : i32
        %dma_wait3A_137 = tpu.memref_slice %arg8[%dma_wait3A_136] : memref<10000xi32, #tpu.memory_space<vmem>> -> memref<96xi32, #tpu.memory_space<vmem>>
        %dma_wait3A_138 = arith.constant 0 : i32
        %dma_wait3A_139 = arith.constant 0 : i32
        %dma_wait3A_140 = tpu.memref_slice %arg6[%dma_wait3A_138, %dma_wait3A_139] : memref<10240x128xf32, #tpu.memory_space<vmem_shared>> -> memref<10240x128xf32, #tpu.memory_space<vmem_shared>>
        tpu.wait_indirect_dma semaphore(%run_scoped3A_122 : memref<!tpu.dma_semaphore, #tpu.memory_space<semaphore_mem>>) src(%dma_wait3A_135 : memref<96x128xf32, #tpu.memory_space<vmem>>) dst(%dma_wait3A_140 : memref<10240x128xf32, #tpu.memory_space<vmem_shared>>)
        tpu.yield
      }) : () -> ()
      %dma_wait3A_78 = arith.constant 1 : i32
      %dma_wait3A_79 = arith.constant 0 : i32
      %dma_wait3A_80 = arith.constant 0 : i32
      %dma_wait3A_81 = tpu.memref_slice %arg9[%dma_wait3A_78, %dma_wait3A_79, %dma_wait3A_80] : memref<2x96x128xf32, #tpu.memory_space<vmem>> -> memref<1x96x128xf32, #tpu.memory_space<vmem>>
      %dma_wait3A_82 = tpu.memref_squeeze %dma_wait3A_81 : memref<1x96x128xf32, #tpu.memory_space<vmem>> -> memref<96x128xf32, #tpu.memory_space<vmem>>
      %dma_wait3A_83 = arith.constant 0 : i32
      %dma_wait3A_84 = arith.constant 0 : i32
      %dma_wait3A_85 = tpu.memref_slice %arg2[%dma_wait3A_83, %dma_wait3A_84] : memref<10000x128xf32, #tpu.memory_space<hbm>> -> memref<96x128xf32, #tpu.memory_space<hbm>>
      %dma_wait3A_86 = arith.constant 0 : i32
      %dma_wait3A_87 = arith.constant 0 : i32
      %dma_wait3A_88 = tpu.memref_slice %arg9[%dma_wait3A_78, %dma_wait3A_86, %dma_wait3A_87] : memref<2x96x128xf32, #tpu.memory_space<vmem>> -> memref<1x96x128xf32, #tpu.memory_space<vmem>>
      %dma_wait3A_89 = tpu.memref_squeeze %dma_wait3A_88 : memref<1x96x128xf32, #tpu.memory_space<vmem>> -> memref<96x128xf32, #tpu.memory_space<vmem>>
      %dma_wait3A_90 = arith.constant 0 : i32
      %dma_wait3A_91 = arith.constant 0 : i32
      %dma_wait3A_92 = tpu.memref_slice %arg2[%dma_wait3A_90, %dma_wait3A_91] : memref<10000x128xf32, #tpu.memory_space<hbm>> -> memref<96x128xf32, #tpu.memory_space<hbm>>
      tpu.wait_dma2 semaphore(%arg10 : memref<!tpu.dma_semaphore, #tpu.memory_space<semaphore_mem>>) src(%dma_wait3A_92 : memref<96x128xf32, #tpu.memory_space<hbm>>) dst(%dma_wait3A_89 : memref<96x128xf32, #tpu.memory_space<vmem>>)
      %dma_start3A_93 = arith.constant 0 : i32
      %dma_start3A_94 = arith.constant 0 : i32
      %dma_start3A_95 = arith.constant 0 : i32
      %dma_start3A_96 = tpu.memref_slice %arg9[%dma_start3A_93, %dma_start3A_94, %dma_start3A_95] : memref<2x96x128xf32, #tpu.memory_space<vmem>> -> memref<1x16x128xf32, #tpu.memory_space<vmem>>
      %dma_start3A_97 = tpu.memref_squeeze %dma_start3A_96 : memref<1x16x128xf32, #tpu.memory_space<vmem>> -> memref<16x128xf32, #tpu.memory_space<vmem>>
      %dma_start3A_98 = arith.constant 9984 : i32
      %dma_start3A_99 = tpu.memref_slice %arg7[%dma_start3A_98] : memref<10000xi32, #tpu.memory_space<vmem>> -> memref<16xi32, #tpu.memory_space<vmem>>
      %dma_start3A_100 = arith.constant 0 : i32
      %dma_start3A_101 = arith.constant 0 : i32
      %dma_start3A_102 = tpu.memref_slice %arg2[%dma_start3A_100, %dma_start3A_101] : memref<10000x128xf32, #tpu.memory_space<hbm>> -> memref<10000x128xf32, #tpu.memory_space<hbm>>
      tpu.enqueue_indirect_dma source(%dma_start3A_102 : memref<10000x128xf32, #tpu.memory_space<hbm>>) target(%dma_start3A_97 : memref<16x128xf32, #tpu.memory_space<vmem>>) offsets(%dma_start3A_99 : memref<16xi32, #tpu.memory_space<vmem>>) semaphore(%arg10 : memref<!tpu.dma_semaphore, #tpu.memory_space<semaphore_mem>>)
      %run_scoped3A_103 = arith.constant 1 : i32
      "tpu.region"() ({
        %run_scoped3A_122 = tpu.sem_alloc : memref<!tpu.dma_semaphore, #tpu.memory_space<semaphore_mem>>
        %dma_start3A_123 = arith.constant 0 : i32
        %dma_start3A_124 = arith.constant 0 : i32
        %dma_start3A_125 = tpu.memref_slice %arg9[%run_scoped3A_103, %dma_start3A_123, %dma_start3A_124] : memref<2x96x128xf32, #tpu.memory_space<vmem>> -> memref<1x96x128xf32, #tpu.memory_space<vmem>>
        %dma_start3A_126 = tpu.memref_squeeze %dma_start3A_125 : memref<1x96x128xf32, #tpu.memory_space<vmem>> -> memref<96x128xf32, #tpu.memory_space<vmem>>
        %dma_start3A_127 = arith.constant 9888 : i32
        %dma_start3A_128 = tpu.memref_slice %arg8[%dma_start3A_127] : memref<10000xi32, #tpu.memory_space<vmem>> -> memref<96xi32, #tpu.memory_space<vmem>>
        %dma_start3A_129 = arith.constant 0 : i32
        %dma_start3A_130 = arith.constant 0 : i32
        %dma_start3A_131 = tpu.memref_slice %arg6[%dma_start3A_129, %dma_start3A_130] : memref<10240x128xf32, #tpu.memory_space<vmem_shared>> -> memref<10240x128xf32, #tpu.memory_space<vmem_shared>>
        tpu.enqueue_indirect_dma source(%dma_start3A_126 : memref<96x128xf32, #tpu.memory_space<vmem>>) target(%dma_start3A_131 : memref<10240x128xf32, #tpu.memory_space<vmem_shared>>) offsets(%dma_start3A_128 : memref<96xi32, #tpu.memory_space<vmem>>) semaphore(%run_scoped3A_122 : memref<!tpu.dma_semaphore, #tpu.memory_space<semaphore_mem>>) {add = true}
        %dma_wait3A_132 = arith.constant 0 : i32
        %dma_wait3A_133 = arith.constant 0 : i32
        %dma_wait3A_134 = tpu.memref_slice %arg9[%run_scoped3A_103, %dma_wait3A_132, %dma_wait3A_133] : memref<2x96x128xf32, #tpu.memory_space<vmem>> -> memref<1x96x128xf32, #tpu.memory_space<vmem>>
        %dma_wait3A_135 = tpu.memref_squeeze %dma_wait3A_134 : memref<1x96x128xf32, #tpu.memory_space<vmem>> -> memref<96x128xf32, #tpu.memory_space<vmem>>
        %dma_wait3A_136 = arith.constant 9888 : i32
        %dma_wait3A_137 = tpu.memref_slice %arg8[%dma_wait3A_136] : memref<10000xi32, #tpu.memory_space<vmem>> -> memref<96xi32, #tpu.memory_space<vmem>>
        %dma_wait3A_138 = arith.constant 0 : i32
        %dma_wait3A_139 = arith.constant 0 : i32
        %dma_wait3A_140 = tpu.memref_slice %arg6[%dma_wait3A_138, %dma_wait3A_139] : memref<10240x128xf32, #tpu.memory_space<vmem_shared>> -> memref<10240x128xf32, #tpu.memory_space<vmem_shared>>
        tpu.wait_indirect_dma semaphore(%run_scoped3A_122 : memref<!tpu.dma_semaphore, #tpu.memory_space<semaphore_mem>>) src(%dma_wait3A_135 : memref<96x128xf32, #tpu.memory_space<vmem>>) dst(%dma_wait3A_140 : memref<10240x128xf32, #tpu.memory_space<vmem_shared>>)
        tpu.yield
      }) : () -> ()
      %dma_wait3A_104 = arith.constant 0 : i32
      %dma_wait3A_105 = arith.constant 0 : i32
      %dma_wait3A_106 = arith.constant 0 : i32
      %dma_wait3A_107 = tpu.memref_slice %arg9[%dma_wait3A_104, %dma_wait3A_105, %dma_wait3A_106] : memref<2x96x128xf32, #tpu.memory_space<vmem>> -> memref<1x16x128xf32, #tpu.memory_space<vmem>>
      %dma_wait3A_108 = tpu.memref_squeeze %dma_wait3A_107 : memref<1x16x128xf32, #tpu.memory_space<vmem>> -> memref<16x128xf32, #tpu.memory_space<vmem>>
      %dma_wait3A_109 = arith.constant 0 : i32
      %dma_wait3A_110 = arith.constant 0 : i32
      %dma_wait3A_111 = tpu.memref_slice %arg2[%dma_wait3A_109, %dma_wait3A_110] : memref<10000x128xf32, #tpu.memory_space<hbm>> -> memref<16x128xf32, #tpu.memory_space<hbm>>
      %dma_wait3A_112 = arith.constant 0 : i32
      %dma_wait3A_113 = arith.constant 0 : i32
      %dma_wait3A_114 = tpu.memref_slice %arg9[%dma_wait3A_104, %dma_wait3A_112, %dma_wait3A_113] : memref<2x96x128xf32, #tpu.memory_space<vmem>> -> memref<1x16x128xf32, #tpu.memory_space<vmem>>
      %dma_wait3A_115 = tpu.memref_squeeze %dma_wait3A_114 : memref<1x16x128xf32, #tpu.memory_space<vmem>> -> memref<16x128xf32, #tpu.memory_space<vmem>>
      %dma_wait3A_116 = arith.constant 0 : i32
      %dma_wait3A_117 = arith.constant 0 : i32
      %dma_wait3A_118 = tpu.memref_slice %arg2[%dma_wait3A_116, %dma_wait3A_117] : memref<10000x128xf32, #tpu.memory_space<hbm>> -> memref<16x128xf32, #tpu.memory_space<hbm>>
      tpu.wait_dma2 semaphore(%arg10 : memref<!tpu.dma_semaphore, #tpu.memory_space<semaphore_mem>>) src(%dma_wait3A_118 : memref<16x128xf32, #tpu.memory_space<hbm>>) dst(%dma_wait3A_115 : memref<16x128xf32, #tpu.memory_space<vmem>>)
      %run_scoped3A_119 = arith.constant 0 : i32
      "tpu.region"() ({
        %run_scoped3A_122 = tpu.sem_alloc : memref<!tpu.dma_semaphore, #tpu.memory_space<semaphore_mem>>
        %dma_start3A_123 = arith.constant 0 : i32
        %dma_start3A_124 = arith.constant 0 : i32
        %dma_start3A_125 = tpu.memref_slice %arg9[%run_scoped3A_119, %dma_start3A_123, %dma_start3A_124] : memref<2x96x128xf32, #tpu.memory_space<vmem>> -> memref<1x16x128xf32, #tpu.memory_space<vmem>>
        %dma_start3A_126 = tpu.memref_squeeze %dma_start3A_125 : memref<1x16x128xf32, #tpu.memory_space<vmem>> -> memref<16x128xf32, #tpu.memory_space<vmem>>
        %dma_start3A_127 = arith.constant 9984 : i32
        %dma_start3A_128 = tpu.memref_slice %arg8[%dma_start3A_127] : memref<10000xi32, #tpu.memory_space<vmem>> -> memref<16xi32, #tpu.memory_space<vmem>>
        %dma_start3A_129 = arith.constant 0 : i32
        %dma_start3A_130 = arith.constant 0 : i32
        %dma_start3A_131 = tpu.memref_slice %arg6[%dma_start3A_129, %dma_start3A_130] : memref<10240x128xf32, #tpu.memory_space<vmem_shared>> -> memref<10240x128xf32, #tpu.memory_space<vmem_shared>>
        tpu.enqueue_indirect_dma source(%dma_start3A_126 : memref<16x128xf32, #tpu.memory_space<vmem>>) target(%dma_start3A_131 : memref<10240x128xf32, #tpu.memory_space<vmem_shared>>) offsets(%dma_start3A_128 : memref<16xi32, #tpu.memory_space<vmem>>) semaphore(%run_scoped3A_122 : memref<!tpu.dma_semaphore, #tpu.memory_space<semaphore_mem>>) {add = true}
        %dma_wait3A_132 = arith.constant 0 : i32
        %dma_wait3A_133 = arith.constant 0 : i32
        %dma_wait3A_134 = tpu.memref_slice %arg9[%run_scoped3A_119, %dma_wait3A_132, %dma_wait3A_133] : memref<2x96x128xf32, #tpu.memory_space<vmem>> -> memref<1x16x128xf32, #tpu.memory_space<vmem>>
        %dma_wait3A_135 = tpu.memref_squeeze %dma_wait3A_134 : memref<1x16x128xf32, #tpu.memory_space<vmem>> -> memref<16x128xf32, #tpu.memory_space<vmem>>
        %dma_wait3A_136 = arith.constant 9984 : i32
        %dma_wait3A_137 = tpu.memref_slice %arg8[%dma_wait3A_136] : memref<10000xi32, #tpu.memory_space<vmem>> -> memref<16xi32, #tpu.memory_space<vmem>>
        %dma_wait3A_138 = arith.constant 0 : i32
        %dma_wait3A_139 = arith.constant 0 : i32
        %dma_wait3A_140 = tpu.memref_slice %arg6[%dma_wait3A_138, %dma_wait3A_139] : memref<10240x128xf32, #tpu.memory_space<vmem_shared>> -> memref<10240x128xf32, #tpu.memory_space<vmem_shared>>
        tpu.wait_indirect_dma semaphore(%run_scoped3A_122 : memref<!tpu.dma_semaphore, #tpu.memory_space<semaphore_mem>>) src(%dma_wait3A_135 : memref<16x128xf32, #tpu.memory_space<vmem>>) dst(%dma_wait3A_140 : memref<10240x128xf32, #tpu.memory_space<vmem_shared>>)
        tpu.yield
      }) : () -> ()
      %barrier3A_120 = arith.constant 0 : index
      tpu.barrier barrier_id(%barrier3A_120)
      %run_scoped3A_121 = arith.constant 0 : i32
      "tpu.region"() ({
        %run_scoped3A_122 = tpu.sem_alloc : memref<!tpu.dma_semaphore, #tpu.memory_space<semaphore_mem>>
        %dma_start3A_123 = arith.constant 0 : i32
        %dma_start3A_124 = tpu.memref_slice %arg5[%run_scoped3A_121, %mul3A_0, %dma_start3A_123] : memref<2x10240x128xf32, #tpu.memory_space<hbm>> -> memref<1x640x128xf32, #tpu.memory_space<hbm>>
        %dma_start3A_125 = tpu.memref_squeeze %dma_start3A_124 : memref<1x640x128xf32, #tpu.memory_space<hbm>> -> memref<640x128xf32, #tpu.memory_space<hbm>>
        %dma_start3A_126 = arith.constant 0 : i32
        %dma_start3A_127 = tpu.memref_slice %arg6[%mul3A_0, %dma_start3A_126] : memref<10240x128xf32, #tpu.memory_space<vmem_shared>> -> memref<640x128xf32, #tpu.memory_space<vmem_shared>>
        tpu.enqueue_dma source(%dma_start3A_127 : memref<640x128xf32, #tpu.memory_space<vmem_shared>>) target(%dma_start3A_125 : memref<640x128xf32, #tpu.memory_space<hbm>>) target_semaphore(%run_scoped3A_122 : memref<!tpu.dma_semaphore, #tpu.memory_space<semaphore_mem>>)
        %dma_wait3A_128 = arith.constant 0 : i32
        %dma_wait3A_129 = tpu.memref_slice %arg5[%run_scoped3A_121, %mul3A_0, %dma_wait3A_128] : memref<2x10240x128xf32, #tpu.memory_space<hbm>> -> memref<1x640x128xf32, #tpu.memory_space<hbm>>
        %dma_wait3A_130 = tpu.memref_squeeze %dma_wait3A_129 : memref<1x640x128xf32, #tpu.memory_space<hbm>> -> memref<640x128xf32, #tpu.memory_space<hbm>>
        %dma_wait3A_131 = arith.constant 0 : i32
        %dma_wait3A_132 = tpu.memref_slice %arg6[%mul3A_0, %dma_wait3A_131] : memref<10240x128xf32, #tpu.memory_space<vmem_shared>> -> memref<640x128xf32, #tpu.memory_space<vmem_shared>>
        tpu.wait_dma2 semaphore(%run_scoped3A_122 : memref<!tpu.dma_semaphore, #tpu.memory_space<semaphore_mem>>) src(%dma_wait3A_132 : memref<640x128xf32, #tpu.memory_space<vmem_shared>>) dst(%dma_wait3A_130 : memref<640x128xf32, #tpu.memory_space<hbm>>)
        tpu.yield
      }) : () -> ()
    } else {
    }
    %eq3A_3 = arith.constant 1 : i32
    %eq3A_4 = arith.cmpi eq, %arg0, %eq3A_3 : i32
    %convert_element_type3A_5 = arith.extui %eq3A_4 : i1 to i32
    %cond3A_6 = arith.constant 0 : i32
    %cond3A_7 = arith.cmpi ne, %convert_element_type3A_5, %cond3A_6 : i32
    scf.if %cond3A_7 {
      %broadcast_in_dim3A = arith.constant 0.000000e+00 : f32
      %broadcast_in_dim3A_8 = vector.broadcast %broadcast_in_dim3A : f32 to vector<16xf32>
      %scan3A = arith.constant 0 : i32
      %scan3A_9 = arith.constant 0 : i32
      %scan3A_10 = arith.constant 96 : i32
      %scan3A_11 = arith.addi %scan3A_9, %scan3A_10 : i32
      %scan3A_12 = arith.constant 1 : i32
      scf.for %scan3A_122 = %scan3A_9 to %scan3A_11 step %scan3A_12  : i32 {
        %swap3A = arith.constant 0 : i32
        %swap3A_123 = arith.index_cast %swap3A : i32 to index
        %swap3A_124 = arith.index_cast %scan3A_122 : i32 to index
        %swap3A_125 = arith.constant 0 : index
        %swap3A_126 = tpu.vector_load %arg9[%swap3A_123, %swap3A_124, %swap3A_125] {strides = array<i32>} : memref<2x96x128xf32, #tpu.memory_space<vmem>>, vector<1x1x16xf32>,
        %swap3A_127 = vector.shape_cast %swap3A_126 : vector<1x1x16xf32> to vector<16xf32>
        %swap3A_128 = vector.shape_cast %broadcast_in_dim3A_8 : vector<16xf32> to vector<1x1x16xf32>
        tpu.vector_store %arg9[%swap3A_123, %swap3A_124, %swap3A_125], %swap3A_128 {strides = array<i32>} : memref<2x96x128xf32, #tpu.memory_space<vmem>>, vector<1x1x16xf32>,
        %swap3A_129 = arith.constant 0 : i32
        %swap3A_130 = arith.index_cast %swap3A_129 : i32 to index
        %swap3A_131 = arith.index_cast %scan3A_122 : i32 to index
        %swap3A_132 = arith.constant 16 : index
        %swap3A_133 = tpu.vector_load %arg9[%swap3A_130, %swap3A_131, %swap3A_132] {strides = array<i32>} : memref<2x96x128xf32, #tpu.memory_space<vmem>>, vector<1x1x16xf32>,
        %swap3A_134 = vector.shape_cast %swap3A_133 : vector<1x1x16xf32> to vector<16xf32>
        %swap3A_135 = vector.shape_cast %broadcast_in_dim3A_8 : vector<16xf32> to vector<1x1x16xf32>
        tpu.vector_store %arg9[%swap3A_130, %swap3A_131, %swap3A_132], %swap3A_135 {strides = array<i32>} : memref<2x96x128xf32, #tpu.memory_space<vmem>>, vector<1x1x16xf32>,
        %swap3A_136 = arith.constant 0 : i32
        %swap3A_137 = arith.index_cast %swap3A_136 : i32 to index
        %swap3A_138 = arith.index_cast %scan3A_122 : i32 to index
        %swap3A_139 = arith.constant 32 : index
        %swap3A_140 = tpu.vector_load %arg9[%swap3A_137, %swap3A_138, %swap3A_139] {strides = array<i32>} : memref<2x96x128xf32, #tpu.memory_space<vmem>>, vector<1x1x16xf32>,
        %swap3A_141 = vector.shape_cast %swap3A_140 : vector<1x1x16xf32> to vector<16xf32>
        %swap3A_142 = vector.shape_cast %broadcast_in_dim3A_8 : vector<16xf32> to vector<1x1x16xf32>
        tpu.vector_store %arg9[%swap3A_137, %swap3A_138, %swap3A_139], %swap3A_142 {strides = array<i32>} : memref<2x96x128xf32, #tpu.memory_space<vmem>>, vector<1x1x16xf32>,
        %swap3A_143 = arith.constant 0 : i32
        %swap3A_144 = arith.index_cast %swap3A_143 : i32 to index
        %swap3A_145 = arith.index_cast %scan3A_122 : i32 to index
        %swap3A_146 = arith.constant 48 : index
        %swap3A_147 = tpu.vector_load %arg9[%swap3A_144, %swap3A_145, %swap3A_146] {strides = array<i32>} : memref<2x96x128xf32, #tpu.memory_space<vmem>>, vector<1x1x16xf32>,
        %swap3A_148 = vector.shape_cast %swap3A_147 : vector<1x1x16xf32> to vector<16xf32>
        %swap3A_149 = vector.shape_cast %broadcast_in_dim3A_8 : vector<16xf32> to vector<1x1x16xf32>
        tpu.vector_store %arg9[%swap3A_144, %swap3A_145, %swap3A_146], %swap3A_149 {strides = array<i32>} : memref<2x96x128xf32, #tpu.memory_space<vmem>>, vector<1x1x16xf32>,
        %swap3A_150 = arith.constant 0 : i32
        %swap3A_151 = arith.index_cast %swap3A_150 : i32 to index
        %swap3A_152 = arith.index_cast %scan3A_122 : i32 to index
        %swap3A_153 = arith.constant 64 : index
        %swap3A_154 = tpu.vector_load %arg9[%swap3A_151, %swap3A_152, %swap3A_153] {strides = array<i32>} : memref<2x96x128xf32, #tpu.memory_space<vmem>>, vector<1x1x16xf32>,
        %swap3A_155 = vector.shape_cast %swap3A_154 : vector<1x1x16xf32> to vector<16xf32>
        %swap3A_156 = vector.shape_cast %broadcast_in_dim3A_8 : vector<16xf32> to vector<1x1x16xf32>
        tpu.vector_store %arg9[%swap3A_151, %swap3A_152, %swap3A_153], %swap3A_156 {strides = array<i32>} : memref<2x96x128xf32, #tpu.memory_space<vmem>>, vector<1x1x16xf32>,
        %swap3A_157 = arith.constant 0 : i32
        %swap3A_158 = arith.index_cast %swap3A_157 : i32 to index
        %swap3A_159 = arith.index_cast %scan3A_122 : i32 to index
        %swap3A_160 = arith.constant 80 : index
        %swap3A_161 = tpu.vector_load %arg9[%swap3A_158, %swap3A_159, %swap3A_160] {strides = array<i32>} : memref<2x96x128xf32, #tpu.memory_space<vmem>>, vector<1x1x16xf32>,
        %swap3A_162 = vector.shape_cast %swap3A_161 : vector<1x1x16xf32> to vector<16xf32>
        %swap3A_163 = vector.shape_cast %broadcast_in_dim3A_8 : vector<16xf32> to vector<1x1x16xf32>
        tpu.vector_store %arg9[%swap3A_158, %swap3A_159, %swap3A_160], %swap3A_163 {strides = array<i32>} : memref<2x96x128xf32, #tpu.memory_space<vmem>>, vector<1x1x16xf32>,
        %swap3A_164 = arith.constant 0 : i32
        %swap3A_165 = arith.index_cast %swap3A_164 : i32 to index
        %swap3A_166 = arith.index_cast %scan3A_122 : i32 to index
        %swap3A_167 = arith.constant 96 : index
        %swap3A_168 = tpu.vector_load %arg9[%swap3A_165, %swap3A_166, %swap3A_167] {strides = array<i32>} : memref<2x96x128xf32, #tpu.memory_space<vmem>>, vector<1x1x16xf32>,
        %swap3A_169 = vector.shape_cast %swap3A_168 : vector<1x1x16xf32> to vector<16xf32>
        %swap3A_170 = vector.shape_cast %broadcast_in_dim3A_8 : vector<16xf32> to vector<1x1x16xf32>
        tpu.vector_store %arg9[%swap3A_165, %swap3A_166, %swap3A_167], %swap3A_170 {strides = array<i32>} : memref<2x96x128xf32, #tpu.memory_space<vmem>>, vector<1x1x16xf32>,
        %swap3A_171 = arith.constant 0 : i32
        %swap3A_172 = arith.index_cast %swap3A_171 : i32 to index
        %swap3A_173 = arith.index_cast %scan3A_122 : i32 to index
        %swap3A_174 = arith.constant 112 : index
        %swap3A_175 = tpu.vector_load %arg9[%swap3A_172, %swap3A_173, %swap3A_174] {strides = array<i32>} : memref<2x96x128xf32, #tpu.memory_space<vmem>>, vector<1x1x16xf32>,
        %swap3A_176 = vector.shape_cast %swap3A_175 : vector<1x1x16xf32> to vector<16xf32>
        %swap3A_177 = vector.shape_cast %broadcast_in_dim3A_8 : vector<16xf32> to vector<1x1x16xf32>
        tpu.vector_store %arg9[%swap3A_172, %swap3A_173, %swap3A_174], %swap3A_177 {strides = array<i32>} : memref<2x96x128xf32, #tpu.memory_space<vmem>>, vector<1x1x16xf32>,
      }
      %scan3A_13 = arith.constant 96 : i32
      %add3A = arith.constant 0 : i32
      %add3A_14 = arith.addi %mul3A_0, %add3A : i32
      %run_scoped3A = arith.constant 0 : i32
      "tpu.region"() ({
        %run_scoped3A_122 = tpu.sem_alloc : memref<!tpu.dma_semaphore, #tpu.memory_space<semaphore_mem>>
        %dma_start3A_123 = arith.constant 0 : i32
        %dma_start3A_124 = arith.constant 0 : i32
        %dma_start3A_125 = tpu.memref_slice %arg9[%run_scoped3A, %dma_start3A_123, %dma_start3A_124] : memref<2x96x128xf32, #tpu.memory_space<vmem>> -> memref<1x96x128xf32, #tpu.memory_space<vmem>>
        %dma_start3A_126 = tpu.memref_squeeze %dma_start3A_125 : memref<1x96x128xf32, #tpu.memory_space<vmem>> -> memref<96x128xf32, #tpu.memory_space<vmem>>
        %dma_start3A_127 = arith.constant 0 : i32
        %dma_start3A_128 = tpu.memref_slice %arg6[%add3A_14, %dma_start3A_127] : memref<10240x128xf32, #tpu.memory_space<vmem_shared>> -> memref<96x128xf32, #tpu.memory_space<vmem_shared>>
        %dma_start3A_129 = arith.constant 0 : i32
        %dma_start3A_130 = tpu.memref_slice %arg6[%add3A_14, %dma_start3A_129] : memref<10240x128xf32, #tpu.memory_space<vmem_shared>> -> memref<96x128xf32, #tpu.memory_space<vmem_shared>>
        %dma_start3A_131 = arith.constant 0 : i32
        %dma_start3A_132 = arith.constant 0 : i32
        %dma_start3A_133 = tpu.memref_slice %arg9[%run_scoped3A, %dma_start3A_131, %dma_start3A_132] : memref<2x96x128xf32, #tpu.memory_space<vmem>> -> memref<1x96x128xf32, #tpu.memory_space<vmem>>
        %dma_start3A_134 = tpu.memref_squeeze %dma_start3A_133 : memref<1x96x128xf32, #tpu.memory_space<vmem>> -> memref<96x128xf32, #tpu.memory_space<vmem>>
        tpu.enqueue_dma source(%dma_start3A_134 : memref<96x128xf32, #tpu.memory_space<vmem>>) target(%dma_start3A_130 : memref<96x128xf32, #tpu.memory_space<vmem_shared>>) target_semaphore(%run_scoped3A_122 : memref<!tpu.dma_semaphore, #tpu.memory_space<semaphore_mem>>)
        %dma_wait3A_135 = arith.constant 0 : i32
        %dma_wait3A_136 = arith.constant 0 : i32
        %dma_wait3A_137 = tpu.memref_slice %arg9[%run_scoped3A, %dma_wait3A_135, %dma_wait3A_136] : memref<2x96x128xf32, #tpu.memory_space<vmem>> -> memref<1x96x128xf32, #tpu.memory_space<vmem>>
        %dma_wait3A_138 = tpu.memref_squeeze %dma_wait3A_137 : memref<1x96x128xf32, #tpu.memory_space<vmem>> -> memref<96x128xf32, #tpu.memory_space<vmem>>
        %dma_wait3A_139 = arith.constant 0 : i32
        %dma_wait3A_140 = tpu.memref_slice %arg6[%add3A_14, %dma_wait3A_139] : memref<10240x128xf32, #tpu.memory_space<vmem_shared>> -> memref<96x128xf32, #tpu.memory_space<vmem_shared>>
        %dma_wait3A_141 = arith.constant 0 : i32
        %dma_wait3A_142 = tpu.memref_slice %arg6[%add3A_14, %dma_wait3A_141] : memref<10240x128xf32, #tpu.memory_space<vmem_shared>> -> memref<96x128xf32, #tpu.memory_space<vmem_shared>>
        %dma_wait3A_143 = arith.constant 0 : i32
        %dma_wait3A_144 = arith.constant 0 : i32
        %dma_wait3A_145 = tpu.memref_slice %arg9[%run_scoped3A, %dma_wait3A_143, %dma_wait3A_144] : memref<2x96x128xf32, #tpu.memory_space<vmem>> -> memref<1x96x128xf32, #tpu.memory_space<vmem>>
        %dma_wait3A_146 = tpu.memref_squeeze %dma_wait3A_145 : memref<1x96x128xf32, #tpu.memory_space<vmem>> -> memref<96x128xf32, #tpu.memory_space<vmem>>
        tpu.wait_dma2 semaphore(%run_scoped3A_122 : memref<!tpu.dma_semaphore, #tpu.memory_space<semaphore_mem>>) src(%dma_wait3A_146 : memref<96x128xf32, #tpu.memory_space<vmem>>) dst(%dma_wait3A_142 : memref<96x128xf32, #tpu.memory_space<vmem_shared>>)
        tpu.yield
      }) : () -> ()
      %add3A_15 = arith.constant 96 : i32
      %add3A_16 = arith.addi %mul3A_0, %add3A_15 : i32
      %run_scoped3A_17 = arith.constant 0 : i32
      "tpu.region"() ({
        %run_scoped3A_122 = tpu.sem_alloc : memref<!tpu.dma_semaphore, #tpu.memory_space<semaphore_mem>>
        %dma_start3A_123 = arith.constant 0 : i32
        %dma_start3A_124 = arith.constant 0 : i32
        %dma_start3A_125 = tpu.memref_slice %arg9[%run_scoped3A_17, %dma_start3A_123, %dma_start3A_124] : memref<2x96x128xf32, #tpu.memory_space<vmem>> -> memref<1x96x128xf32, #tpu.memory_space<vmem>>
        %dma_start3A_126 = tpu.memref_squeeze %dma_start3A_125 : memref<1x96x128xf32, #tpu.memory_space<vmem>> -> memref<96x128xf32, #tpu.memory_space<vmem>>
        %dma_start3A_127 = arith.constant 0 : i32
        %dma_start3A_128 = tpu.memref_slice %arg6[%add3A_16, %dma_start3A_127] : memref<10240x128xf32, #tpu.memory_space<vmem_shared>> -> memref<96x128xf32, #tpu.memory_space<vmem_shared>>
        %dma_start3A_129 = arith.constant 0 : i32
        %dma_start3A_130 = tpu.memref_slice %arg6[%add3A_16, %dma_start3A_129] : memref<10240x128xf32, #tpu.memory_space<vmem_shared>> -> memref<96x128xf32, #tpu.memory_space<vmem_shared>>
        %dma_start3A_131 = arith.constant 0 : i32
        %dma_start3A_132 = arith.constant 0 : i32
        %dma_start3A_133 = tpu.memref_slice %arg9[%run_scoped3A_17, %dma_start3A_131, %dma_start3A_132] : memref<2x96x128xf32, #tpu.memory_space<vmem>> -> memref<1x96x128xf32, #tpu.memory_space<vmem>>
        %dma_start3A_134 = tpu.memref_squeeze %dma_start3A_133 : memref<1x96x128xf32, #tpu.memory_space<vmem>> -> memref<96x128xf32, #tpu.memory_space<vmem>>
        tpu.enqueue_dma source(%dma_start3A_134 : memref<96x128xf32, #tpu.memory_space<vmem>>) target(%dma_start3A_130 : memref<96x128xf32, #tpu.memory_space<vmem_shared>>) target_semaphore(%run_scoped3A_122 : memref<!tpu.dma_semaphore, #tpu.memory_space<semaphore_mem>>)
        %dma_wait3A_135 = arith.constant 0 : i32
        %dma_wait3A_136 = arith.constant 0 : i32
        %dma_wait3A_137 = tpu.memref_slice %arg9[%run_scoped3A_17, %dma_wait3A_135, %dma_wait3A_136] : memref<2x96x128xf32, #tpu.memory_space<vmem>> -> memref<1x96x128xf32, #tpu.memory_space<vmem>>
        %dma_wait3A_138 = tpu.memref_squeeze %dma_wait3A_137 : memref<1x96x128xf32, #tpu.memory_space<vmem>> -> memref<96x128xf32, #tpu.memory_space<vmem>>
        %dma_wait3A_139 = arith.constant 0 : i32
        %dma_wait3A_140 = tpu.memref_slice %arg6[%add3A_16, %dma_wait3A_139] : memref<10240x128xf32, #tpu.memory_space<vmem_shared>> -> memref<96x128xf32, #tpu.memory_space<vmem_shared>>
        %dma_wait3A_141 = arith.constant 0 : i32
        %dma_wait3A_142 = tpu.memref_slice %arg6[%add3A_16, %dma_wait3A_141] : memref<10240x128xf32, #tpu.memory_space<vmem_shared>> -> memref<96x128xf32, #tpu.memory_space<vmem_shared>>
        %dma_wait3A_143 = arith.constant 0 : i32
        %dma_wait3A_144 = arith.constant 0 : i32
        %dma_wait3A_145 = tpu.memref_slice %arg9[%run_scoped3A_17, %dma_wait3A_143, %dma_wait3A_144] : memref<2x96x128xf32, #tpu.memory_space<vmem>> -> memref<1x96x128xf32, #tpu.memory_space<vmem>>
        %dma_wait3A_146 = tpu.memref_squeeze %dma_wait3A_145 : memref<1x96x128xf32, #tpu.memory_space<vmem>> -> memref<96x128xf32, #tpu.memory_space<vmem>>
        tpu.wait_dma2 semaphore(%run_scoped3A_122 : memref<!tpu.dma_semaphore, #tpu.memory_space<semaphore_mem>>) src(%dma_wait3A_146 : memref<96x128xf32, #tpu.memory_space<vmem>>) dst(%dma_wait3A_142 : memref<96x128xf32, #tpu.memory_space<vmem_shared>>)
        tpu.yield
      }) : () -> ()
      %add3A_18 = arith.constant 192 : i32
      %add3A_19 = arith.addi %mul3A_0, %add3A_18 : i32
      %run_scoped3A_20 = arith.constant 0 : i32
      "tpu.region"() ({
        %run_scoped3A_122 = tpu.sem_alloc : memref<!tpu.dma_semaphore, #tpu.memory_space<semaphore_mem>>
        %dma_start3A_123 = arith.constant 0 : i32
        %dma_start3A_124 = arith.constant 0 : i32
        %dma_start3A_125 = tpu.memref_slice %arg9[%run_scoped3A_20, %dma_start3A_123, %dma_start3A_124] : memref<2x96x128xf32, #tpu.memory_space<vmem>> -> memref<1x96x128xf32, #tpu.memory_space<vmem>>
        %dma_start3A_126 = tpu.memref_squeeze %dma_start3A_125 : memref<1x96x128xf32, #tpu.memory_space<vmem>> -> memref<96x128xf32, #tpu.memory_space<vmem>>
        %dma_start3A_127 = arith.constant 0 : i32
        %dma_start3A_128 = tpu.memref_slice %arg6[%add3A_19, %dma_start3A_127] : memref<10240x128xf32, #tpu.memory_space<vmem_shared>> -> memref<96x128xf32, #tpu.memory_space<vmem_shared>>
        %dma_start3A_129 = arith.constant 0 : i32
        %dma_start3A_130 = tpu.memref_slice %arg6[%add3A_19, %dma_start3A_129] : memref<10240x128xf32, #tpu.memory_space<vmem_shared>> -> memref<96x128xf32, #tpu.memory_space<vmem_shared>>
        %dma_start3A_131 = arith.constant 0 : i32
        %dma_start3A_132 = arith.constant 0 : i32
        %dma_start3A_133 = tpu.memref_slice %arg9[%run_scoped3A_20, %dma_start3A_131, %dma_start3A_132] : memref<2x96x128xf32, #tpu.memory_space<vmem>> -> memref<1x96x128xf32, #tpu.memory_space<vmem>>
        %dma_start3A_134 = tpu.memref_squeeze %dma_start3A_133 : memref<1x96x128xf32, #tpu.memory_space<vmem>> -> memref<96x128xf32, #tpu.memory_space<vmem>>
        tpu.enqueue_dma source(%dma_start3A_134 : memref<96x128xf32, #tpu.memory_space<vmem>>) target(%dma_start3A_130 : memref<96x128xf32, #tpu.memory_space<vmem_shared>>) target_semaphore(%run_scoped3A_122 : memref<!tpu.dma_semaphore, #tpu.memory_space<semaphore_mem>>)
        %dma_wait3A_135 = arith.constant 0 : i32
        %dma_wait3A_136 = arith.constant 0 : i32
        %dma_wait3A_137 = tpu.memref_slice %arg9[%run_scoped3A_20, %dma_wait3A_135, %dma_wait3A_136] : memref<2x96x128xf32, #tpu.memory_space<vmem>> -> memref<1x96x128xf32, #tpu.memory_space<vmem>>
        %dma_wait3A_138 = tpu.memref_squeeze %dma_wait3A_137 : memref<1x96x128xf32, #tpu.memory_space<vmem>> -> memref<96x128xf32, #tpu.memory_space<vmem>>
        %dma_wait3A_139 = arith.constant 0 : i32
        %dma_wait3A_140 = tpu.memref_slice %arg6[%add3A_19, %dma_wait3A_139] : memref<10240x128xf32, #tpu.memory_space<vmem_shared>> -> memref<96x128xf32, #tpu.memory_space<vmem_shared>>
        %dma_wait3A_141 = arith.constant 0 : i32
        %dma_wait3A_142 = tpu.memref_slice %arg6[%add3A_19, %dma_wait3A_141] : memref<10240x128xf32, #tpu.memory_space<vmem_shared>> -> memref<96x128xf32, #tpu.memory_space<vmem_shared>>
        %dma_wait3A_143 = arith.constant 0 : i32
        %dma_wait3A_144 = arith.constant 0 : i32
        %dma_wait3A_145 = tpu.memref_slice %arg9[%run_scoped3A_20, %dma_wait3A_143, %dma_wait3A_144] : memref<2x96x128xf32, #tpu.memory_space<vmem>> -> memref<1x96x128xf32, #tpu.memory_space<vmem>>
        %dma_wait3A_146 = tpu.memref_squeeze %dma_wait3A_145 : memref<1x96x128xf32, #tpu.memory_space<vmem>> -> memref<96x128xf32, #tpu.memory_space<vmem>>
        tpu.wait_dma2 semaphore(%run_scoped3A_122 : memref<!tpu.dma_semaphore, #tpu.memory_space<semaphore_mem>>) src(%dma_wait3A_146 : memref<96x128xf32, #tpu.memory_space<vmem>>) dst(%dma_wait3A_142 : memref<96x128xf32, #tpu.memory_space<vmem_shared>>)
        tpu.yield
      }) : () -> ()
      %add3A_21 = arith.constant 288 : i32
      %add3A_22 = arith.addi %mul3A_0, %add3A_21 : i32
      %run_scoped3A_23 = arith.constant 0 : i32
      "tpu.region"() ({
        %run_scoped3A_122 = tpu.sem_alloc : memref<!tpu.dma_semaphore, #tpu.memory_space<semaphore_mem>>
        %dma_start3A_123 = arith.constant 0 : i32
        %dma_start3A_124 = arith.constant 0 : i32
        %dma_start3A_125 = tpu.memref_slice %arg9[%run_scoped3A_23, %dma_start3A_123, %dma_start3A_124] : memref<2x96x128xf32, #tpu.memory_space<vmem>> -> memref<1x96x128xf32, #tpu.memory_space<vmem>>
        %dma_start3A_126 = tpu.memref_squeeze %dma_start3A_125 : memref<1x96x128xf32, #tpu.memory_space<vmem>> -> memref<96x128xf32, #tpu.memory_space<vmem>>
        %dma_start3A_127 = arith.constant 0 : i32
        %dma_start3A_128 = tpu.memref_slice %arg6[%add3A_22, %dma_start3A_127] : memref<10240x128xf32, #tpu.memory_space<vmem_shared>> -> memref<96x128xf32, #tpu.memory_space<vmem_shared>>
        %dma_start3A_129 = arith.constant 0 : i32
        %dma_start3A_130 = tpu.memref_slice %arg6[%add3A_22, %dma_start3A_129] : memref<10240x128xf32, #tpu.memory_space<vmem_shared>> -> memref<96x128xf32, #tpu.memory_space<vmem_shared>>
        %dma_start3A_131 = arith.constant 0 : i32
        %dma_start3A_132 = arith.constant 0 : i32
        %dma_start3A_133 = tpu.memref_slice %arg9[%run_scoped3A_23, %dma_start3A_131, %dma_start3A_132] : memref<2x96x128xf32, #tpu.memory_space<vmem>> -> memref<1x96x128xf32, #tpu.memory_space<vmem>>
        %dma_start3A_134 = tpu.memref_squeeze %dma_start3A_133 : memref<1x96x128xf32, #tpu.memory_space<vmem>> -> memref<96x128xf32, #tpu.memory_space<vmem>>
        tpu.enqueue_dma source(%dma_start3A_134 : memref<96x128xf32, #tpu.memory_space<vmem>>) target(%dma_start3A_130 : memref<96x128xf32, #tpu.memory_space<vmem_shared>>) target_semaphore(%run_scoped3A_122 : memref<!tpu.dma_semaphore, #tpu.memory_space<semaphore_mem>>)
        %dma_wait3A_135 = arith.constant 0 : i32
        %dma_wait3A_136 = arith.constant 0 : i32
        %dma_wait3A_137 = tpu.memref_slice %arg9[%run_scoped3A_23, %dma_wait3A_135, %dma_wait3A_136] : memref<2x96x128xf32, #tpu.memory_space<vmem>> -> memref<1x96x128xf32, #tpu.memory_space<vmem>>
        %dma_wait3A_138 = tpu.memref_squeeze %dma_wait3A_137 : memref<1x96x128xf32, #tpu.memory_space<vmem>> -> memref<96x128xf32, #tpu.memory_space<vmem>>
        %dma_wait3A_139 = arith.constant 0 : i32
        %dma_wait3A_140 = tpu.memref_slice %arg6[%add3A_22, %dma_wait3A_139] : memref<10240x128xf32, #tpu.memory_space<vmem_shared>> -> memref<96x128xf32, #tpu.memory_space<vmem_shared>>
        %dma_wait3A_141 = arith.constant 0 : i32
        %dma_wait3A_142 = tpu.memref_slice %arg6[%add3A_22, %dma_wait3A_141] : memref<10240x128xf32, #tpu.memory_space<vmem_shared>> -> memref<96x128xf32, #tpu.memory_space<vmem_shared>>
        %dma_wait3A_143 = arith.constant 0 : i32
        %dma_wait3A_144 = arith.constant 0 : i32
        %dma_wait3A_145 = tpu.memref_slice %arg9[%run_scoped3A_23, %dma_wait3A_143, %dma_wait3A_144] : memref<2x96x128xf32, #tpu.memory_space<vmem>> -> memref<1x96x128xf32, #tpu.memory_space<vmem>>
        %dma_wait3A_146 = tpu.memref_squeeze %dma_wait3A_145 : memref<1x96x128xf32, #tpu.memory_space<vmem>> -> memref<96x128xf32, #tpu.memory_space<vmem>>
        tpu.wait_dma2 semaphore(%run_scoped3A_122 : memref<!tpu.dma_semaphore, #tpu.memory_space<semaphore_mem>>) src(%dma_wait3A_146 : memref<96x128xf32, #tpu.memory_space<vmem>>) dst(%dma_wait3A_142 : memref<96x128xf32, #tpu.memory_space<vmem_shared>>)
        tpu.yield
      }) : () -> ()
      %add3A_24 = arith.constant 384 : i32
      %add3A_25 = arith.addi %mul3A_0, %add3A_24 : i32
      %run_scoped3A_26 = arith.constant 0 : i32
      "tpu.region"() ({
        %run_scoped3A_122 = tpu.sem_alloc : memref<!tpu.dma_semaphore, #tpu.memory_space<semaphore_mem>>
        %dma_start3A_123 = arith.constant 0 : i32
        %dma_start3A_124 = arith.constant 0 : i32
        %dma_start3A_125 = tpu.memref_slice %arg9[%run_scoped3A_26, %dma_start3A_123, %dma_start3A_124] : memref<2x96x128xf32, #tpu.memory_space<vmem>> -> memref<1x96x128xf32, #tpu.memory_space<vmem>>
        %dma_start3A_126 = tpu.memref_squeeze %dma_start3A_125 : memref<1x96x128xf32, #tpu.memory_space<vmem>> -> memref<96x128xf32, #tpu.memory_space<vmem>>
        %dma_start3A_127 = arith.constant 0 : i32
        %dma_start3A_128 = tpu.memref_slice %arg6[%add3A_25, %dma_start3A_127] : memref<10240x128xf32, #tpu.memory_space<vmem_shared>> -> memref<96x128xf32, #tpu.memory_space<vmem_shared>>
        %dma_start3A_129 = arith.constant 0 : i32
        %dma_start3A_130 = tpu.memref_slice %arg6[%add3A_25, %dma_start3A_129] : memref<10240x128xf32, #tpu.memory_space<vmem_shared>> -> memref<96x128xf32, #tpu.memory_space<vmem_shared>>
        %dma_start3A_131 = arith.constant 0 : i32
        %dma_start3A_132 = arith.constant 0 : i32
        %dma_start3A_133 = tpu.memref_slice %arg9[%run_scoped3A_26, %dma_start3A_131, %dma_start3A_132] : memref<2x96x128xf32, #tpu.memory_space<vmem>> -> memref<1x96x128xf32, #tpu.memory_space<vmem>>
        %dma_start3A_134 = tpu.memref_squeeze %dma_start3A_133 : memref<1x96x128xf32, #tpu.memory_space<vmem>> -> memref<96x128xf32, #tpu.memory_space<vmem>>
        tpu.enqueue_dma source(%dma_start3A_134 : memref<96x128xf32, #tpu.memory_space<vmem>>) target(%dma_start3A_130 : memref<96x128xf32, #tpu.memory_space<vmem_shared>>) target_semaphore(%run_scoped3A_122 : memref<!tpu.dma_semaphore, #tpu.memory_space<semaphore_mem>>)
        %dma_wait3A_135 = arith.constant 0 : i32
        %dma_wait3A_136 = arith.constant 0 : i32
        %dma_wait3A_137 = tpu.memref_slice %arg9[%run_scoped3A_26, %dma_wait3A_135, %dma_wait3A_136] : memref<2x96x128xf32, #tpu.memory_space<vmem>> -> memref<1x96x128xf32, #tpu.memory_space<vmem>>
        %dma_wait3A_138 = tpu.memref_squeeze %dma_wait3A_137 : memref<1x96x128xf32, #tpu.memory_space<vmem>> -> memref<96x128xf32, #tpu.memory_space<vmem>>
        %dma_wait3A_139 = arith.constant 0 : i32
        %dma_wait3A_140 = tpu.memref_slice %arg6[%add3A_25, %dma_wait3A_139] : memref<10240x128xf32, #tpu.memory_space<vmem_shared>> -> memref<96x128xf32, #tpu.memory_space<vmem_shared>>
        %dma_wait3A_141 = arith.constant 0 : i32
        %dma_wait3A_142 = tpu.memref_slice %arg6[%add3A_25, %dma_wait3A_141] : memref<10240x128xf32, #tpu.memory_space<vmem_shared>> -> memref<96x128xf32, #tpu.memory_space<vmem_shared>>
        %dma_wait3A_143 = arith.constant 0 : i32
        %dma_wait3A_144 = arith.constant 0 : i32
        %dma_wait3A_145 = tpu.memref_slice %arg9[%run_scoped3A_26, %dma_wait3A_143, %dma_wait3A_144] : memref<2x96x128xf32, #tpu.memory_space<vmem>> -> memref<1x96x128xf32, #tpu.memory_space<vmem>>
        %dma_wait3A_146 = tpu.memref_squeeze %dma_wait3A_145 : memref<1x96x128xf32, #tpu.memory_space<vmem>> -> memref<96x128xf32, #tpu.memory_space<vmem>>
        tpu.wait_dma2 semaphore(%run_scoped3A_122 : memref<!tpu.dma_semaphore, #tpu.memory_space<semaphore_mem>>) src(%dma_wait3A_146 : memref<96x128xf32, #tpu.memory_space<vmem>>) dst(%dma_wait3A_142 : memref<96x128xf32, #tpu.memory_space<vmem_shared>>)
        tpu.yield
      }) : () -> ()
      %add3A_27 = arith.constant 480 : i32
      %add3A_28 = arith.addi %mul3A_0, %add3A_27 : i32
      %run_scoped3A_29 = arith.constant 0 : i32
      "tpu.region"() ({
        %run_scoped3A_122 = tpu.sem_alloc : memref<!tpu.dma_semaphore, #tpu.memory_space<semaphore_mem>>
        %dma_start3A_123 = arith.constant 0 : i32
        %dma_start3A_124 = arith.constant 0 : i32
        %dma_start3A_125 = tpu.memref_slice %arg9[%run_scoped3A_29, %dma_start3A_123, %dma_start3A_124] : memref<2x96x128xf32, #tpu.memory_space<vmem>> -> memref<1x96x128xf32, #tpu.memory_space<vmem>>
        %dma_start3A_126 = tpu.memref_squeeze %dma_start3A_125 : memref<1x96x128xf32, #tpu.memory_space<vmem>> -> memref<96x128xf32, #tpu.memory_space<vmem>>
        %dma_start3A_127 = arith.constant 0 : i32
        %dma_start3A_128 = tpu.memref_slice %arg6[%add3A_28, %dma_start3A_127] : memref<10240x128xf32, #tpu.memory_space<vmem_shared>> -> memref<96x128xf32, #tpu.memory_space<vmem_shared>>
        %dma_start3A_129 = arith.constant 0 : i32
        %dma_start3A_130 = tpu.memref_slice %arg6[%add3A_28, %dma_start3A_129] : memref<10240x128xf32, #tpu.memory_space<vmem_shared>> -> memref<96x128xf32, #tpu.memory_space<vmem_shared>>
        %dma_start3A_131 = arith.constant 0 : i32
        %dma_start3A_132 = arith.constant 0 : i32
        %dma_start3A_133 = tpu.memref_slice %arg9[%run_scoped3A_29, %dma_start3A_131, %dma_start3A_132] : memref<2x96x128xf32, #tpu.memory_space<vmem>> -> memref<1x96x128xf32, #tpu.memory_space<vmem>>
        %dma_start3A_134 = tpu.memref_squeeze %dma_start3A_133 : memref<1x96x128xf32, #tpu.memory_space<vmem>> -> memref<96x128xf32, #tpu.memory_space<vmem>>
        tpu.enqueue_dma source(%dma_start3A_134 : memref<96x128xf32, #tpu.memory_space<vmem>>) target(%dma_start3A_130 : memref<96x128xf32, #tpu.memory_space<vmem_shared>>) target_semaphore(%run_scoped3A_122 : memref<!tpu.dma_semaphore, #tpu.memory_space<semaphore_mem>>)
        %dma_wait3A_135 = arith.constant 0 : i32
        %dma_wait3A_136 = arith.constant 0 : i32
        %dma_wait3A_137 = tpu.memref_slice %arg9[%run_scoped3A_29, %dma_wait3A_135, %dma_wait3A_136] : memref<2x96x128xf32, #tpu.memory_space<vmem>> -> memref<1x96x128xf32, #tpu.memory_space<vmem>>
        %dma_wait3A_138 = tpu.memref_squeeze %dma_wait3A_137 : memref<1x96x128xf32, #tpu.memory_space<vmem>> -> memref<96x128xf32, #tpu.memory_space<vmem>>
        %dma_wait3A_139 = arith.constant 0 : i32
        %dma_wait3A_140 = tpu.memref_slice %arg6[%add3A_28, %dma_wait3A_139] : memref<10240x128xf32, #tpu.memory_space<vmem_shared>> -> memref<96x128xf32, #tpu.memory_space<vmem_shared>>
        %dma_wait3A_141 = arith.constant 0 : i32
        %dma_wait3A_142 = tpu.memref_slice %arg6[%add3A_28, %dma_wait3A_141] : memref<10240x128xf32, #tpu.memory_space<vmem_shared>> -> memref<96x128xf32, #tpu.memory_space<vmem_shared>>
        %dma_wait3A_143 = arith.constant 0 : i32
        %dma_wait3A_144 = arith.constant 0 : i32
        %dma_wait3A_145 = tpu.memref_slice %arg9[%run_scoped3A_29, %dma_wait3A_143, %dma_wait3A_144] : memref<2x96x128xf32, #tpu.memory_space<vmem>> -> memref<1x96x128xf32, #tpu.memory_space<vmem>>
        %dma_wait3A_146 = tpu.memref_squeeze %dma_wait3A_145 : memref<1x96x128xf32, #tpu.memory_space<vmem>> -> memref<96x128xf32, #tpu.memory_space<vmem>>
        tpu.wait_dma2 semaphore(%run_scoped3A_122 : memref<!tpu.dma_semaphore, #tpu.memory_space<semaphore_mem>>) src(%dma_wait3A_146 : memref<96x128xf32, #tpu.memory_space<vmem>>) dst(%dma_wait3A_142 : memref<96x128xf32, #tpu.memory_space<vmem_shared>>)
        tpu.yield
      }) : () -> ()
      %add3A_30 = arith.constant 640 : i32
      %add3A_31 = arith.addi %mul3A_0, %add3A_30 : i32
      %sub3A = arith.constant 64 : i32
      %sub3A_32 = arith.subi %add3A_31, %sub3A : i32
      %run_scoped3A_33 = arith.constant 0 : i32
      "tpu.region"() ({
        %run_scoped3A_122 = tpu.sem_alloc : memref<!tpu.dma_semaphore, #tpu.memory_space<semaphore_mem>>
        %dma_start3A_123 = arith.constant 0 : i32
        %dma_start3A_124 = arith.constant 0 : i32
        %dma_start3A_125 = tpu.memref_slice %arg9[%run_scoped3A_33, %dma_start3A_123, %dma_start3A_124] : memref<2x96x128xf32, #tpu.memory_space<vmem>> -> memref<1x64x128xf32, #tpu.memory_space<vmem>>
        %dma_start3A_126 = tpu.memref_squeeze %dma_start3A_125 : memref<1x64x128xf32, #tpu.memory_space<vmem>> -> memref<64x128xf32, #tpu.memory_space<vmem>>
        %dma_start3A_127 = arith.constant 0 : i32
        %dma_start3A_128 = tpu.memref_slice %arg6[%sub3A_32, %dma_start3A_127] : memref<10240x128xf32, #tpu.memory_space<vmem_shared>> -> memref<64x128xf32, #tpu.memory_space<vmem_shared>>
        %dma_start3A_129 = arith.constant 0 : i32
        %dma_start3A_130 = tpu.memref_slice %arg6[%sub3A_32, %dma_start3A_129] : memref<10240x128xf32, #tpu.memory_space<vmem_shared>> -> memref<64x128xf32, #tpu.memory_space<vmem_shared>>
        %dma_start3A_131 = arith.constant 0 : i32
        %dma_start3A_132 = arith.constant 0 : i32
        %dma_start3A_133 = tpu.memref_slice %arg9[%run_scoped3A_33, %dma_start3A_131, %dma_start3A_132] : memref<2x96x128xf32, #tpu.memory_space<vmem>> -> memref<1x64x128xf32, #tpu.memory_space<vmem>>
        %dma_start3A_134 = tpu.memref_squeeze %dma_start3A_133 : memref<1x64x128xf32, #tpu.memory_space<vmem>> -> memref<64x128xf32, #tpu.memory_space<vmem>>
        tpu.enqueue_dma source(%dma_start3A_134 : memref<64x128xf32, #tpu.memory_space<vmem>>) target(%dma_start3A_130 : memref<64x128xf32, #tpu.memory_space<vmem_shared>>) target_semaphore(%run_scoped3A_122 : memref<!tpu.dma_semaphore, #tpu.memory_space<semaphore_mem>>)
        %dma_wait3A_135 = arith.constant 0 : i32
        %dma_wait3A_136 = arith.constant 0 : i32
        %dma_wait3A_137 = tpu.memref_slice %arg9[%run_scoped3A_33, %dma_wait3A_135, %dma_wait3A_136] : memref<2x96x128xf32, #tpu.memory_space<vmem>> -> memref<1x64x128xf32, #tpu.memory_space<vmem>>
        %dma_wait3A_138 = tpu.memref_squeeze %dma_wait3A_137 : memref<1x64x128xf32, #tpu.memory_space<vmem>> -> memref<64x128xf32, #tpu.memory_space<vmem>>
        %dma_wait3A_139 = arith.constant 0 : i32
        %dma_wait3A_140 = tpu.memref_slice %arg6[%sub3A_32, %dma_wait3A_139] : memref<10240x128xf32, #tpu.memory_space<vmem_shared>> -> memref<64x128xf32, #tpu.memory_space<vmem_shared>>
        %dma_wait3A_141 = arith.constant 0 : i32
        %dma_wait3A_142 = tpu.memref_slice %arg6[%sub3A_32, %dma_wait3A_141] : memref<10240x128xf32, #tpu.memory_space<vmem_shared>> -> memref<64x128xf32, #tpu.memory_space<vmem_shared>>
        %dma_wait3A_143 = arith.constant 0 : i32
        %dma_wait3A_144 = arith.constant 0 : i32
        %dma_wait3A_145 = tpu.memref_slice %arg9[%run_scoped3A_33, %dma_wait3A_143, %dma_wait3A_144] : memref<2x96x128xf32, #tpu.memory_space<vmem>> -> memref<1x64x128xf32, #tpu.memory_space<vmem>>
        %dma_wait3A_146 = tpu.memref_squeeze %dma_wait3A_145 : memref<1x64x128xf32, #tpu.memory_space<vmem>> -> memref<64x128xf32, #tpu.memory_space<vmem>>
        tpu.wait_dma2 semaphore(%run_scoped3A_122 : memref<!tpu.dma_semaphore, #tpu.memory_space<semaphore_mem>>) src(%dma_wait3A_146 : memref<64x128xf32, #tpu.memory_space<vmem>>) dst(%dma_wait3A_142 : memref<64x128xf32, #tpu.memory_space<vmem_shared>>)
        tpu.yield
      }) : () -> ()
      %mul3A_34 = arith.constant 10000 : i32
      %mul3A_35 = arith.muli %arg1, %mul3A_34 : i32
      "tpu.region"() ({
        %run_scoped3A_122 = tpu.sem_alloc : memref<!tpu.dma_semaphore, #tpu.memory_space<semaphore_mem>>
        %dma_start3A_123 = tpu.memref_slice %arg4[%mul3A_35] : memref<320000xi32, #tpu.memory_space<hbm>> -> memref<10000xi32, #tpu.memory_space<hbm>>
        %dma_start3A_124 = tpu.memref_slice %arg4[%mul3A_35] : memref<320000xi32, #tpu.memory_space<hbm>> -> memref<10000xi32, #tpu.memory_space<hbm>>
        tpu.enqueue_dma source(%dma_start3A_124 : memref<10000xi32, #tpu.memory_space<hbm>>) target(%arg7 : memref<10000xi32, #tpu.memory_space<vmem>>) target_semaphore(%run_scoped3A_122 : memref<!tpu.dma_semaphore, #tpu.memory_space<semaphore_mem>>)
        %dma_wait3A_125 = tpu.memref_slice %arg4[%mul3A_35] : memref<320000xi32, #tpu.memory_space<hbm>> -> memref<10000xi32, #tpu.memory_space<hbm>>
        %dma_wait3A_126 = tpu.memref_slice %arg4[%mul3A_35] : memref<320000xi32, #tpu.memory_space<hbm>> -> memref<10000xi32, #tpu.memory_space<hbm>>
        tpu.wait_dma2 semaphore(%run_scoped3A_122 : memref<!tpu.dma_semaphore, #tpu.memory_space<semaphore_mem>>) src(%dma_wait3A_126 : memref<10000xi32, #tpu.memory_space<hbm>>) dst(%arg7 : memref<10000xi32, #tpu.memory_space<vmem>>)
        tpu.yield
      }) : () -> ()
      %add3A_36 = arith.constant 160000 : i32
      %add3A_37 = arith.addi %add3A_36, %mul3A_35 : i32
      "tpu.region"() ({
        %run_scoped3A_122 = tpu.sem_alloc : memref<!tpu.dma_semaphore, #tpu.memory_space<semaphore_mem>>
        %dma_start3A_123 = tpu.memref_slice %arg4[%add3A_37] : memref<320000xi32, #tpu.memory_space<hbm>> -> memref<10000xi32, #tpu.memory_space<hbm>>
        %dma_start3A_124 = tpu.memref_slice %arg4[%add3A_37] : memref<320000xi32, #tpu.memory_space<hbm>> -> memref<10000xi32, #tpu.memory_space<hbm>>
        tpu.enqueue_dma source(%dma_start3A_124 : memref<10000xi32, #tpu.memory_space<hbm>>) target(%arg8 : memref<10000xi32, #tpu.memory_space<vmem>>) target_semaphore(%run_scoped3A_122 : memref<!tpu.dma_semaphore, #tpu.memory_space<semaphore_mem>>)
        %dma_wait3A_125 = tpu.memref_slice %arg4[%add3A_37] : memref<320000xi32, #tpu.memory_space<hbm>> -> memref<10000xi32, #tpu.memory_space<hbm>>
        %dma_wait3A_126 = tpu.memref_slice %arg4[%add3A_37] : memref<320000xi32, #tpu.memory_space<hbm>> -> memref<10000xi32, #tpu.memory_space<hbm>>
        tpu.wait_dma2 semaphore(%run_scoped3A_122 : memref<!tpu.dma_semaphore, #tpu.memory_space<semaphore_mem>>) src(%dma_wait3A_126 : memref<10000xi32, #tpu.memory_space<hbm>>) dst(%arg8 : memref<10000xi32, #tpu.memory_space<vmem>>)
        tpu.yield
      }) : () -> ()
      %barrier3A = arith.constant 0 : index
      tpu.barrier barrier_id(%barrier3A)
      %dma_start3A = arith.constant 0 : i32
      %dma_start3A_38 = arith.constant 0 : i32
      %dma_start3A_39 = arith.constant 0 : i32
      %dma_start3A_40 = tpu.memref_slice %arg9[%dma_start3A, %dma_start3A_38, %dma_start3A_39] : memref<2x96x128xf32, #tpu.memory_space<vmem>> -> memref<1x96x128xf32, #tpu.memory_space<vmem>>
      %dma_start3A_41 = tpu.memref_squeeze %dma_start3A_40 : memref<1x96x128xf32, #tpu.memory_space<vmem>> -> memref<96x128xf32, #tpu.memory_space<vmem>>
      %dma_start3A_42 = arith.constant 0 : i32
      %dma_start3A_43 = tpu.memref_slice %arg7[%dma_start3A_42] : memref<10000xi32, #tpu.memory_space<vmem>> -> memref<96xi32, #tpu.memory_space<vmem>>
      %dma_start3A_44 = arith.constant 0 : i32
      %dma_start3A_45 = arith.constant 0 : i32
      %dma_start3A_46 = tpu.memref_slice %arg2[%dma_start3A_44, %dma_start3A_45] : memref<10000x128xf32, #tpu.memory_space<hbm>> -> memref<10000x128xf32, #tpu.memory_space<hbm>>
      tpu.enqueue_indirect_dma source(%dma_start3A_46 : memref<10000x128xf32, #tpu.memory_space<hbm>>) target(%dma_start3A_41 : memref<96x128xf32, #tpu.memory_space<vmem>>) offsets(%dma_start3A_43 : memref<96xi32, #tpu.memory_space<vmem>>) semaphore(%arg10 : memref<!tpu.dma_semaphore, #tpu.memory_space<semaphore_mem>>)
      %scan3A_47 = arith.constant 0 : i32
      %scan3A_48 = arith.constant 0 : i32
      %scan3A_49 = arith.constant 51 : i32
      %scan3A_50 = arith.addi %scan3A_48, %scan3A_49 : i32
      %scan3A_51 = arith.constant 1 : i32
      scf.for %scan3A_122 = %scan3A_48 to %scan3A_50 step %scan3A_51  : i32 {
        %mul3A_123 = arith.constant 2 : i32
        %mul3A_124 = arith.muli %mul3A_123, %scan3A_122 : i32
        %dma_wait3A_125 = arith.constant 0 : i32
        %dma_wait3A_126 = arith.constant 0 : i32
        %dma_wait3A_127 = arith.constant 0 : i32
        %dma_wait3A_128 = tpu.memref_slice %arg9[%dma_wait3A_125, %dma_wait3A_126, %dma_wait3A_127] : memref<2x96x128xf32, #tpu.memory_space<vmem>> -> memref<1x96x128xf32, #tpu.memory_space<vmem>>
        %dma_wait3A_129 = tpu.memref_squeeze %dma_wait3A_128 : memref<1x96x128xf32, #tpu.memory_space<vmem>> -> memref<96x128xf32, #tpu.memory_space<vmem>>
        %dma_wait3A_130 = arith.constant 0 : i32
        %dma_wait3A_131 = arith.constant 0 : i32
        %dma_wait3A_132 = tpu.memref_slice %arg2[%dma_wait3A_130, %dma_wait3A_131] : memref<10000x128xf32, #tpu.memory_space<hbm>> -> memref<96x128xf32, #tpu.memory_space<hbm>>
        %dma_wait3A_133 = arith.constant 0 : i32
        %dma_wait3A_134 = arith.constant 0 : i32
        %dma_wait3A_135 = tpu.memref_slice %arg9[%dma_wait3A_125, %dma_wait3A_133, %dma_wait3A_134] : memref<2x96x128xf32, #tpu.memory_space<vmem>> -> memref<1x96x128xf32, #tpu.memory_space<vmem>>
        %dma_wait3A_136 = tpu.memref_squeeze %dma_wait3A_135 : memref<1x96x128xf32, #tpu.memory_space<vmem>> -> memref<96x128xf32, #tpu.memory_space<vmem>>
        %dma_wait3A_137 = arith.constant 0 : i32
        %dma_wait3A_138 = arith.constant 0 : i32
        %dma_wait3A_139 = tpu.memref_slice %arg2[%dma_wait3A_137, %dma_wait3A_138] : memref<10000x128xf32, #tpu.memory_space<hbm>> -> memref<96x128xf32, #tpu.memory_space<hbm>>
        tpu.wait_dma2 semaphore(%arg10 : memref<!tpu.dma_semaphore, #tpu.memory_space<semaphore_mem>>) src(%dma_wait3A_139 : memref<96x128xf32, #tpu.memory_space<hbm>>) dst(%dma_wait3A_136 : memref<96x128xf32, #tpu.memory_space<vmem>>)
        %add3A_140 = arith.constant 1 : i32
        %add3A_141 = arith.addi %mul3A_124, %add3A_140 : i32
        %mul3A_142 = arith.constant 96 : i32
        %mul3A_143 = arith.muli %add3A_141, %mul3A_142 : i32
        %dma_start3A_144 = arith.constant 1 : i32
        %dma_start3A_145 = arith.constant 0 : i32
        %dma_start3A_146 = arith.constant 0 : i32
        %dma_start3A_147 = tpu.memref_slice %arg9[%dma_start3A_144, %dma_start3A_145, %dma_start3A_146] : memref<2x96x128xf32, #tpu.memory_space<vmem>> -> memref<1x96x128xf32, #tpu.memory_space<vmem>>
        %dma_start3A_148 = tpu.memref_squeeze %dma_start3A_147 : memref<1x96x128xf32, #tpu.memory_space<vmem>> -> memref<96x128xf32, #tpu.memory_space<vmem>>
        %dma_start3A_149 = tpu.memref_slice %arg7[%mul3A_143] : memref<10000xi32, #tpu.memory_space<vmem>> -> memref<96xi32, #tpu.memory_space<vmem>>
        %dma_start3A_150 = arith.constant 0 : i32
        %dma_start3A_151 = arith.constant 0 : i32
        %dma_start3A_152 = tpu.memref_slice %arg2[%dma_start3A_150, %dma_start3A_151] : memref<10000x128xf32, #tpu.memory_space<hbm>> -> memref<10000x128xf32, #tpu.memory_space<hbm>>
        tpu.enqueue_indirect_dma source(%dma_start3A_152 : memref<10000x128xf32, #tpu.memory_space<hbm>>) target(%dma_start3A_148 : memref<96x128xf32, #tpu.memory_space<vmem>>) offsets(%dma_start3A_149 : memref<96xi32, #tpu.memory_space<vmem>>) semaphore(%arg10 : memref<!tpu.dma_semaphore, #tpu.memory_space<semaphore_mem>>)
        %mul3A_153 = arith.constant 96 : i32
        %mul3A_154 = arith.muli %mul3A_124, %mul3A_153 : i32
        %run_scoped3A_155 = arith.constant 0 : i32
        "tpu.region"() ({
          %run_scoped3A_189 = tpu.sem_alloc : memref<!tpu.dma_semaphore, #tpu.memory_space<semaphore_mem>>
          %dma_start3A_190 = arith.constant 0 : i32
          %dma_start3A_191 = arith.constant 0 : i32
          %dma_start3A_192 = tpu.memref_slice %arg9[%run_scoped3A_155, %dma_start3A_190, %dma_start3A_191] : memref<2x96x128xf32, #tpu.memory_space<vmem>> -> memref<1x96x128xf32, #tpu.memory_space<vmem>>
          %dma_start3A_193 = tpu.memref_squeeze %dma_start3A_192 : memref<1x96x128xf32, #tpu.memory_space<vmem>> -> memref<96x128xf32, #tpu.memory_space<vmem>>
          %dma_start3A_194 = tpu.memref_slice %arg8[%mul3A_154] : memref<10000xi32, #tpu.memory_space<vmem>> -> memref<96xi32, #tpu.memory_space<vmem>>
          %dma_start3A_195 = arith.constant 0 : i32
          %dma_start3A_196 = arith.constant 0 : i32
          %dma_start3A_197 = tpu.memref_slice %arg6[%dma_start3A_195, %dma_start3A_196] : memref<10240x128xf32, #tpu.memory_space<vmem_shared>> -> memref<10240x128xf32, #tpu.memory_space<vmem_shared>>
          tpu.enqueue_indirect_dma source(%dma_start3A_193 : memref<96x128xf32, #tpu.memory_space<vmem>>) target(%dma_start3A_197 : memref<10240x128xf32, #tpu.memory_space<vmem_shared>>) offsets(%dma_start3A_194 : memref<96xi32, #tpu.memory_space<vmem>>) semaphore(%run_scoped3A_189 : memref<!tpu.dma_semaphore, #tpu.memory_space<semaphore_mem>>) {add = true}
          %dma_wait3A_198 = arith.constant 0 : i32
          %dma_wait3A_199 = arith.constant 0 : i32
          %dma_wait3A_200 = tpu.memref_slice %arg9[%run_scoped3A_155, %dma_wait3A_198, %dma_wait3A_199] : memref<2x96x128xf32, #tpu.memory_space<vmem>> -> memref<1x96x128xf32, #tpu.memory_space<vmem>>
          %dma_wait3A_201 = tpu.memref_squeeze %dma_wait3A_200 : memref<1x96x128xf32, #tpu.memory_space<vmem>> -> memref<96x128xf32, #tpu.memory_space<vmem>>
          %dma_wait3A_202 = tpu.memref_slice %arg8[%mul3A_154] : memref<10000xi32, #tpu.memory_space<vmem>> -> memref<96xi32, #tpu.memory_space<vmem>>
          %dma_wait3A_203 = arith.constant 0 : i32
          %dma_wait3A_204 = arith.constant 0 : i32
          %dma_wait3A_205 = tpu.memref_slice %arg6[%dma_wait3A_203, %dma_wait3A_204] : memref<10240x128xf32, #tpu.memory_space<vmem_shared>> -> memref<10240x128xf32, #tpu.memory_space<vmem_shared>>
          tpu.wait_indirect_dma semaphore(%run_scoped3A_189 : memref<!tpu.dma_semaphore, #tpu.memory_space<semaphore_mem>>) src(%dma_wait3A_201 : memref<96x128xf32, #tpu.memory_space<vmem>>) dst(%dma_wait3A_205 : memref<10240x128xf32, #tpu.memory_space<vmem_shared>>)
          tpu.yield
        }) : () -> ()
        %dma_wait3A_156 = arith.constant 1 : i32
        %dma_wait3A_157 = arith.constant 0 : i32
        %dma_wait3A_158 = arith.constant 0 : i32
        %dma_wait3A_159 = tpu.memref_slice %arg9[%dma_wait3A_156, %dma_wait3A_157, %dma_wait3A_158] : memref<2x96x128xf32, #tpu.memory_space<vmem>> -> memref<1x96x128xf32, #tpu.memory_space<vmem>>
        %dma_wait3A_160 = tpu.memref_squeeze %dma_wait3A_159 : memref<1x96x128xf32, #tpu.memory_space<vmem>> -> memref<96x128xf32, #tpu.memory_space<vmem>>
        %dma_wait3A_161 = arith.constant 0 : i32
        %dma_wait3A_162 = arith.constant 0 : i32
        %dma_wait3A_163 = tpu.memref_slice %arg2[%dma_wait3A_161, %dma_wait3A_162] : memref<10000x128xf32, #tpu.memory_space<hbm>> -> memref<96x128xf32, #tpu.memory_space<hbm>>
        %dma_wait3A_164 = arith.constant 0 : i32
        %dma_wait3A_165 = arith.constant 0 : i32
        %dma_wait3A_166 = tpu.memref_slice %arg9[%dma_wait3A_156, %dma_wait3A_164, %dma_wait3A_165] : memref<2x96x128xf32, #tpu.memory_space<vmem>> -> memref<1x96x128xf32, #tpu.memory_space<vmem>>
        %dma_wait3A_167 = tpu.memref_squeeze %dma_wait3A_166 : memref<1x96x128xf32, #tpu.memory_space<vmem>> -> memref<96x128xf32, #tpu.memory_space<vmem>>
        %dma_wait3A_168 = arith.constant 0 : i32
        %dma_wait3A_169 = arith.constant 0 : i32
        %dma_wait3A_170 = tpu.memref_slice %arg2[%dma_wait3A_168, %dma_wait3A_169] : memref<10000x128xf32, #tpu.memory_space<hbm>> -> memref<96x128xf32, #tpu.memory_space<hbm>>
        tpu.wait_dma2 semaphore(%arg10 : memref<!tpu.dma_semaphore, #tpu.memory_space<semaphore_mem>>) src(%dma_wait3A_170 : memref<96x128xf32, #tpu.memory_space<hbm>>) dst(%dma_wait3A_167 : memref<96x128xf32, #tpu.memory_space<vmem>>)
        %add3A_171 = arith.constant 2 : i32
        %add3A_172 = arith.addi %mul3A_124, %add3A_171 : i32
        %mul3A_173 = arith.constant 96 : i32
        %mul3A_174 = arith.muli %add3A_172, %mul3A_173 : i32
        %dma_start3A_175 = arith.constant 0 : i32
        %dma_start3A_176 = arith.constant 0 : i32
        %dma_start3A_177 = arith.constant 0 : i32
        %dma_start3A_178 = tpu.memref_slice %arg9[%dma_start3A_175, %dma_start3A_176, %dma_start3A_177] : memref<2x96x128xf32, #tpu.memory_space<vmem>> -> memref<1x96x128xf32, #tpu.memory_space<vmem>>
        %dma_start3A_179 = tpu.memref_squeeze %dma_start3A_178 : memref<1x96x128xf32, #tpu.memory_space<vmem>> -> memref<96x128xf32, #tpu.memory_space<vmem>>
        %dma_start3A_180 = tpu.memref_slice %arg7[%mul3A_174] : memref<10000xi32, #tpu.memory_space<vmem>> -> memref<96xi32, #tpu.memory_space<vmem>>
        %dma_start3A_181 = arith.constant 0 : i32
        %dma_start3A_182 = arith.constant 0 : i32
        %dma_start3A_183 = tpu.memref_slice %arg2[%dma_start3A_181, %dma_start3A_182] : memref<10000x128xf32, #tpu.memory_space<hbm>> -> memref<10000x128xf32, #tpu.memory_space<hbm>>
        tpu.enqueue_indirect_dma source(%dma_start3A_183 : memref<10000x128xf32, #tpu.memory_space<hbm>>) target(%dma_start3A_179 : memref<96x128xf32, #tpu.memory_space<vmem>>) offsets(%dma_start3A_180 : memref<96xi32, #tpu.memory_space<vmem>>) semaphore(%arg10 : memref<!tpu.dma_semaphore, #tpu.memory_space<semaphore_mem>>)
        %add3A_184 = arith.constant 1 : i32
        %add3A_185 = arith.addi %mul3A_124, %add3A_184 : i32
        %mul3A_186 = arith.constant 96 : i32
        %mul3A_187 = arith.muli %add3A_185, %mul3A_186 : i32
        %run_scoped3A_188 = arith.constant 1 : i32
        "tpu.region"() ({
          %run_scoped3A_189 = tpu.sem_alloc : memref<!tpu.dma_semaphore, #tpu.memory_space<semaphore_mem>>
          %dma_start3A_190 = arith.constant 0 : i32
          %dma_start3A_191 = arith.constant 0 : i32
          %dma_start3A_192 = tpu.memref_slice %arg9[%run_scoped3A_188, %dma_start3A_190, %dma_start3A_191] : memref<2x96x128xf32, #tpu.memory_space<vmem>> -> memref<1x96x128xf32, #tpu.memory_space<vmem>>
          %dma_start3A_193 = tpu.memref_squeeze %dma_start3A_192 : memref<1x96x128xf32, #tpu.memory_space<vmem>> -> memref<96x128xf32, #tpu.memory_space<vmem>>
          %dma_start3A_194 = tpu.memref_slice %arg8[%mul3A_187] : memref<10000xi32, #tpu.memory_space<vmem>> -> memref<96xi32, #tpu.memory_space<vmem>>
          %dma_start3A_195 = arith.constant 0 : i32
          %dma_start3A_196 = arith.constant 0 : i32
          %dma_start3A_197 = tpu.memref_slice %arg6[%dma_start3A_195, %dma_start3A_196] : memref<10240x128xf32, #tpu.memory_space<vmem_shared>> -> memref<10240x128xf32, #tpu.memory_space<vmem_shared>>
          tpu.enqueue_indirect_dma source(%dma_start3A_193 : memref<96x128xf32, #tpu.memory_space<vmem>>) target(%dma_start3A_197 : memref<10240x128xf32, #tpu.memory_space<vmem_shared>>) offsets(%dma_start3A_194 : memref<96xi32, #tpu.memory_space<vmem>>) semaphore(%run_scoped3A_189 : memref<!tpu.dma_semaphore, #tpu.memory_space<semaphore_mem>>) {add = true}
          %dma_wait3A_198 = arith.constant 0 : i32
          %dma_wait3A_199 = arith.constant 0 : i32
          %dma_wait3A_200 = tpu.memref_slice %arg9[%run_scoped3A_188, %dma_wait3A_198, %dma_wait3A_199] : memref<2x96x128xf32, #tpu.memory_space<vmem>> -> memref<1x96x128xf32, #tpu.memory_space<vmem>>
          %dma_wait3A_201 = tpu.memref_squeeze %dma_wait3A_200 : memref<1x96x128xf32, #tpu.memory_space<vmem>> -> memref<96x128xf32, #tpu.memory_space<vmem>>
          %dma_wait3A_202 = tpu.memref_slice %arg8[%mul3A_187] : memref<10000xi32, #tpu.memory_space<vmem>> -> memref<96xi32, #tpu.memory_space<vmem>>
          %dma_wait3A_203 = arith.constant 0 : i32
          %dma_wait3A_204 = arith.constant 0 : i32
          %dma_wait3A_205 = tpu.memref_slice %arg6[%dma_wait3A_203, %dma_wait3A_204] : memref<10240x128xf32, #tpu.memory_space<vmem_shared>> -> memref<10240x128xf32, #tpu.memory_space<vmem_shared>>
          tpu.wait_indirect_dma semaphore(%run_scoped3A_189 : memref<!tpu.dma_semaphore, #tpu.memory_space<semaphore_mem>>) src(%dma_wait3A_201 : memref<96x128xf32, #tpu.memory_space<vmem>>) dst(%dma_wait3A_205 : memref<10240x128xf32, #tpu.memory_space<vmem_shared>>)
          tpu.yield
        }) : () -> ()
      }
      %scan3A_52 = arith.constant 51 : i32
      %dma_wait3A = arith.constant 0 : i32
      %dma_wait3A_53 = arith.constant 0 : i32
      %dma_wait3A_54 = arith.constant 0 : i32
      %dma_wait3A_55 = tpu.memref_slice %arg9[%dma_wait3A, %dma_wait3A_53, %dma_wait3A_54] : memref<2x96x128xf32, #tpu.memory_space<vmem>> -> memref<1x96x128xf32, #tpu.memory_space<vmem>>
      %dma_wait3A_56 = tpu.memref_squeeze %dma_wait3A_55 : memref<1x96x128xf32, #tpu.memory_space<vmem>> -> memref<96x128xf32, #tpu.memory_space<vmem>>
      %dma_wait3A_57 = arith.constant 0 : i32
      %dma_wait3A_58 = arith.constant 0 : i32
      %dma_wait3A_59 = tpu.memref_slice %arg2[%dma_wait3A_57, %dma_wait3A_58] : memref<10000x128xf32, #tpu.memory_space<hbm>> -> memref<96x128xf32, #tpu.memory_space<hbm>>
      %dma_wait3A_60 = arith.constant 0 : i32
      %dma_wait3A_61 = arith.constant 0 : i32
      %dma_wait3A_62 = tpu.memref_slice %arg9[%dma_wait3A, %dma_wait3A_60, %dma_wait3A_61] : memref<2x96x128xf32, #tpu.memory_space<vmem>> -> memref<1x96x128xf32, #tpu.memory_space<vmem>>
      %dma_wait3A_63 = tpu.memref_squeeze %dma_wait3A_62 : memref<1x96x128xf32, #tpu.memory_space<vmem>> -> memref<96x128xf32, #tpu.memory_space<vmem>>
      %dma_wait3A_64 = arith.constant 0 : i32
      %dma_wait3A_65 = arith.constant 0 : i32
      %dma_wait3A_66 = tpu.memref_slice %arg2[%dma_wait3A_64, %dma_wait3A_65] : memref<10000x128xf32, #tpu.memory_space<hbm>> -> memref<96x128xf32, #tpu.memory_space<hbm>>
      tpu.wait_dma2 semaphore(%arg10 : memref<!tpu.dma_semaphore, #tpu.memory_space<semaphore_mem>>) src(%dma_wait3A_66 : memref<96x128xf32, #tpu.memory_space<hbm>>) dst(%dma_wait3A_63 : memref<96x128xf32, #tpu.memory_space<vmem>>)
      %dma_start3A_67 = arith.constant 1 : i32
      %dma_start3A_68 = arith.constant 0 : i32
      %dma_start3A_69 = arith.constant 0 : i32
      %dma_start3A_70 = tpu.memref_slice %arg9[%dma_start3A_67, %dma_start3A_68, %dma_start3A_69] : memref<2x96x128xf32, #tpu.memory_space<vmem>> -> memref<1x96x128xf32, #tpu.memory_space<vmem>>
      %dma_start3A_71 = tpu.memref_squeeze %dma_start3A_70 : memref<1x96x128xf32, #tpu.memory_space<vmem>> -> memref<96x128xf32, #tpu.memory_space<vmem>>
      %dma_start3A_72 = arith.constant 9888 : i32
      %dma_start3A_73 = tpu.memref_slice %arg7[%dma_start3A_72] : memref<10000xi32, #tpu.memory_space<vmem>> -> memref<96xi32, #tpu.memory_space<vmem>>
      %dma_start3A_74 = arith.constant 0 : i32
      %dma_start3A_75 = arith.constant 0 : i32
      %dma_start3A_76 = tpu.memref_slice %arg2[%dma_start3A_74, %dma_start3A_75] : memref<10000x128xf32, #tpu.memory_space<hbm>> -> memref<10000x128xf32, #tpu.memory_space<hbm>>
      tpu.enqueue_indirect_dma source(%dma_start3A_76 : memref<10000x128xf32, #tpu.memory_space<hbm>>) target(%dma_start3A_71 : memref<96x128xf32, #tpu.memory_space<vmem>>) offsets(%dma_start3A_73 : memref<96xi32, #tpu.memory_space<vmem>>) semaphore(%arg10 : memref<!tpu.dma_semaphore, #tpu.memory_space<semaphore_mem>>)
      %run_scoped3A_77 = arith.constant 0 : i32
      "tpu.region"() ({
        %run_scoped3A_122 = tpu.sem_alloc : memref<!tpu.dma_semaphore, #tpu.memory_space<semaphore_mem>>
        %dma_start3A_123 = arith.constant 0 : i32
        %dma_start3A_124 = arith.constant 0 : i32
        %dma_start3A_125 = tpu.memref_slice %arg9[%run_scoped3A_77, %dma_start3A_123, %dma_start3A_124] : memref<2x96x128xf32, #tpu.memory_space<vmem>> -> memref<1x96x128xf32, #tpu.memory_space<vmem>>
        %dma_start3A_126 = tpu.memref_squeeze %dma_start3A_125 : memref<1x96x128xf32, #tpu.memory_space<vmem>> -> memref<96x128xf32, #tpu.memory_space<vmem>>
        %dma_start3A_127 = arith.constant 9792 : i32
        %dma_start3A_128 = tpu.memref_slice %arg8[%dma_start3A_127] : memref<10000xi32, #tpu.memory_space<vmem>> -> memref<96xi32, #tpu.memory_space<vmem>>
        %dma_start3A_129 = arith.constant 0 : i32
        %dma_start3A_130 = arith.constant 0 : i32
        %dma_start3A_131 = tpu.memref_slice %arg6[%dma_start3A_129, %dma_start3A_130] : memref<10240x128xf32, #tpu.memory_space<vmem_shared>> -> memref<10240x128xf32, #tpu.memory_space<vmem_shared>>
        tpu.enqueue_indirect_dma source(%dma_start3A_126 : memref<96x128xf32, #tpu.memory_space<vmem>>) target(%dma_start3A_131 : memref<10240x128xf32, #tpu.memory_space<vmem_shared>>) offsets(%dma_start3A_128 : memref<96xi32, #tpu.memory_space<vmem>>) semaphore(%run_scoped3A_122 : memref<!tpu.dma_semaphore, #tpu.memory_space<semaphore_mem>>) {add = true}
        %dma_wait3A_132 = arith.constant 0 : i32
        %dma_wait3A_133 = arith.constant 0 : i32
        %dma_wait3A_134 = tpu.memref_slice %arg9[%run_scoped3A_77, %dma_wait3A_132, %dma_wait3A_133] : memref<2x96x128xf32, #tpu.memory_space<vmem>> -> memref<1x96x128xf32, #tpu.memory_space<vmem>>
        %dma_wait3A_135 = tpu.memref_squeeze %dma_wait3A_134 : memref<1x96x128xf32, #tpu.memory_space<vmem>> -> memref<96x128xf32, #tpu.memory_space<vmem>>
        %dma_wait3A_136 = arith.constant 9792 : i32
        %dma_wait3A_137 = tpu.memref_slice %arg8[%dma_wait3A_136] : memref<10000xi32, #tpu.memory_space<vmem>> -> memref<96xi32, #tpu.memory_space<vmem>>
        %dma_wait3A_138 = arith.constant 0 : i32
        %dma_wait3A_139 = arith.constant 0 : i32
        %dma_wait3A_140 = tpu.memref_slice %arg6[%dma_wait3A_138, %dma_wait3A_139] : memref<10240x128xf32, #tpu.memory_space<vmem_shared>> -> memref<10240x128xf32, #tpu.memory_space<vmem_shared>>
        tpu.wait_indirect_dma semaphore(%run_scoped3A_122 : memref<!tpu.dma_semaphore, #tpu.memory_space<semaphore_mem>>) src(%dma_wait3A_135 : memref<96x128xf32, #tpu.memory_space<vmem>>) dst(%dma_wait3A_140 : memref<10240x128xf32, #tpu.memory_space<vmem_shared>>)
        tpu.yield
      }) : () -> ()
      %dma_wait3A_78 = arith.constant 1 : i32
      %dma_wait3A_79 = arith.constant 0 : i32
      %dma_wait3A_80 = arith.constant 0 : i32
      %dma_wait3A_81 = tpu.memref_slice %arg9[%dma_wait3A_78, %dma_wait3A_79, %dma_wait3A_80] : memref<2x96x128xf32, #tpu.memory_space<vmem>> -> memref<1x96x128xf32, #tpu.memory_space<vmem>>
      %dma_wait3A_82 = tpu.memref_squeeze %dma_wait3A_81 : memref<1x96x128xf32, #tpu.memory_space<vmem>> -> memref<96x128xf32, #tpu.memory_space<vmem>>
      %dma_wait3A_83 = arith.constant 0 : i32
      %dma_wait3A_84 = arith.constant 0 : i32
      %dma_wait3A_85 = tpu.memref_slice %arg2[%dma_wait3A_83, %dma_wait3A_84] : memref<10000x128xf32, #tpu.memory_space<hbm>> -> memref<96x128xf32, #tpu.memory_space<hbm>>
      %dma_wait3A_86 = arith.constant 0 : i32
      %dma_wait3A_87 = arith.constant 0 : i32
      %dma_wait3A_88 = tpu.memref_slice %arg9[%dma_wait3A_78, %dma_wait3A_86, %dma_wait3A_87] : memref<2x96x128xf32, #tpu.memory_space<vmem>> -> memref<1x96x128xf32, #tpu.memory_space<vmem>>
      %dma_wait3A_89 = tpu.memref_squeeze %dma_wait3A_88 : memref<1x96x128xf32, #tpu.memory_space<vmem>> -> memref<96x128xf32, #tpu.memory_space<vmem>>
      %dma_wait3A_90 = arith.constant 0 : i32
      %dma_wait3A_91 = arith.constant 0 : i32
      %dma_wait3A_92 = tpu.memref_slice %arg2[%dma_wait3A_90, %dma_wait3A_91] : memref<10000x128xf32, #tpu.memory_space<hbm>> -> memref<96x128xf32, #tpu.memory_space<hbm>>
      tpu.wait_dma2 semaphore(%arg10 : memref<!tpu.dma_semaphore, #tpu.memory_space<semaphore_mem>>) src(%dma_wait3A_92 : memref<96x128xf32, #tpu.memory_space<hbm>>) dst(%dma_wait3A_89 : memref<96x128xf32, #tpu.memory_space<vmem>>)
      %dma_start3A_93 = arith.constant 0 : i32
      %dma_start3A_94 = arith.constant 0 : i32
      %dma_start3A_95 = arith.constant 0 : i32
      %dma_start3A_96 = tpu.memref_slice %arg9[%dma_start3A_93, %dma_start3A_94, %dma_start3A_95] : memref<2x96x128xf32, #tpu.memory_space<vmem>> -> memref<1x16x128xf32, #tpu.memory_space<vmem>>
      %dma_start3A_97 = tpu.memref_squeeze %dma_start3A_96 : memref<1x16x128xf32, #tpu.memory_space<vmem>> -> memref<16x128xf32, #tpu.memory_space<vmem>>
      %dma_start3A_98 = arith.constant 9984 : i32
      %dma_start3A_99 = tpu.memref_slice %arg7[%dma_start3A_98] : memref<10000xi32, #tpu.memory_space<vmem>> -> memref<16xi32, #tpu.memory_space<vmem>>
      %dma_start3A_100 = arith.constant 0 : i32
      %dma_start3A_101 = arith.constant 0 : i32
      %dma_start3A_102 = tpu.memref_slice %arg2[%dma_start3A_100, %dma_start3A_101] : memref<10000x128xf32, #tpu.memory_space<hbm>> -> memref<10000x128xf32, #tpu.memory_space<hbm>>
      tpu.enqueue_indirect_dma source(%dma_start3A_102 : memref<10000x128xf32, #tpu.memory_space<hbm>>) target(%dma_start3A_97 : memref<16x128xf32, #tpu.memory_space<vmem>>) offsets(%dma_start3A_99 : memref<16xi32, #tpu.memory_space<vmem>>) semaphore(%arg10 : memref<!tpu.dma_semaphore, #tpu.memory_space<semaphore_mem>>)
      %run_scoped3A_103 = arith.constant 1 : i32
      "tpu.region"() ({
        %run_scoped3A_122 = tpu.sem_alloc : memref<!tpu.dma_semaphore, #tpu.memory_space<semaphore_mem>>
        %dma_start3A_123 = arith.constant 0 : i32
        %dma_start3A_124 = arith.constant 0 : i32
        %dma_start3A_125 = tpu.memref_slice %arg9[%run_scoped3A_103, %dma_start3A_123, %dma_start3A_124] : memref<2x96x128xf32, #tpu.memory_space<vmem>> -> memref<1x96x128xf32, #tpu.memory_space<vmem>>
        %dma_start3A_126 = tpu.memref_squeeze %dma_start3A_125 : memref<1x96x128xf32, #tpu.memory_space<vmem>> -> memref<96x128xf32, #tpu.memory_space<vmem>>
        %dma_start3A_127 = arith.constant 9888 : i32
        %dma_start3A_128 = tpu.memref_slice %arg8[%dma_start3A_127] : memref<10000xi32, #tpu.memory_space<vmem>> -> memref<96xi32, #tpu.memory_space<vmem>>
        %dma_start3A_129 = arith.constant 0 : i32
        %dma_start3A_130 = arith.constant 0 : i32
        %dma_start3A_131 = tpu.memref_slice %arg6[%dma_start3A_129, %dma_start3A_130] : memref<10240x128xf32, #tpu.memory_space<vmem_shared>> -> memref<10240x128xf32, #tpu.memory_space<vmem_shared>>
        tpu.enqueue_indirect_dma source(%dma_start3A_126 : memref<96x128xf32, #tpu.memory_space<vmem>>) target(%dma_start3A_131 : memref<10240x128xf32, #tpu.memory_space<vmem_shared>>) offsets(%dma_start3A_128 : memref<96xi32, #tpu.memory_space<vmem>>) semaphore(%run_scoped3A_122 : memref<!tpu.dma_semaphore, #tpu.memory_space<semaphore_mem>>) {add = true}
        %dma_wait3A_132 = arith.constant 0 : i32
        %dma_wait3A_133 = arith.constant 0 : i32
        %dma_wait3A_134 = tpu.memref_slice %arg9[%run_scoped3A_103, %dma_wait3A_132, %dma_wait3A_133] : memref<2x96x128xf32, #tpu.memory_space<vmem>> -> memref<1x96x128xf32, #tpu.memory_space<vmem>>
        %dma_wait3A_135 = tpu.memref_squeeze %dma_wait3A_134 : memref<1x96x128xf32, #tpu.memory_space<vmem>> -> memref<96x128xf32, #tpu.memory_space<vmem>>
        %dma_wait3A_136 = arith.constant 9888 : i32
        %dma_wait3A_137 = tpu.memref_slice %arg8[%dma_wait3A_136] : memref<10000xi32, #tpu.memory_space<vmem>> -> memref<96xi32, #tpu.memory_space<vmem>>
        %dma_wait3A_138 = arith.constant 0 : i32
        %dma_wait3A_139 = arith.constant 0 : i32
        %dma_wait3A_140 = tpu.memref_slice %arg6[%dma_wait3A_138, %dma_wait3A_139] : memref<10240x128xf32, #tpu.memory_space<vmem_shared>> -> memref<10240x128xf32, #tpu.memory_space<vmem_shared>>
        tpu.wait_indirect_dma semaphore(%run_scoped3A_122 : memref<!tpu.dma_semaphore, #tpu.memory_space<semaphore_mem>>) src(%dma_wait3A_135 : memref<96x128xf32, #tpu.memory_space<vmem>>) dst(%dma_wait3A_140 : memref<10240x128xf32, #tpu.memory_space<vmem_shared>>)
        tpu.yield
      }) : () -> ()
      %dma_wait3A_104 = arith.constant 0 : i32
      %dma_wait3A_105 = arith.constant 0 : i32
      %dma_wait3A_106 = arith.constant 0 : i32
      %dma_wait3A_107 = tpu.memref_slice %arg9[%dma_wait3A_104, %dma_wait3A_105, %dma_wait3A_106] : memref<2x96x128xf32, #tpu.memory_space<vmem>> -> memref<1x16x128xf32, #tpu.memory_space<vmem>>
      %dma_wait3A_108 = tpu.memref_squeeze %dma_wait3A_107 : memref<1x16x128xf32, #tpu.memory_space<vmem>> -> memref<16x128xf32, #tpu.memory_space<vmem>>
      %dma_wait3A_109 = arith.constant 0 : i32
      %dma_wait3A_110 = arith.constant 0 : i32
      %dma_wait3A_111 = tpu.memref_slice %arg2[%dma_wait3A_109, %dma_wait3A_110] : memref<10000x128xf32, #tpu.memory_space<hbm>> -> memref<16x128xf32, #tpu.memory_space<hbm>>
      %dma_wait3A_112 = arith.constant 0 : i32
      %dma_wait3A_113 = arith.constant 0 : i32
      %dma_wait3A_114 = tpu.memref_slice %arg9[%dma_wait3A_104, %dma_wait3A_112, %dma_wait3A_113] : memref<2x96x128xf32, #tpu.memory_space<vmem>> -> memref<1x16x128xf32, #tpu.memory_space<vmem>>
      %dma_wait3A_115 = tpu.memref_squeeze %dma_wait3A_114 : memref<1x16x128xf32, #tpu.memory_space<vmem>> -> memref<16x128xf32, #tpu.memory_space<vmem>>
      %dma_wait3A_116 = arith.constant 0 : i32
      %dma_wait3A_117 = arith.constant 0 : i32
      %dma_wait3A_118 = tpu.memref_slice %arg2[%dma_wait3A_116, %dma_wait3A_117] : memref<10000x128xf32, #tpu.memory_space<hbm>> -> memref<16x128xf32, #tpu.memory_space<hbm>>
      tpu.wait_dma2 semaphore(%arg10 : memref<!tpu.dma_semaphore, #tpu.memory_space<semaphore_mem>>) src(%dma_wait3A_118 : memref<16x128xf32, #tpu.memory_space<hbm>>) dst(%dma_wait3A_115 : memref<16x128xf32, #tpu.memory_space<vmem>>)
      %run_scoped3A_119 = arith.constant 0 : i32
      "tpu.region"() ({
        %run_scoped3A_122 = tpu.sem_alloc : memref<!tpu.dma_semaphore, #tpu.memory_space<semaphore_mem>>
        %dma_start3A_123 = arith.constant 0 : i32
        %dma_start3A_124 = arith.constant 0 : i32
        %dma_start3A_125 = tpu.memref_slice %arg9[%run_scoped3A_119, %dma_start3A_123, %dma_start3A_124] : memref<2x96x128xf32, #tpu.memory_space<vmem>> -> memref<1x16x128xf32, #tpu.memory_space<vmem>>
        %dma_start3A_126 = tpu.memref_squeeze %dma_start3A_125 : memref<1x16x128xf32, #tpu.memory_space<vmem>> -> memref<16x128xf32, #tpu.memory_space<vmem>>
        %dma_start3A_127 = arith.constant 9984 : i32
        %dma_start3A_128 = tpu.memref_slice %arg8[%dma_start3A_127] : memref<10000xi32, #tpu.memory_space<vmem>> -> memref<16xi32, #tpu.memory_space<vmem>>
        %dma_start3A_129 = arith.constant 0 : i32
        %dma_start3A_130 = arith.constant 0 : i32
        %dma_start3A_131 = tpu.memref_slice %arg6[%dma_start3A_129, %dma_start3A_130] : memref<10240x128xf32, #tpu.memory_space<vmem_shared>> -> memref<10240x128xf32, #tpu.memory_space<vmem_shared>>
        tpu.enqueue_indirect_dma source(%dma_start3A_126 : memref<16x128xf32, #tpu.memory_space<vmem>>) target(%dma_start3A_131 : memref<10240x128xf32, #tpu.memory_space<vmem_shared>>) offsets(%dma_start3A_128 : memref<16xi32, #tpu.memory_space<vmem>>) semaphore(%run_scoped3A_122 : memref<!tpu.dma_semaphore, #tpu.memory_space<semaphore_mem>>) {add = true}
        %dma_wait3A_132 = arith.constant 0 : i32
        %dma_wait3A_133 = arith.constant 0 : i32
        %dma_wait3A_134 = tpu.memref_slice %arg9[%run_scoped3A_119, %dma_wait3A_132, %dma_wait3A_133] : memref<2x96x128xf32, #tpu.memory_space<vmem>> -> memref<1x16x128xf32, #tpu.memory_space<vmem>>
        %dma_wait3A_135 = tpu.memref_squeeze %dma_wait3A_134 : memref<1x16x128xf32, #tpu.memory_space<vmem>> -> memref<16x128xf32, #tpu.memory_space<vmem>>
        %dma_wait3A_136 = arith.constant 9984 : i32
        %dma_wait3A_137 = tpu.memref_slice %arg8[%dma_wait3A_136] : memref<10000xi32, #tpu.memory_space<vmem>> -> memref<16xi32, #tpu.memory_space<vmem>>
        %dma_wait3A_138 = arith.constant 0 : i32
        %dma_wait3A_139 = arith.constant 0 : i32
        %dma_wait3A_140 = tpu.memref_slice %arg6[%dma_wait3A_138, %dma_wait3A_139] : memref<10240x128xf32, #tpu.memory_space<vmem_shared>> -> memref<10240x128xf32, #tpu.memory_space<vmem_shared>>
        tpu.wait_indirect_dma semaphore(%run_scoped3A_122 : memref<!tpu.dma_semaphore, #tpu.memory_space<semaphore_mem>>) src(%dma_wait3A_135 : memref<16x128xf32, #tpu.memory_space<vmem>>) dst(%dma_wait3A_140 : memref<10240x128xf32, #tpu.memory_space<vmem_shared>>)
        tpu.yield
      }) : () -> ()
      %barrier3A_120 = arith.constant 0 : index
      tpu.barrier barrier_id(%barrier3A_120)
      %run_scoped3A_121 = arith.constant 1 : i32
      "tpu.region"() ({
        %run_scoped3A_122 = tpu.sem_alloc : memref<!tpu.dma_semaphore, #tpu.memory_space<semaphore_mem>>
        %dma_start3A_123 = arith.constant 0 : i32
        %dma_start3A_124 = tpu.memref_slice %arg5[%run_scoped3A_121, %mul3A_0, %dma_start3A_123] : memref<2x10240x128xf32, #tpu.memory_space<hbm>> -> memref<1x640x128xf32, #tpu.memory_space<hbm>>
        %dma_start3A_125 = tpu.memref_squeeze %dma_start3A_124 : memref<1x640x128xf32, #tpu.memory_space<hbm>> -> memref<640x128xf32, #tpu.memory_space<hbm>>
        %dma_start3A_126 = arith.constant 0 : i32
        %dma_start3A_127 = tpu.memref_slice %arg6[%mul3A_0, %dma_start3A_126] : memref<10240x128xf32, #tpu.memory_space<vmem_shared>> -> memref<640x128xf32, #tpu.memory_space<vmem_shared>>
        tpu.enqueue_dma source(%dma_start3A_127 : memref<640x128xf32, #tpu.memory_space<vmem_shared>>) target(%dma_start3A_125 : memref<640x128xf32, #tpu.memory_space<hbm>>) target_semaphore(%run_scoped3A_122 : memref<!tpu.dma_semaphore, #tpu.memory_space<semaphore_mem>>)
        %dma_wait3A_128 = arith.constant 0 : i32
        %dma_wait3A_129 = tpu.memref_slice %arg5[%run_scoped3A_121, %mul3A_0, %dma_wait3A_128] : memref<2x10240x128xf32, #tpu.memory_space<hbm>> -> memref<1x640x128xf32, #tpu.memory_space<hbm>>
        %dma_wait3A_130 = tpu.memref_squeeze %dma_wait3A_129 : memref<1x640x128xf32, #tpu.memory_space<hbm>> -> memref<640x128xf32, #tpu.memory_space<hbm>>
        %dma_wait3A_131 = arith.constant 0 : i32
        %dma_wait3A_132 = tpu.memref_slice %arg6[%mul3A_0, %dma_wait3A_131] : memref<10240x128xf32, #tpu.memory_space<vmem_shared>> -> memref<640x128xf32, #tpu.memory_space<vmem_shared>>
        tpu.wait_dma2 semaphore(%run_scoped3A_122 : memref<!tpu.dma_semaphore, #tpu.memory_space<semaphore_mem>>) src(%dma_wait3A_132 : memref<640x128xf32, #tpu.memory_space<vmem_shared>>) dst(%dma_wait3A_130 : memref<640x128xf32, #tpu.memory_space<hbm>>)
        tpu.yield
      }) : () -> ()
    } else {
    }
    return
  }
}

#map = affine_map<(d0, d1) -> (0, 0)>
#map1 = affine_map<(d0, d1) -> (0)>
#map2 = affine_map<(d0, d1) -> (0, 0, 0)>
module attributes {stable_mosaic.version = 14 : i64} {
  func.func @body(%arg0: i32, %arg1: i32, %arg2: memref<10000x128xf32, #tpu.memory_space<hbm>>, %arg3: memref<10000x128xf32, #tpu.memory_space<hbm>>, %arg4: memref<320000xi32, #tpu.memory_space<hbm>>, %arg5: memref<320000xi32, #tpu.memory_space<hbm>>, %arg6: memref<2x10240x128xf32, #tpu.memory_space<hbm>>, %arg7: memref<10240x128xf32, #tpu.memory_space<vmem_shared>>, %arg8: memref<10000xi32, #tpu.memory_space<vmem>>, %arg9: memref<10000xi32, #tpu.memory_space<vmem>>, %arg10: memref<2x96x128xf32, #tpu.memory_space<vmem>>, %arg11: memref<!tpu.dma_semaphore, #tpu.memory_space<semaphore_mem>>) attributes {dimension_semantics = [#tpu.dimension_semantics<core_parallel>, #tpu.dimension_semantics<subcore_parallel>], iteration_bounds = array<i64: 2, 16>, scalar_prefetch = 0 : i64, scratch_operands = 5 : i64, tpu.core_type = #tpu.core_type<sc_vector_subcore>, window_params = [{transform_indices = #map}, {transform_indices = #map}, {transform_indices = #map1}, {transform_indices = #map1}, {transform_indices = #map2}]} {
    %mul3A = arith.constant 640 : i32
    %mul3A_0 = arith.muli %arg1, %mul3A : i32
    %eq3A = arith.constant 0 : i32
    %eq3A_1 = arith.cmpi eq, %arg0, %eq3A : i32
    %convert_element_type3A = arith.extui %eq3A_1 : i1 to i32
    %cond3A = arith.constant 0 : i32
    %cond3A_2 = arith.cmpi ne, %convert_element_type3A, %cond3A : i32
    scf.if %cond3A_2 {
      %broadcast_in_dim3A = arith.constant 0.000000e+00 : f32
      %broadcast_in_dim3A_8 = vector.broadcast %broadcast_in_dim3A : f32 to vector<16xf32>
      %scan3A = arith.constant 0 : i32
      %scan3A_9 = arith.constant 0 : i32
      %scan3A_10 = arith.constant 96 : i32
      %scan3A_11 = arith.addi %scan3A_9, %scan3A_10 : i32
      %scan3A_12 = arith.constant 1 : i32
      scf.for %scan3A_122 = %scan3A_9 to %scan3A_11 step %scan3A_12  : i32 {
        %swap3A = arith.constant 0 : i32
        %swap3A_123 = arith.index_cast %swap3A : i32 to index
        %swap3A_124 = arith.index_cast %scan3A_122 : i32 to index
        %swap3A_125 = arith.constant 0 : index
        %swap3A_126 = tpu.vector_load %arg10[%swap3A_123, %swap3A_124, %swap3A_125] {strides = array<i32>} : memref<2x96x128xf32, #tpu.memory_space<vmem>>, vector<1x1x16xf32>,
        %swap3A_127 = vector.shape_cast %swap3A_126 : vector<1x1x16xf32> to vector<16xf32>
        %swap3A_128 = vector.shape_cast %broadcast_in_dim3A_8 : vector<16xf32> to vector<1x1x16xf32>
        tpu.vector_store %arg10[%swap3A_123, %swap3A_124, %swap3A_125], %swap3A_128 {strides = array<i32>} : memref<2x96x128xf32, #tpu.memory_space<vmem>>, vector<1x1x16xf32>,
        %swap3A_129 = arith.constant 0 : i32
        %swap3A_130 = arith.index_cast %swap3A_129 : i32 to index
        %swap3A_131 = arith.index_cast %scan3A_122 : i32 to index
        %swap3A_132 = arith.constant 16 : index
        %swap3A_133 = tpu.vector_load %arg10[%swap3A_130, %swap3A_131, %swap3A_132] {strides = array<i32>} : memref<2x96x128xf32, #tpu.memory_space<vmem>>, vector<1x1x16xf32>,
        %swap3A_134 = vector.shape_cast %swap3A_133 : vector<1x1x16xf32> to vector<16xf32>
        %swap3A_135 = vector.shape_cast %broadcast_in_dim3A_8 : vector<16xf32> to vector<1x1x16xf32>
        tpu.vector_store %arg10[%swap3A_130, %swap3A_131, %swap3A_132], %swap3A_135 {strides = array<i32>} : memref<2x96x128xf32, #tpu.memory_space<vmem>>, vector<1x1x16xf32>,
        %swap3A_136 = arith.constant 0 : i32
        %swap3A_137 = arith.index_cast %swap3A_136 : i32 to index
        %swap3A_138 = arith.index_cast %scan3A_122 : i32 to index
        %swap3A_139 = arith.constant 32 : index
        %swap3A_140 = tpu.vector_load %arg10[%swap3A_137, %swap3A_138, %swap3A_139] {strides = array<i32>} : memref<2x96x128xf32, #tpu.memory_space<vmem>>, vector<1x1x16xf32>,
        %swap3A_141 = vector.shape_cast %swap3A_140 : vector<1x1x16xf32> to vector<16xf32>
        %swap3A_142 = vector.shape_cast %broadcast_in_dim3A_8 : vector<16xf32> to vector<1x1x16xf32>
        tpu.vector_store %arg10[%swap3A_137, %swap3A_138, %swap3A_139], %swap3A_142 {strides = array<i32>} : memref<2x96x128xf32, #tpu.memory_space<vmem>>, vector<1x1x16xf32>,
        %swap3A_143 = arith.constant 0 : i32
        %swap3A_144 = arith.index_cast %swap3A_143 : i32 to index
        %swap3A_145 = arith.index_cast %scan3A_122 : i32 to index
        %swap3A_146 = arith.constant 48 : index
        %swap3A_147 = tpu.vector_load %arg10[%swap3A_144, %swap3A_145, %swap3A_146] {strides = array<i32>} : memref<2x96x128xf32, #tpu.memory_space<vmem>>, vector<1x1x16xf32>,
        %swap3A_148 = vector.shape_cast %swap3A_147 : vector<1x1x16xf32> to vector<16xf32>
        %swap3A_149 = vector.shape_cast %broadcast_in_dim3A_8 : vector<16xf32> to vector<1x1x16xf32>
        tpu.vector_store %arg10[%swap3A_144, %swap3A_145, %swap3A_146], %swap3A_149 {strides = array<i32>} : memref<2x96x128xf32, #tpu.memory_space<vmem>>, vector<1x1x16xf32>,
        %swap3A_150 = arith.constant 0 : i32
        %swap3A_151 = arith.index_cast %swap3A_150 : i32 to index
        %swap3A_152 = arith.index_cast %scan3A_122 : i32 to index
        %swap3A_153 = arith.constant 64 : index
        %swap3A_154 = tpu.vector_load %arg10[%swap3A_151, %swap3A_152, %swap3A_153] {strides = array<i32>} : memref<2x96x128xf32, #tpu.memory_space<vmem>>, vector<1x1x16xf32>,
        %swap3A_155 = vector.shape_cast %swap3A_154 : vector<1x1x16xf32> to vector<16xf32>
        %swap3A_156 = vector.shape_cast %broadcast_in_dim3A_8 : vector<16xf32> to vector<1x1x16xf32>
        tpu.vector_store %arg10[%swap3A_151, %swap3A_152, %swap3A_153], %swap3A_156 {strides = array<i32>} : memref<2x96x128xf32, #tpu.memory_space<vmem>>, vector<1x1x16xf32>,
        %swap3A_157 = arith.constant 0 : i32
        %swap3A_158 = arith.index_cast %swap3A_157 : i32 to index
        %swap3A_159 = arith.index_cast %scan3A_122 : i32 to index
        %swap3A_160 = arith.constant 80 : index
        %swap3A_161 = tpu.vector_load %arg10[%swap3A_158, %swap3A_159, %swap3A_160] {strides = array<i32>} : memref<2x96x128xf32, #tpu.memory_space<vmem>>, vector<1x1x16xf32>,
        %swap3A_162 = vector.shape_cast %swap3A_161 : vector<1x1x16xf32> to vector<16xf32>
        %swap3A_163 = vector.shape_cast %broadcast_in_dim3A_8 : vector<16xf32> to vector<1x1x16xf32>
        tpu.vector_store %arg10[%swap3A_158, %swap3A_159, %swap3A_160], %swap3A_163 {strides = array<i32>} : memref<2x96x128xf32, #tpu.memory_space<vmem>>, vector<1x1x16xf32>,
        %swap3A_164 = arith.constant 0 : i32
        %swap3A_165 = arith.index_cast %swap3A_164 : i32 to index
        %swap3A_166 = arith.index_cast %scan3A_122 : i32 to index
        %swap3A_167 = arith.constant 96 : index
        %swap3A_168 = tpu.vector_load %arg10[%swap3A_165, %swap3A_166, %swap3A_167] {strides = array<i32>} : memref<2x96x128xf32, #tpu.memory_space<vmem>>, vector<1x1x16xf32>,
        %swap3A_169 = vector.shape_cast %swap3A_168 : vector<1x1x16xf32> to vector<16xf32>
        %swap3A_170 = vector.shape_cast %broadcast_in_dim3A_8 : vector<16xf32> to vector<1x1x16xf32>
        tpu.vector_store %arg10[%swap3A_165, %swap3A_166, %swap3A_167], %swap3A_170 {strides = array<i32>} : memref<2x96x128xf32, #tpu.memory_space<vmem>>, vector<1x1x16xf32>,
        %swap3A_171 = arith.constant 0 : i32
        %swap3A_172 = arith.index_cast %swap3A_171 : i32 to index
        %swap3A_173 = arith.index_cast %scan3A_122 : i32 to index
        %swap3A_174 = arith.constant 112 : index
        %swap3A_175 = tpu.vector_load %arg10[%swap3A_172, %swap3A_173, %swap3A_174] {strides = array<i32>} : memref<2x96x128xf32, #tpu.memory_space<vmem>>, vector<1x1x16xf32>,
        %swap3A_176 = vector.shape_cast %swap3A_175 : vector<1x1x16xf32> to vector<16xf32>
        %swap3A_177 = vector.shape_cast %broadcast_in_dim3A_8 : vector<16xf32> to vector<1x1x16xf32>
        tpu.vector_store %arg10[%swap3A_172, %swap3A_173, %swap3A_174], %swap3A_177 {strides = array<i32>} : memref<2x96x128xf32, #tpu.memory_space<vmem>>, vector<1x1x16xf32>,
      }
      %scan3A_13 = arith.constant 96 : i32
      %add3A = arith.constant 0 : i32
      %add3A_14 = arith.addi %mul3A_0, %add3A : i32
      %run_scoped3A = arith.constant 0 : i32
      "tpu.region"() ({
        %run_scoped3A_122 = tpu.sem_alloc : memref<!tpu.dma_semaphore, #tpu.memory_space<semaphore_mem>>
        %dma_start3A_123 = arith.constant 0 : i32
        %dma_start3A_124 = arith.constant 0 : i32
        %dma_start3A_125 = tpu.memref_slice %arg10[%run_scoped3A, %dma_start3A_123, %dma_start3A_124] : memref<2x96x128xf32, #tpu.memory_space<vmem>> -> memref<1x96x128xf32, #tpu.memory_space<vmem>>
        %dma_start3A_126 = tpu.memref_squeeze %dma_start3A_125 : memref<1x96x128xf32, #tpu.memory_space<vmem>> -> memref<96x128xf32, #tpu.memory_space<vmem>>
        %dma_start3A_127 = arith.constant 0 : i32
        %dma_start3A_128 = tpu.memref_slice %arg7[%add3A_14, %dma_start3A_127] : memref<10240x128xf32, #tpu.memory_space<vmem_shared>> -> memref<96x128xf32, #tpu.memory_space<vmem_shared>>
        %dma_start3A_129 = arith.constant 0 : i32
        %dma_start3A_130 = tpu.memref_slice %arg7[%add3A_14, %dma_start3A_129] : memref<10240x128xf32, #tpu.memory_space<vmem_shared>> -> memref<96x128xf32, #tpu.memory_space<vmem_shared>>
        %dma_start3A_131 = arith.constant 0 : i32
        %dma_start3A_132 = arith.constant 0 : i32
        %dma_start3A_133 = tpu.memref_slice %arg10[%run_scoped3A, %dma_start3A_131, %dma_start3A_132] : memref<2x96x128xf32, #tpu.memory_space<vmem>> -> memref<1x96x128xf32, #tpu.memory_space<vmem>>
        %dma_start3A_134 = tpu.memref_squeeze %dma_start3A_133 : memref<1x96x128xf32, #tpu.memory_space<vmem>> -> memref<96x128xf32, #tpu.memory_space<vmem>>
        tpu.enqueue_dma source(%dma_start3A_134 : memref<96x128xf32, #tpu.memory_space<vmem>>) target(%dma_start3A_130 : memref<96x128xf32, #tpu.memory_space<vmem_shared>>) target_semaphore(%run_scoped3A_122 : memref<!tpu.dma_semaphore, #tpu.memory_space<semaphore_mem>>)
        %dma_wait3A_135 = arith.constant 0 : i32
        %dma_wait3A_136 = arith.constant 0 : i32
        %dma_wait3A_137 = tpu.memref_slice %arg10[%run_scoped3A, %dma_wait3A_135, %dma_wait3A_136] : memref<2x96x128xf32, #tpu.memory_space<vmem>> -> memref<1x96x128xf32, #tpu.memory_space<vmem>>
        %dma_wait3A_138 = tpu.memref_squeeze %dma_wait3A_137 : memref<1x96x128xf32, #tpu.memory_space<vmem>> -> memref<96x128xf32, #tpu.memory_space<vmem>>
        %dma_wait3A_139 = arith.constant 0 : i32
        %dma_wait3A_140 = tpu.memref_slice %arg7[%add3A_14, %dma_wait3A_139] : memref<10240x128xf32, #tpu.memory_space<vmem_shared>> -> memref<96x128xf32, #tpu.memory_space<vmem_shared>>
        %dma_wait3A_141 = arith.constant 0 : i32
        %dma_wait3A_142 = tpu.memref_slice %arg7[%add3A_14, %dma_wait3A_141] : memref<10240x128xf32, #tpu.memory_space<vmem_shared>> -> memref<96x128xf32, #tpu.memory_space<vmem_shared>>
        %dma_wait3A_143 = arith.constant 0 : i32
        %dma_wait3A_144 = arith.constant 0 : i32
        %dma_wait3A_145 = tpu.memref_slice %arg10[%run_scoped3A, %dma_wait3A_143, %dma_wait3A_144] : memref<2x96x128xf32, #tpu.memory_space<vmem>> -> memref<1x96x128xf32, #tpu.memory_space<vmem>>
        %dma_wait3A_146 = tpu.memref_squeeze %dma_wait3A_145 : memref<1x96x128xf32, #tpu.memory_space<vmem>> -> memref<96x128xf32, #tpu.memory_space<vmem>>
        tpu.wait_dma2 semaphore(%run_scoped3A_122 : memref<!tpu.dma_semaphore, #tpu.memory_space<semaphore_mem>>) src(%dma_wait3A_146 : memref<96x128xf32, #tpu.memory_space<vmem>>) dst(%dma_wait3A_142 : memref<96x128xf32, #tpu.memory_space<vmem_shared>>)
        tpu.yield
      }) : () -> ()
      %add3A_15 = arith.constant 96 : i32
      %add3A_16 = arith.addi %mul3A_0, %add3A_15 : i32
      %run_scoped3A_17 = arith.constant 0 : i32
      "tpu.region"() ({
        %run_scoped3A_122 = tpu.sem_alloc : memref<!tpu.dma_semaphore, #tpu.memory_space<semaphore_mem>>
        %dma_start3A_123 = arith.constant 0 : i32
        %dma_start3A_124 = arith.constant 0 : i32
        %dma_start3A_125 = tpu.memref_slice %arg10[%run_scoped3A_17, %dma_start3A_123, %dma_start3A_124] : memref<2x96x128xf32, #tpu.memory_space<vmem>> -> memref<1x96x128xf32, #tpu.memory_space<vmem>>
        %dma_start3A_126 = tpu.memref_squeeze %dma_start3A_125 : memref<1x96x128xf32, #tpu.memory_space<vmem>> -> memref<96x128xf32, #tpu.memory_space<vmem>>
        %dma_start3A_127 = arith.constant 0 : i32
        %dma_start3A_128 = tpu.memref_slice %arg7[%add3A_16, %dma_start3A_127] : memref<10240x128xf32, #tpu.memory_space<vmem_shared>> -> memref<96x128xf32, #tpu.memory_space<vmem_shared>>
        %dma_start3A_129 = arith.constant 0 : i32
        %dma_start3A_130 = tpu.memref_slice %arg7[%add3A_16, %dma_start3A_129] : memref<10240x128xf32, #tpu.memory_space<vmem_shared>> -> memref<96x128xf32, #tpu.memory_space<vmem_shared>>
        %dma_start3A_131 = arith.constant 0 : i32
        %dma_start3A_132 = arith.constant 0 : i32
        %dma_start3A_133 = tpu.memref_slice %arg10[%run_scoped3A_17, %dma_start3A_131, %dma_start3A_132] : memref<2x96x128xf32, #tpu.memory_space<vmem>> -> memref<1x96x128xf32, #tpu.memory_space<vmem>>
        %dma_start3A_134 = tpu.memref_squeeze %dma_start3A_133 : memref<1x96x128xf32, #tpu.memory_space<vmem>> -> memref<96x128xf32, #tpu.memory_space<vmem>>
        tpu.enqueue_dma source(%dma_start3A_134 : memref<96x128xf32, #tpu.memory_space<vmem>>) target(%dma_start3A_130 : memref<96x128xf32, #tpu.memory_space<vmem_shared>>) target_semaphore(%run_scoped3A_122 : memref<!tpu.dma_semaphore, #tpu.memory_space<semaphore_mem>>)
        %dma_wait3A_135 = arith.constant 0 : i32
        %dma_wait3A_136 = arith.constant 0 : i32
        %dma_wait3A_137 = tpu.memref_slice %arg10[%run_scoped3A_17, %dma_wait3A_135, %dma_wait3A_136] : memref<2x96x128xf32, #tpu.memory_space<vmem>> -> memref<1x96x128xf32, #tpu.memory_space<vmem>>
        %dma_wait3A_138 = tpu.memref_squeeze %dma_wait3A_137 : memref<1x96x128xf32, #tpu.memory_space<vmem>> -> memref<96x128xf32, #tpu.memory_space<vmem>>
        %dma_wait3A_139 = arith.constant 0 : i32
        %dma_wait3A_140 = tpu.memref_slice %arg7[%add3A_16, %dma_wait3A_139] : memref<10240x128xf32, #tpu.memory_space<vmem_shared>> -> memref<96x128xf32, #tpu.memory_space<vmem_shared>>
        %dma_wait3A_141 = arith.constant 0 : i32
        %dma_wait3A_142 = tpu.memref_slice %arg7[%add3A_16, %dma_wait3A_141] : memref<10240x128xf32, #tpu.memory_space<vmem_shared>> -> memref<96x128xf32, #tpu.memory_space<vmem_shared>>
        %dma_wait3A_143 = arith.constant 0 : i32
        %dma_wait3A_144 = arith.constant 0 : i32
        %dma_wait3A_145 = tpu.memref_slice %arg10[%run_scoped3A_17, %dma_wait3A_143, %dma_wait3A_144] : memref<2x96x128xf32, #tpu.memory_space<vmem>> -> memref<1x96x128xf32, #tpu.memory_space<vmem>>
        %dma_wait3A_146 = tpu.memref_squeeze %dma_wait3A_145 : memref<1x96x128xf32, #tpu.memory_space<vmem>> -> memref<96x128xf32, #tpu.memory_space<vmem>>
        tpu.wait_dma2 semaphore(%run_scoped3A_122 : memref<!tpu.dma_semaphore, #tpu.memory_space<semaphore_mem>>) src(%dma_wait3A_146 : memref<96x128xf32, #tpu.memory_space<vmem>>) dst(%dma_wait3A_142 : memref<96x128xf32, #tpu.memory_space<vmem_shared>>)
        tpu.yield
      }) : () -> ()
      %add3A_18 = arith.constant 192 : i32
      %add3A_19 = arith.addi %mul3A_0, %add3A_18 : i32
      %run_scoped3A_20 = arith.constant 0 : i32
      "tpu.region"() ({
        %run_scoped3A_122 = tpu.sem_alloc : memref<!tpu.dma_semaphore, #tpu.memory_space<semaphore_mem>>
        %dma_start3A_123 = arith.constant 0 : i32
        %dma_start3A_124 = arith.constant 0 : i32
        %dma_start3A_125 = tpu.memref_slice %arg10[%run_scoped3A_20, %dma_start3A_123, %dma_start3A_124] : memref<2x96x128xf32, #tpu.memory_space<vmem>> -> memref<1x96x128xf32, #tpu.memory_space<vmem>>
        %dma_start3A_126 = tpu.memref_squeeze %dma_start3A_125 : memref<1x96x128xf32, #tpu.memory_space<vmem>> -> memref<96x128xf32, #tpu.memory_space<vmem>>
        %dma_start3A_127 = arith.constant 0 : i32
        %dma_start3A_128 = tpu.memref_slice %arg7[%add3A_19, %dma_start3A_127] : memref<10240x128xf32, #tpu.memory_space<vmem_shared>> -> memref<96x128xf32, #tpu.memory_space<vmem_shared>>
        %dma_start3A_129 = arith.constant 0 : i32
        %dma_start3A_130 = tpu.memref_slice %arg7[%add3A_19, %dma_start3A_129] : memref<10240x128xf32, #tpu.memory_space<vmem_shared>> -> memref<96x128xf32, #tpu.memory_space<vmem_shared>>
        %dma_start3A_131 = arith.constant 0 : i32
        %dma_start3A_132 = arith.constant 0 : i32
        %dma_start3A_133 = tpu.memref_slice %arg10[%run_scoped3A_20, %dma_start3A_131, %dma_start3A_132] : memref<2x96x128xf32, #tpu.memory_space<vmem>> -> memref<1x96x128xf32, #tpu.memory_space<vmem>>
        %dma_start3A_134 = tpu.memref_squeeze %dma_start3A_133 : memref<1x96x128xf32, #tpu.memory_space<vmem>> -> memref<96x128xf32, #tpu.memory_space<vmem>>
        tpu.enqueue_dma source(%dma_start3A_134 : memref<96x128xf32, #tpu.memory_space<vmem>>) target(%dma_start3A_130 : memref<96x128xf32, #tpu.memory_space<vmem_shared>>) target_semaphore(%run_scoped3A_122 : memref<!tpu.dma_semaphore, #tpu.memory_space<semaphore_mem>>)
        %dma_wait3A_135 = arith.constant 0 : i32
        %dma_wait3A_136 = arith.constant 0 : i32
        %dma_wait3A_137 = tpu.memref_slice %arg10[%run_scoped3A_20, %dma_wait3A_135, %dma_wait3A_136] : memref<2x96x128xf32, #tpu.memory_space<vmem>> -> memref<1x96x128xf32, #tpu.memory_space<vmem>>
        %dma_wait3A_138 = tpu.memref_squeeze %dma_wait3A_137 : memref<1x96x128xf32, #tpu.memory_space<vmem>> -> memref<96x128xf32, #tpu.memory_space<vmem>>
        %dma_wait3A_139 = arith.constant 0 : i32
        %dma_wait3A_140 = tpu.memref_slice %arg7[%add3A_19, %dma_wait3A_139] : memref<10240x128xf32, #tpu.memory_space<vmem_shared>> -> memref<96x128xf32, #tpu.memory_space<vmem_shared>>
        %dma_wait3A_141 = arith.constant 0 : i32
        %dma_wait3A_142 = tpu.memref_slice %arg7[%add3A_19, %dma_wait3A_141] : memref<10240x128xf32, #tpu.memory_space<vmem_shared>> -> memref<96x128xf32, #tpu.memory_space<vmem_shared>>
        %dma_wait3A_143 = arith.constant 0 : i32
        %dma_wait3A_144 = arith.constant 0 : i32
        %dma_wait3A_145 = tpu.memref_slice %arg10[%run_scoped3A_20, %dma_wait3A_143, %dma_wait3A_144] : memref<2x96x128xf32, #tpu.memory_space<vmem>> -> memref<1x96x128xf32, #tpu.memory_space<vmem>>
        %dma_wait3A_146 = tpu.memref_squeeze %dma_wait3A_145 : memref<1x96x128xf32, #tpu.memory_space<vmem>> -> memref<96x128xf32, #tpu.memory_space<vmem>>
        tpu.wait_dma2 semaphore(%run_scoped3A_122 : memref<!tpu.dma_semaphore, #tpu.memory_space<semaphore_mem>>) src(%dma_wait3A_146 : memref<96x128xf32, #tpu.memory_space<vmem>>) dst(%dma_wait3A_142 : memref<96x128xf32, #tpu.memory_space<vmem_shared>>)
        tpu.yield
      }) : () -> ()
      %add3A_21 = arith.constant 288 : i32
      %add3A_22 = arith.addi %mul3A_0, %add3A_21 : i32
      %run_scoped3A_23 = arith.constant 0 : i32
      "tpu.region"() ({
        %run_scoped3A_122 = tpu.sem_alloc : memref<!tpu.dma_semaphore, #tpu.memory_space<semaphore_mem>>
        %dma_start3A_123 = arith.constant 0 : i32
        %dma_start3A_124 = arith.constant 0 : i32
        %dma_start3A_125 = tpu.memref_slice %arg10[%run_scoped3A_23, %dma_start3A_123, %dma_start3A_124] : memref<2x96x128xf32, #tpu.memory_space<vmem>> -> memref<1x96x128xf32, #tpu.memory_space<vmem>>
        %dma_start3A_126 = tpu.memref_squeeze %dma_start3A_125 : memref<1x96x128xf32, #tpu.memory_space<vmem>> -> memref<96x128xf32, #tpu.memory_space<vmem>>
        %dma_start3A_127 = arith.constant 0 : i32
        %dma_start3A_128 = tpu.memref_slice %arg7[%add3A_22, %dma_start3A_127] : memref<10240x128xf32, #tpu.memory_space<vmem_shared>> -> memref<96x128xf32, #tpu.memory_space<vmem_shared>>
        %dma_start3A_129 = arith.constant 0 : i32
        %dma_start3A_130 = tpu.memref_slice %arg7[%add3A_22, %dma_start3A_129] : memref<10240x128xf32, #tpu.memory_space<vmem_shared>> -> memref<96x128xf32, #tpu.memory_space<vmem_shared>>
        %dma_start3A_131 = arith.constant 0 : i32
        %dma_start3A_132 = arith.constant 0 : i32
        %dma_start3A_133 = tpu.memref_slice %arg10[%run_scoped3A_23, %dma_start3A_131, %dma_start3A_132] : memref<2x96x128xf32, #tpu.memory_space<vmem>> -> memref<1x96x128xf32, #tpu.memory_space<vmem>>
        %dma_start3A_134 = tpu.memref_squeeze %dma_start3A_133 : memref<1x96x128xf32, #tpu.memory_space<vmem>> -> memref<96x128xf32, #tpu.memory_space<vmem>>
        tpu.enqueue_dma source(%dma_start3A_134 : memref<96x128xf32, #tpu.memory_space<vmem>>) target(%dma_start3A_130 : memref<96x128xf32, #tpu.memory_space<vmem_shared>>) target_semaphore(%run_scoped3A_122 : memref<!tpu.dma_semaphore, #tpu.memory_space<semaphore_mem>>)
        %dma_wait3A_135 = arith.constant 0 : i32
        %dma_wait3A_136 = arith.constant 0 : i32
        %dma_wait3A_137 = tpu.memref_slice %arg10[%run_scoped3A_23, %dma_wait3A_135, %dma_wait3A_136] : memref<2x96x128xf32, #tpu.memory_space<vmem>> -> memref<1x96x128xf32, #tpu.memory_space<vmem>>
        %dma_wait3A_138 = tpu.memref_squeeze %dma_wait3A_137 : memref<1x96x128xf32, #tpu.memory_space<vmem>> -> memref<96x128xf32, #tpu.memory_space<vmem>>
        %dma_wait3A_139 = arith.constant 0 : i32
        %dma_wait3A_140 = tpu.memref_slice %arg7[%add3A_22, %dma_wait3A_139] : memref<10240x128xf32, #tpu.memory_space<vmem_shared>> -> memref<96x128xf32, #tpu.memory_space<vmem_shared>>
        %dma_wait3A_141 = arith.constant 0 : i32
        %dma_wait3A_142 = tpu.memref_slice %arg7[%add3A_22, %dma_wait3A_141] : memref<10240x128xf32, #tpu.memory_space<vmem_shared>> -> memref<96x128xf32, #tpu.memory_space<vmem_shared>>
        %dma_wait3A_143 = arith.constant 0 : i32
        %dma_wait3A_144 = arith.constant 0 : i32
        %dma_wait3A_145 = tpu.memref_slice %arg10[%run_scoped3A_23, %dma_wait3A_143, %dma_wait3A_144] : memref<2x96x128xf32, #tpu.memory_space<vmem>> -> memref<1x96x128xf32, #tpu.memory_space<vmem>>
        %dma_wait3A_146 = tpu.memref_squeeze %dma_wait3A_145 : memref<1x96x128xf32, #tpu.memory_space<vmem>> -> memref<96x128xf32, #tpu.memory_space<vmem>>
        tpu.wait_dma2 semaphore(%run_scoped3A_122 : memref<!tpu.dma_semaphore, #tpu.memory_space<semaphore_mem>>) src(%dma_wait3A_146 : memref<96x128xf32, #tpu.memory_space<vmem>>) dst(%dma_wait3A_142 : memref<96x128xf32, #tpu.memory_space<vmem_shared>>)
        tpu.yield
      }) : () -> ()
      %add3A_24 = arith.constant 384 : i32
      %add3A_25 = arith.addi %mul3A_0, %add3A_24 : i32
      %run_scoped3A_26 = arith.constant 0 : i32
      "tpu.region"() ({
        %run_scoped3A_122 = tpu.sem_alloc : memref<!tpu.dma_semaphore, #tpu.memory_space<semaphore_mem>>
        %dma_start3A_123 = arith.constant 0 : i32
        %dma_start3A_124 = arith.constant 0 : i32
        %dma_start3A_125 = tpu.memref_slice %arg10[%run_scoped3A_26, %dma_start3A_123, %dma_start3A_124] : memref<2x96x128xf32, #tpu.memory_space<vmem>> -> memref<1x96x128xf32, #tpu.memory_space<vmem>>
        %dma_start3A_126 = tpu.memref_squeeze %dma_start3A_125 : memref<1x96x128xf32, #tpu.memory_space<vmem>> -> memref<96x128xf32, #tpu.memory_space<vmem>>
        %dma_start3A_127 = arith.constant 0 : i32
        %dma_start3A_128 = tpu.memref_slice %arg7[%add3A_25, %dma_start3A_127] : memref<10240x128xf32, #tpu.memory_space<vmem_shared>> -> memref<96x128xf32, #tpu.memory_space<vmem_shared>>
        %dma_start3A_129 = arith.constant 0 : i32
        %dma_start3A_130 = tpu.memref_slice %arg7[%add3A_25, %dma_start3A_129] : memref<10240x128xf32, #tpu.memory_space<vmem_shared>> -> memref<96x128xf32, #tpu.memory_space<vmem_shared>>
        %dma_start3A_131 = arith.constant 0 : i32
        %dma_start3A_132 = arith.constant 0 : i32
        %dma_start3A_133 = tpu.memref_slice %arg10[%run_scoped3A_26, %dma_start3A_131, %dma_start3A_132] : memref<2x96x128xf32, #tpu.memory_space<vmem>> -> memref<1x96x128xf32, #tpu.memory_space<vmem>>
        %dma_start3A_134 = tpu.memref_squeeze %dma_start3A_133 : memref<1x96x128xf32, #tpu.memory_space<vmem>> -> memref<96x128xf32, #tpu.memory_space<vmem>>
        tpu.enqueue_dma source(%dma_start3A_134 : memref<96x128xf32, #tpu.memory_space<vmem>>) target(%dma_start3A_130 : memref<96x128xf32, #tpu.memory_space<vmem_shared>>) target_semaphore(%run_scoped3A_122 : memref<!tpu.dma_semaphore, #tpu.memory_space<semaphore_mem>>)
        %dma_wait3A_135 = arith.constant 0 : i32
        %dma_wait3A_136 = arith.constant 0 : i32
        %dma_wait3A_137 = tpu.memref_slice %arg10[%run_scoped3A_26, %dma_wait3A_135, %dma_wait3A_136] : memref<2x96x128xf32, #tpu.memory_space<vmem>> -> memref<1x96x128xf32, #tpu.memory_space<vmem>>
        %dma_wait3A_138 = tpu.memref_squeeze %dma_wait3A_137 : memref<1x96x128xf32, #tpu.memory_space<vmem>> -> memref<96x128xf32, #tpu.memory_space<vmem>>
        %dma_wait3A_139 = arith.constant 0 : i32
        %dma_wait3A_140 = tpu.memref_slice %arg7[%add3A_25, %dma_wait3A_139] : memref<10240x128xf32, #tpu.memory_space<vmem_shared>> -> memref<96x128xf32, #tpu.memory_space<vmem_shared>>
        %dma_wait3A_141 = arith.constant 0 : i32
        %dma_wait3A_142 = tpu.memref_slice %arg7[%add3A_25, %dma_wait3A_141] : memref<10240x128xf32, #tpu.memory_space<vmem_shared>> -> memref<96x128xf32, #tpu.memory_space<vmem_shared>>
        %dma_wait3A_143 = arith.constant 0 : i32
        %dma_wait3A_144 = arith.constant 0 : i32
        %dma_wait3A_145 = tpu.memref_slice %arg10[%run_scoped3A_26, %dma_wait3A_143, %dma_wait3A_144] : memref<2x96x128xf32, #tpu.memory_space<vmem>> -> memref<1x96x128xf32, #tpu.memory_space<vmem>>
        %dma_wait3A_146 = tpu.memref_squeeze %dma_wait3A_145 : memref<1x96x128xf32, #tpu.memory_space<vmem>> -> memref<96x128xf32, #tpu.memory_space<vmem>>
        tpu.wait_dma2 semaphore(%run_scoped3A_122 : memref<!tpu.dma_semaphore, #tpu.memory_space<semaphore_mem>>) src(%dma_wait3A_146 : memref<96x128xf32, #tpu.memory_space<vmem>>) dst(%dma_wait3A_142 : memref<96x128xf32, #tpu.memory_space<vmem_shared>>)
        tpu.yield
      }) : () -> ()
      %add3A_27 = arith.constant 480 : i32
      %add3A_28 = arith.addi %mul3A_0, %add3A_27 : i32
      %run_scoped3A_29 = arith.constant 0 : i32
      "tpu.region"() ({
        %run_scoped3A_122 = tpu.sem_alloc : memref<!tpu.dma_semaphore, #tpu.memory_space<semaphore_mem>>
        %dma_start3A_123 = arith.constant 0 : i32
        %dma_start3A_124 = arith.constant 0 : i32
        %dma_start3A_125 = tpu.memref_slice %arg10[%run_scoped3A_29, %dma_start3A_123, %dma_start3A_124] : memref<2x96x128xf32, #tpu.memory_space<vmem>> -> memref<1x96x128xf32, #tpu.memory_space<vmem>>
        %dma_start3A_126 = tpu.memref_squeeze %dma_start3A_125 : memref<1x96x128xf32, #tpu.memory_space<vmem>> -> memref<96x128xf32, #tpu.memory_space<vmem>>
        %dma_start3A_127 = arith.constant 0 : i32
        %dma_start3A_128 = tpu.memref_slice %arg7[%add3A_28, %dma_start3A_127] : memref<10240x128xf32, #tpu.memory_space<vmem_shared>> -> memref<96x128xf32, #tpu.memory_space<vmem_shared>>
        %dma_start3A_129 = arith.constant 0 : i32
        %dma_start3A_130 = tpu.memref_slice %arg7[%add3A_28, %dma_start3A_129] : memref<10240x128xf32, #tpu.memory_space<vmem_shared>> -> memref<96x128xf32, #tpu.memory_space<vmem_shared>>
        %dma_start3A_131 = arith.constant 0 : i32
        %dma_start3A_132 = arith.constant 0 : i32
        %dma_start3A_133 = tpu.memref_slice %arg10[%run_scoped3A_29, %dma_start3A_131, %dma_start3A_132] : memref<2x96x128xf32, #tpu.memory_space<vmem>> -> memref<1x96x128xf32, #tpu.memory_space<vmem>>
        %dma_start3A_134 = tpu.memref_squeeze %dma_start3A_133 : memref<1x96x128xf32, #tpu.memory_space<vmem>> -> memref<96x128xf32, #tpu.memory_space<vmem>>
        tpu.enqueue_dma source(%dma_start3A_134 : memref<96x128xf32, #tpu.memory_space<vmem>>) target(%dma_start3A_130 : memref<96x128xf32, #tpu.memory_space<vmem_shared>>) target_semaphore(%run_scoped3A_122 : memref<!tpu.dma_semaphore, #tpu.memory_space<semaphore_mem>>)
        %dma_wait3A_135 = arith.constant 0 : i32
        %dma_wait3A_136 = arith.constant 0 : i32
        %dma_wait3A_137 = tpu.memref_slice %arg10[%run_scoped3A_29, %dma_wait3A_135, %dma_wait3A_136] : memref<2x96x128xf32, #tpu.memory_space<vmem>> -> memref<1x96x128xf32, #tpu.memory_space<vmem>>
        %dma_wait3A_138 = tpu.memref_squeeze %dma_wait3A_137 : memref<1x96x128xf32, #tpu.memory_space<vmem>> -> memref<96x128xf32, #tpu.memory_space<vmem>>
        %dma_wait3A_139 = arith.constant 0 : i32
        %dma_wait3A_140 = tpu.memref_slice %arg7[%add3A_28, %dma_wait3A_139] : memref<10240x128xf32, #tpu.memory_space<vmem_shared>> -> memref<96x128xf32, #tpu.memory_space<vmem_shared>>
        %dma_wait3A_141 = arith.constant 0 : i32
        %dma_wait3A_142 = tpu.memref_slice %arg7[%add3A_28, %dma_wait3A_141] : memref<10240x128xf32, #tpu.memory_space<vmem_shared>> -> memref<96x128xf32, #tpu.memory_space<vmem_shared>>
        %dma_wait3A_143 = arith.constant 0 : i32
        %dma_wait3A_144 = arith.constant 0 : i32
        %dma_wait3A_145 = tpu.memref_slice %arg10[%run_scoped3A_29, %dma_wait3A_143, %dma_wait3A_144] : memref<2x96x128xf32, #tpu.memory_space<vmem>> -> memref<1x96x128xf32, #tpu.memory_space<vmem>>
        %dma_wait3A_146 = tpu.memref_squeeze %dma_wait3A_145 : memref<1x96x128xf32, #tpu.memory_space<vmem>> -> memref<96x128xf32, #tpu.memory_space<vmem>>
        tpu.wait_dma2 semaphore(%run_scoped3A_122 : memref<!tpu.dma_semaphore, #tpu.memory_space<semaphore_mem>>) src(%dma_wait3A_146 : memref<96x128xf32, #tpu.memory_space<vmem>>) dst(%dma_wait3A_142 : memref<96x128xf32, #tpu.memory_space<vmem_shared>>)
        tpu.yield
      }) : () -> ()
      %add3A_30 = arith.constant 640 : i32
      %add3A_31 = arith.addi %mul3A_0, %add3A_30 : i32
      %sub3A = arith.constant 64 : i32
      %sub3A_32 = arith.subi %add3A_31, %sub3A : i32
      %run_scoped3A_33 = arith.constant 0 : i32
      "tpu.region"() ({
        %run_scoped3A_122 = tpu.sem_alloc : memref<!tpu.dma_semaphore, #tpu.memory_space<semaphore_mem>>
        %dma_start3A_123 = arith.constant 0 : i32
        %dma_start3A_124 = arith.constant 0 : i32
        %dma_start3A_125 = tpu.memref_slice %arg10[%run_scoped3A_33, %dma_start3A_123, %dma_start3A_124] : memref<2x96x128xf32, #tpu.memory_space<vmem>> -> memref<1x64x128xf32, #tpu.memory_space<vmem>>
        %dma_start3A_126 = tpu.memref_squeeze %dma_start3A_125 : memref<1x64x128xf32, #tpu.memory_space<vmem>> -> memref<64x128xf32, #tpu.memory_space<vmem>>
        %dma_start3A_127 = arith.constant 0 : i32
        %dma_start3A_128 = tpu.memref_slice %arg7[%sub3A_32, %dma_start3A_127] : memref<10240x128xf32, #tpu.memory_space<vmem_shared>> -> memref<64x128xf32, #tpu.memory_space<vmem_shared>>
        %dma_start3A_129 = arith.constant 0 : i32
        %dma_start3A_130 = tpu.memref_slice %arg7[%sub3A_32, %dma_start3A_129] : memref<10240x128xf32, #tpu.memory_space<vmem_shared>> -> memref<64x128xf32, #tpu.memory_space<vmem_shared>>
        %dma_start3A_131 = arith.constant 0 : i32
        %dma_start3A_132 = arith.constant 0 : i32
        %dma_start3A_133 = tpu.memref_slice %arg10[%run_scoped3A_33, %dma_start3A_131, %dma_start3A_132] : memref<2x96x128xf32, #tpu.memory_space<vmem>> -> memref<1x64x128xf32, #tpu.memory_space<vmem>>
        %dma_start3A_134 = tpu.memref_squeeze %dma_start3A_133 : memref<1x64x128xf32, #tpu.memory_space<vmem>> -> memref<64x128xf32, #tpu.memory_space<vmem>>
        tpu.enqueue_dma source(%dma_start3A_134 : memref<64x128xf32, #tpu.memory_space<vmem>>) target(%dma_start3A_130 : memref<64x128xf32, #tpu.memory_space<vmem_shared>>) target_semaphore(%run_scoped3A_122 : memref<!tpu.dma_semaphore, #tpu.memory_space<semaphore_mem>>)
        %dma_wait3A_135 = arith.constant 0 : i32
        %dma_wait3A_136 = arith.constant 0 : i32
        %dma_wait3A_137 = tpu.memref_slice %arg10[%run_scoped3A_33, %dma_wait3A_135, %dma_wait3A_136] : memref<2x96x128xf32, #tpu.memory_space<vmem>> -> memref<1x64x128xf32, #tpu.memory_space<vmem>>
        %dma_wait3A_138 = tpu.memref_squeeze %dma_wait3A_137 : memref<1x64x128xf32, #tpu.memory_space<vmem>> -> memref<64x128xf32, #tpu.memory_space<vmem>>
        %dma_wait3A_139 = arith.constant 0 : i32
        %dma_wait3A_140 = tpu.memref_slice %arg7[%sub3A_32, %dma_wait3A_139] : memref<10240x128xf32, #tpu.memory_space<vmem_shared>> -> memref<64x128xf32, #tpu.memory_space<vmem_shared>>
        %dma_wait3A_141 = arith.constant 0 : i32
        %dma_wait3A_142 = tpu.memref_slice %arg7[%sub3A_32, %dma_wait3A_141] : memref<10240x128xf32, #tpu.memory_space<vmem_shared>> -> memref<64x128xf32, #tpu.memory_space<vmem_shared>>
        %dma_wait3A_143 = arith.constant 0 : i32
        %dma_wait3A_144 = arith.constant 0 : i32
        %dma_wait3A_145 = tpu.memref_slice %arg10[%run_scoped3A_33, %dma_wait3A_143, %dma_wait3A_144] : memref<2x96x128xf32, #tpu.memory_space<vmem>> -> memref<1x64x128xf32, #tpu.memory_space<vmem>>
        %dma_wait3A_146 = tpu.memref_squeeze %dma_wait3A_145 : memref<1x64x128xf32, #tpu.memory_space<vmem>> -> memref<64x128xf32, #tpu.memory_space<vmem>>
        tpu.wait_dma2 semaphore(%run_scoped3A_122 : memref<!tpu.dma_semaphore, #tpu.memory_space<semaphore_mem>>) src(%dma_wait3A_146 : memref<64x128xf32, #tpu.memory_space<vmem>>) dst(%dma_wait3A_142 : memref<64x128xf32, #tpu.memory_space<vmem_shared>>)
        tpu.yield
      }) : () -> ()
      %mul3A_34 = arith.constant 10000 : i32
      %mul3A_35 = arith.muli %arg1, %mul3A_34 : i32
      "tpu.region"() ({
        %run_scoped3A_122 = tpu.sem_alloc : memref<!tpu.dma_semaphore, #tpu.memory_space<semaphore_mem>>
        %dma_start3A_123 = tpu.memref_slice %arg4[%mul3A_35] : memref<320000xi32, #tpu.memory_space<hbm>> -> memref<10000xi32, #tpu.memory_space<hbm>>
        %dma_start3A_124 = tpu.memref_slice %arg4[%mul3A_35] : memref<320000xi32, #tpu.memory_space<hbm>> -> memref<10000xi32, #tpu.memory_space<hbm>>
        tpu.enqueue_dma source(%dma_start3A_124 : memref<10000xi32, #tpu.memory_space<hbm>>) target(%arg8 : memref<10000xi32, #tpu.memory_space<vmem>>) target_semaphore(%run_scoped3A_122 : memref<!tpu.dma_semaphore, #tpu.memory_space<semaphore_mem>>)
        %dma_wait3A_125 = tpu.memref_slice %arg4[%mul3A_35] : memref<320000xi32, #tpu.memory_space<hbm>> -> memref<10000xi32, #tpu.memory_space<hbm>>
        %dma_wait3A_126 = tpu.memref_slice %arg4[%mul3A_35] : memref<320000xi32, #tpu.memory_space<hbm>> -> memref<10000xi32, #tpu.memory_space<hbm>>
        tpu.wait_dma2 semaphore(%run_scoped3A_122 : memref<!tpu.dma_semaphore, #tpu.memory_space<semaphore_mem>>) src(%dma_wait3A_126 : memref<10000xi32, #tpu.memory_space<hbm>>) dst(%arg8 : memref<10000xi32, #tpu.memory_space<vmem>>)
        tpu.yield
      }) : () -> ()
      %add3A_36 = arith.constant 160000 : i32
      %add3A_37 = arith.addi %add3A_36, %mul3A_35 : i32
      "tpu.region"() ({
        %run_scoped3A_122 = tpu.sem_alloc : memref<!tpu.dma_semaphore, #tpu.memory_space<semaphore_mem>>
        %dma_start3A_123 = tpu.memref_slice %arg4[%add3A_37] : memref<320000xi32, #tpu.memory_space<hbm>> -> memref<10000xi32, #tpu.memory_space<hbm>>
        %dma_start3A_124 = tpu.memref_slice %arg4[%add3A_37] : memref<320000xi32, #tpu.memory_space<hbm>> -> memref<10000xi32, #tpu.memory_space<hbm>>
        tpu.enqueue_dma source(%dma_start3A_124 : memref<10000xi32, #tpu.memory_space<hbm>>) target(%arg9 : memref<10000xi32, #tpu.memory_space<vmem>>) target_semaphore(%run_scoped3A_122 : memref<!tpu.dma_semaphore, #tpu.memory_space<semaphore_mem>>)
        %dma_wait3A_125 = tpu.memref_slice %arg4[%add3A_37] : memref<320000xi32, #tpu.memory_space<hbm>> -> memref<10000xi32, #tpu.memory_space<hbm>>
        %dma_wait3A_126 = tpu.memref_slice %arg4[%add3A_37] : memref<320000xi32, #tpu.memory_space<hbm>> -> memref<10000xi32, #tpu.memory_space<hbm>>
        tpu.wait_dma2 semaphore(%run_scoped3A_122 : memref<!tpu.dma_semaphore, #tpu.memory_space<semaphore_mem>>) src(%dma_wait3A_126 : memref<10000xi32, #tpu.memory_space<hbm>>) dst(%arg9 : memref<10000xi32, #tpu.memory_space<vmem>>)
        tpu.yield
      }) : () -> ()
      %barrier3A = arith.constant 0 : index
      tpu.barrier barrier_id(%barrier3A)
      %dma_start3A = arith.constant 0 : i32
      %dma_start3A_38 = arith.constant 0 : i32
      %dma_start3A_39 = arith.constant 0 : i32
      %dma_start3A_40 = tpu.memref_slice %arg10[%dma_start3A, %dma_start3A_38, %dma_start3A_39] : memref<2x96x128xf32, #tpu.memory_space<vmem>> -> memref<1x96x128xf32, #tpu.memory_space<vmem>>
      %dma_start3A_41 = tpu.memref_squeeze %dma_start3A_40 : memref<1x96x128xf32, #tpu.memory_space<vmem>> -> memref<96x128xf32, #tpu.memory_space<vmem>>
      %dma_start3A_42 = arith.constant 0 : i32
      %dma_start3A_43 = tpu.memref_slice %arg8[%dma_start3A_42] : memref<10000xi32, #tpu.memory_space<vmem>> -> memref<96xi32, #tpu.memory_space<vmem>>
      %dma_start3A_44 = arith.constant 0 : i32
      %dma_start3A_45 = arith.constant 0 : i32
      %dma_start3A_46 = tpu.memref_slice %arg2[%dma_start3A_44, %dma_start3A_45] : memref<10000x128xf32, #tpu.memory_space<hbm>> -> memref<10000x128xf32, #tpu.memory_space<hbm>>
      tpu.enqueue_indirect_dma source(%dma_start3A_46 : memref<10000x128xf32, #tpu.memory_space<hbm>>) target(%dma_start3A_41 : memref<96x128xf32, #tpu.memory_space<vmem>>) offsets(%dma_start3A_43 : memref<96xi32, #tpu.memory_space<vmem>>) semaphore(%arg11 : memref<!tpu.dma_semaphore, #tpu.memory_space<semaphore_mem>>)
      %scan3A_47 = arith.constant 0 : i32
      %scan3A_48 = arith.constant 0 : i32
      %scan3A_49 = arith.constant 51 : i32
      %scan3A_50 = arith.addi %scan3A_48, %scan3A_49 : i32
      %scan3A_51 = arith.constant 1 : i32
      scf.for %scan3A_122 = %scan3A_48 to %scan3A_50 step %scan3A_51  : i32 {
        %mul3A_123 = arith.constant 2 : i32
        %mul3A_124 = arith.muli %mul3A_123, %scan3A_122 : i32
        %dma_wait3A_125 = arith.constant 0 : i32
        %dma_wait3A_126 = arith.constant 0 : i32
        %dma_wait3A_127 = arith.constant 0 : i32
        %dma_wait3A_128 = tpu.memref_slice %arg10[%dma_wait3A_125, %dma_wait3A_126, %dma_wait3A_127] : memref<2x96x128xf32, #tpu.memory_space<vmem>> -> memref<1x96x128xf32, #tpu.memory_space<vmem>>
        %dma_wait3A_129 = tpu.memref_squeeze %dma_wait3A_128 : memref<1x96x128xf32, #tpu.memory_space<vmem>> -> memref<96x128xf32, #tpu.memory_space<vmem>>
        %dma_wait3A_130 = arith.constant 0 : i32
        %dma_wait3A_131 = arith.constant 0 : i32
        %dma_wait3A_132 = tpu.memref_slice %arg2[%dma_wait3A_130, %dma_wait3A_131] : memref<10000x128xf32, #tpu.memory_space<hbm>> -> memref<96x128xf32, #tpu.memory_space<hbm>>
        %dma_wait3A_133 = arith.constant 0 : i32
        %dma_wait3A_134 = arith.constant 0 : i32
        %dma_wait3A_135 = tpu.memref_slice %arg10[%dma_wait3A_125, %dma_wait3A_133, %dma_wait3A_134] : memref<2x96x128xf32, #tpu.memory_space<vmem>> -> memref<1x96x128xf32, #tpu.memory_space<vmem>>
        %dma_wait3A_136 = tpu.memref_squeeze %dma_wait3A_135 : memref<1x96x128xf32, #tpu.memory_space<vmem>> -> memref<96x128xf32, #tpu.memory_space<vmem>>
        %dma_wait3A_137 = arith.constant 0 : i32
        %dma_wait3A_138 = arith.constant 0 : i32
        %dma_wait3A_139 = tpu.memref_slice %arg2[%dma_wait3A_137, %dma_wait3A_138] : memref<10000x128xf32, #tpu.memory_space<hbm>> -> memref<96x128xf32, #tpu.memory_space<hbm>>
        tpu.wait_dma2 semaphore(%arg11 : memref<!tpu.dma_semaphore, #tpu.memory_space<semaphore_mem>>) src(%dma_wait3A_139 : memref<96x128xf32, #tpu.memory_space<hbm>>) dst(%dma_wait3A_136 : memref<96x128xf32, #tpu.memory_space<vmem>>)
        %add3A_140 = arith.constant 1 : i32
        %add3A_141 = arith.addi %mul3A_124, %add3A_140 : i32
        %mul3A_142 = arith.constant 96 : i32
        %mul3A_143 = arith.muli %add3A_141, %mul3A_142 : i32
        %dma_start3A_144 = arith.constant 1 : i32
        %dma_start3A_145 = arith.constant 0 : i32
        %dma_start3A_146 = arith.constant 0 : i32
        %dma_start3A_147 = tpu.memref_slice %arg10[%dma_start3A_144, %dma_start3A_145, %dma_start3A_146] : memref<2x96x128xf32, #tpu.memory_space<vmem>> -> memref<1x96x128xf32, #tpu.memory_space<vmem>>
        %dma_start3A_148 = tpu.memref_squeeze %dma_start3A_147 : memref<1x96x128xf32, #tpu.memory_space<vmem>> -> memref<96x128xf32, #tpu.memory_space<vmem>>
        %dma_start3A_149 = tpu.memref_slice %arg8[%mul3A_143] : memref<10000xi32, #tpu.memory_space<vmem>> -> memref<96xi32, #tpu.memory_space<vmem>>
        %dma_start3A_150 = arith.constant 0 : i32
        %dma_start3A_151 = arith.constant 0 : i32
        %dma_start3A_152 = tpu.memref_slice %arg2[%dma_start3A_150, %dma_start3A_151] : memref<10000x128xf32, #tpu.memory_space<hbm>> -> memref<10000x128xf32, #tpu.memory_space<hbm>>
        tpu.enqueue_indirect_dma source(%dma_start3A_152 : memref<10000x128xf32, #tpu.memory_space<hbm>>) target(%dma_start3A_148 : memref<96x128xf32, #tpu.memory_space<vmem>>) offsets(%dma_start3A_149 : memref<96xi32, #tpu.memory_space<vmem>>) semaphore(%arg11 : memref<!tpu.dma_semaphore, #tpu.memory_space<semaphore_mem>>)
        %mul3A_153 = arith.constant 96 : i32
        %mul3A_154 = arith.muli %mul3A_124, %mul3A_153 : i32
        %run_scoped3A_155 = arith.constant 0 : i32
        "tpu.region"() ({
          %run_scoped3A_189 = tpu.sem_alloc : memref<!tpu.dma_semaphore, #tpu.memory_space<semaphore_mem>>
          %dma_start3A_190 = arith.constant 0 : i32
          %dma_start3A_191 = arith.constant 0 : i32
          %dma_start3A_192 = tpu.memref_slice %arg10[%run_scoped3A_155, %dma_start3A_190, %dma_start3A_191] : memref<2x96x128xf32, #tpu.memory_space<vmem>> -> memref<1x96x128xf32, #tpu.memory_space<vmem>>
          %dma_start3A_193 = tpu.memref_squeeze %dma_start3A_192 : memref<1x96x128xf32, #tpu.memory_space<vmem>> -> memref<96x128xf32, #tpu.memory_space<vmem>>
          %dma_start3A_194 = tpu.memref_slice %arg9[%mul3A_154] : memref<10000xi32, #tpu.memory_space<vmem>> -> memref<96xi32, #tpu.memory_space<vmem>>
          %dma_start3A_195 = arith.constant 0 : i32
          %dma_start3A_196 = arith.constant 0 : i32
          %dma_start3A_197 = tpu.memref_slice %arg7[%dma_start3A_195, %dma_start3A_196] : memref<10240x128xf32, #tpu.memory_space<vmem_shared>> -> memref<10240x128xf32, #tpu.memory_space<vmem_shared>>
          tpu.enqueue_indirect_dma source(%dma_start3A_193 : memref<96x128xf32, #tpu.memory_space<vmem>>) target(%dma_start3A_197 : memref<10240x128xf32, #tpu.memory_space<vmem_shared>>) offsets(%dma_start3A_194 : memref<96xi32, #tpu.memory_space<vmem>>) semaphore(%run_scoped3A_189 : memref<!tpu.dma_semaphore, #tpu.memory_space<semaphore_mem>>) {add = true}
          %dma_wait3A_198 = arith.constant 0 : i32
          %dma_wait3A_199 = arith.constant 0 : i32
          %dma_wait3A_200 = tpu.memref_slice %arg10[%run_scoped3A_155, %dma_wait3A_198, %dma_wait3A_199] : memref<2x96x128xf32, #tpu.memory_space<vmem>> -> memref<1x96x128xf32, #tpu.memory_space<vmem>>
          %dma_wait3A_201 = tpu.memref_squeeze %dma_wait3A_200 : memref<1x96x128xf32, #tpu.memory_space<vmem>> -> memref<96x128xf32, #tpu.memory_space<vmem>>
          %dma_wait3A_202 = tpu.memref_slice %arg9[%mul3A_154] : memref<10000xi32, #tpu.memory_space<vmem>> -> memref<96xi32, #tpu.memory_space<vmem>>
          %dma_wait3A_203 = arith.constant 0 : i32
          %dma_wait3A_204 = arith.constant 0 : i32
          %dma_wait3A_205 = tpu.memref_slice %arg7[%dma_wait3A_203, %dma_wait3A_204] : memref<10240x128xf32, #tpu.memory_space<vmem_shared>> -> memref<10240x128xf32, #tpu.memory_space<vmem_shared>>
          tpu.wait_indirect_dma semaphore(%run_scoped3A_189 : memref<!tpu.dma_semaphore, #tpu.memory_space<semaphore_mem>>) src(%dma_wait3A_201 : memref<96x128xf32, #tpu.memory_space<vmem>>) dst(%dma_wait3A_205 : memref<10240x128xf32, #tpu.memory_space<vmem_shared>>)
          tpu.yield
        }) : () -> ()
        %dma_wait3A_156 = arith.constant 1 : i32
        %dma_wait3A_157 = arith.constant 0 : i32
        %dma_wait3A_158 = arith.constant 0 : i32
        %dma_wait3A_159 = tpu.memref_slice %arg10[%dma_wait3A_156, %dma_wait3A_157, %dma_wait3A_158] : memref<2x96x128xf32, #tpu.memory_space<vmem>> -> memref<1x96x128xf32, #tpu.memory_space<vmem>>
        %dma_wait3A_160 = tpu.memref_squeeze %dma_wait3A_159 : memref<1x96x128xf32, #tpu.memory_space<vmem>> -> memref<96x128xf32, #tpu.memory_space<vmem>>
        %dma_wait3A_161 = arith.constant 0 : i32
        %dma_wait3A_162 = arith.constant 0 : i32
        %dma_wait3A_163 = tpu.memref_slice %arg2[%dma_wait3A_161, %dma_wait3A_162] : memref<10000x128xf32, #tpu.memory_space<hbm>> -> memref<96x128xf32, #tpu.memory_space<hbm>>
        %dma_wait3A_164 = arith.constant 0 : i32
        %dma_wait3A_165 = arith.constant 0 : i32
        %dma_wait3A_166 = tpu.memref_slice %arg10[%dma_wait3A_156, %dma_wait3A_164, %dma_wait3A_165] : memref<2x96x128xf32, #tpu.memory_space<vmem>> -> memref<1x96x128xf32, #tpu.memory_space<vmem>>
        %dma_wait3A_167 = tpu.memref_squeeze %dma_wait3A_166 : memref<1x96x128xf32, #tpu.memory_space<vmem>> -> memref<96x128xf32, #tpu.memory_space<vmem>>
        %dma_wait3A_168 = arith.constant 0 : i32
        %dma_wait3A_169 = arith.constant 0 : i32
        %dma_wait3A_170 = tpu.memref_slice %arg2[%dma_wait3A_168, %dma_wait3A_169] : memref<10000x128xf32, #tpu.memory_space<hbm>> -> memref<96x128xf32, #tpu.memory_space<hbm>>
        tpu.wait_dma2 semaphore(%arg11 : memref<!tpu.dma_semaphore, #tpu.memory_space<semaphore_mem>>) src(%dma_wait3A_170 : memref<96x128xf32, #tpu.memory_space<hbm>>) dst(%dma_wait3A_167 : memref<96x128xf32, #tpu.memory_space<vmem>>)
        %add3A_171 = arith.constant 2 : i32
        %add3A_172 = arith.addi %mul3A_124, %add3A_171 : i32
        %mul3A_173 = arith.constant 96 : i32
        %mul3A_174 = arith.muli %add3A_172, %mul3A_173 : i32
        %dma_start3A_175 = arith.constant 0 : i32
        %dma_start3A_176 = arith.constant 0 : i32
        %dma_start3A_177 = arith.constant 0 : i32
        %dma_start3A_178 = tpu.memref_slice %arg10[%dma_start3A_175, %dma_start3A_176, %dma_start3A_177] : memref<2x96x128xf32, #tpu.memory_space<vmem>> -> memref<1x96x128xf32, #tpu.memory_space<vmem>>
        %dma_start3A_179 = tpu.memref_squeeze %dma_start3A_178 : memref<1x96x128xf32, #tpu.memory_space<vmem>> -> memref<96x128xf32, #tpu.memory_space<vmem>>
        %dma_start3A_180 = tpu.memref_slice %arg8[%mul3A_174] : memref<10000xi32, #tpu.memory_space<vmem>> -> memref<96xi32, #tpu.memory_space<vmem>>
        %dma_start3A_181 = arith.constant 0 : i32
        %dma_start3A_182 = arith.constant 0 : i32
        %dma_start3A_183 = tpu.memref_slice %arg2[%dma_start3A_181, %dma_start3A_182] : memref<10000x128xf32, #tpu.memory_space<hbm>> -> memref<10000x128xf32, #tpu.memory_space<hbm>>
        tpu.enqueue_indirect_dma source(%dma_start3A_183 : memref<10000x128xf32, #tpu.memory_space<hbm>>) target(%dma_start3A_179 : memref<96x128xf32, #tpu.memory_space<vmem>>) offsets(%dma_start3A_180 : memref<96xi32, #tpu.memory_space<vmem>>) semaphore(%arg11 : memref<!tpu.dma_semaphore, #tpu.memory_space<semaphore_mem>>)
        %add3A_184 = arith.constant 1 : i32
        %add3A_185 = arith.addi %mul3A_124, %add3A_184 : i32
        %mul3A_186 = arith.constant 96 : i32
        %mul3A_187 = arith.muli %add3A_185, %mul3A_186 : i32
        %run_scoped3A_188 = arith.constant 1 : i32
        "tpu.region"() ({
          %run_scoped3A_189 = tpu.sem_alloc : memref<!tpu.dma_semaphore, #tpu.memory_space<semaphore_mem>>
          %dma_start3A_190 = arith.constant 0 : i32
          %dma_start3A_191 = arith.constant 0 : i32
          %dma_start3A_192 = tpu.memref_slice %arg10[%run_scoped3A_188, %dma_start3A_190, %dma_start3A_191] : memref<2x96x128xf32, #tpu.memory_space<vmem>> -> memref<1x96x128xf32, #tpu.memory_space<vmem>>
          %dma_start3A_193 = tpu.memref_squeeze %dma_start3A_192 : memref<1x96x128xf32, #tpu.memory_space<vmem>> -> memref<96x128xf32, #tpu.memory_space<vmem>>
          %dma_start3A_194 = tpu.memref_slice %arg9[%mul3A_187] : memref<10000xi32, #tpu.memory_space<vmem>> -> memref<96xi32, #tpu.memory_space<vmem>>
          %dma_start3A_195 = arith.constant 0 : i32
          %dma_start3A_196 = arith.constant 0 : i32
          %dma_start3A_197 = tpu.memref_slice %arg7[%dma_start3A_195, %dma_start3A_196] : memref<10240x128xf32, #tpu.memory_space<vmem_shared>> -> memref<10240x128xf32, #tpu.memory_space<vmem_shared>>
          tpu.enqueue_indirect_dma source(%dma_start3A_193 : memref<96x128xf32, #tpu.memory_space<vmem>>) target(%dma_start3A_197 : memref<10240x128xf32, #tpu.memory_space<vmem_shared>>) offsets(%dma_start3A_194 : memref<96xi32, #tpu.memory_space<vmem>>) semaphore(%run_scoped3A_189 : memref<!tpu.dma_semaphore, #tpu.memory_space<semaphore_mem>>) {add = true}
          %dma_wait3A_198 = arith.constant 0 : i32
          %dma_wait3A_199 = arith.constant 0 : i32
          %dma_wait3A_200 = tpu.memref_slice %arg10[%run_scoped3A_188, %dma_wait3A_198, %dma_wait3A_199] : memref<2x96x128xf32, #tpu.memory_space<vmem>> -> memref<1x96x128xf32, #tpu.memory_space<vmem>>
          %dma_wait3A_201 = tpu.memref_squeeze %dma_wait3A_200 : memref<1x96x128xf32, #tpu.memory_space<vmem>> -> memref<96x128xf32, #tpu.memory_space<vmem>>
          %dma_wait3A_202 = tpu.memref_slice %arg9[%mul3A_187] : memref<10000xi32, #tpu.memory_space<vmem>> -> memref<96xi32, #tpu.memory_space<vmem>>
          %dma_wait3A_203 = arith.constant 0 : i32
          %dma_wait3A_204 = arith.constant 0 : i32
          %dma_wait3A_205 = tpu.memref_slice %arg7[%dma_wait3A_203, %dma_wait3A_204] : memref<10240x128xf32, #tpu.memory_space<vmem_shared>> -> memref<10240x128xf32, #tpu.memory_space<vmem_shared>>
          tpu.wait_indirect_dma semaphore(%run_scoped3A_189 : memref<!tpu.dma_semaphore, #tpu.memory_space<semaphore_mem>>) src(%dma_wait3A_201 : memref<96x128xf32, #tpu.memory_space<vmem>>) dst(%dma_wait3A_205 : memref<10240x128xf32, #tpu.memory_space<vmem_shared>>)
          tpu.yield
        }) : () -> ()
      }
      %scan3A_52 = arith.constant 51 : i32
      %dma_wait3A = arith.constant 0 : i32
      %dma_wait3A_53 = arith.constant 0 : i32
      %dma_wait3A_54 = arith.constant 0 : i32
      %dma_wait3A_55 = tpu.memref_slice %arg10[%dma_wait3A, %dma_wait3A_53, %dma_wait3A_54] : memref<2x96x128xf32, #tpu.memory_space<vmem>> -> memref<1x96x128xf32, #tpu.memory_space<vmem>>
      %dma_wait3A_56 = tpu.memref_squeeze %dma_wait3A_55 : memref<1x96x128xf32, #tpu.memory_space<vmem>> -> memref<96x128xf32, #tpu.memory_space<vmem>>
      %dma_wait3A_57 = arith.constant 0 : i32
      %dma_wait3A_58 = arith.constant 0 : i32
      %dma_wait3A_59 = tpu.memref_slice %arg2[%dma_wait3A_57, %dma_wait3A_58] : memref<10000x128xf32, #tpu.memory_space<hbm>> -> memref<96x128xf32, #tpu.memory_space<hbm>>
      %dma_wait3A_60 = arith.constant 0 : i32
      %dma_wait3A_61 = arith.constant 0 : i32
      %dma_wait3A_62 = tpu.memref_slice %arg10[%dma_wait3A, %dma_wait3A_60, %dma_wait3A_61] : memref<2x96x128xf32, #tpu.memory_space<vmem>> -> memref<1x96x128xf32, #tpu.memory_space<vmem>>
      %dma_wait3A_63 = tpu.memref_squeeze %dma_wait3A_62 : memref<1x96x128xf32, #tpu.memory_space<vmem>> -> memref<96x128xf32, #tpu.memory_space<vmem>>
      %dma_wait3A_64 = arith.constant 0 : i32
      %dma_wait3A_65 = arith.constant 0 : i32
      %dma_wait3A_66 = tpu.memref_slice %arg2[%dma_wait3A_64, %dma_wait3A_65] : memref<10000x128xf32, #tpu.memory_space<hbm>> -> memref<96x128xf32, #tpu.memory_space<hbm>>
      tpu.wait_dma2 semaphore(%arg11 : memref<!tpu.dma_semaphore, #tpu.memory_space<semaphore_mem>>) src(%dma_wait3A_66 : memref<96x128xf32, #tpu.memory_space<hbm>>) dst(%dma_wait3A_63 : memref<96x128xf32, #tpu.memory_space<vmem>>)
      %dma_start3A_67 = arith.constant 1 : i32
      %dma_start3A_68 = arith.constant 0 : i32
      %dma_start3A_69 = arith.constant 0 : i32
      %dma_start3A_70 = tpu.memref_slice %arg10[%dma_start3A_67, %dma_start3A_68, %dma_start3A_69] : memref<2x96x128xf32, #tpu.memory_space<vmem>> -> memref<1x96x128xf32, #tpu.memory_space<vmem>>
      %dma_start3A_71 = tpu.memref_squeeze %dma_start3A_70 : memref<1x96x128xf32, #tpu.memory_space<vmem>> -> memref<96x128xf32, #tpu.memory_space<vmem>>
      %dma_start3A_72 = arith.constant 9888 : i32
      %dma_start3A_73 = tpu.memref_slice %arg8[%dma_start3A_72] : memref<10000xi32, #tpu.memory_space<vmem>> -> memref<96xi32, #tpu.memory_space<vmem>>
      %dma_start3A_74 = arith.constant 0 : i32
      %dma_start3A_75 = arith.constant 0 : i32
      %dma_start3A_76 = tpu.memref_slice %arg2[%dma_start3A_74, %dma_start3A_75] : memref<10000x128xf32, #tpu.memory_space<hbm>> -> memref<10000x128xf32, #tpu.memory_space<hbm>>
      tpu.enqueue_indirect_dma source(%dma_start3A_76 : memref<10000x128xf32, #tpu.memory_space<hbm>>) target(%dma_start3A_71 : memref<96x128xf32, #tpu.memory_space<vmem>>) offsets(%dma_start3A_73 : memref<96xi32, #tpu.memory_space<vmem>>) semaphore(%arg11 : memref<!tpu.dma_semaphore, #tpu.memory_space<semaphore_mem>>)
      %run_scoped3A_77 = arith.constant 0 : i32
      "tpu.region"() ({
        %run_scoped3A_122 = tpu.sem_alloc : memref<!tpu.dma_semaphore, #tpu.memory_space<semaphore_mem>>
        %dma_start3A_123 = arith.constant 0 : i32
        %dma_start3A_124 = arith.constant 0 : i32
        %dma_start3A_125 = tpu.memref_slice %arg10[%run_scoped3A_77, %dma_start3A_123, %dma_start3A_124] : memref<2x96x128xf32, #tpu.memory_space<vmem>> -> memref<1x96x128xf32, #tpu.memory_space<vmem>>
        %dma_start3A_126 = tpu.memref_squeeze %dma_start3A_125 : memref<1x96x128xf32, #tpu.memory_space<vmem>> -> memref<96x128xf32, #tpu.memory_space<vmem>>
        %dma_start3A_127 = arith.constant 9792 : i32
        %dma_start3A_128 = tpu.memref_slice %arg9[%dma_start3A_127] : memref<10000xi32, #tpu.memory_space<vmem>> -> memref<96xi32, #tpu.memory_space<vmem>>
        %dma_start3A_129 = arith.constant 0 : i32
        %dma_start3A_130 = arith.constant 0 : i32
        %dma_start3A_131 = tpu.memref_slice %arg7[%dma_start3A_129, %dma_start3A_130] : memref<10240x128xf32, #tpu.memory_space<vmem_shared>> -> memref<10240x128xf32, #tpu.memory_space<vmem_shared>>
        tpu.enqueue_indirect_dma source(%dma_start3A_126 : memref<96x128xf32, #tpu.memory_space<vmem>>) target(%dma_start3A_131 : memref<10240x128xf32, #tpu.memory_space<vmem_shared>>) offsets(%dma_start3A_128 : memref<96xi32, #tpu.memory_space<vmem>>) semaphore(%run_scoped3A_122 : memref<!tpu.dma_semaphore, #tpu.memory_space<semaphore_mem>>) {add = true}
        %dma_wait3A_132 = arith.constant 0 : i32
        %dma_wait3A_133 = arith.constant 0 : i32
        %dma_wait3A_134 = tpu.memref_slice %arg10[%run_scoped3A_77, %dma_wait3A_132, %dma_wait3A_133] : memref<2x96x128xf32, #tpu.memory_space<vmem>> -> memref<1x96x128xf32, #tpu.memory_space<vmem>>
        %dma_wait3A_135 = tpu.memref_squeeze %dma_wait3A_134 : memref<1x96x128xf32, #tpu.memory_space<vmem>> -> memref<96x128xf32, #tpu.memory_space<vmem>>
        %dma_wait3A_136 = arith.constant 9792 : i32
        %dma_wait3A_137 = tpu.memref_slice %arg9[%dma_wait3A_136] : memref<10000xi32, #tpu.memory_space<vmem>> -> memref<96xi32, #tpu.memory_space<vmem>>
        %dma_wait3A_138 = arith.constant 0 : i32
        %dma_wait3A_139 = arith.constant 0 : i32
        %dma_wait3A_140 = tpu.memref_slice %arg7[%dma_wait3A_138, %dma_wait3A_139] : memref<10240x128xf32, #tpu.memory_space<vmem_shared>> -> memref<10240x128xf32, #tpu.memory_space<vmem_shared>>
        tpu.wait_indirect_dma semaphore(%run_scoped3A_122 : memref<!tpu.dma_semaphore, #tpu.memory_space<semaphore_mem>>) src(%dma_wait3A_135 : memref<96x128xf32, #tpu.memory_space<vmem>>) dst(%dma_wait3A_140 : memref<10240x128xf32, #tpu.memory_space<vmem_shared>>)
        tpu.yield
      }) : () -> ()
      %dma_wait3A_78 = arith.constant 1 : i32
      %dma_wait3A_79 = arith.constant 0 : i32
      %dma_wait3A_80 = arith.constant 0 : i32
      %dma_wait3A_81 = tpu.memref_slice %arg10[%dma_wait3A_78, %dma_wait3A_79, %dma_wait3A_80] : memref<2x96x128xf32, #tpu.memory_space<vmem>> -> memref<1x96x128xf32, #tpu.memory_space<vmem>>
      %dma_wait3A_82 = tpu.memref_squeeze %dma_wait3A_81 : memref<1x96x128xf32, #tpu.memory_space<vmem>> -> memref<96x128xf32, #tpu.memory_space<vmem>>
      %dma_wait3A_83 = arith.constant 0 : i32
      %dma_wait3A_84 = arith.constant 0 : i32
      %dma_wait3A_85 = tpu.memref_slice %arg2[%dma_wait3A_83, %dma_wait3A_84] : memref<10000x128xf32, #tpu.memory_space<hbm>> -> memref<96x128xf32, #tpu.memory_space<hbm>>
      %dma_wait3A_86 = arith.constant 0 : i32
      %dma_wait3A_87 = arith.constant 0 : i32
      %dma_wait3A_88 = tpu.memref_slice %arg10[%dma_wait3A_78, %dma_wait3A_86, %dma_wait3A_87] : memref<2x96x128xf32, #tpu.memory_space<vmem>> -> memref<1x96x128xf32, #tpu.memory_space<vmem>>
      %dma_wait3A_89 = tpu.memref_squeeze %dma_wait3A_88 : memref<1x96x128xf32, #tpu.memory_space<vmem>> -> memref<96x128xf32, #tpu.memory_space<vmem>>
      %dma_wait3A_90 = arith.constant 0 : i32
      %dma_wait3A_91 = arith.constant 0 : i32
      %dma_wait3A_92 = tpu.memref_slice %arg2[%dma_wait3A_90, %dma_wait3A_91] : memref<10000x128xf32, #tpu.memory_space<hbm>> -> memref<96x128xf32, #tpu.memory_space<hbm>>
      tpu.wait_dma2 semaphore(%arg11 : memref<!tpu.dma_semaphore, #tpu.memory_space<semaphore_mem>>) src(%dma_wait3A_92 : memref<96x128xf32, #tpu.memory_space<hbm>>) dst(%dma_wait3A_89 : memref<96x128xf32, #tpu.memory_space<vmem>>)
      %dma_start3A_93 = arith.constant 0 : i32
      %dma_start3A_94 = arith.constant 0 : i32
      %dma_start3A_95 = arith.constant 0 : i32
      %dma_start3A_96 = tpu.memref_slice %arg10[%dma_start3A_93, %dma_start3A_94, %dma_start3A_95] : memref<2x96x128xf32, #tpu.memory_space<vmem>> -> memref<1x16x128xf32, #tpu.memory_space<vmem>>
      %dma_start3A_97 = tpu.memref_squeeze %dma_start3A_96 : memref<1x16x128xf32, #tpu.memory_space<vmem>> -> memref<16x128xf32, #tpu.memory_space<vmem>>
      %dma_start3A_98 = arith.constant 9984 : i32
      %dma_start3A_99 = tpu.memref_slice %arg8[%dma_start3A_98] : memref<10000xi32, #tpu.memory_space<vmem>> -> memref<16xi32, #tpu.memory_space<vmem>>
      %dma_start3A_100 = arith.constant 0 : i32
      %dma_start3A_101 = arith.constant 0 : i32
      %dma_start3A_102 = tpu.memref_slice %arg2[%dma_start3A_100, %dma_start3A_101] : memref<10000x128xf32, #tpu.memory_space<hbm>> -> memref<10000x128xf32, #tpu.memory_space<hbm>>
      tpu.enqueue_indirect_dma source(%dma_start3A_102 : memref<10000x128xf32, #tpu.memory_space<hbm>>) target(%dma_start3A_97 : memref<16x128xf32, #tpu.memory_space<vmem>>) offsets(%dma_start3A_99 : memref<16xi32, #tpu.memory_space<vmem>>) semaphore(%arg11 : memref<!tpu.dma_semaphore, #tpu.memory_space<semaphore_mem>>)
      %run_scoped3A_103 = arith.constant 1 : i32
      "tpu.region"() ({
        %run_scoped3A_122 = tpu.sem_alloc : memref<!tpu.dma_semaphore, #tpu.memory_space<semaphore_mem>>
        %dma_start3A_123 = arith.constant 0 : i32
        %dma_start3A_124 = arith.constant 0 : i32
        %dma_start3A_125 = tpu.memref_slice %arg10[%run_scoped3A_103, %dma_start3A_123, %dma_start3A_124] : memref<2x96x128xf32, #tpu.memory_space<vmem>> -> memref<1x96x128xf32, #tpu.memory_space<vmem>>
        %dma_start3A_126 = tpu.memref_squeeze %dma_start3A_125 : memref<1x96x128xf32, #tpu.memory_space<vmem>> -> memref<96x128xf32, #tpu.memory_space<vmem>>
        %dma_start3A_127 = arith.constant 9888 : i32
        %dma_start3A_128 = tpu.memref_slice %arg9[%dma_start3A_127] : memref<10000xi32, #tpu.memory_space<vmem>> -> memref<96xi32, #tpu.memory_space<vmem>>
        %dma_start3A_129 = arith.constant 0 : i32
        %dma_start3A_130 = arith.constant 0 : i32
        %dma_start3A_131 = tpu.memref_slice %arg7[%dma_start3A_129, %dma_start3A_130] : memref<10240x128xf32, #tpu.memory_space<vmem_shared>> -> memref<10240x128xf32, #tpu.memory_space<vmem_shared>>
        tpu.enqueue_indirect_dma source(%dma_start3A_126 : memref<96x128xf32, #tpu.memory_space<vmem>>) target(%dma_start3A_131 : memref<10240x128xf32, #tpu.memory_space<vmem_shared>>) offsets(%dma_start3A_128 : memref<96xi32, #tpu.memory_space<vmem>>) semaphore(%run_scoped3A_122 : memref<!tpu.dma_semaphore, #tpu.memory_space<semaphore_mem>>) {add = true}
        %dma_wait3A_132 = arith.constant 0 : i32
        %dma_wait3A_133 = arith.constant 0 : i32
        %dma_wait3A_134 = tpu.memref_slice %arg10[%run_scoped3A_103, %dma_wait3A_132, %dma_wait3A_133] : memref<2x96x128xf32, #tpu.memory_space<vmem>> -> memref<1x96x128xf32, #tpu.memory_space<vmem>>
        %dma_wait3A_135 = tpu.memref_squeeze %dma_wait3A_134 : memref<1x96x128xf32, #tpu.memory_space<vmem>> -> memref<96x128xf32, #tpu.memory_space<vmem>>
        %dma_wait3A_136 = arith.constant 9888 : i32
        %dma_wait3A_137 = tpu.memref_slice %arg9[%dma_wait3A_136] : memref<10000xi32, #tpu.memory_space<vmem>> -> memref<96xi32, #tpu.memory_space<vmem>>
        %dma_wait3A_138 = arith.constant 0 : i32
        %dma_wait3A_139 = arith.constant 0 : i32
        %dma_wait3A_140 = tpu.memref_slice %arg7[%dma_wait3A_138, %dma_wait3A_139] : memref<10240x128xf32, #tpu.memory_space<vmem_shared>> -> memref<10240x128xf32, #tpu.memory_space<vmem_shared>>
        tpu.wait_indirect_dma semaphore(%run_scoped3A_122 : memref<!tpu.dma_semaphore, #tpu.memory_space<semaphore_mem>>) src(%dma_wait3A_135 : memref<96x128xf32, #tpu.memory_space<vmem>>) dst(%dma_wait3A_140 : memref<10240x128xf32, #tpu.memory_space<vmem_shared>>)
        tpu.yield
      }) : () -> ()
      %dma_wait3A_104 = arith.constant 0 : i32
      %dma_wait3A_105 = arith.constant 0 : i32
      %dma_wait3A_106 = arith.constant 0 : i32
      %dma_wait3A_107 = tpu.memref_slice %arg10[%dma_wait3A_104, %dma_wait3A_105, %dma_wait3A_106] : memref<2x96x128xf32, #tpu.memory_space<vmem>> -> memref<1x16x128xf32, #tpu.memory_space<vmem>>
      %dma_wait3A_108 = tpu.memref_squeeze %dma_wait3A_107 : memref<1x16x128xf32, #tpu.memory_space<vmem>> -> memref<16x128xf32, #tpu.memory_space<vmem>>
      %dma_wait3A_109 = arith.constant 0 : i32
      %dma_wait3A_110 = arith.constant 0 : i32
      %dma_wait3A_111 = tpu.memref_slice %arg2[%dma_wait3A_109, %dma_wait3A_110] : memref<10000x128xf32, #tpu.memory_space<hbm>> -> memref<16x128xf32, #tpu.memory_space<hbm>>
      %dma_wait3A_112 = arith.constant 0 : i32
      %dma_wait3A_113 = arith.constant 0 : i32
      %dma_wait3A_114 = tpu.memref_slice %arg10[%dma_wait3A_104, %dma_wait3A_112, %dma_wait3A_113] : memref<2x96x128xf32, #tpu.memory_space<vmem>> -> memref<1x16x128xf32, #tpu.memory_space<vmem>>
      %dma_wait3A_115 = tpu.memref_squeeze %dma_wait3A_114 : memref<1x16x128xf32, #tpu.memory_space<vmem>> -> memref<16x128xf32, #tpu.memory_space<vmem>>
      %dma_wait3A_116 = arith.constant 0 : i32
      %dma_wait3A_117 = arith.constant 0 : i32
      %dma_wait3A_118 = tpu.memref_slice %arg2[%dma_wait3A_116, %dma_wait3A_117] : memref<10000x128xf32, #tpu.memory_space<hbm>> -> memref<16x128xf32, #tpu.memory_space<hbm>>
      tpu.wait_dma2 semaphore(%arg11 : memref<!tpu.dma_semaphore, #tpu.memory_space<semaphore_mem>>) src(%dma_wait3A_118 : memref<16x128xf32, #tpu.memory_space<hbm>>) dst(%dma_wait3A_115 : memref<16x128xf32, #tpu.memory_space<vmem>>)
      %run_scoped3A_119 = arith.constant 0 : i32
      "tpu.region"() ({
        %run_scoped3A_122 = tpu.sem_alloc : memref<!tpu.dma_semaphore, #tpu.memory_space<semaphore_mem>>
        %dma_start3A_123 = arith.constant 0 : i32
        %dma_start3A_124 = arith.constant 0 : i32
        %dma_start3A_125 = tpu.memref_slice %arg10[%run_scoped3A_119, %dma_start3A_123, %dma_start3A_124] : memref<2x96x128xf32, #tpu.memory_space<vmem>> -> memref<1x16x128xf32, #tpu.memory_space<vmem>>
        %dma_start3A_126 = tpu.memref_squeeze %dma_start3A_125 : memref<1x16x128xf32, #tpu.memory_space<vmem>> -> memref<16x128xf32, #tpu.memory_space<vmem>>
        %dma_start3A_127 = arith.constant 9984 : i32
        %dma_start3A_128 = tpu.memref_slice %arg9[%dma_start3A_127] : memref<10000xi32, #tpu.memory_space<vmem>> -> memref<16xi32, #tpu.memory_space<vmem>>
        %dma_start3A_129 = arith.constant 0 : i32
        %dma_start3A_130 = arith.constant 0 : i32
        %dma_start3A_131 = tpu.memref_slice %arg7[%dma_start3A_129, %dma_start3A_130] : memref<10240x128xf32, #tpu.memory_space<vmem_shared>> -> memref<10240x128xf32, #tpu.memory_space<vmem_shared>>
        tpu.enqueue_indirect_dma source(%dma_start3A_126 : memref<16x128xf32, #tpu.memory_space<vmem>>) target(%dma_start3A_131 : memref<10240x128xf32, #tpu.memory_space<vmem_shared>>) offsets(%dma_start3A_128 : memref<16xi32, #tpu.memory_space<vmem>>) semaphore(%run_scoped3A_122 : memref<!tpu.dma_semaphore, #tpu.memory_space<semaphore_mem>>) {add = true}
        %dma_wait3A_132 = arith.constant 0 : i32
        %dma_wait3A_133 = arith.constant 0 : i32
        %dma_wait3A_134 = tpu.memref_slice %arg10[%run_scoped3A_119, %dma_wait3A_132, %dma_wait3A_133] : memref<2x96x128xf32, #tpu.memory_space<vmem>> -> memref<1x16x128xf32, #tpu.memory_space<vmem>>
        %dma_wait3A_135 = tpu.memref_squeeze %dma_wait3A_134 : memref<1x16x128xf32, #tpu.memory_space<vmem>> -> memref<16x128xf32, #tpu.memory_space<vmem>>
        %dma_wait3A_136 = arith.constant 9984 : i32
        %dma_wait3A_137 = tpu.memref_slice %arg9[%dma_wait3A_136] : memref<10000xi32, #tpu.memory_space<vmem>> -> memref<16xi32, #tpu.memory_space<vmem>>
        %dma_wait3A_138 = arith.constant 0 : i32
        %dma_wait3A_139 = arith.constant 0 : i32
        %dma_wait3A_140 = tpu.memref_slice %arg7[%dma_wait3A_138, %dma_wait3A_139] : memref<10240x128xf32, #tpu.memory_space<vmem_shared>> -> memref<10240x128xf32, #tpu.memory_space<vmem_shared>>
        tpu.wait_indirect_dma semaphore(%run_scoped3A_122 : memref<!tpu.dma_semaphore, #tpu.memory_space<semaphore_mem>>) src(%dma_wait3A_135 : memref<16x128xf32, #tpu.memory_space<vmem>>) dst(%dma_wait3A_140 : memref<10240x128xf32, #tpu.memory_space<vmem_shared>>)
        tpu.yield
      }) : () -> ()
      %barrier3A_120 = arith.constant 0 : index
      tpu.barrier barrier_id(%barrier3A_120)
      %run_scoped3A_121 = arith.constant 0 : i32
      "tpu.region"() ({
        %run_scoped3A_122 = tpu.sem_alloc : memref<!tpu.dma_semaphore, #tpu.memory_space<semaphore_mem>>
        %dma_start3A_123 = arith.constant 0 : i32
        %dma_start3A_124 = tpu.memref_slice %arg6[%run_scoped3A_121, %mul3A_0, %dma_start3A_123] : memref<2x10240x128xf32, #tpu.memory_space<hbm>> -> memref<1x640x128xf32, #tpu.memory_space<hbm>>
        %dma_start3A_125 = tpu.memref_squeeze %dma_start3A_124 : memref<1x640x128xf32, #tpu.memory_space<hbm>> -> memref<640x128xf32, #tpu.memory_space<hbm>>
        %dma_start3A_126 = arith.constant 0 : i32
        %dma_start3A_127 = tpu.memref_slice %arg7[%mul3A_0, %dma_start3A_126] : memref<10240x128xf32, #tpu.memory_space<vmem_shared>> -> memref<640x128xf32, #tpu.memory_space<vmem_shared>>
        tpu.enqueue_dma source(%dma_start3A_127 : memref<640x128xf32, #tpu.memory_space<vmem_shared>>) target(%dma_start3A_125 : memref<640x128xf32, #tpu.memory_space<hbm>>) target_semaphore(%run_scoped3A_122 : memref<!tpu.dma_semaphore, #tpu.memory_space<semaphore_mem>>)
        %dma_wait3A_128 = arith.constant 0 : i32
        %dma_wait3A_129 = tpu.memref_slice %arg6[%run_scoped3A_121, %mul3A_0, %dma_wait3A_128] : memref<2x10240x128xf32, #tpu.memory_space<hbm>> -> memref<1x640x128xf32, #tpu.memory_space<hbm>>
        %dma_wait3A_130 = tpu.memref_squeeze %dma_wait3A_129 : memref<1x640x128xf32, #tpu.memory_space<hbm>> -> memref<640x128xf32, #tpu.memory_space<hbm>>
        %dma_wait3A_131 = arith.constant 0 : i32
        %dma_wait3A_132 = tpu.memref_slice %arg7[%mul3A_0, %dma_wait3A_131] : memref<10240x128xf32, #tpu.memory_space<vmem_shared>> -> memref<640x128xf32, #tpu.memory_space<vmem_shared>>
        tpu.wait_dma2 semaphore(%run_scoped3A_122 : memref<!tpu.dma_semaphore, #tpu.memory_space<semaphore_mem>>) src(%dma_wait3A_132 : memref<640x128xf32, #tpu.memory_space<vmem_shared>>) dst(%dma_wait3A_130 : memref<640x128xf32, #tpu.memory_space<hbm>>)
        tpu.yield
      }) : () -> ()
    } else {
    }
    %eq3A_3 = arith.constant 1 : i32
    %eq3A_4 = arith.cmpi eq, %arg0, %eq3A_3 : i32
    %convert_element_type3A_5 = arith.extui %eq3A_4 : i1 to i32
    %cond3A_6 = arith.constant 0 : i32
    %cond3A_7 = arith.cmpi ne, %convert_element_type3A_5, %cond3A_6 : i32
    scf.if %cond3A_7 {
      %broadcast_in_dim3A = arith.constant 0.000000e+00 : f32
      %broadcast_in_dim3A_8 = vector.broadcast %broadcast_in_dim3A : f32 to vector<16xf32>
      %scan3A = arith.constant 0 : i32
      %scan3A_9 = arith.constant 0 : i32
      %scan3A_10 = arith.constant 96 : i32
      %scan3A_11 = arith.addi %scan3A_9, %scan3A_10 : i32
      %scan3A_12 = arith.constant 1 : i32
      scf.for %scan3A_122 = %scan3A_9 to %scan3A_11 step %scan3A_12  : i32 {
        %swap3A = arith.constant 0 : i32
        %swap3A_123 = arith.index_cast %swap3A : i32 to index
        %swap3A_124 = arith.index_cast %scan3A_122 : i32 to index
        %swap3A_125 = arith.constant 0 : index
        %swap3A_126 = tpu.vector_load %arg10[%swap3A_123, %swap3A_124, %swap3A_125] {strides = array<i32>} : memref<2x96x128xf32, #tpu.memory_space<vmem>>, vector<1x1x16xf32>,
        %swap3A_127 = vector.shape_cast %swap3A_126 : vector<1x1x16xf32> to vector<16xf32>
        %swap3A_128 = vector.shape_cast %broadcast_in_dim3A_8 : vector<16xf32> to vector<1x1x16xf32>
        tpu.vector_store %arg10[%swap3A_123, %swap3A_124, %swap3A_125], %swap3A_128 {strides = array<i32>} : memref<2x96x128xf32, #tpu.memory_space<vmem>>, vector<1x1x16xf32>,
        %swap3A_129 = arith.constant 0 : i32
        %swap3A_130 = arith.index_cast %swap3A_129 : i32 to index
        %swap3A_131 = arith.index_cast %scan3A_122 : i32 to index
        %swap3A_132 = arith.constant 16 : index
        %swap3A_133 = tpu.vector_load %arg10[%swap3A_130, %swap3A_131, %swap3A_132] {strides = array<i32>} : memref<2x96x128xf32, #tpu.memory_space<vmem>>, vector<1x1x16xf32>,
        %swap3A_134 = vector.shape_cast %swap3A_133 : vector<1x1x16xf32> to vector<16xf32>
        %swap3A_135 = vector.shape_cast %broadcast_in_dim3A_8 : vector<16xf32> to vector<1x1x16xf32>
        tpu.vector_store %arg10[%swap3A_130, %swap3A_131, %swap3A_132], %swap3A_135 {strides = array<i32>} : memref<2x96x128xf32, #tpu.memory_space<vmem>>, vector<1x1x16xf32>,
        %swap3A_136 = arith.constant 0 : i32
        %swap3A_137 = arith.index_cast %swap3A_136 : i32 to index
        %swap3A_138 = arith.index_cast %scan3A_122 : i32 to index
        %swap3A_139 = arith.constant 32 : index
        %swap3A_140 = tpu.vector_load %arg10[%swap3A_137, %swap3A_138, %swap3A_139] {strides = array<i32>} : memref<2x96x128xf32, #tpu.memory_space<vmem>>, vector<1x1x16xf32>,
        %swap3A_141 = vector.shape_cast %swap3A_140 : vector<1x1x16xf32> to vector<16xf32>
        %swap3A_142 = vector.shape_cast %broadcast_in_dim3A_8 : vector<16xf32> to vector<1x1x16xf32>
        tpu.vector_store %arg10[%swap3A_137, %swap3A_138, %swap3A_139], %swap3A_142 {strides = array<i32>} : memref<2x96x128xf32, #tpu.memory_space<vmem>>, vector<1x1x16xf32>,
        %swap3A_143 = arith.constant 0 : i32
        %swap3A_144 = arith.index_cast %swap3A_143 : i32 to index
        %swap3A_145 = arith.index_cast %scan3A_122 : i32 to index
        %swap3A_146 = arith.constant 48 : index
        %swap3A_147 = tpu.vector_load %arg10[%swap3A_144, %swap3A_145, %swap3A_146] {strides = array<i32>} : memref<2x96x128xf32, #tpu.memory_space<vmem>>, vector<1x1x16xf32>,
        %swap3A_148 = vector.shape_cast %swap3A_147 : vector<1x1x16xf32> to vector<16xf32>
        %swap3A_149 = vector.shape_cast %broadcast_in_dim3A_8 : vector<16xf32> to vector<1x1x16xf32>
        tpu.vector_store %arg10[%swap3A_144, %swap3A_145, %swap3A_146], %swap3A_149 {strides = array<i32>} : memref<2x96x128xf32, #tpu.memory_space<vmem>>, vector<1x1x16xf32>,
        %swap3A_150 = arith.constant 0 : i32
        %swap3A_151 = arith.index_cast %swap3A_150 : i32 to index
        %swap3A_152 = arith.index_cast %scan3A_122 : i32 to index
        %swap3A_153 = arith.constant 64 : index
        %swap3A_154 = tpu.vector_load %arg10[%swap3A_151, %swap3A_152, %swap3A_153] {strides = array<i32>} : memref<2x96x128xf32, #tpu.memory_space<vmem>>, vector<1x1x16xf32>,
        %swap3A_155 = vector.shape_cast %swap3A_154 : vector<1x1x16xf32> to vector<16xf32>
        %swap3A_156 = vector.shape_cast %broadcast_in_dim3A_8 : vector<16xf32> to vector<1x1x16xf32>
        tpu.vector_store %arg10[%swap3A_151, %swap3A_152, %swap3A_153], %swap3A_156 {strides = array<i32>} : memref<2x96x128xf32, #tpu.memory_space<vmem>>, vector<1x1x16xf32>,
        %swap3A_157 = arith.constant 0 : i32
        %swap3A_158 = arith.index_cast %swap3A_157 : i32 to index
        %swap3A_159 = arith.index_cast %scan3A_122 : i32 to index
        %swap3A_160 = arith.constant 80 : index
        %swap3A_161 = tpu.vector_load %arg10[%swap3A_158, %swap3A_159, %swap3A_160] {strides = array<i32>} : memref<2x96x128xf32, #tpu.memory_space<vmem>>, vector<1x1x16xf32>,
        %swap3A_162 = vector.shape_cast %swap3A_161 : vector<1x1x16xf32> to vector<16xf32>
        %swap3A_163 = vector.shape_cast %broadcast_in_dim3A_8 : vector<16xf32> to vector<1x1x16xf32>
        tpu.vector_store %arg10[%swap3A_158, %swap3A_159, %swap3A_160], %swap3A_163 {strides = array<i32>} : memref<2x96x128xf32, #tpu.memory_space<vmem>>, vector<1x1x16xf32>,
        %swap3A_164 = arith.constant 0 : i32
        %swap3A_165 = arith.index_cast %swap3A_164 : i32 to index
        %swap3A_166 = arith.index_cast %scan3A_122 : i32 to index
        %swap3A_167 = arith.constant 96 : index
        %swap3A_168 = tpu.vector_load %arg10[%swap3A_165, %swap3A_166, %swap3A_167] {strides = array<i32>} : memref<2x96x128xf32, #tpu.memory_space<vmem>>, vector<1x1x16xf32>,
        %swap3A_169 = vector.shape_cast %swap3A_168 : vector<1x1x16xf32> to vector<16xf32>
        %swap3A_170 = vector.shape_cast %broadcast_in_dim3A_8 : vector<16xf32> to vector<1x1x16xf32>
        tpu.vector_store %arg10[%swap3A_165, %swap3A_166, %swap3A_167], %swap3A_170 {strides = array<i32>} : memref<2x96x128xf32, #tpu.memory_space<vmem>>, vector<1x1x16xf32>,
        %swap3A_171 = arith.constant 0 : i32
        %swap3A_172 = arith.index_cast %swap3A_171 : i32 to index
        %swap3A_173 = arith.index_cast %scan3A_122 : i32 to index
        %swap3A_174 = arith.constant 112 : index
        %swap3A_175 = tpu.vector_load %arg10[%swap3A_172, %swap3A_173, %swap3A_174] {strides = array<i32>} : memref<2x96x128xf32, #tpu.memory_space<vmem>>, vector<1x1x16xf32>,
        %swap3A_176 = vector.shape_cast %swap3A_175 : vector<1x1x16xf32> to vector<16xf32>
        %swap3A_177 = vector.shape_cast %broadcast_in_dim3A_8 : vector<16xf32> to vector<1x1x16xf32>
        tpu.vector_store %arg10[%swap3A_172, %swap3A_173, %swap3A_174], %swap3A_177 {strides = array<i32>} : memref<2x96x128xf32, #tpu.memory_space<vmem>>, vector<1x1x16xf32>,
      }
      %scan3A_13 = arith.constant 96 : i32
      %add3A = arith.constant 0 : i32
      %add3A_14 = arith.addi %mul3A_0, %add3A : i32
      %run_scoped3A = arith.constant 0 : i32
      "tpu.region"() ({
        %run_scoped3A_122 = tpu.sem_alloc : memref<!tpu.dma_semaphore, #tpu.memory_space<semaphore_mem>>
        %dma_start3A_123 = arith.constant 0 : i32
        %dma_start3A_124 = arith.constant 0 : i32
        %dma_start3A_125 = tpu.memref_slice %arg10[%run_scoped3A, %dma_start3A_123, %dma_start3A_124] : memref<2x96x128xf32, #tpu.memory_space<vmem>> -> memref<1x96x128xf32, #tpu.memory_space<vmem>>
        %dma_start3A_126 = tpu.memref_squeeze %dma_start3A_125 : memref<1x96x128xf32, #tpu.memory_space<vmem>> -> memref<96x128xf32, #tpu.memory_space<vmem>>
        %dma_start3A_127 = arith.constant 0 : i32
        %dma_start3A_128 = tpu.memref_slice %arg7[%add3A_14, %dma_start3A_127] : memref<10240x128xf32, #tpu.memory_space<vmem_shared>> -> memref<96x128xf32, #tpu.memory_space<vmem_shared>>
        %dma_start3A_129 = arith.constant 0 : i32
        %dma_start3A_130 = tpu.memref_slice %arg7[%add3A_14, %dma_start3A_129] : memref<10240x128xf32, #tpu.memory_space<vmem_shared>> -> memref<96x128xf32, #tpu.memory_space<vmem_shared>>
        %dma_start3A_131 = arith.constant 0 : i32
        %dma_start3A_132 = arith.constant 0 : i32
        %dma_start3A_133 = tpu.memref_slice %arg10[%run_scoped3A, %dma_start3A_131, %dma_start3A_132] : memref<2x96x128xf32, #tpu.memory_space<vmem>> -> memref<1x96x128xf32, #tpu.memory_space<vmem>>
        %dma_start3A_134 = tpu.memref_squeeze %dma_start3A_133 : memref<1x96x128xf32, #tpu.memory_space<vmem>> -> memref<96x128xf32, #tpu.memory_space<vmem>>
        tpu.enqueue_dma source(%dma_start3A_134 : memref<96x128xf32, #tpu.memory_space<vmem>>) target(%dma_start3A_130 : memref<96x128xf32, #tpu.memory_space<vmem_shared>>) target_semaphore(%run_scoped3A_122 : memref<!tpu.dma_semaphore, #tpu.memory_space<semaphore_mem>>)
        %dma_wait3A_135 = arith.constant 0 : i32
        %dma_wait3A_136 = arith.constant 0 : i32
        %dma_wait3A_137 = tpu.memref_slice %arg10[%run_scoped3A, %dma_wait3A_135, %dma_wait3A_136] : memref<2x96x128xf32, #tpu.memory_space<vmem>> -> memref<1x96x128xf32, #tpu.memory_space<vmem>>
        %dma_wait3A_138 = tpu.memref_squeeze %dma_wait3A_137 : memref<1x96x128xf32, #tpu.memory_space<vmem>> -> memref<96x128xf32, #tpu.memory_space<vmem>>
        %dma_wait3A_139 = arith.constant 0 : i32
        %dma_wait3A_140 = tpu.memref_slice %arg7[%add3A_14, %dma_wait3A_139] : memref<10240x128xf32, #tpu.memory_space<vmem_shared>> -> memref<96x128xf32, #tpu.memory_space<vmem_shared>>
        %dma_wait3A_141 = arith.constant 0 : i32
        %dma_wait3A_142 = tpu.memref_slice %arg7[%add3A_14, %dma_wait3A_141] : memref<10240x128xf32, #tpu.memory_space<vmem_shared>> -> memref<96x128xf32, #tpu.memory_space<vmem_shared>>
        %dma_wait3A_143 = arith.constant 0 : i32
        %dma_wait3A_144 = arith.constant 0 : i32
        %dma_wait3A_145 = tpu.memref_slice %arg10[%run_scoped3A, %dma_wait3A_143, %dma_wait3A_144] : memref<2x96x128xf32, #tpu.memory_space<vmem>> -> memref<1x96x128xf32, #tpu.memory_space<vmem>>
        %dma_wait3A_146 = tpu.memref_squeeze %dma_wait3A_145 : memref<1x96x128xf32, #tpu.memory_space<vmem>> -> memref<96x128xf32, #tpu.memory_space<vmem>>
        tpu.wait_dma2 semaphore(%run_scoped3A_122 : memref<!tpu.dma_semaphore, #tpu.memory_space<semaphore_mem>>) src(%dma_wait3A_146 : memref<96x128xf32, #tpu.memory_space<vmem>>) dst(%dma_wait3A_142 : memref<96x128xf32, #tpu.memory_space<vmem_shared>>)
        tpu.yield
      }) : () -> ()
      %add3A_15 = arith.constant 96 : i32
      %add3A_16 = arith.addi %mul3A_0, %add3A_15 : i32
      %run_scoped3A_17 = arith.constant 0 : i32
      "tpu.region"() ({
        %run_scoped3A_122 = tpu.sem_alloc : memref<!tpu.dma_semaphore, #tpu.memory_space<semaphore_mem>>
        %dma_start3A_123 = arith.constant 0 : i32
        %dma_start3A_124 = arith.constant 0 : i32
        %dma_start3A_125 = tpu.memref_slice %arg10[%run_scoped3A_17, %dma_start3A_123, %dma_start3A_124] : memref<2x96x128xf32, #tpu.memory_space<vmem>> -> memref<1x96x128xf32, #tpu.memory_space<vmem>>
        %dma_start3A_126 = tpu.memref_squeeze %dma_start3A_125 : memref<1x96x128xf32, #tpu.memory_space<vmem>> -> memref<96x128xf32, #tpu.memory_space<vmem>>
        %dma_start3A_127 = arith.constant 0 : i32
        %dma_start3A_128 = tpu.memref_slice %arg7[%add3A_16, %dma_start3A_127] : memref<10240x128xf32, #tpu.memory_space<vmem_shared>> -> memref<96x128xf32, #tpu.memory_space<vmem_shared>>
        %dma_start3A_129 = arith.constant 0 : i32
        %dma_start3A_130 = tpu.memref_slice %arg7[%add3A_16, %dma_start3A_129] : memref<10240x128xf32, #tpu.memory_space<vmem_shared>> -> memref<96x128xf32, #tpu.memory_space<vmem_shared>>
        %dma_start3A_131 = arith.constant 0 : i32
        %dma_start3A_132 = arith.constant 0 : i32
        %dma_start3A_133 = tpu.memref_slice %arg10[%run_scoped3A_17, %dma_start3A_131, %dma_start3A_132] : memref<2x96x128xf32, #tpu.memory_space<vmem>> -> memref<1x96x128xf32, #tpu.memory_space<vmem>>
        %dma_start3A_134 = tpu.memref_squeeze %dma_start3A_133 : memref<1x96x128xf32, #tpu.memory_space<vmem>> -> memref<96x128xf32, #tpu.memory_space<vmem>>
        tpu.enqueue_dma source(%dma_start3A_134 : memref<96x128xf32, #tpu.memory_space<vmem>>) target(%dma_start3A_130 : memref<96x128xf32, #tpu.memory_space<vmem_shared>>) target_semaphore(%run_scoped3A_122 : memref<!tpu.dma_semaphore, #tpu.memory_space<semaphore_mem>>)
        %dma_wait3A_135 = arith.constant 0 : i32
        %dma_wait3A_136 = arith.constant 0 : i32
        %dma_wait3A_137 = tpu.memref_slice %arg10[%run_scoped3A_17, %dma_wait3A_135, %dma_wait3A_136] : memref<2x96x128xf32, #tpu.memory_space<vmem>> -> memref<1x96x128xf32, #tpu.memory_space<vmem>>
        %dma_wait3A_138 = tpu.memref_squeeze %dma_wait3A_137 : memref<1x96x128xf32, #tpu.memory_space<vmem>> -> memref<96x128xf32, #tpu.memory_space<vmem>>
        %dma_wait3A_139 = arith.constant 0 : i32
        %dma_wait3A_140 = tpu.memref_slice %arg7[%add3A_16, %dma_wait3A_139] : memref<10240x128xf32, #tpu.memory_space<vmem_shared>> -> memref<96x128xf32, #tpu.memory_space<vmem_shared>>
        %dma_wait3A_141 = arith.constant 0 : i32
        %dma_wait3A_142 = tpu.memref_slice %arg7[%add3A_16, %dma_wait3A_141] : memref<10240x128xf32, #tpu.memory_space<vmem_shared>> -> memref<96x128xf32, #tpu.memory_space<vmem_shared>>
        %dma_wait3A_143 = arith.constant 0 : i32
        %dma_wait3A_144 = arith.constant 0 : i32
        %dma_wait3A_145 = tpu.memref_slice %arg10[%run_scoped3A_17, %dma_wait3A_143, %dma_wait3A_144] : memref<2x96x128xf32, #tpu.memory_space<vmem>> -> memref<1x96x128xf32, #tpu.memory_space<vmem>>
        %dma_wait3A_146 = tpu.memref_squeeze %dma_wait3A_145 : memref<1x96x128xf32, #tpu.memory_space<vmem>> -> memref<96x128xf32, #tpu.memory_space<vmem>>
        tpu.wait_dma2 semaphore(%run_scoped3A_122 : memref<!tpu.dma_semaphore, #tpu.memory_space<semaphore_mem>>) src(%dma_wait3A_146 : memref<96x128xf32, #tpu.memory_space<vmem>>) dst(%dma_wait3A_142 : memref<96x128xf32, #tpu.memory_space<vmem_shared>>)
        tpu.yield
      }) : () -> ()
      %add3A_18 = arith.constant 192 : i32
      %add3A_19 = arith.addi %mul3A_0, %add3A_18 : i32
      %run_scoped3A_20 = arith.constant 0 : i32
      "tpu.region"() ({
        %run_scoped3A_122 = tpu.sem_alloc : memref<!tpu.dma_semaphore, #tpu.memory_space<semaphore_mem>>
        %dma_start3A_123 = arith.constant 0 : i32
        %dma_start3A_124 = arith.constant 0 : i32
        %dma_start3A_125 = tpu.memref_slice %arg10[%run_scoped3A_20, %dma_start3A_123, %dma_start3A_124] : memref<2x96x128xf32, #tpu.memory_space<vmem>> -> memref<1x96x128xf32, #tpu.memory_space<vmem>>
        %dma_start3A_126 = tpu.memref_squeeze %dma_start3A_125 : memref<1x96x128xf32, #tpu.memory_space<vmem>> -> memref<96x128xf32, #tpu.memory_space<vmem>>
        %dma_start3A_127 = arith.constant 0 : i32
        %dma_start3A_128 = tpu.memref_slice %arg7[%add3A_19, %dma_start3A_127] : memref<10240x128xf32, #tpu.memory_space<vmem_shared>> -> memref<96x128xf32, #tpu.memory_space<vmem_shared>>
        %dma_start3A_129 = arith.constant 0 : i32
        %dma_start3A_130 = tpu.memref_slice %arg7[%add3A_19, %dma_start3A_129] : memref<10240x128xf32, #tpu.memory_space<vmem_shared>> -> memref<96x128xf32, #tpu.memory_space<vmem_shared>>
        %dma_start3A_131 = arith.constant 0 : i32
        %dma_start3A_132 = arith.constant 0 : i32
        %dma_start3A_133 = tpu.memref_slice %arg10[%run_scoped3A_20, %dma_start3A_131, %dma_start3A_132] : memref<2x96x128xf32, #tpu.memory_space<vmem>> -> memref<1x96x128xf32, #tpu.memory_space<vmem>>
        %dma_start3A_134 = tpu.memref_squeeze %dma_start3A_133 : memref<1x96x128xf32, #tpu.memory_space<vmem>> -> memref<96x128xf32, #tpu.memory_space<vmem>>
        tpu.enqueue_dma source(%dma_start3A_134 : memref<96x128xf32, #tpu.memory_space<vmem>>) target(%dma_start3A_130 : memref<96x128xf32, #tpu.memory_space<vmem_shared>>) target_semaphore(%run_scoped3A_122 : memref<!tpu.dma_semaphore, #tpu.memory_space<semaphore_mem>>)
        %dma_wait3A_135 = arith.constant 0 : i32
        %dma_wait3A_136 = arith.constant 0 : i32
        %dma_wait3A_137 = tpu.memref_slice %arg10[%run_scoped3A_20, %dma_wait3A_135, %dma_wait3A_136] : memref<2x96x128xf32, #tpu.memory_space<vmem>> -> memref<1x96x128xf32, #tpu.memory_space<vmem>>
        %dma_wait3A_138 = tpu.memref_squeeze %dma_wait3A_137 : memref<1x96x128xf32, #tpu.memory_space<vmem>> -> memref<96x128xf32, #tpu.memory_space<vmem>>
        %dma_wait3A_139 = arith.constant 0 : i32
        %dma_wait3A_140 = tpu.memref_slice %arg7[%add3A_19, %dma_wait3A_139] : memref<10240x128xf32, #tpu.memory_space<vmem_shared>> -> memref<96x128xf32, #tpu.memory_space<vmem_shared>>
        %dma_wait3A_141 = arith.constant 0 : i32
        %dma_wait3A_142 = tpu.memref_slice %arg7[%add3A_19, %dma_wait3A_141] : memref<10240x128xf32, #tpu.memory_space<vmem_shared>> -> memref<96x128xf32, #tpu.memory_space<vmem_shared>>
        %dma_wait3A_143 = arith.constant 0 : i32
        %dma_wait3A_144 = arith.constant 0 : i32
        %dma_wait3A_145 = tpu.memref_slice %arg10[%run_scoped3A_20, %dma_wait3A_143, %dma_wait3A_144] : memref<2x96x128xf32, #tpu.memory_space<vmem>> -> memref<1x96x128xf32, #tpu.memory_space<vmem>>
        %dma_wait3A_146 = tpu.memref_squeeze %dma_wait3A_145 : memref<1x96x128xf32, #tpu.memory_space<vmem>> -> memref<96x128xf32, #tpu.memory_space<vmem>>
        tpu.wait_dma2 semaphore(%run_scoped3A_122 : memref<!tpu.dma_semaphore, #tpu.memory_space<semaphore_mem>>) src(%dma_wait3A_146 : memref<96x128xf32, #tpu.memory_space<vmem>>) dst(%dma_wait3A_142 : memref<96x128xf32, #tpu.memory_space<vmem_shared>>)
        tpu.yield
      }) : () -> ()
      %add3A_21 = arith.constant 288 : i32
      %add3A_22 = arith.addi %mul3A_0, %add3A_21 : i32
      %run_scoped3A_23 = arith.constant 0 : i32
      "tpu.region"() ({
        %run_scoped3A_122 = tpu.sem_alloc : memref<!tpu.dma_semaphore, #tpu.memory_space<semaphore_mem>>
        %dma_start3A_123 = arith.constant 0 : i32
        %dma_start3A_124 = arith.constant 0 : i32
        %dma_start3A_125 = tpu.memref_slice %arg10[%run_scoped3A_23, %dma_start3A_123, %dma_start3A_124] : memref<2x96x128xf32, #tpu.memory_space<vmem>> -> memref<1x96x128xf32, #tpu.memory_space<vmem>>
        %dma_start3A_126 = tpu.memref_squeeze %dma_start3A_125 : memref<1x96x128xf32, #tpu.memory_space<vmem>> -> memref<96x128xf32, #tpu.memory_space<vmem>>
        %dma_start3A_127 = arith.constant 0 : i32
        %dma_start3A_128 = tpu.memref_slice %arg7[%add3A_22, %dma_start3A_127] : memref<10240x128xf32, #tpu.memory_space<vmem_shared>> -> memref<96x128xf32, #tpu.memory_space<vmem_shared>>
        %dma_start3A_129 = arith.constant 0 : i32
        %dma_start3A_130 = tpu.memref_slice %arg7[%add3A_22, %dma_start3A_129] : memref<10240x128xf32, #tpu.memory_space<vmem_shared>> -> memref<96x128xf32, #tpu.memory_space<vmem_shared>>
        %dma_start3A_131 = arith.constant 0 : i32
        %dma_start3A_132 = arith.constant 0 : i32
        %dma_start3A_133 = tpu.memref_slice %arg10[%run_scoped3A_23, %dma_start3A_131, %dma_start3A_132] : memref<2x96x128xf32, #tpu.memory_space<vmem>> -> memref<1x96x128xf32, #tpu.memory_space<vmem>>
        %dma_start3A_134 = tpu.memref_squeeze %dma_start3A_133 : memref<1x96x128xf32, #tpu.memory_space<vmem>> -> memref<96x128xf32, #tpu.memory_space<vmem>>
        tpu.enqueue_dma source(%dma_start3A_134 : memref<96x128xf32, #tpu.memory_space<vmem>>) target(%dma_start3A_130 : memref<96x128xf32, #tpu.memory_space<vmem_shared>>) target_semaphore(%run_scoped3A_122 : memref<!tpu.dma_semaphore, #tpu.memory_space<semaphore_mem>>)
        %dma_wait3A_135 = arith.constant 0 : i32
        %dma_wait3A_136 = arith.constant 0 : i32
        %dma_wait3A_137 = tpu.memref_slice %arg10[%run_scoped3A_23, %dma_wait3A_135, %dma_wait3A_136] : memref<2x96x128xf32, #tpu.memory_space<vmem>> -> memref<1x96x128xf32, #tpu.memory_space<vmem>>
        %dma_wait3A_138 = tpu.memref_squeeze %dma_wait3A_137 : memref<1x96x128xf32, #tpu.memory_space<vmem>> -> memref<96x128xf32, #tpu.memory_space<vmem>>
        %dma_wait3A_139 = arith.constant 0 : i32
        %dma_wait3A_140 = tpu.memref_slice %arg7[%add3A_22, %dma_wait3A_139] : memref<10240x128xf32, #tpu.memory_space<vmem_shared>> -> memref<96x128xf32, #tpu.memory_space<vmem_shared>>
        %dma_wait3A_141 = arith.constant 0 : i32
        %dma_wait3A_142 = tpu.memref_slice %arg7[%add3A_22, %dma_wait3A_141] : memref<10240x128xf32, #tpu.memory_space<vmem_shared>> -> memref<96x128xf32, #tpu.memory_space<vmem_shared>>
        %dma_wait3A_143 = arith.constant 0 : i32
        %dma_wait3A_144 = arith.constant 0 : i32
        %dma_wait3A_145 = tpu.memref_slice %arg10[%run_scoped3A_23, %dma_wait3A_143, %dma_wait3A_144] : memref<2x96x128xf32, #tpu.memory_space<vmem>> -> memref<1x96x128xf32, #tpu.memory_space<vmem>>
        %dma_wait3A_146 = tpu.memref_squeeze %dma_wait3A_145 : memref<1x96x128xf32, #tpu.memory_space<vmem>> -> memref<96x128xf32, #tpu.memory_space<vmem>>
        tpu.wait_dma2 semaphore(%run_scoped3A_122 : memref<!tpu.dma_semaphore, #tpu.memory_space<semaphore_mem>>) src(%dma_wait3A_146 : memref<96x128xf32, #tpu.memory_space<vmem>>) dst(%dma_wait3A_142 : memref<96x128xf32, #tpu.memory_space<vmem_shared>>)
        tpu.yield
      }) : () -> ()
      %add3A_24 = arith.constant 384 : i32
      %add3A_25 = arith.addi %mul3A_0, %add3A_24 : i32
      %run_scoped3A_26 = arith.constant 0 : i32
      "tpu.region"() ({
        %run_scoped3A_122 = tpu.sem_alloc : memref<!tpu.dma_semaphore, #tpu.memory_space<semaphore_mem>>
        %dma_start3A_123 = arith.constant 0 : i32
        %dma_start3A_124 = arith.constant 0 : i32
        %dma_start3A_125 = tpu.memref_slice %arg10[%run_scoped3A_26, %dma_start3A_123, %dma_start3A_124] : memref<2x96x128xf32, #tpu.memory_space<vmem>> -> memref<1x96x128xf32, #tpu.memory_space<vmem>>
        %dma_start3A_126 = tpu.memref_squeeze %dma_start3A_125 : memref<1x96x128xf32, #tpu.memory_space<vmem>> -> memref<96x128xf32, #tpu.memory_space<vmem>>
        %dma_start3A_127 = arith.constant 0 : i32
        %dma_start3A_128 = tpu.memref_slice %arg7[%add3A_25, %dma_start3A_127] : memref<10240x128xf32, #tpu.memory_space<vmem_shared>> -> memref<96x128xf32, #tpu.memory_space<vmem_shared>>
        %dma_start3A_129 = arith.constant 0 : i32
        %dma_start3A_130 = tpu.memref_slice %arg7[%add3A_25, %dma_start3A_129] : memref<10240x128xf32, #tpu.memory_space<vmem_shared>> -> memref<96x128xf32, #tpu.memory_space<vmem_shared>>
        %dma_start3A_131 = arith.constant 0 : i32
        %dma_start3A_132 = arith.constant 0 : i32
        %dma_start3A_133 = tpu.memref_slice %arg10[%run_scoped3A_26, %dma_start3A_131, %dma_start3A_132] : memref<2x96x128xf32, #tpu.memory_space<vmem>> -> memref<1x96x128xf32, #tpu.memory_space<vmem>>
        %dma_start3A_134 = tpu.memref_squeeze %dma_start3A_133 : memref<1x96x128xf32, #tpu.memory_space<vmem>> -> memref<96x128xf32, #tpu.memory_space<vmem>>
        tpu.enqueue_dma source(%dma_start3A_134 : memref<96x128xf32, #tpu.memory_space<vmem>>) target(%dma_start3A_130 : memref<96x128xf32, #tpu.memory_space<vmem_shared>>) target_semaphore(%run_scoped3A_122 : memref<!tpu.dma_semaphore, #tpu.memory_space<semaphore_mem>>)
        %dma_wait3A_135 = arith.constant 0 : i32
        %dma_wait3A_136 = arith.constant 0 : i32
        %dma_wait3A_137 = tpu.memref_slice %arg10[%run_scoped3A_26, %dma_wait3A_135, %dma_wait3A_136] : memref<2x96x128xf32, #tpu.memory_space<vmem>> -> memref<1x96x128xf32, #tpu.memory_space<vmem>>
        %dma_wait3A_138 = tpu.memref_squeeze %dma_wait3A_137 : memref<1x96x128xf32, #tpu.memory_space<vmem>> -> memref<96x128xf32, #tpu.memory_space<vmem>>
        %dma_wait3A_139 = arith.constant 0 : i32
        %dma_wait3A_140 = tpu.memref_slice %arg7[%add3A_25, %dma_wait3A_139] : memref<10240x128xf32, #tpu.memory_space<vmem_shared>> -> memref<96x128xf32, #tpu.memory_space<vmem_shared>>
        %dma_wait3A_141 = arith.constant 0 : i32
        %dma_wait3A_142 = tpu.memref_slice %arg7[%add3A_25, %dma_wait3A_141] : memref<10240x128xf32, #tpu.memory_space<vmem_shared>> -> memref<96x128xf32, #tpu.memory_space<vmem_shared>>
        %dma_wait3A_143 = arith.constant 0 : i32
        %dma_wait3A_144 = arith.constant 0 : i32
        %dma_wait3A_145 = tpu.memref_slice %arg10[%run_scoped3A_26, %dma_wait3A_143, %dma_wait3A_144] : memref<2x96x128xf32, #tpu.memory_space<vmem>> -> memref<1x96x128xf32, #tpu.memory_space<vmem>>
        %dma_wait3A_146 = tpu.memref_squeeze %dma_wait3A_145 : memref<1x96x128xf32, #tpu.memory_space<vmem>> -> memref<96x128xf32, #tpu.memory_space<vmem>>
        tpu.wait_dma2 semaphore(%run_scoped3A_122 : memref<!tpu.dma_semaphore, #tpu.memory_space<semaphore_mem>>) src(%dma_wait3A_146 : memref<96x128xf32, #tpu.memory_space<vmem>>) dst(%dma_wait3A_142 : memref<96x128xf32, #tpu.memory_space<vmem_shared>>)
        tpu.yield
      }) : () -> ()
      %add3A_27 = arith.constant 480 : i32
      %add3A_28 = arith.addi %mul3A_0, %add3A_27 : i32
      %run_scoped3A_29 = arith.constant 0 : i32
      "tpu.region"() ({
        %run_scoped3A_122 = tpu.sem_alloc : memref<!tpu.dma_semaphore, #tpu.memory_space<semaphore_mem>>
        %dma_start3A_123 = arith.constant 0 : i32
        %dma_start3A_124 = arith.constant 0 : i32
        %dma_start3A_125 = tpu.memref_slice %arg10[%run_scoped3A_29, %dma_start3A_123, %dma_start3A_124] : memref<2x96x128xf32, #tpu.memory_space<vmem>> -> memref<1x96x128xf32, #tpu.memory_space<vmem>>
        %dma_start3A_126 = tpu.memref_squeeze %dma_start3A_125 : memref<1x96x128xf32, #tpu.memory_space<vmem>> -> memref<96x128xf32, #tpu.memory_space<vmem>>
        %dma_start3A_127 = arith.constant 0 : i32
        %dma_start3A_128 = tpu.memref_slice %arg7[%add3A_28, %dma_start3A_127] : memref<10240x128xf32, #tpu.memory_space<vmem_shared>> -> memref<96x128xf32, #tpu.memory_space<vmem_shared>>
        %dma_start3A_129 = arith.constant 0 : i32
        %dma_start3A_130 = tpu.memref_slice %arg7[%add3A_28, %dma_start3A_129] : memref<10240x128xf32, #tpu.memory_space<vmem_shared>> -> memref<96x128xf32, #tpu.memory_space<vmem_shared>>
        %dma_start3A_131 = arith.constant 0 : i32
        %dma_start3A_132 = arith.constant 0 : i32
        %dma_start3A_133 = tpu.memref_slice %arg10[%run_scoped3A_29, %dma_start3A_131, %dma_start3A_132] : memref<2x96x128xf32, #tpu.memory_space<vmem>> -> memref<1x96x128xf32, #tpu.memory_space<vmem>>
        %dma_start3A_134 = tpu.memref_squeeze %dma_start3A_133 : memref<1x96x128xf32, #tpu.memory_space<vmem>> -> memref<96x128xf32, #tpu.memory_space<vmem>>
        tpu.enqueue_dma source(%dma_start3A_134 : memref<96x128xf32, #tpu.memory_space<vmem>>) target(%dma_start3A_130 : memref<96x128xf32, #tpu.memory_space<vmem_shared>>) target_semaphore(%run_scoped3A_122 : memref<!tpu.dma_semaphore, #tpu.memory_space<semaphore_mem>>)
        %dma_wait3A_135 = arith.constant 0 : i32
        %dma_wait3A_136 = arith.constant 0 : i32
        %dma_wait3A_137 = tpu.memref_slice %arg10[%run_scoped3A_29, %dma_wait3A_135, %dma_wait3A_136] : memref<2x96x128xf32, #tpu.memory_space<vmem>> -> memref<1x96x128xf32, #tpu.memory_space<vmem>>
        %dma_wait3A_138 = tpu.memref_squeeze %dma_wait3A_137 : memref<1x96x128xf32, #tpu.memory_space<vmem>> -> memref<96x128xf32, #tpu.memory_space<vmem>>
        %dma_wait3A_139 = arith.constant 0 : i32
        %dma_wait3A_140 = tpu.memref_slice %arg7[%add3A_28, %dma_wait3A_139] : memref<10240x128xf32, #tpu.memory_space<vmem_shared>> -> memref<96x128xf32, #tpu.memory_space<vmem_shared>>
        %dma_wait3A_141 = arith.constant 0 : i32
        %dma_wait3A_142 = tpu.memref_slice %arg7[%add3A_28, %dma_wait3A_141] : memref<10240x128xf32, #tpu.memory_space<vmem_shared>> -> memref<96x128xf32, #tpu.memory_space<vmem_shared>>
        %dma_wait3A_143 = arith.constant 0 : i32
        %dma_wait3A_144 = arith.constant 0 : i32
        %dma_wait3A_145 = tpu.memref_slice %arg10[%run_scoped3A_29, %dma_wait3A_143, %dma_wait3A_144] : memref<2x96x128xf32, #tpu.memory_space<vmem>> -> memref<1x96x128xf32, #tpu.memory_space<vmem>>
        %dma_wait3A_146 = tpu.memref_squeeze %dma_wait3A_145 : memref<1x96x128xf32, #tpu.memory_space<vmem>> -> memref<96x128xf32, #tpu.memory_space<vmem>>
        tpu.wait_dma2 semaphore(%run_scoped3A_122 : memref<!tpu.dma_semaphore, #tpu.memory_space<semaphore_mem>>) src(%dma_wait3A_146 : memref<96x128xf32, #tpu.memory_space<vmem>>) dst(%dma_wait3A_142 : memref<96x128xf32, #tpu.memory_space<vmem_shared>>)
        tpu.yield
      }) : () -> ()
      %add3A_30 = arith.constant 640 : i32
      %add3A_31 = arith.addi %mul3A_0, %add3A_30 : i32
      %sub3A = arith.constant 64 : i32
      %sub3A_32 = arith.subi %add3A_31, %sub3A : i32
      %run_scoped3A_33 = arith.constant 0 : i32
      "tpu.region"() ({
        %run_scoped3A_122 = tpu.sem_alloc : memref<!tpu.dma_semaphore, #tpu.memory_space<semaphore_mem>>
        %dma_start3A_123 = arith.constant 0 : i32
        %dma_start3A_124 = arith.constant 0 : i32
        %dma_start3A_125 = tpu.memref_slice %arg10[%run_scoped3A_33, %dma_start3A_123, %dma_start3A_124] : memref<2x96x128xf32, #tpu.memory_space<vmem>> -> memref<1x64x128xf32, #tpu.memory_space<vmem>>
        %dma_start3A_126 = tpu.memref_squeeze %dma_start3A_125 : memref<1x64x128xf32, #tpu.memory_space<vmem>> -> memref<64x128xf32, #tpu.memory_space<vmem>>
        %dma_start3A_127 = arith.constant 0 : i32
        %dma_start3A_128 = tpu.memref_slice %arg7[%sub3A_32, %dma_start3A_127] : memref<10240x128xf32, #tpu.memory_space<vmem_shared>> -> memref<64x128xf32, #tpu.memory_space<vmem_shared>>
        %dma_start3A_129 = arith.constant 0 : i32
        %dma_start3A_130 = tpu.memref_slice %arg7[%sub3A_32, %dma_start3A_129] : memref<10240x128xf32, #tpu.memory_space<vmem_shared>> -> memref<64x128xf32, #tpu.memory_space<vmem_shared>>
        %dma_start3A_131 = arith.constant 0 : i32
        %dma_start3A_132 = arith.constant 0 : i32
        %dma_start3A_133 = tpu.memref_slice %arg10[%run_scoped3A_33, %dma_start3A_131, %dma_start3A_132] : memref<2x96x128xf32, #tpu.memory_space<vmem>> -> memref<1x64x128xf32, #tpu.memory_space<vmem>>
        %dma_start3A_134 = tpu.memref_squeeze %dma_start3A_133 : memref<1x64x128xf32, #tpu.memory_space<vmem>> -> memref<64x128xf32, #tpu.memory_space<vmem>>
        tpu.enqueue_dma source(%dma_start3A_134 : memref<64x128xf32, #tpu.memory_space<vmem>>) target(%dma_start3A_130 : memref<64x128xf32, #tpu.memory_space<vmem_shared>>) target_semaphore(%run_scoped3A_122 : memref<!tpu.dma_semaphore, #tpu.memory_space<semaphore_mem>>)
        %dma_wait3A_135 = arith.constant 0 : i32
        %dma_wait3A_136 = arith.constant 0 : i32
        %dma_wait3A_137 = tpu.memref_slice %arg10[%run_scoped3A_33, %dma_wait3A_135, %dma_wait3A_136] : memref<2x96x128xf32, #tpu.memory_space<vmem>> -> memref<1x64x128xf32, #tpu.memory_space<vmem>>
        %dma_wait3A_138 = tpu.memref_squeeze %dma_wait3A_137 : memref<1x64x128xf32, #tpu.memory_space<vmem>> -> memref<64x128xf32, #tpu.memory_space<vmem>>
        %dma_wait3A_139 = arith.constant 0 : i32
        %dma_wait3A_140 = tpu.memref_slice %arg7[%sub3A_32, %dma_wait3A_139] : memref<10240x128xf32, #tpu.memory_space<vmem_shared>> -> memref<64x128xf32, #tpu.memory_space<vmem_shared>>
        %dma_wait3A_141 = arith.constant 0 : i32
        %dma_wait3A_142 = tpu.memref_slice %arg7[%sub3A_32, %dma_wait3A_141] : memref<10240x128xf32, #tpu.memory_space<vmem_shared>> -> memref<64x128xf32, #tpu.memory_space<vmem_shared>>
        %dma_wait3A_143 = arith.constant 0 : i32
        %dma_wait3A_144 = arith.constant 0 : i32
        %dma_wait3A_145 = tpu.memref_slice %arg10[%run_scoped3A_33, %dma_wait3A_143, %dma_wait3A_144] : memref<2x96x128xf32, #tpu.memory_space<vmem>> -> memref<1x64x128xf32, #tpu.memory_space<vmem>>
        %dma_wait3A_146 = tpu.memref_squeeze %dma_wait3A_145 : memref<1x64x128xf32, #tpu.memory_space<vmem>> -> memref<64x128xf32, #tpu.memory_space<vmem>>
        tpu.wait_dma2 semaphore(%run_scoped3A_122 : memref<!tpu.dma_semaphore, #tpu.memory_space<semaphore_mem>>) src(%dma_wait3A_146 : memref<64x128xf32, #tpu.memory_space<vmem>>) dst(%dma_wait3A_142 : memref<64x128xf32, #tpu.memory_space<vmem_shared>>)
        tpu.yield
      }) : () -> ()
      %mul3A_34 = arith.constant 10000 : i32
      %mul3A_35 = arith.muli %arg1, %mul3A_34 : i32
      "tpu.region"() ({
        %run_scoped3A_122 = tpu.sem_alloc : memref<!tpu.dma_semaphore, #tpu.memory_space<semaphore_mem>>
        %dma_start3A_123 = tpu.memref_slice %arg5[%mul3A_35] : memref<320000xi32, #tpu.memory_space<hbm>> -> memref<10000xi32, #tpu.memory_space<hbm>>
        %dma_start3A_124 = tpu.memref_slice %arg5[%mul3A_35] : memref<320000xi32, #tpu.memory_space<hbm>> -> memref<10000xi32, #tpu.memory_space<hbm>>
        tpu.enqueue_dma source(%dma_start3A_124 : memref<10000xi32, #tpu.memory_space<hbm>>) target(%arg8 : memref<10000xi32, #tpu.memory_space<vmem>>) target_semaphore(%run_scoped3A_122 : memref<!tpu.dma_semaphore, #tpu.memory_space<semaphore_mem>>)
        %dma_wait3A_125 = tpu.memref_slice %arg5[%mul3A_35] : memref<320000xi32, #tpu.memory_space<hbm>> -> memref<10000xi32, #tpu.memory_space<hbm>>
        %dma_wait3A_126 = tpu.memref_slice %arg5[%mul3A_35] : memref<320000xi32, #tpu.memory_space<hbm>> -> memref<10000xi32, #tpu.memory_space<hbm>>
        tpu.wait_dma2 semaphore(%run_scoped3A_122 : memref<!tpu.dma_semaphore, #tpu.memory_space<semaphore_mem>>) src(%dma_wait3A_126 : memref<10000xi32, #tpu.memory_space<hbm>>) dst(%arg8 : memref<10000xi32, #tpu.memory_space<vmem>>)
        tpu.yield
      }) : () -> ()
      %add3A_36 = arith.constant 160000 : i32
      %add3A_37 = arith.addi %add3A_36, %mul3A_35 : i32
      "tpu.region"() ({
        %run_scoped3A_122 = tpu.sem_alloc : memref<!tpu.dma_semaphore, #tpu.memory_space<semaphore_mem>>
        %dma_start3A_123 = tpu.memref_slice %arg5[%add3A_37] : memref<320000xi32, #tpu.memory_space<hbm>> -> memref<10000xi32, #tpu.memory_space<hbm>>
        %dma_start3A_124 = tpu.memref_slice %arg5[%add3A_37] : memref<320000xi32, #tpu.memory_space<hbm>> -> memref<10000xi32, #tpu.memory_space<hbm>>
        tpu.enqueue_dma source(%dma_start3A_124 : memref<10000xi32, #tpu.memory_space<hbm>>) target(%arg9 : memref<10000xi32, #tpu.memory_space<vmem>>) target_semaphore(%run_scoped3A_122 : memref<!tpu.dma_semaphore, #tpu.memory_space<semaphore_mem>>)
        %dma_wait3A_125 = tpu.memref_slice %arg5[%add3A_37] : memref<320000xi32, #tpu.memory_space<hbm>> -> memref<10000xi32, #tpu.memory_space<hbm>>
        %dma_wait3A_126 = tpu.memref_slice %arg5[%add3A_37] : memref<320000xi32, #tpu.memory_space<hbm>> -> memref<10000xi32, #tpu.memory_space<hbm>>
        tpu.wait_dma2 semaphore(%run_scoped3A_122 : memref<!tpu.dma_semaphore, #tpu.memory_space<semaphore_mem>>) src(%dma_wait3A_126 : memref<10000xi32, #tpu.memory_space<hbm>>) dst(%arg9 : memref<10000xi32, #tpu.memory_space<vmem>>)
        tpu.yield
      }) : () -> ()
      %barrier3A = arith.constant 0 : index
      tpu.barrier barrier_id(%barrier3A)
      %dma_start3A = arith.constant 0 : i32
      %dma_start3A_38 = arith.constant 0 : i32
      %dma_start3A_39 = arith.constant 0 : i32
      %dma_start3A_40 = tpu.memref_slice %arg10[%dma_start3A, %dma_start3A_38, %dma_start3A_39] : memref<2x96x128xf32, #tpu.memory_space<vmem>> -> memref<1x96x128xf32, #tpu.memory_space<vmem>>
      %dma_start3A_41 = tpu.memref_squeeze %dma_start3A_40 : memref<1x96x128xf32, #tpu.memory_space<vmem>> -> memref<96x128xf32, #tpu.memory_space<vmem>>
      %dma_start3A_42 = arith.constant 0 : i32
      %dma_start3A_43 = tpu.memref_slice %arg8[%dma_start3A_42] : memref<10000xi32, #tpu.memory_space<vmem>> -> memref<96xi32, #tpu.memory_space<vmem>>
      %dma_start3A_44 = arith.constant 0 : i32
      %dma_start3A_45 = arith.constant 0 : i32
      %dma_start3A_46 = tpu.memref_slice %arg3[%dma_start3A_44, %dma_start3A_45] : memref<10000x128xf32, #tpu.memory_space<hbm>> -> memref<10000x128xf32, #tpu.memory_space<hbm>>
      tpu.enqueue_indirect_dma source(%dma_start3A_46 : memref<10000x128xf32, #tpu.memory_space<hbm>>) target(%dma_start3A_41 : memref<96x128xf32, #tpu.memory_space<vmem>>) offsets(%dma_start3A_43 : memref<96xi32, #tpu.memory_space<vmem>>) semaphore(%arg11 : memref<!tpu.dma_semaphore, #tpu.memory_space<semaphore_mem>>)
      %scan3A_47 = arith.constant 0 : i32
      %scan3A_48 = arith.constant 0 : i32
      %scan3A_49 = arith.constant 51 : i32
      %scan3A_50 = arith.addi %scan3A_48, %scan3A_49 : i32
      %scan3A_51 = arith.constant 1 : i32
      scf.for %scan3A_122 = %scan3A_48 to %scan3A_50 step %scan3A_51  : i32 {
        %mul3A_123 = arith.constant 2 : i32
        %mul3A_124 = arith.muli %mul3A_123, %scan3A_122 : i32
        %dma_wait3A_125 = arith.constant 0 : i32
        %dma_wait3A_126 = arith.constant 0 : i32
        %dma_wait3A_127 = arith.constant 0 : i32
        %dma_wait3A_128 = tpu.memref_slice %arg10[%dma_wait3A_125, %dma_wait3A_126, %dma_wait3A_127] : memref<2x96x128xf32, #tpu.memory_space<vmem>> -> memref<1x96x128xf32, #tpu.memory_space<vmem>>
        %dma_wait3A_129 = tpu.memref_squeeze %dma_wait3A_128 : memref<1x96x128xf32, #tpu.memory_space<vmem>> -> memref<96x128xf32, #tpu.memory_space<vmem>>
        %dma_wait3A_130 = arith.constant 0 : i32
        %dma_wait3A_131 = arith.constant 0 : i32
        %dma_wait3A_132 = tpu.memref_slice %arg3[%dma_wait3A_130, %dma_wait3A_131] : memref<10000x128xf32, #tpu.memory_space<hbm>> -> memref<96x128xf32, #tpu.memory_space<hbm>>
        %dma_wait3A_133 = arith.constant 0 : i32
        %dma_wait3A_134 = arith.constant 0 : i32
        %dma_wait3A_135 = tpu.memref_slice %arg10[%dma_wait3A_125, %dma_wait3A_133, %dma_wait3A_134] : memref<2x96x128xf32, #tpu.memory_space<vmem>> -> memref<1x96x128xf32, #tpu.memory_space<vmem>>
        %dma_wait3A_136 = tpu.memref_squeeze %dma_wait3A_135 : memref<1x96x128xf32, #tpu.memory_space<vmem>> -> memref<96x128xf32, #tpu.memory_space<vmem>>
        %dma_wait3A_137 = arith.constant 0 : i32
        %dma_wait3A_138 = arith.constant 0 : i32
        %dma_wait3A_139 = tpu.memref_slice %arg3[%dma_wait3A_137, %dma_wait3A_138] : memref<10000x128xf32, #tpu.memory_space<hbm>> -> memref<96x128xf32, #tpu.memory_space<hbm>>
        tpu.wait_dma2 semaphore(%arg11 : memref<!tpu.dma_semaphore, #tpu.memory_space<semaphore_mem>>) src(%dma_wait3A_139 : memref<96x128xf32, #tpu.memory_space<hbm>>) dst(%dma_wait3A_136 : memref<96x128xf32, #tpu.memory_space<vmem>>)
        %add3A_140 = arith.constant 1 : i32
        %add3A_141 = arith.addi %mul3A_124, %add3A_140 : i32
        %mul3A_142 = arith.constant 96 : i32
        %mul3A_143 = arith.muli %add3A_141, %mul3A_142 : i32
        %dma_start3A_144 = arith.constant 1 : i32
        %dma_start3A_145 = arith.constant 0 : i32
        %dma_start3A_146 = arith.constant 0 : i32
        %dma_start3A_147 = tpu.memref_slice %arg10[%dma_start3A_144, %dma_start3A_145, %dma_start3A_146] : memref<2x96x128xf32, #tpu.memory_space<vmem>> -> memref<1x96x128xf32, #tpu.memory_space<vmem>>
        %dma_start3A_148 = tpu.memref_squeeze %dma_start3A_147 : memref<1x96x128xf32, #tpu.memory_space<vmem>> -> memref<96x128xf32, #tpu.memory_space<vmem>>
        %dma_start3A_149 = tpu.memref_slice %arg8[%mul3A_143] : memref<10000xi32, #tpu.memory_space<vmem>> -> memref<96xi32, #tpu.memory_space<vmem>>
        %dma_start3A_150 = arith.constant 0 : i32
        %dma_start3A_151 = arith.constant 0 : i32
        %dma_start3A_152 = tpu.memref_slice %arg3[%dma_start3A_150, %dma_start3A_151] : memref<10000x128xf32, #tpu.memory_space<hbm>> -> memref<10000x128xf32, #tpu.memory_space<hbm>>
        tpu.enqueue_indirect_dma source(%dma_start3A_152 : memref<10000x128xf32, #tpu.memory_space<hbm>>) target(%dma_start3A_148 : memref<96x128xf32, #tpu.memory_space<vmem>>) offsets(%dma_start3A_149 : memref<96xi32, #tpu.memory_space<vmem>>) semaphore(%arg11 : memref<!tpu.dma_semaphore, #tpu.memory_space<semaphore_mem>>)
        %mul3A_153 = arith.constant 96 : i32
        %mul3A_154 = arith.muli %mul3A_124, %mul3A_153 : i32
        %run_scoped3A_155 = arith.constant 0 : i32
        "tpu.region"() ({
          %run_scoped3A_189 = tpu.sem_alloc : memref<!tpu.dma_semaphore, #tpu.memory_space<semaphore_mem>>
          %dma_start3A_190 = arith.constant 0 : i32
          %dma_start3A_191 = arith.constant 0 : i32
          %dma_start3A_192 = tpu.memref_slice %arg10[%run_scoped3A_155, %dma_start3A_190, %dma_start3A_191] : memref<2x96x128xf32, #tpu.memory_space<vmem>> -> memref<1x96x128xf32, #tpu.memory_space<vmem>>
          %dma_start3A_193 = tpu.memref_squeeze %dma_start3A_192 : memref<1x96x128xf32, #tpu.memory_space<vmem>> -> memref<96x128xf32, #tpu.memory_space<vmem>>
          %dma_start3A_194 = tpu.memref_slice %arg9[%mul3A_154] : memref<10000xi32, #tpu.memory_space<vmem>> -> memref<96xi32, #tpu.memory_space<vmem>>
          %dma_start3A_195 = arith.constant 0 : i32
          %dma_start3A_196 = arith.constant 0 : i32
          %dma_start3A_197 = tpu.memref_slice %arg7[%dma_start3A_195, %dma_start3A_196] : memref<10240x128xf32, #tpu.memory_space<vmem_shared>> -> memref<10240x128xf32, #tpu.memory_space<vmem_shared>>
          tpu.enqueue_indirect_dma source(%dma_start3A_193 : memref<96x128xf32, #tpu.memory_space<vmem>>) target(%dma_start3A_197 : memref<10240x128xf32, #tpu.memory_space<vmem_shared>>) offsets(%dma_start3A_194 : memref<96xi32, #tpu.memory_space<vmem>>) semaphore(%run_scoped3A_189 : memref<!tpu.dma_semaphore, #tpu.memory_space<semaphore_mem>>) {add = true}
          %dma_wait3A_198 = arith.constant 0 : i32
          %dma_wait3A_199 = arith.constant 0 : i32
          %dma_wait3A_200 = tpu.memref_slice %arg10[%run_scoped3A_155, %dma_wait3A_198, %dma_wait3A_199] : memref<2x96x128xf32, #tpu.memory_space<vmem>> -> memref<1x96x128xf32, #tpu.memory_space<vmem>>
          %dma_wait3A_201 = tpu.memref_squeeze %dma_wait3A_200 : memref<1x96x128xf32, #tpu.memory_space<vmem>> -> memref<96x128xf32, #tpu.memory_space<vmem>>
          %dma_wait3A_202 = tpu.memref_slice %arg9[%mul3A_154] : memref<10000xi32, #tpu.memory_space<vmem>> -> memref<96xi32, #tpu.memory_space<vmem>>
          %dma_wait3A_203 = arith.constant 0 : i32
          %dma_wait3A_204 = arith.constant 0 : i32
          %dma_wait3A_205 = tpu.memref_slice %arg7[%dma_wait3A_203, %dma_wait3A_204] : memref<10240x128xf32, #tpu.memory_space<vmem_shared>> -> memref<10240x128xf32, #tpu.memory_space<vmem_shared>>
          tpu.wait_indirect_dma semaphore(%run_scoped3A_189 : memref<!tpu.dma_semaphore, #tpu.memory_space<semaphore_mem>>) src(%dma_wait3A_201 : memref<96x128xf32, #tpu.memory_space<vmem>>) dst(%dma_wait3A_205 : memref<10240x128xf32, #tpu.memory_space<vmem_shared>>)
          tpu.yield
        }) : () -> ()
        %dma_wait3A_156 = arith.constant 1 : i32
        %dma_wait3A_157 = arith.constant 0 : i32
        %dma_wait3A_158 = arith.constant 0 : i32
        %dma_wait3A_159 = tpu.memref_slice %arg10[%dma_wait3A_156, %dma_wait3A_157, %dma_wait3A_158] : memref<2x96x128xf32, #tpu.memory_space<vmem>> -> memref<1x96x128xf32, #tpu.memory_space<vmem>>
        %dma_wait3A_160 = tpu.memref_squeeze %dma_wait3A_159 : memref<1x96x128xf32, #tpu.memory_space<vmem>> -> memref<96x128xf32, #tpu.memory_space<vmem>>
        %dma_wait3A_161 = arith.constant 0 : i32
        %dma_wait3A_162 = arith.constant 0 : i32
        %dma_wait3A_163 = tpu.memref_slice %arg3[%dma_wait3A_161, %dma_wait3A_162] : memref<10000x128xf32, #tpu.memory_space<hbm>> -> memref<96x128xf32, #tpu.memory_space<hbm>>
        %dma_wait3A_164 = arith.constant 0 : i32
        %dma_wait3A_165 = arith.constant 0 : i32
        %dma_wait3A_166 = tpu.memref_slice %arg10[%dma_wait3A_156, %dma_wait3A_164, %dma_wait3A_165] : memref<2x96x128xf32, #tpu.memory_space<vmem>> -> memref<1x96x128xf32, #tpu.memory_space<vmem>>
        %dma_wait3A_167 = tpu.memref_squeeze %dma_wait3A_166 : memref<1x96x128xf32, #tpu.memory_space<vmem>> -> memref<96x128xf32, #tpu.memory_space<vmem>>
        %dma_wait3A_168 = arith.constant 0 : i32
        %dma_wait3A_169 = arith.constant 0 : i32
        %dma_wait3A_170 = tpu.memref_slice %arg3[%dma_wait3A_168, %dma_wait3A_169] : memref<10000x128xf32, #tpu.memory_space<hbm>> -> memref<96x128xf32, #tpu.memory_space<hbm>>
        tpu.wait_dma2 semaphore(%arg11 : memref<!tpu.dma_semaphore, #tpu.memory_space<semaphore_mem>>) src(%dma_wait3A_170 : memref<96x128xf32, #tpu.memory_space<hbm>>) dst(%dma_wait3A_167 : memref<96x128xf32, #tpu.memory_space<vmem>>)
        %add3A_171 = arith.constant 2 : i32
        %add3A_172 = arith.addi %mul3A_124, %add3A_171 : i32
        %mul3A_173 = arith.constant 96 : i32
        %mul3A_174 = arith.muli %add3A_172, %mul3A_173 : i32
        %dma_start3A_175 = arith.constant 0 : i32
        %dma_start3A_176 = arith.constant 0 : i32
        %dma_start3A_177 = arith.constant 0 : i32
        %dma_start3A_178 = tpu.memref_slice %arg10[%dma_start3A_175, %dma_start3A_176, %dma_start3A_177] : memref<2x96x128xf32, #tpu.memory_space<vmem>> -> memref<1x96x128xf32, #tpu.memory_space<vmem>>
        %dma_start3A_179 = tpu.memref_squeeze %dma_start3A_178 : memref<1x96x128xf32, #tpu.memory_space<vmem>> -> memref<96x128xf32, #tpu.memory_space<vmem>>
        %dma_start3A_180 = tpu.memref_slice %arg8[%mul3A_174] : memref<10000xi32, #tpu.memory_space<vmem>> -> memref<96xi32, #tpu.memory_space<vmem>>
        %dma_start3A_181 = arith.constant 0 : i32
        %dma_start3A_182 = arith.constant 0 : i32
        %dma_start3A_183 = tpu.memref_slice %arg3[%dma_start3A_181, %dma_start3A_182] : memref<10000x128xf32, #tpu.memory_space<hbm>> -> memref<10000x128xf32, #tpu.memory_space<hbm>>
        tpu.enqueue_indirect_dma source(%dma_start3A_183 : memref<10000x128xf32, #tpu.memory_space<hbm>>) target(%dma_start3A_179 : memref<96x128xf32, #tpu.memory_space<vmem>>) offsets(%dma_start3A_180 : memref<96xi32, #tpu.memory_space<vmem>>) semaphore(%arg11 : memref<!tpu.dma_semaphore, #tpu.memory_space<semaphore_mem>>)
        %add3A_184 = arith.constant 1 : i32
        %add3A_185 = arith.addi %mul3A_124, %add3A_184 : i32
        %mul3A_186 = arith.constant 96 : i32
        %mul3A_187 = arith.muli %add3A_185, %mul3A_186 : i32
        %run_scoped3A_188 = arith.constant 1 : i32
        "tpu.region"() ({
          %run_scoped3A_189 = tpu.sem_alloc : memref<!tpu.dma_semaphore, #tpu.memory_space<semaphore_mem>>
          %dma_start3A_190 = arith.constant 0 : i32
          %dma_start3A_191 = arith.constant 0 : i32
          %dma_start3A_192 = tpu.memref_slice %arg10[%run_scoped3A_188, %dma_start3A_190, %dma_start3A_191] : memref<2x96x128xf32, #tpu.memory_space<vmem>> -> memref<1x96x128xf32, #tpu.memory_space<vmem>>
          %dma_start3A_193 = tpu.memref_squeeze %dma_start3A_192 : memref<1x96x128xf32, #tpu.memory_space<vmem>> -> memref<96x128xf32, #tpu.memory_space<vmem>>
          %dma_start3A_194 = tpu.memref_slice %arg9[%mul3A_187] : memref<10000xi32, #tpu.memory_space<vmem>> -> memref<96xi32, #tpu.memory_space<vmem>>
          %dma_start3A_195 = arith.constant 0 : i32
          %dma_start3A_196 = arith.constant 0 : i32
          %dma_start3A_197 = tpu.memref_slice %arg7[%dma_start3A_195, %dma_start3A_196] : memref<10240x128xf32, #tpu.memory_space<vmem_shared>> -> memref<10240x128xf32, #tpu.memory_space<vmem_shared>>
          tpu.enqueue_indirect_dma source(%dma_start3A_193 : memref<96x128xf32, #tpu.memory_space<vmem>>) target(%dma_start3A_197 : memref<10240x128xf32, #tpu.memory_space<vmem_shared>>) offsets(%dma_start3A_194 : memref<96xi32, #tpu.memory_space<vmem>>) semaphore(%run_scoped3A_189 : memref<!tpu.dma_semaphore, #tpu.memory_space<semaphore_mem>>) {add = true}
          %dma_wait3A_198 = arith.constant 0 : i32
          %dma_wait3A_199 = arith.constant 0 : i32
          %dma_wait3A_200 = tpu.memref_slice %arg10[%run_scoped3A_188, %dma_wait3A_198, %dma_wait3A_199] : memref<2x96x128xf32, #tpu.memory_space<vmem>> -> memref<1x96x128xf32, #tpu.memory_space<vmem>>
          %dma_wait3A_201 = tpu.memref_squeeze %dma_wait3A_200 : memref<1x96x128xf32, #tpu.memory_space<vmem>> -> memref<96x128xf32, #tpu.memory_space<vmem>>
          %dma_wait3A_202 = tpu.memref_slice %arg9[%mul3A_187] : memref<10000xi32, #tpu.memory_space<vmem>> -> memref<96xi32, #tpu.memory_space<vmem>>
          %dma_wait3A_203 = arith.constant 0 : i32
          %dma_wait3A_204 = arith.constant 0 : i32
          %dma_wait3A_205 = tpu.memref_slice %arg7[%dma_wait3A_203, %dma_wait3A_204] : memref<10240x128xf32, #tpu.memory_space<vmem_shared>> -> memref<10240x128xf32, #tpu.memory_space<vmem_shared>>
          tpu.wait_indirect_dma semaphore(%run_scoped3A_189 : memref<!tpu.dma_semaphore, #tpu.memory_space<semaphore_mem>>) src(%dma_wait3A_201 : memref<96x128xf32, #tpu.memory_space<vmem>>) dst(%dma_wait3A_205 : memref<10240x128xf32, #tpu.memory_space<vmem_shared>>)
          tpu.yield
        }) : () -> ()
      }
      %scan3A_52 = arith.constant 51 : i32
      %dma_wait3A = arith.constant 0 : i32
      %dma_wait3A_53 = arith.constant 0 : i32
      %dma_wait3A_54 = arith.constant 0 : i32
      %dma_wait3A_55 = tpu.memref_slice %arg10[%dma_wait3A, %dma_wait3A_53, %dma_wait3A_54] : memref<2x96x128xf32, #tpu.memory_space<vmem>> -> memref<1x96x128xf32, #tpu.memory_space<vmem>>
      %dma_wait3A_56 = tpu.memref_squeeze %dma_wait3A_55 : memref<1x96x128xf32, #tpu.memory_space<vmem>> -> memref<96x128xf32, #tpu.memory_space<vmem>>
      %dma_wait3A_57 = arith.constant 0 : i32
      %dma_wait3A_58 = arith.constant 0 : i32
      %dma_wait3A_59 = tpu.memref_slice %arg3[%dma_wait3A_57, %dma_wait3A_58] : memref<10000x128xf32, #tpu.memory_space<hbm>> -> memref<96x128xf32, #tpu.memory_space<hbm>>
      %dma_wait3A_60 = arith.constant 0 : i32
      %dma_wait3A_61 = arith.constant 0 : i32
      %dma_wait3A_62 = tpu.memref_slice %arg10[%dma_wait3A, %dma_wait3A_60, %dma_wait3A_61] : memref<2x96x128xf32, #tpu.memory_space<vmem>> -> memref<1x96x128xf32, #tpu.memory_space<vmem>>
      %dma_wait3A_63 = tpu.memref_squeeze %dma_wait3A_62 : memref<1x96x128xf32, #tpu.memory_space<vmem>> -> memref<96x128xf32, #tpu.memory_space<vmem>>
      %dma_wait3A_64 = arith.constant 0 : i32
      %dma_wait3A_65 = arith.constant 0 : i32
      %dma_wait3A_66 = tpu.memref_slice %arg3[%dma_wait3A_64, %dma_wait3A_65] : memref<10000x128xf32, #tpu.memory_space<hbm>> -> memref<96x128xf32, #tpu.memory_space<hbm>>
      tpu.wait_dma2 semaphore(%arg11 : memref<!tpu.dma_semaphore, #tpu.memory_space<semaphore_mem>>) src(%dma_wait3A_66 : memref<96x128xf32, #tpu.memory_space<hbm>>) dst(%dma_wait3A_63 : memref<96x128xf32, #tpu.memory_space<vmem>>)
      %dma_start3A_67 = arith.constant 1 : i32
      %dma_start3A_68 = arith.constant 0 : i32
      %dma_start3A_69 = arith.constant 0 : i32
      %dma_start3A_70 = tpu.memref_slice %arg10[%dma_start3A_67, %dma_start3A_68, %dma_start3A_69] : memref<2x96x128xf32, #tpu.memory_space<vmem>> -> memref<1x96x128xf32, #tpu.memory_space<vmem>>
      %dma_start3A_71 = tpu.memref_squeeze %dma_start3A_70 : memref<1x96x128xf32, #tpu.memory_space<vmem>> -> memref<96x128xf32, #tpu.memory_space<vmem>>
      %dma_start3A_72 = arith.constant 9888 : i32
      %dma_start3A_73 = tpu.memref_slice %arg8[%dma_start3A_72] : memref<10000xi32, #tpu.memory_space<vmem>> -> memref<96xi32, #tpu.memory_space<vmem>>
      %dma_start3A_74 = arith.constant 0 : i32
      %dma_start3A_75 = arith.constant 0 : i32
      %dma_start3A_76 = tpu.memref_slice %arg3[%dma_start3A_74, %dma_start3A_75] : memref<10000x128xf32, #tpu.memory_space<hbm>> -> memref<10000x128xf32, #tpu.memory_space<hbm>>
      tpu.enqueue_indirect_dma source(%dma_start3A_76 : memref<10000x128xf32, #tpu.memory_space<hbm>>) target(%dma_start3A_71 : memref<96x128xf32, #tpu.memory_space<vmem>>) offsets(%dma_start3A_73 : memref<96xi32, #tpu.memory_space<vmem>>) semaphore(%arg11 : memref<!tpu.dma_semaphore, #tpu.memory_space<semaphore_mem>>)
      %run_scoped3A_77 = arith.constant 0 : i32
      "tpu.region"() ({
        %run_scoped3A_122 = tpu.sem_alloc : memref<!tpu.dma_semaphore, #tpu.memory_space<semaphore_mem>>
        %dma_start3A_123 = arith.constant 0 : i32
        %dma_start3A_124 = arith.constant 0 : i32
        %dma_start3A_125 = tpu.memref_slice %arg10[%run_scoped3A_77, %dma_start3A_123, %dma_start3A_124] : memref<2x96x128xf32, #tpu.memory_space<vmem>> -> memref<1x96x128xf32, #tpu.memory_space<vmem>>
        %dma_start3A_126 = tpu.memref_squeeze %dma_start3A_125 : memref<1x96x128xf32, #tpu.memory_space<vmem>> -> memref<96x128xf32, #tpu.memory_space<vmem>>
        %dma_start3A_127 = arith.constant 9792 : i32
        %dma_start3A_128 = tpu.memref_slice %arg9[%dma_start3A_127] : memref<10000xi32, #tpu.memory_space<vmem>> -> memref<96xi32, #tpu.memory_space<vmem>>
        %dma_start3A_129 = arith.constant 0 : i32
        %dma_start3A_130 = arith.constant 0 : i32
        %dma_start3A_131 = tpu.memref_slice %arg7[%dma_start3A_129, %dma_start3A_130] : memref<10240x128xf32, #tpu.memory_space<vmem_shared>> -> memref<10240x128xf32, #tpu.memory_space<vmem_shared>>
        tpu.enqueue_indirect_dma source(%dma_start3A_126 : memref<96x128xf32, #tpu.memory_space<vmem>>) target(%dma_start3A_131 : memref<10240x128xf32, #tpu.memory_space<vmem_shared>>) offsets(%dma_start3A_128 : memref<96xi32, #tpu.memory_space<vmem>>) semaphore(%run_scoped3A_122 : memref<!tpu.dma_semaphore, #tpu.memory_space<semaphore_mem>>) {add = true}
        %dma_wait3A_132 = arith.constant 0 : i32
        %dma_wait3A_133 = arith.constant 0 : i32
        %dma_wait3A_134 = tpu.memref_slice %arg10[%run_scoped3A_77, %dma_wait3A_132, %dma_wait3A_133] : memref<2x96x128xf32, #tpu.memory_space<vmem>> -> memref<1x96x128xf32, #tpu.memory_space<vmem>>
        %dma_wait3A_135 = tpu.memref_squeeze %dma_wait3A_134 : memref<1x96x128xf32, #tpu.memory_space<vmem>> -> memref<96x128xf32, #tpu.memory_space<vmem>>
        %dma_wait3A_136 = arith.constant 9792 : i32
        %dma_wait3A_137 = tpu.memref_slice %arg9[%dma_wait3A_136] : memref<10000xi32, #tpu.memory_space<vmem>> -> memref<96xi32, #tpu.memory_space<vmem>>
        %dma_wait3A_138 = arith.constant 0 : i32
        %dma_wait3A_139 = arith.constant 0 : i32
        %dma_wait3A_140 = tpu.memref_slice %arg7[%dma_wait3A_138, %dma_wait3A_139] : memref<10240x128xf32, #tpu.memory_space<vmem_shared>> -> memref<10240x128xf32, #tpu.memory_space<vmem_shared>>
        tpu.wait_indirect_dma semaphore(%run_scoped3A_122 : memref<!tpu.dma_semaphore, #tpu.memory_space<semaphore_mem>>) src(%dma_wait3A_135 : memref<96x128xf32, #tpu.memory_space<vmem>>) dst(%dma_wait3A_140 : memref<10240x128xf32, #tpu.memory_space<vmem_shared>>)
        tpu.yield
      }) : () -> ()
      %dma_wait3A_78 = arith.constant 1 : i32
      %dma_wait3A_79 = arith.constant 0 : i32
      %dma_wait3A_80 = arith.constant 0 : i32
      %dma_wait3A_81 = tpu.memref_slice %arg10[%dma_wait3A_78, %dma_wait3A_79, %dma_wait3A_80] : memref<2x96x128xf32, #tpu.memory_space<vmem>> -> memref<1x96x128xf32, #tpu.memory_space<vmem>>
      %dma_wait3A_82 = tpu.memref_squeeze %dma_wait3A_81 : memref<1x96x128xf32, #tpu.memory_space<vmem>> -> memref<96x128xf32, #tpu.memory_space<vmem>>
      %dma_wait3A_83 = arith.constant 0 : i32
      %dma_wait3A_84 = arith.constant 0 : i32
      %dma_wait3A_85 = tpu.memref_slice %arg3[%dma_wait3A_83, %dma_wait3A_84] : memref<10000x128xf32, #tpu.memory_space<hbm>> -> memref<96x128xf32, #tpu.memory_space<hbm>>
      %dma_wait3A_86 = arith.constant 0 : i32
      %dma_wait3A_87 = arith.constant 0 : i32
      %dma_wait3A_88 = tpu.memref_slice %arg10[%dma_wait3A_78, %dma_wait3A_86, %dma_wait3A_87] : memref<2x96x128xf32, #tpu.memory_space<vmem>> -> memref<1x96x128xf32, #tpu.memory_space<vmem>>
      %dma_wait3A_89 = tpu.memref_squeeze %dma_wait3A_88 : memref<1x96x128xf32, #tpu.memory_space<vmem>> -> memref<96x128xf32, #tpu.memory_space<vmem>>
      %dma_wait3A_90 = arith.constant 0 : i32
      %dma_wait3A_91 = arith.constant 0 : i32
      %dma_wait3A_92 = tpu.memref_slice %arg3[%dma_wait3A_90, %dma_wait3A_91] : memref<10000x128xf32, #tpu.memory_space<hbm>> -> memref<96x128xf32, #tpu.memory_space<hbm>>
      tpu.wait_dma2 semaphore(%arg11 : memref<!tpu.dma_semaphore, #tpu.memory_space<semaphore_mem>>) src(%dma_wait3A_92 : memref<96x128xf32, #tpu.memory_space<hbm>>) dst(%dma_wait3A_89 : memref<96x128xf32, #tpu.memory_space<vmem>>)
      %dma_start3A_93 = arith.constant 0 : i32
      %dma_start3A_94 = arith.constant 0 : i32
      %dma_start3A_95 = arith.constant 0 : i32
      %dma_start3A_96 = tpu.memref_slice %arg10[%dma_start3A_93, %dma_start3A_94, %dma_start3A_95] : memref<2x96x128xf32, #tpu.memory_space<vmem>> -> memref<1x16x128xf32, #tpu.memory_space<vmem>>
      %dma_start3A_97 = tpu.memref_squeeze %dma_start3A_96 : memref<1x16x128xf32, #tpu.memory_space<vmem>> -> memref<16x128xf32, #tpu.memory_space<vmem>>
      %dma_start3A_98 = arith.constant 9984 : i32
      %dma_start3A_99 = tpu.memref_slice %arg8[%dma_start3A_98] : memref<10000xi32, #tpu.memory_space<vmem>> -> memref<16xi32, #tpu.memory_space<vmem>>
      %dma_start3A_100 = arith.constant 0 : i32
      %dma_start3A_101 = arith.constant 0 : i32
      %dma_start3A_102 = tpu.memref_slice %arg3[%dma_start3A_100, %dma_start3A_101] : memref<10000x128xf32, #tpu.memory_space<hbm>> -> memref<10000x128xf32, #tpu.memory_space<hbm>>
      tpu.enqueue_indirect_dma source(%dma_start3A_102 : memref<10000x128xf32, #tpu.memory_space<hbm>>) target(%dma_start3A_97 : memref<16x128xf32, #tpu.memory_space<vmem>>) offsets(%dma_start3A_99 : memref<16xi32, #tpu.memory_space<vmem>>) semaphore(%arg11 : memref<!tpu.dma_semaphore, #tpu.memory_space<semaphore_mem>>)
      %run_scoped3A_103 = arith.constant 1 : i32
      "tpu.region"() ({
        %run_scoped3A_122 = tpu.sem_alloc : memref<!tpu.dma_semaphore, #tpu.memory_space<semaphore_mem>>
        %dma_start3A_123 = arith.constant 0 : i32
        %dma_start3A_124 = arith.constant 0 : i32
        %dma_start3A_125 = tpu.memref_slice %arg10[%run_scoped3A_103, %dma_start3A_123, %dma_start3A_124] : memref<2x96x128xf32, #tpu.memory_space<vmem>> -> memref<1x96x128xf32, #tpu.memory_space<vmem>>
        %dma_start3A_126 = tpu.memref_squeeze %dma_start3A_125 : memref<1x96x128xf32, #tpu.memory_space<vmem>> -> memref<96x128xf32, #tpu.memory_space<vmem>>
        %dma_start3A_127 = arith.constant 9888 : i32
        %dma_start3A_128 = tpu.memref_slice %arg9[%dma_start3A_127] : memref<10000xi32, #tpu.memory_space<vmem>> -> memref<96xi32, #tpu.memory_space<vmem>>
        %dma_start3A_129 = arith.constant 0 : i32
        %dma_start3A_130 = arith.constant 0 : i32
        %dma_start3A_131 = tpu.memref_slice %arg7[%dma_start3A_129, %dma_start3A_130] : memref<10240x128xf32, #tpu.memory_space<vmem_shared>> -> memref<10240x128xf32, #tpu.memory_space<vmem_shared>>
        tpu.enqueue_indirect_dma source(%dma_start3A_126 : memref<96x128xf32, #tpu.memory_space<vmem>>) target(%dma_start3A_131 : memref<10240x128xf32, #tpu.memory_space<vmem_shared>>) offsets(%dma_start3A_128 : memref<96xi32, #tpu.memory_space<vmem>>) semaphore(%run_scoped3A_122 : memref<!tpu.dma_semaphore, #tpu.memory_space<semaphore_mem>>) {add = true}
        %dma_wait3A_132 = arith.constant 0 : i32
        %dma_wait3A_133 = arith.constant 0 : i32
        %dma_wait3A_134 = tpu.memref_slice %arg10[%run_scoped3A_103, %dma_wait3A_132, %dma_wait3A_133] : memref<2x96x128xf32, #tpu.memory_space<vmem>> -> memref<1x96x128xf32, #tpu.memory_space<vmem>>
        %dma_wait3A_135 = tpu.memref_squeeze %dma_wait3A_134 : memref<1x96x128xf32, #tpu.memory_space<vmem>> -> memref<96x128xf32, #tpu.memory_space<vmem>>
        %dma_wait3A_136 = arith.constant 9888 : i32
        %dma_wait3A_137 = tpu.memref_slice %arg9[%dma_wait3A_136] : memref<10000xi32, #tpu.memory_space<vmem>> -> memref<96xi32, #tpu.memory_space<vmem>>
        %dma_wait3A_138 = arith.constant 0 : i32
        %dma_wait3A_139 = arith.constant 0 : i32
        %dma_wait3A_140 = tpu.memref_slice %arg7[%dma_wait3A_138, %dma_wait3A_139] : memref<10240x128xf32, #tpu.memory_space<vmem_shared>> -> memref<10240x128xf32, #tpu.memory_space<vmem_shared>>
        tpu.wait_indirect_dma semaphore(%run_scoped3A_122 : memref<!tpu.dma_semaphore, #tpu.memory_space<semaphore_mem>>) src(%dma_wait3A_135 : memref<96x128xf32, #tpu.memory_space<vmem>>) dst(%dma_wait3A_140 : memref<10240x128xf32, #tpu.memory_space<vmem_shared>>)
        tpu.yield
      }) : () -> ()
      %dma_wait3A_104 = arith.constant 0 : i32
      %dma_wait3A_105 = arith.constant 0 : i32
      %dma_wait3A_106 = arith.constant 0 : i32
      %dma_wait3A_107 = tpu.memref_slice %arg10[%dma_wait3A_104, %dma_wait3A_105, %dma_wait3A_106] : memref<2x96x128xf32, #tpu.memory_space<vmem>> -> memref<1x16x128xf32, #tpu.memory_space<vmem>>
      %dma_wait3A_108 = tpu.memref_squeeze %dma_wait3A_107 : memref<1x16x128xf32, #tpu.memory_space<vmem>> -> memref<16x128xf32, #tpu.memory_space<vmem>>
      %dma_wait3A_109 = arith.constant 0 : i32
      %dma_wait3A_110 = arith.constant 0 : i32
      %dma_wait3A_111 = tpu.memref_slice %arg3[%dma_wait3A_109, %dma_wait3A_110] : memref<10000x128xf32, #tpu.memory_space<hbm>> -> memref<16x128xf32, #tpu.memory_space<hbm>>
      %dma_wait3A_112 = arith.constant 0 : i32
      %dma_wait3A_113 = arith.constant 0 : i32
      %dma_wait3A_114 = tpu.memref_slice %arg10[%dma_wait3A_104, %dma_wait3A_112, %dma_wait3A_113] : memref<2x96x128xf32, #tpu.memory_space<vmem>> -> memref<1x16x128xf32, #tpu.memory_space<vmem>>
      %dma_wait3A_115 = tpu.memref_squeeze %dma_wait3A_114 : memref<1x16x128xf32, #tpu.memory_space<vmem>> -> memref<16x128xf32, #tpu.memory_space<vmem>>
      %dma_wait3A_116 = arith.constant 0 : i32
      %dma_wait3A_117 = arith.constant 0 : i32
      %dma_wait3A_118 = tpu.memref_slice %arg3[%dma_wait3A_116, %dma_wait3A_117] : memref<10000x128xf32, #tpu.memory_space<hbm>> -> memref<16x128xf32, #tpu.memory_space<hbm>>
      tpu.wait_dma2 semaphore(%arg11 : memref<!tpu.dma_semaphore, #tpu.memory_space<semaphore_mem>>) src(%dma_wait3A_118 : memref<16x128xf32, #tpu.memory_space<hbm>>) dst(%dma_wait3A_115 : memref<16x128xf32, #tpu.memory_space<vmem>>)
      %run_scoped3A_119 = arith.constant 0 : i32
      "tpu.region"() ({
        %run_scoped3A_122 = tpu.sem_alloc : memref<!tpu.dma_semaphore, #tpu.memory_space<semaphore_mem>>
        %dma_start3A_123 = arith.constant 0 : i32
        %dma_start3A_124 = arith.constant 0 : i32
        %dma_start3A_125 = tpu.memref_slice %arg10[%run_scoped3A_119, %dma_start3A_123, %dma_start3A_124] : memref<2x96x128xf32, #tpu.memory_space<vmem>> -> memref<1x16x128xf32, #tpu.memory_space<vmem>>
        %dma_start3A_126 = tpu.memref_squeeze %dma_start3A_125 : memref<1x16x128xf32, #tpu.memory_space<vmem>> -> memref<16x128xf32, #tpu.memory_space<vmem>>
        %dma_start3A_127 = arith.constant 9984 : i32
        %dma_start3A_128 = tpu.memref_slice %arg9[%dma_start3A_127] : memref<10000xi32, #tpu.memory_space<vmem>> -> memref<16xi32, #tpu.memory_space<vmem>>
        %dma_start3A_129 = arith.constant 0 : i32
        %dma_start3A_130 = arith.constant 0 : i32
        %dma_start3A_131 = tpu.memref_slice %arg7[%dma_start3A_129, %dma_start3A_130] : memref<10240x128xf32, #tpu.memory_space<vmem_shared>> -> memref<10240x128xf32, #tpu.memory_space<vmem_shared>>
        tpu.enqueue_indirect_dma source(%dma_start3A_126 : memref<16x128xf32, #tpu.memory_space<vmem>>) target(%dma_start3A_131 : memref<10240x128xf32, #tpu.memory_space<vmem_shared>>) offsets(%dma_start3A_128 : memref<16xi32, #tpu.memory_space<vmem>>) semaphore(%run_scoped3A_122 : memref<!tpu.dma_semaphore, #tpu.memory_space<semaphore_mem>>) {add = true}
        %dma_wait3A_132 = arith.constant 0 : i32
        %dma_wait3A_133 = arith.constant 0 : i32
        %dma_wait3A_134 = tpu.memref_slice %arg10[%run_scoped3A_119, %dma_wait3A_132, %dma_wait3A_133] : memref<2x96x128xf32, #tpu.memory_space<vmem>> -> memref<1x16x128xf32, #tpu.memory_space<vmem>>
        %dma_wait3A_135 = tpu.memref_squeeze %dma_wait3A_134 : memref<1x16x128xf32, #tpu.memory_space<vmem>> -> memref<16x128xf32, #tpu.memory_space<vmem>>
        %dma_wait3A_136 = arith.constant 9984 : i32
        %dma_wait3A_137 = tpu.memref_slice %arg9[%dma_wait3A_136] : memref<10000xi32, #tpu.memory_space<vmem>> -> memref<16xi32, #tpu.memory_space<vmem>>
        %dma_wait3A_138 = arith.constant 0 : i32
        %dma_wait3A_139 = arith.constant 0 : i32
        %dma_wait3A_140 = tpu.memref_slice %arg7[%dma_wait3A_138, %dma_wait3A_139] : memref<10240x128xf32, #tpu.memory_space<vmem_shared>> -> memref<10240x128xf32, #tpu.memory_space<vmem_shared>>
        tpu.wait_indirect_dma semaphore(%run_scoped3A_122 : memref<!tpu.dma_semaphore, #tpu.memory_space<semaphore_mem>>) src(%dma_wait3A_135 : memref<16x128xf32, #tpu.memory_space<vmem>>) dst(%dma_wait3A_140 : memref<10240x128xf32, #tpu.memory_space<vmem_shared>>)
        tpu.yield
      }) : () -> ()
      %barrier3A_120 = arith.constant 0 : index
      tpu.barrier barrier_id(%barrier3A_120)
      %run_scoped3A_121 = arith.constant 1 : i32
      "tpu.region"() ({
        %run_scoped3A_122 = tpu.sem_alloc : memref<!tpu.dma_semaphore, #tpu.memory_space<semaphore_mem>>
        %dma_start3A_123 = arith.constant 0 : i32
        %dma_start3A_124 = tpu.memref_slice %arg6[%run_scoped3A_121, %mul3A_0, %dma_start3A_123] : memref<2x10240x128xf32, #tpu.memory_space<hbm>> -> memref<1x640x128xf32, #tpu.memory_space<hbm>>
        %dma_start3A_125 = tpu.memref_squeeze %dma_start3A_124 : memref<1x640x128xf32, #tpu.memory_space<hbm>> -> memref<640x128xf32, #tpu.memory_space<hbm>>
        %dma_start3A_126 = arith.constant 0 : i32
        %dma_start3A_127 = tpu.memref_slice %arg7[%mul3A_0, %dma_start3A_126] : memref<10240x128xf32, #tpu.memory_space<vmem_shared>> -> memref<640x128xf32, #tpu.memory_space<vmem_shared>>
        tpu.enqueue_dma source(%dma_start3A_127 : memref<640x128xf32, #tpu.memory_space<vmem_shared>>) target(%dma_start3A_125 : memref<640x128xf32, #tpu.memory_space<hbm>>) target_semaphore(%run_scoped3A_122 : memref<!tpu.dma_semaphore, #tpu.memory_space<semaphore_mem>>)
        %dma_wait3A_128 = arith.constant 0 : i32
        %dma_wait3A_129 = tpu.memref_slice %arg6[%run_scoped3A_121, %mul3A_0, %dma_wait3A_128] : memref<2x10240x128xf32, #tpu.memory_space<hbm>> -> memref<1x640x128xf32, #tpu.memory_space<hbm>>
        %dma_wait3A_130 = tpu.memref_squeeze %dma_wait3A_129 : memref<1x640x128xf32, #tpu.memory_space<hbm>> -> memref<640x128xf32, #tpu.memory_space<hbm>>
        %dma_wait3A_131 = arith.constant 0 : i32
        %dma_wait3A_132 = tpu.memref_slice %arg7[%mul3A_0, %dma_wait3A_131] : memref<10240x128xf32, #tpu.memory_space<vmem_shared>> -> memref<640x128xf32, #tpu.memory_space<vmem_shared>>
        tpu.wait_dma2 semaphore(%run_scoped3A_122 : memref<!tpu.dma_semaphore, #tpu.memory_space<semaphore_mem>>) src(%dma_wait3A_132 : memref<640x128xf32, #tpu.memory_space<vmem_shared>>) dst(%dma_wait3A_130 : memref<640x128xf32, #tpu.memory_space<hbm>>)
        tpu.yield
      }) : () -> ()
    } else {
    }
    return
  }
}

module attributes {stable_mosaic.version = 14 : i64} {
  func.func @_combine_body(%arg0: i32, %arg1: memref<1x2000x128xf32, #tpu.memory_space<vmem>>, %arg2: memref<1x2000x128xf32, #tpu.memory_space<vmem>>, %arg3: memref<2000x64xf32, #tpu.memory_space<vmem>>, %arg4: memref<2000x64xf32, #tpu.memory_space<vmem>>, %arg5: memref<2000x128xf32, #tpu.memory_space<vmem>>) attributes {dimension_semantics = [#tpu.dimension_semantics<arbitrary>], iteration_bounds = array<i64: 5>, scalar_prefetch = 0 : i64, scratch_operands = 0 : i64, tpu.core_type = #tpu.core_type<tc>, window_params = [{transform_indices = @transform_0, window_bounds = array<i64: 1, 2000, 128>}, {transform_indices = @transform_1, window_bounds = array<i64: 1, 2000, 128>}, {transform_indices = @transform_2, window_bounds = array<i64: 2000, 64>}, {transform_indices = @transform_3, window_bounds = array<i64: 2000, 64>}, {transform_indices = @transform_4, window_bounds = array<i64: 2000, 128>}]} {
    %get3A = arith.constant 0 : index
    %get3A_0 = arith.constant 0 : index
    %get3A_1 = arith.constant 0 : index
    %get3A_2 = vector.load %arg1[%get3A, %get3A_0, %get3A_1] : memref<1x2000x128xf32, #tpu.memory_space<vmem>>, vector<1x2000x128xf32>
    %get3A_3 = vector.shape_cast %get3A_2 : vector<1x2000x128xf32> to vector<2000x128xf32>
    %get3A_4 = arith.constant 0 : index
    %get3A_5 = arith.constant 0 : index
    %get3A_6 = arith.constant 0 : index
    %get3A_7 = vector.load %arg2[%get3A_4, %get3A_5, %get3A_6] : memref<1x2000x128xf32, #tpu.memory_space<vmem>>, vector<1x2000x128xf32>
    %get3A_8 = vector.shape_cast %get3A_7 : vector<1x2000x128xf32> to vector<2000x128xf32>
    %slice3A = vector.extract_strided_slice %get3A_3 {offsets = [0, 64], sizes = [2000, 1], strides = [1, 1]} : vector<2000x128xf32> to vector<2000x1xf32>
    %max3A = arith.constant 1.000000e+00 : f32
    %max3A_9 = vector.broadcast %max3A : f32 to vector<2000x1xf32>
    %max3A_10 = arith.maximumf %slice3A, %max3A_9 : vector<2000x1xf32>
    %slice3A_11 = vector.extract_strided_slice %get3A_8 {offsets = [0, 64], sizes = [2000, 1], strides = [1, 1]} : vector<2000x128xf32> to vector<2000x1xf32>
    %max3A_12 = arith.constant 1.000000e+00 : f32
    %max3A_13 = vector.broadcast %max3A_12 : f32 to vector<2000x1xf32>
    %max3A_14 = arith.maximumf %slice3A_11, %max3A_13 : vector<2000x1xf32>
    %slice3A_15 = vector.extract_strided_slice %get3A_3 {offsets = [0, 0], sizes = [2000, 64], strides = [1, 1]} : vector<2000x128xf32> to vector<2000x64xf32>
    %div3A = vector.broadcast %max3A_10 : vector<2000x1xf32> to vector<2000x64xf32>
    %div3A_16 = arith.divf %slice3A_15, %div3A : vector<2000x64xf32>
    %get3A_17 = arith.constant 0 : index
    %get3A_18 = arith.constant 0 : index
    %get3A_19 = vector.load %arg3[%get3A_17, %get3A_18] : memref<2000x64xf32, #tpu.memory_space<vmem>>, vector<2000x64xf32>
    %add3A = arith.addf %div3A_16, %get3A_19 : vector<2000x64xf32>
    %slice3A_20 = vector.extract_strided_slice %get3A_8 {offsets = [0, 0], sizes = [2000, 64], strides = [1, 1]} : vector<2000x128xf32> to vector<2000x64xf32>
    %div3A_21 = vector.broadcast %max3A_14 : vector<2000x1xf32> to vector<2000x64xf32>
    %div3A_22 = arith.divf %slice3A_20, %div3A_21 : vector<2000x64xf32>
    %get3A_23 = arith.constant 0 : index
    %get3A_24 = arith.constant 0 : index
    %get3A_25 = vector.load %arg4[%get3A_23, %get3A_24] : memref<2000x64xf32, #tpu.memory_space<vmem>>, vector<2000x64xf32>
    %add3A_26 = arith.addf %div3A_22, %get3A_25 : vector<2000x64xf32>
    %concatenate3A = tpu.concatenate %add3A, %add3A_26 in 1 : vector<2000x64xf32>, vector<2000x64xf32> -> vector<2000x128xf32>
    %max3A_27 = arith.constant 0.000000e+00 : f32
    %max3A_28 = vector.broadcast %max3A_27 : f32 to vector<2000x128xf32>
    %max3A_29 = arith.maximumf %concatenate3A, %max3A_28 : vector<2000x128xf32>
    %swap3A = arith.constant 0 : index
    %swap3A_30 = arith.constant 0 : index
    %swap3A_31 = vector.load %arg5[%swap3A, %swap3A_30] : memref<2000x128xf32, #tpu.memory_space<vmem>>, vector<2000x128xf32>
    tpu.vector_store %arg5[%swap3A, %swap3A_30], %max3A_29 {strides = array<i32>} : memref<2000x128xf32, #tpu.memory_space<vmem>>, vector<2000x128xf32>,
    return
  }
  func.func @transform_0(%arg0: i32) -> (i32, i32, i32) {
    %c0_i32 = arith.constant 0 : i32
    %c0_i32_0 = arith.constant 0 : i32
    %c0_i32_1 = arith.constant 0 : i32
    return %c0_i32, %arg0, %c0_i32_0 : i32, i32, i32
  }
  func.func @transform_1(%arg0: i32) -> (i32, i32, i32) {
    %c1_i32 = arith.constant 1 : i32
    %c0_i32 = arith.constant 0 : i32
    %c0_i32_0 = arith.constant 0 : i32
    return %c1_i32, %arg0, %c0_i32 : i32, i32, i32
  }
  func.func @transform_2(%arg0: i32) -> (i32, i32) {
    %c0_i32 = arith.constant 0 : i32
    %c0_i32_0 = arith.constant 0 : i32
    return %arg0, %c0_i32 : i32, i32
  }
  func.func @transform_3(%arg0: i32) -> (i32, i32) {
    %c0_i32 = arith.constant 0 : i32
    %c0_i32_0 = arith.constant 0 : i32
    return %arg0, %c0_i32 : i32, i32
  }
  func.func @transform_4(%arg0: i32) -> (i32, i32) {
    %c0_i32 = arith.constant 0 : i32
    %c0_i32_0 = arith.constant 0 : i32
    return %arg0, %c0_i32 : i32, i32
  }
}

module attributes {stable_mosaic.version = 14 : i64} {
  func.func @_final_body(%arg0: i32, %arg1: memref<1x2000x128xf32, #tpu.memory_space<vmem>>, %arg2: memref<1x2000x128xf32, #tpu.memory_space<vmem>>, %arg3: memref<2000x128xf32, #tpu.memory_space<vmem>>, %arg4: memref<1x2000x128xf32, #tpu.memory_space<vmem>>, %arg5: memref<1x2000x128xf32, #tpu.memory_space<vmem>>, %arg6: memref<64x128xf32, #tpu.memory_space<vmem>>, %arg7: memref<64x64xf32, #tpu.memory_space<vmem>>, %arg8: memref<1x64xf32, #tpu.memory_space<vmem>>, %arg9: memref<64x128xf32, #tpu.memory_space<vmem>>, %arg10: memref<64x64xf32, #tpu.memory_space<vmem>>, %arg11: memref<1x64xf32, #tpu.memory_space<vmem>>, %arg12: memref<2000x128xf32, #tpu.memory_space<vmem>>) attributes {dimension_semantics = [#tpu.dimension_semantics<arbitrary>], iteration_bounds = array<i64: 5>, scalar_prefetch = 0 : i64, scratch_operands = 0 : i64, tpu.core_type = #tpu.core_type<tc>, window_params = [{transform_indices = @transform_0, window_bounds = array<i64: 1, 2000, 128>}, {transform_indices = @transform_1, window_bounds = array<i64: 1, 2000, 128>}, {transform_indices = @transform_2, window_bounds = array<i64: 2000, 128>}, {transform_indices = @transform_3, window_bounds = array<i64: 1, 2000, 128>}, {transform_indices = @transform_4, window_bounds = array<i64: 1, 2000, 128>}, {pipeline_mode = #tpu.pipeline_mode<synchronous>, transform_indices = @transform_5, window_bounds = array<i64: 64, 128>}, {pipeline_mode = #tpu.pipeline_mode<synchronous>, transform_indices = @transform_6, window_bounds = array<i64: 64, 64>}, {pipeline_mode = #tpu.pipeline_mode<synchronous>, transform_indices = @transform_7, window_bounds = array<i64: 1, 64>}, {pipeline_mode = #tpu.pipeline_mode<synchronous>, transform_indices = @transform_8, window_bounds = array<i64: 64, 128>}, {pipeline_mode = #tpu.pipeline_mode<synchronous>, transform_indices = @transform_9, window_bounds = array<i64: 64, 64>}, {pipeline_mode = #tpu.pipeline_mode<synchronous>, transform_indices = @transform_10, window_bounds = array<i64: 1, 64>}, {transform_indices = @transform_11, window_bounds = array<i64: 2000, 128>}]} {
    %get3A = arith.constant 0 : index
    %get3A_0 = arith.constant 0 : index
    %get3A_1 = arith.constant 64 : index
    %get3A_2 = vector.load %arg4[%get3A, %get3A_0, %get3A_1] : memref<1x2000x128xf32, #tpu.memory_space<vmem>>, vector<1x2000x1xf32>
    %get3A_3 = vector.shape_cast %get3A_2 : vector<1x2000x1xf32> to vector<2000x1xf32>
    %max3A = arith.constant 1.000000e+00 : f32
    %max3A_4 = vector.broadcast %max3A : f32 to vector<2000x1xf32>
    %max3A_5 = arith.maximumf %get3A_3, %max3A_4 : vector<2000x1xf32>
    %get3A_6 = arith.constant 0 : index
    %get3A_7 = arith.constant 0 : index
    %get3A_8 = arith.constant 64 : index
    %get3A_9 = vector.load %arg5[%get3A_6, %get3A_7, %get3A_8] : memref<1x2000x128xf32, #tpu.memory_space<vmem>>, vector<1x2000x1xf32>
    %get3A_10 = vector.shape_cast %get3A_9 : vector<1x2000x1xf32> to vector<2000x1xf32>
    %max3A_11 = arith.constant 1.000000e+00 : f32
    %max3A_12 = vector.broadcast %max3A_11 : f32 to vector<2000x1xf32>
    %max3A_13 = arith.maximumf %get3A_10, %max3A_12 : vector<2000x1xf32>
    %get3A_14 = arith.constant 0 : index
    %get3A_15 = arith.constant 0 : index
    %get3A_16 = arith.constant 0 : index
    %get3A_17 = vector.load %arg1[%get3A_14, %get3A_15, %get3A_16] : memref<1x2000x128xf32, #tpu.memory_space<vmem>>, vector<1x2000x128xf32>
    %get3A_18 = vector.shape_cast %get3A_17 : vector<1x2000x128xf32> to vector<2000x128xf32>
    %div3A = vector.broadcast %max3A_5 : vector<2000x1xf32> to vector<2000x128xf32>
    %div3A_19 = arith.divf %get3A_18, %div3A : vector<2000x128xf32>
    %get3A_20 = arith.constant 0 : index
    %get3A_21 = arith.constant 0 : index
    %get3A_22 = arith.constant 0 : index
    %get3A_23 = vector.load %arg2[%get3A_20, %get3A_21, %get3A_22] : memref<1x2000x128xf32, #tpu.memory_space<vmem>>, vector<1x2000x128xf32>
    %get3A_24 = vector.shape_cast %get3A_23 : vector<1x2000x128xf32> to vector<2000x128xf32>
    %div3A_25 = vector.broadcast %max3A_13 : vector<2000x1xf32> to vector<2000x128xf32>
    %div3A_26 = arith.divf %get3A_24, %div3A_25 : vector<2000x128xf32>
    %get3A_27 = arith.constant 0 : index
    %get3A_28 = arith.constant 0 : index
    %get3A_29 = vector.load %arg3[%get3A_27, %get3A_28] : memref<2000x128xf32, #tpu.memory_space<vmem>>, vector<2000x128xf32>
    %slice3A = vector.extract_strided_slice %div3A_19 {offsets = [0, 0], sizes = [2000, 64], strides = [1, 1]} : vector<2000x128xf32> to vector<2000x64xf32>
    %slice3A_30 = vector.extract_strided_slice %div3A_26 {offsets = [0, 64], sizes = [2000, 64], strides = [1, 1]} : vector<2000x128xf32> to vector<2000x64xf32>
    %concatenate3A = tpu.concatenate %slice3A, %slice3A_30 in 1 : vector<2000x64xf32>, vector<2000x64xf32> -> vector<2000x128xf32>
    %slice3A_31 = vector.extract_strided_slice %div3A_19 {offsets = [0, 64], sizes = [2000, 64], strides = [1, 1]} : vector<2000x128xf32> to vector<2000x64xf32>
    %slice3A_32 = vector.extract_strided_slice %div3A_26 {offsets = [0, 0], sizes = [2000, 64], strides = [1, 1]} : vector<2000x128xf32> to vector<2000x64xf32>
    %concatenate3A_33 = tpu.concatenate %slice3A_31, %slice3A_32 in 1 : vector<2000x64xf32>, vector<2000x64xf32> -> vector<2000x128xf32>
    %get3A_34 = arith.constant 0 : index
    %get3A_35 = arith.constant 0 : index
    %get3A_36 = vector.load %arg6[%get3A_34, %get3A_35] : memref<64x128xf32, #tpu.memory_space<vmem>>, vector<64x128xf32>
    %dot_general3A = arith.constant dense<0.000000e+00> : vector<2000x64xf32>
    %dot_general3A_37 = tpu.matmul %concatenate3A, %get3A_36, %dot_general3A {dimension_numbers = #tpu.dot_dimension_numbers<[1], [1], [0], [0], [0, 0, 1, 0], [], []>, transpose_lhs_hint = false} : vector<2000x128xf32>, vector<64x128xf32>, vector<2000x64xf32> -> vector<2000x64xf32>
    %slice3A_38 = vector.extract_strided_slice %get3A_29 {offsets = [0, 0], sizes = [2000, 64], strides = [1, 1]} : vector<2000x128xf32> to vector<2000x64xf32>
    %get3A_39 = arith.constant 0 : index
    %get3A_40 = arith.constant 0 : index
    %get3A_41 = vector.load %arg7[%get3A_39, %get3A_40] : memref<64x64xf32, #tpu.memory_space<vmem>>, vector<64x64xf32>
    %dot_general3A_42 = arith.constant dense<0.000000e+00> : vector<2000x64xf32>
    %dot_general3A_43 = tpu.matmul %slice3A_38, %get3A_41, %dot_general3A_42 {dimension_numbers = #tpu.dot_dimension_numbers<[1], [1], [0], [0], [0, 0, 1, 0], [], []>, transpose_lhs_hint = false} : vector<2000x64xf32>, vector<64x64xf32>, vector<2000x64xf32> -> vector<2000x64xf32>
    %add3A = arith.addf %dot_general3A_37, %dot_general3A_43 : vector<2000x64xf32>
    %get3A_44 = arith.constant 0 : index
    %get3A_45 = arith.constant 0 : index
    %get3A_46 = vector.load %arg8[%get3A_44, %get3A_45] : memref<1x64xf32, #tpu.memory_space<vmem>>, vector<1x64xf32>
    %add3A_47 = vector.broadcast %get3A_46 : vector<1x64xf32> to vector<2000x64xf32>
    %add3A_48 = arith.addf %add3A, %add3A_47 : vector<2000x64xf32>
    %get3A_49 = arith.constant 0 : index
    %get3A_50 = arith.constant 0 : index
    %get3A_51 = vector.load %arg9[%get3A_49, %get3A_50] : memref<64x128xf32, #tpu.memory_space<vmem>>, vector<64x128xf32>
    %dot_general3A_52 = arith.constant dense<0.000000e+00> : vector<2000x64xf32>
    %dot_general3A_53 = tpu.matmul %concatenate3A_33, %get3A_51, %dot_general3A_52 {dimension_numbers = #tpu.dot_dimension_numbers<[1], [1], [0], [0], [0, 0, 1, 0], [], []>, transpose_lhs_hint = false} : vector<2000x128xf32>, vector<64x128xf32>, vector<2000x64xf32> -> vector<2000x64xf32>
    %slice3A_54 = vector.extract_strided_slice %get3A_29 {offsets = [0, 64], sizes = [2000, 64], strides = [1, 1]} : vector<2000x128xf32> to vector<2000x64xf32>
    %get3A_55 = arith.constant 0 : index
    %get3A_56 = arith.constant 0 : index
    %get3A_57 = vector.load %arg10[%get3A_55, %get3A_56] : memref<64x64xf32, #tpu.memory_space<vmem>>, vector<64x64xf32>
    %dot_general3A_58 = arith.constant dense<0.000000e+00> : vector<2000x64xf32>
    %dot_general3A_59 = tpu.matmul %slice3A_54, %get3A_57, %dot_general3A_58 {dimension_numbers = #tpu.dot_dimension_numbers<[1], [1], [0], [0], [0, 0, 1, 0], [], []>, transpose_lhs_hint = false} : vector<2000x64xf32>, vector<64x64xf32>, vector<2000x64xf32> -> vector<2000x64xf32>
    %add3A_60 = arith.addf %dot_general3A_53, %dot_general3A_59 : vector<2000x64xf32>
    %get3A_61 = arith.constant 0 : index
    %get3A_62 = arith.constant 0 : index
    %get3A_63 = vector.load %arg11[%get3A_61, %get3A_62] : memref<1x64xf32, #tpu.memory_space<vmem>>, vector<1x64xf32>
    %add3A_64 = vector.broadcast %get3A_63 : vector<1x64xf32> to vector<2000x64xf32>
    %add3A_65 = arith.addf %add3A_60, %add3A_64 : vector<2000x64xf32>
    %concatenate3A_66 = tpu.concatenate %add3A_48, %add3A_65 in 1 : vector<2000x64xf32>, vector<2000x64xf32> -> vector<2000x128xf32>
    %max3A_67 = arith.constant 0.000000e+00 : f32
    %max3A_68 = vector.broadcast %max3A_67 : f32 to vector<2000x128xf32>
    %max3A_69 = arith.maximumf %concatenate3A_66, %max3A_68 : vector<2000x128xf32>
    %swap3A = arith.constant 0 : index
    %swap3A_70 = arith.constant 0 : index
    %swap3A_71 = vector.load %arg12[%swap3A, %swap3A_70] : memref<2000x128xf32, #tpu.memory_space<vmem>>, vector<2000x128xf32>
    tpu.vector_store %arg12[%swap3A, %swap3A_70], %max3A_69 {strides = array<i32>} : memref<2000x128xf32, #tpu.memory_space<vmem>>, vector<2000x128xf32>,
    return
  }
  func.func @transform_0(%arg0: i32) -> (i32, i32, i32) {
    %c0_i32 = arith.constant 0 : i32
    %c0_i32_0 = arith.constant 0 : i32
    %c0_i32_1 = arith.constant 0 : i32
    return %c0_i32, %arg0, %c0_i32_0 : i32, i32, i32
  }
  func.func @transform_1(%arg0: i32) -> (i32, i32, i32) {
    %c1_i32 = arith.constant 1 : i32
    %c0_i32 = arith.constant 0 : i32
    %c0_i32_0 = arith.constant 0 : i32
    return %c1_i32, %arg0, %c0_i32 : i32, i32, i32
  }
  func.func @transform_2(%arg0: i32) -> (i32, i32) {
    %c0_i32 = arith.constant 0 : i32
    %c0_i32_0 = arith.constant 0 : i32
    return %arg0, %c0_i32 : i32, i32
  }
  func.func @transform_3(%arg0: i32) -> (i32, i32, i32) {
    %c0_i32 = arith.constant 0 : i32
    %c0_i32_0 = arith.constant 0 : i32
    %c0_i32_1 = arith.constant 0 : i32
    return %c0_i32, %arg0, %c0_i32_0 : i32, i32, i32
  }
  func.func @transform_4(%arg0: i32) -> (i32, i32, i32) {
    %c1_i32 = arith.constant 1 : i32
    %c0_i32 = arith.constant 0 : i32
    %c0_i32_0 = arith.constant 0 : i32
    return %c1_i32, %arg0, %c0_i32 : i32, i32, i32
  }
  func.func @transform_5(%arg0: i32) -> (i32, i32) {
    %c0_i32 = arith.constant 0 : i32
    %c0_i32_0 = arith.constant 0 : i32
    %c0_i32_1 = arith.constant 0 : i32
    return %c0_i32, %c0_i32_0 : i32, i32
  }
  func.func @transform_6(%arg0: i32) -> (i32, i32) {
    %c0_i32 = arith.constant 0 : i32
    %c0_i32_0 = arith.constant 0 : i32
    %c0_i32_1 = arith.constant 0 : i32
    return %c0_i32, %c0_i32_0 : i32, i32
  }
  func.func @transform_7(%arg0: i32) -> (i32, i32) {
    %c0_i32 = arith.constant 0 : i32
    %c0_i32_0 = arith.constant 0 : i32
    %c0_i32_1 = arith.constant 0 : i32
    return %c0_i32, %c0_i32_0 : i32, i32
  }
  func.func @transform_8(%arg0: i32) -> (i32, i32) {
    %c0_i32 = arith.constant 0 : i32
    %c0_i32_0 = arith.constant 0 : i32
    %c0_i32_1 = arith.constant 0 : i32
    return %c0_i32, %c0_i32_0 : i32, i32
  }
  func.func @transform_9(%arg0: i32) -> (i32, i32) {
    %c0_i32 = arith.constant 0 : i32
    %c0_i32_0 = arith.constant 0 : i32
    %c0_i32_1 = arith.constant 0 : i32
    return %c0_i32, %c0_i32_0 : i32, i32
  }
  func.func @transform_10(%arg0: i32) -> (i32, i32) {
    %c0_i32 = arith.constant 0 : i32
    %c0_i32_0 = arith.constant 0 : i32
    %c0_i32_1 = arith.constant 0 : i32
    return %c0_i32, %c0_i32_0 : i32, i32
  }
  func.func @transform_11(%arg0: i32) -> (i32, i32) {
    %c0_i32 = arith.constant 0 : i32
    %c0_i32_0 = arith.constant 0 : i32
    return %arg0, %c0_i32 : i32, i32
  }
}

module attributes {stable_mosaic.version = 14 : i64} {
  func.func @_proj_body(%arg0: i32, %arg1: memref<2000x128xf32, #tpu.memory_space<vmem>>, %arg2: memref<64x128xf32, #tpu.memory_space<vmem>>, %arg3: memref<64x128xf32, #tpu.memory_space<vmem>>, %arg4: memref<1x64xf32, #tpu.memory_space<vmem>>, %arg5: memref<64x128xf32, #tpu.memory_space<vmem>>, %arg6: memref<64x128xf32, #tpu.memory_space<vmem>>, %arg7: memref<1x64xf32, #tpu.memory_space<vmem>>, %arg8: memref<2000x128xf32, #tpu.memory_space<vmem>>, %arg9: memref<2000x128xf32, #tpu.memory_space<vmem>>, %arg10: memref<2000x64xf32, #tpu.memory_space<vmem>>, %arg11: memref<2000x64xf32, #tpu.memory_space<vmem>>) attributes {dimension_semantics = [#tpu.dimension_semantics<arbitrary>], iteration_bounds = array<i64: 5>, scalar_prefetch = 0 : i64, scratch_operands = 0 : i64, tpu.core_type = #tpu.core_type<tc>, window_params = [{transform_indices = @transform_0, window_bounds = array<i64: 2000, 128>}, {pipeline_mode = #tpu.pipeline_mode<synchronous>, transform_indices = @transform_1, window_bounds = array<i64: 64, 128>}, {pipeline_mode = #tpu.pipeline_mode<synchronous>, transform_indices = @transform_2, window_bounds = array<i64: 64, 128>}, {pipeline_mode = #tpu.pipeline_mode<synchronous>, transform_indices = @transform_3, window_bounds = array<i64: 1, 64>}, {pipeline_mode = #tpu.pipeline_mode<synchronous>, transform_indices = @transform_4, window_bounds = array<i64: 64, 128>}, {pipeline_mode = #tpu.pipeline_mode<synchronous>, transform_indices = @transform_5, window_bounds = array<i64: 64, 128>}, {pipeline_mode = #tpu.pipeline_mode<synchronous>, transform_indices = @transform_6, window_bounds = array<i64: 1, 64>}, {transform_indices = @transform_7, window_bounds = array<i64: 2000, 128>}, {transform_indices = @transform_8, window_bounds = array<i64: 2000, 128>}, {transform_indices = @transform_9, window_bounds = array<i64: 2000, 64>}, {transform_indices = @transform_10, window_bounds = array<i64: 2000, 64>}]} {
    %get3A = arith.constant 0 : index
    %get3A_0 = arith.constant 0 : index
    %get3A_1 = vector.load %arg1[%get3A, %get3A_0] : memref<2000x128xf32, #tpu.memory_space<vmem>>, vector<2000x128xf32>
    %broadcast_in_dim3A = arith.constant 1.000000e+00 : f32
    %broadcast_in_dim3A_2 = vector.broadcast %broadcast_in_dim3A : f32 to vector<2000x1xf32>
    %broadcast_in_dim3A_3 = arith.constant 0.000000e+00 : f32
    %broadcast_in_dim3A_4 = vector.broadcast %broadcast_in_dim3A_3 : f32 to vector<2000x63xf32>
    %get3A_5 = arith.constant 0 : index
    %get3A_6 = arith.constant 0 : index
    %get3A_7 = vector.load %arg2[%get3A_5, %get3A_6] : memref<64x128xf32, #tpu.memory_space<vmem>>, vector<64x128xf32>
    %dot_general3A = arith.constant dense<0.000000e+00> : vector<2000x64xf32>
    %dot_general3A_8 = tpu.matmul %get3A_1, %get3A_7, %dot_general3A {dimension_numbers = #tpu.dot_dimension_numbers<[1], [1], [0], [0], [0, 0, 1, 0], [], []>, transpose_lhs_hint = false} : vector<2000x128xf32>, vector<64x128xf32>, vector<2000x64xf32> -> vector<2000x64xf32>
    %concatenate3A = tpu.concatenate %dot_general3A_8, %broadcast_in_dim3A_2, %broadcast_in_dim3A_4 in 1 : vector<2000x64xf32>, vector<2000x1xf32>, vector<2000x63xf32> -> vector<2000x128xf32>
    %swap3A = arith.constant 0 : index
    %swap3A_9 = arith.constant 0 : index
    %swap3A_10 = vector.load %arg8[%swap3A, %swap3A_9] : memref<2000x128xf32, #tpu.memory_space<vmem>>, vector<2000x128xf32>
    tpu.vector_store %arg8[%swap3A, %swap3A_9], %concatenate3A {strides = array<i32>} : memref<2000x128xf32, #tpu.memory_space<vmem>>, vector<2000x128xf32>,
    %get3A_11 = arith.constant 0 : index
    %get3A_12 = arith.constant 0 : index
    %get3A_13 = vector.load %arg5[%get3A_11, %get3A_12] : memref<64x128xf32, #tpu.memory_space<vmem>>, vector<64x128xf32>
    %dot_general3A_14 = arith.constant dense<0.000000e+00> : vector<2000x64xf32>
    %dot_general3A_15 = tpu.matmul %get3A_1, %get3A_13, %dot_general3A_14 {dimension_numbers = #tpu.dot_dimension_numbers<[1], [1], [0], [0], [0, 0, 1, 0], [], []>, transpose_lhs_hint = false} : vector<2000x128xf32>, vector<64x128xf32>, vector<2000x64xf32> -> vector<2000x64xf32>
    %concatenate3A_16 = tpu.concatenate %dot_general3A_15, %broadcast_in_dim3A_2, %broadcast_in_dim3A_4 in 1 : vector<2000x64xf32>, vector<2000x1xf32>, vector<2000x63xf32> -> vector<2000x128xf32>
    %swap3A_17 = arith.constant 0 : index
    %swap3A_18 = arith.constant 0 : index
    %swap3A_19 = vector.load %arg9[%swap3A_17, %swap3A_18] : memref<2000x128xf32, #tpu.memory_space<vmem>>, vector<2000x128xf32>
    tpu.vector_store %arg9[%swap3A_17, %swap3A_18], %concatenate3A_16 {strides = array<i32>} : memref<2000x128xf32, #tpu.memory_space<vmem>>, vector<2000x128xf32>,
    %get3A_20 = arith.constant 0 : index
    %get3A_21 = arith.constant 0 : index
    %get3A_22 = vector.load %arg3[%get3A_20, %get3A_21] : memref<64x128xf32, #tpu.memory_space<vmem>>, vector<64x128xf32>
    %dot_general3A_23 = arith.constant dense<0.000000e+00> : vector<2000x64xf32>
    %dot_general3A_24 = tpu.matmul %get3A_1, %get3A_22, %dot_general3A_23 {dimension_numbers = #tpu.dot_dimension_numbers<[1], [1], [0], [0], [0, 0, 1, 0], [], []>, transpose_lhs_hint = false} : vector<2000x128xf32>, vector<64x128xf32>, vector<2000x64xf32> -> vector<2000x64xf32>
    %get3A_25 = arith.constant 0 : index
    %get3A_26 = arith.constant 0 : index
    %get3A_27 = vector.load %arg4[%get3A_25, %get3A_26] : memref<1x64xf32, #tpu.memory_space<vmem>>, vector<1x64xf32>
    %add3A = vector.broadcast %get3A_27 : vector<1x64xf32> to vector<2000x64xf32>
    %add3A_28 = arith.addf %dot_general3A_24, %add3A : vector<2000x64xf32>
    %swap3A_29 = arith.constant 0 : index
    %swap3A_30 = arith.constant 0 : index
    %swap3A_31 = vector.load %arg10[%swap3A_29, %swap3A_30] : memref<2000x64xf32, #tpu.memory_space<vmem>>, vector<2000x64xf32>
    tpu.vector_store %arg10[%swap3A_29, %swap3A_30], %add3A_28 {strides = array<i32>} : memref<2000x64xf32, #tpu.memory_space<vmem>>, vector<2000x64xf32>,
    %get3A_32 = arith.constant 0 : index
    %get3A_33 = arith.constant 0 : index
    %get3A_34 = vector.load %arg6[%get3A_32, %get3A_33] : memref<64x128xf32, #tpu.memory_space<vmem>>, vector<64x128xf32>
    %dot_general3A_35 = arith.constant dense<0.000000e+00> : vector<2000x64xf32>
    %dot_general3A_36 = tpu.matmul %get3A_1, %get3A_34, %dot_general3A_35 {dimension_numbers = #tpu.dot_dimension_numbers<[1], [1], [0], [0], [0, 0, 1, 0], [], []>, transpose_lhs_hint = false} : vector<2000x128xf32>, vector<64x128xf32>, vector<2000x64xf32> -> vector<2000x64xf32>
    %get3A_37 = arith.constant 0 : index
    %get3A_38 = arith.constant 0 : index
    %get3A_39 = vector.load %arg7[%get3A_37, %get3A_38] : memref<1x64xf32, #tpu.memory_space<vmem>>, vector<1x64xf32>
    %add3A_40 = vector.broadcast %get3A_39 : vector<1x64xf32> to vector<2000x64xf32>
    %add3A_41 = arith.addf %dot_general3A_36, %add3A_40 : vector<2000x64xf32>
    %swap3A_42 = arith.constant 0 : index
    %swap3A_43 = arith.constant 0 : index
    %swap3A_44 = vector.load %arg11[%swap3A_42, %swap3A_43] : memref<2000x64xf32, #tpu.memory_space<vmem>>, vector<2000x64xf32>
    tpu.vector_store %arg11[%swap3A_42, %swap3A_43], %add3A_41 {strides = array<i32>} : memref<2000x64xf32, #tpu.memory_space<vmem>>, vector<2000x64xf32>,
    return
  }
  func.func @transform_0(%arg0: i32) -> (i32, i32) {
    %c0_i32 = arith.constant 0 : i32
    %c0_i32_0 = arith.constant 0 : i32
    return %arg0, %c0_i32 : i32, i32
  }
  func.func @transform_1(%arg0: i32) -> (i32, i32) {
    %c0_i32 = arith.constant 0 : i32
    %c0_i32_0 = arith.constant 0 : i32
    %c0_i32_1 = arith.constant 0 : i32
    return %c0_i32, %c0_i32_0 : i32, i32
  }
  func.func @transform_2(%arg0: i32) -> (i32, i32) {
    %c0_i32 = arith.constant 0 : i32
    %c0_i32_0 = arith.constant 0 : i32
    %c0_i32_1 = arith.constant 0 : i32
    return %c0_i32, %c0_i32_0 : i32, i32
  }
  func.func @transform_3(%arg0: i32) -> (i32, i32) {
    %c0_i32 = arith.constant 0 : i32
    %c0_i32_0 = arith.constant 0 : i32
    %c0_i32_1 = arith.constant 0 : i32
    return %c0_i32, %c0_i32_0 : i32, i32
  }
  func.func @transform_4(%arg0: i32) -> (i32, i32) {
    %c0_i32 = arith.constant 0 : i32
    %c0_i32_0 = arith.constant 0 : i32
    %c0_i32_1 = arith.constant 0 : i32
    return %c0_i32, %c0_i32_0 : i32, i32
  }
  func.func @transform_5(%arg0: i32) -> (i32, i32) {
    %c0_i32 = arith.constant 0 : i32
    %c0_i32_0 = arith.constant 0 : i32
    %c0_i32_1 = arith.constant 0 : i32
    return %c0_i32, %c0_i32_0 : i32, i32
  }
  func.func @transform_6(%arg0: i32) -> (i32, i32) {
    %c0_i32 = arith.constant 0 : i32
    %c0_i32_0 = arith.constant 0 : i32
    %c0_i32_1 = arith.constant 0 : i32
    return %c0_i32, %c0_i32_0 : i32, i32
  }
  func.func @transform_7(%arg0: i32) -> (i32, i32) {
    %c0_i32 = arith.constant 0 : i32
    %c0_i32_0 = arith.constant 0 : i32
    return %arg0, %c0_i32 : i32, i32
  }
  func.func @transform_8(%arg0: i32) -> (i32, i32) {
    %c0_i32 = arith.constant 0 : i32
    %c0_i32_0 = arith.constant 0 : i32
    return %arg0, %c0_i32 : i32, i32
  }
  func.func @transform_9(%arg0: i32) -> (i32, i32) {
    %c0_i32 = arith.constant 0 : i32
    %c0_i32_0 = arith.constant 0 : i32
    return %arg0, %c0_i32 : i32, i32
  }
  func.func @transform_10(%arg0: i32) -> (i32, i32) {
    %c0_i32 = arith.constant 0 : i32
    %c0_i32_0 = arith.constant 0 : i32
    return %arg0, %c0_i32 : i32, i32
  }
}

</mosaic_0001>

<sc_bundles>
// kernel: kernel.10.cloned.1.call-start
scs
__scs_entry_jumppad:
0x0: {  	(pc) =	sbr.rel $0x88, $3  }
0x1: {  	(tag) =	ssettag $0x0;
	lr =	simm.s32 $0x1  }
0x2: {  	[smem:$0x3F92] =	sst lr;
	_ =	strace $0xD0000000  }
0x3: {  	_ = 	snop  }
0x4: {  	_ = 	snop  }
0x5: {  	_ = 	snop  }
0x6: {  	_ = 	snop  }
0x7: {  	_ = 	snop  }
__scs_overlays_trampoline_lowered:
0x8: {  	[smem:$0x3FA1] =	sst s0  }
0x9: {  	[smem:$0x3FA2] =	sst s1  }
0xa: {  	[smem:$0x3FA3] =	sst s2  }
0xb: {  	[smem:$0x3FA4] =	sst s3  }
0xc: {  	[smem:$0x3FA5] =	sst s4  }
0xd: {  	[smem:$0x3FA6] =	sst s5  }
0xe: {  	[smem:$0x3FA7] =	sst s6  }
0xf: {  	[smem:$0x3FA8] =	sst s7  }
0x10: {  	[smem:$0x3FA9] =	sst s8  }
0x11: {  	[smem:$0x3FAA] =	sst s9;
	s0 =	simm.s32 @!p0 $0x0  }
0x12: {  	s1 =	sld [smem:$0x3F90];
	s0 =	simm.s32 @p0 $0x1  }
0x13: {  	[smem:$0x3FAB] =	sst s0;
	s0 =	simm.s32 @!p1 $0x0  }
0x14: {  	s2 =	sld [smem:$0x3F8F];
	s0 =	simm.s32 @p1 $0x1  }
0x15: {  	[smem:$0x3FAC] =	sst s0;
	s0 =	simm.s32 @!p2 $0x0  }
0x16: {  	s3 =	sld [smem:$0x3FDB];
	s0 =	simm.s32 @p2 $0x1  }
0x17: {  	s4 =	simm.s32 $0x1BF5;
	[smem:$0x3FAE] =	sst s0  }
0x18: {  	s0 =	sld [smem:$0x3F91];
	_ =	swait.ge [sflag:s4], $0x0  }
0x19: {  	s7 =	sld [smem:$0x3F92]  }
0x1a: {  	s8 =	sadd.s32 $0xFFFFE003, lr  }
0x1b: {  	s9 =	sadd.s32 $0xFFFFFEF7, lr;
	s5 =	simm.s32 $0xFFFFFFFF;
	p2 =	slt.u32 s8, $0xFFFFF086  }
0x1c: {  	p1 =	slt.u32 s9, $0xF7A;
	s5 =	simm.s32 @!p2 $0x0  }
0x1d: {  	s5 =	simm.s32 @p1 $0x1;
	p0 =	seq.s32 s7, s2  }
0x1e: {  	s7 =	smul.u32 @!p0 $0xF7A, s2;
	p2 =	seq.s32 @!p0 s5, $0x0  }
0x1f: {  	s9 =	smul.u32 $0xF7A, s1;
	s8 =	simm.s32 @!p0 $0x1BF5;
	p2 =	por !p2, p0  }
0x20: {  	[sflag:s8] =	ssyncset.s32 @!p0 $0xFFFFF086;
	s6 =	sadd.s32 @!p0 s3, s7;
	s7 =	simm.s32 @!p0 $0x108  }
0x21: {  	s3 =	sadd.s32 s3, s9;
	s6 =	sadd.s32 @!p0 $0x88, s6;
	s7 =	simm.s32 @p2 $0x1082  }
0x22: {  	[simem:s7], [sflag:s8] =	dma.local @!p0 [hbm:s6], $0xF7A  }
0x23: {  	s9 =	sor.u32 $0xD0000000, s2;
	s6 =	simm.s32 $0x108;
	_ =	swait.ge @!p0 [sflag:s8], $0x0  }
0x24: {  	s3 =	sadd.s32 $0x88, s3;
	s6 =	simm.s32 @!p1 $0x1082;
	[sflag:s4] =	ssyncset.s32 $0xFFFFF086  }
0x25: {  	[simem:s6], [sflag:s4] =	dma.local [hbm:s3], $0xF7A  }
0x26: {  	[smem:$0x3F92] =	sst s1;
	(tag) =	ssettag s2;
	_ =	strace s9  }
0x27: {  	s1 =	sld [smem:$0x3FA2]  }
0x28: {  	s2 =	sld [smem:$0x3FA3]  }
0x29: {  	s4 =	sld [smem:$0x3FA5]  }
0x2a: {  	p0 =	seq.s32 s5, $0x0;
	s5 =	sld [smem:$0x3FA6]  }
0x2b: {  	s6 =	sld [smem:$0x3FA7]  }
0x2c: {  	s7 =	sld [smem:$0x3FA8]  }
0x2d: {  	s3 =	simm.s32 $0x108;
	s8 =	sld [smem:$0x3FA9]  }
0x2e: {  	s3 =	simm.s32 @!p0 $0x1082;
	s9 =	sld [smem:$0x3FAA]  }
0x2f: {  	lr =	sadd.s32 s0, s3;
	s0 =	sld [smem:$0x3FA1]  }
0x30: {  	s3 =	sld [smem:$0x3FA4]  }
0x31: {  	[smem:$0x3FAD] =	sst s10  }
0x32: {  	s10 =	sld [smem:$0x3FAB];
	_ =	sdelay $0x3  }
0x33: {  	p0 =	seq.s32 s10, $0x1;
	s10 =	sld [smem:$0x3FAD];
	_ =	sdelay $0x3  }
0x34: {  	[smem:$0x3FAD] =	sst s10  }
0x35: {  	s10 =	sld [smem:$0x3FAC];
	_ =	sdelay $0x3  }
0x36: {  	p1 =	seq.s32 s10, $0x1;
	s10 =	sld [smem:$0x3FAD];
	_ =	sdelay $0x3  }
0x37: {  	[smem:$0x3FAD] =	sst s10  }
0x38: {  	s10 =	sld [smem:$0x3FAE]  }
0x39: {  	_ = 	snop;
	(pc) =	sbr.ind lr, $3  }
0x3a: {  	_ = 	snop  }
0x3b: {  	_ = 	snop  }
0x3c: {  	p2 =	seq.s32 s10, $0x1;
	s10 =	sld [smem:$0x3FAD]  }
0x3d: {  	_ =	shalt  }
0x3e: {  	_ =	shalt  }
0x3f: {  	_ =	shalt  }
0x40: {  	_ =	shalt  }
0x41: {  	_ =	shalt  }
0x42: {  	_ =	shalt  }
0x43: {  	_ =	shalt  }
0x44: {  	_ =	shalt  }
0x45: {  	_ =	shalt  }
0x46: {  	_ =	shalt  }
0x47: {  	_ =	shalt  }
0x48: {  	_ =	shalt  }
0x49: {  	_ =	shalt  }
0x4a: {  	_ =	shalt  }
0x4b: {  	_ =	shalt  }
0x4c: {  	_ =	shalt  }
0x4d: {  	_ =	shalt  }
0x4e: {  	_ =	shalt  }
0x4f: {  	_ =	shalt  }
0x50: {  	_ =	shalt  }
0x51: {  	_ =	shalt  }
0x52: {  	_ =	shalt  }
0x53: {  	_ =	shalt  }
0x54: {  	_ =	shalt  }
0x55: {  	_ =	shalt  }
0x56: {  	_ =	shalt  }
0x57: {  	_ =	shalt  }
0x58: {  	_ =	shalt  }
0x59: {  	_ =	shalt  }
0x5a: {  	_ =	shalt  }
0x5b: {  	_ =	shalt  }
0x5c: {  	_ =	shalt  }
0x5d: {  	_ =	shalt  }
0x5e: {  	_ =	shalt  }
0x5f: {  	_ =	shalt  }
0x60: {  	_ =	shalt  }
0x61: {  	_ =	shalt  }
0x62: {  	_ =	shalt  }
0x63: {  	_ =	shalt  }
0x64: {  	_ =	shalt  }
0x65: {  	_ =	shalt  }
0x66: {  	_ =	shalt  }
0x67: {  	_ =	shalt  }
0x68: {  	_ =	shalt  }
0x69: {  	_ =	shalt  }
0x6a: {  	_ =	shalt  }
0x6b: {  	_ =	shalt  }
0x6c: {  	_ =	shalt  }
0x6d: {  	_ =	shalt  }
0x6e: {  	_ =	shalt  }
0x6f: {  	_ =	shalt  }
0x70: {  	_ =	shalt  }
0x71: {  	_ =	shalt  }
0x72: {  	_ =	shalt  }
0x73: {  	_ =	shalt  }
0x74: {  	_ =	shalt  }
0x75: {  	_ =	shalt  }
0x76: {  	_ =	shalt  }
0x77: {  	_ =	shalt  }
0x78: {  	_ =	shalt  }
0x79: {  	_ =	shalt  }
0x7a: {  	_ =	shalt  }
0x7b: {  	_ =	shalt  }
0x7c: {  	_ =	shalt  }
0x7d: {  	_ =	shalt  }
0x7e: {  	_ =	shalt  }
0x7f: {  	_ =	shalt  }
0x80: {  	_ =	shalt  }
0x81: {  	_ =	shalt  }
0x82: {  	_ =	shalt  }
0x83: {  	_ =	shalt  }
0x84: {  	_ =	shalt  }
0x85: {  	_ =	shalt  }
0x86: {  	_ =	shalt  }
0x87: {  	_ =	shalt  }
.Lfunc_end0:
.L_simem_size_0:
called_computation.1_lowered:
.L_overlay_start_0:
0x88: {  	s2 =	sld [smem:$0x3FD9]  }
0x89: {  	s3 =	sld [smem:$0x3FFE];
	_ =	sdelay $0x1  }
0x8a: {  	s1 =	srdreg.scid  }
0x8b: {  	s0 =	sand.u32 $0x1, s1  }
0x8c: {  	s17 =	sshll.u32 s0, $0xA;
	s2 =	sadd.s32 s3, s2  }
0x8d: {  	s2 =	sadd.s32 s2, s17  }
0x8e: {  	[smem:$0x3FB9] =	sst s2  }
0x8f: {  	_ = 	snop  }
0x90: {  	s2 =	sld [smem:$0x3FD0];
	(tm) =	ssettm $0x1  }
0x91: {  	s18 =	sld [smem:$0x3FFB];
	_ =	sdelay $0x3  }
0x92: {  	_ =	strace s18  }
0x93: {  	s3 =	sld [smem:$0x3FFC];
	_ =	sdelay $0x3  }
0x94: {  	_ =	strace s3  }
0x95: {  	s3 =	sld [smem:$0x3FFD];
	_ =	sdelay $0x3  }
0x96: {  	_ =	strace s3  }
0x97: {  	_ =	strace $0x8FFFFFFF  }
0x98: {  	s19 =	sld [smem:$0x3FDB];
	_ =	sdelay $0x1  }
0x99: {  	s4 =	simm.s32 $_scs_section_size  }
0x9a: {  	s5 =	simm.s32 $_size__tile_overlayer_lowered;
	s6 =	simm.s32 $_tile_overlayer_lowered  }
0x9b: {  	s22 =	simm.s32 $0x1BFF;
	s21 =	sshll.u32 s6, $0x1;
	s3 =	sadd.s32 s4, s19  }
0x9c: {  	s7 =	simm.s32 $0x0;
	s20 =	sshll.u32 s5, $0x1;
	s5 =	sadd.s32 s21, s3  }
0x9d: {  	[timem:s7], [sflag:s22] =	dma.local [hbm:s5], s20  }
0x9e: {  	_ =	swait.ge [sflag:s22], s20  }
0x9f: {  	s4 =	ssub.s32 $0x0, s20;
	[sflag:s22] =	ssyncset.done $0x0  }
0xa0: {  	[sflag:s22] =	ssyncadd.s32 s4;
	_ =	sdelay $0x1  }
0xa1: {  	s23 =	simm.s32 $0x1B8B  }
0xa2: {  	_ =	swait.ge [sflag:s23], $0x1  }
0xa3: {  	[sflag:s23] =	ssyncset.done $0x0  }
0xa4: {  	s25 =	simm.s32 $0x1B8E;
	s24 =	sld [smem:$0x3FFE];
	[sflag:s23] =	ssyncadd.s32 $0xFFFFFFFF  }
0xa5: {  	s26 =	simm.s32 $execute0_lowered;
	[smem:$0x3FD2] =	sst s25  }
0xa6: {  	s5 =	sshll.u32 s26, $0x1;
	_ =	strace $0x80000049;
	[dreg:$0x1] =	wrdreg $0xFFFFFFFF  }
0xa7: {  	s28 =	simm.s32 $_size_execute0_lowered;
	s3 =	sadd.s32 s3, s5;
	[dreg:$0x0] =	wrdreg $0x0  }
0xa8: {  	s5 =	sshll.u32 s28, $0x1;
	[dreg:$0x2] =	wrdreg s3  }
0xa9: {  	[dreg:$0x3] =	wrdreg s5  }
0xaa: {  	[dreg:$0x4] =	wrdreg $0xC0  }
0xab: {  	_ =	task [dreg:s7], $0x5FFFF  }
0xac: {  	[dreg:$0x1] =	wrdreg $0xFFFFFFFF  }
0xad: {  	[dreg:$0x0] =	wrdreg $0x60  }
0xae: {  	[dreg:$0x2] =	wrdreg s2  }
0xaf: {  	[dreg:$0x3] =	wrdreg s24  }
0xb0: {  	[dreg:$0x4] =	wrdreg $0x0  }
0xb1: {  	[dreg:$0x5] =	wrdreg $0x9  }
0xb2: {  	_ =	task.clear_ibuf [dreg:s7], $0x6FFFF;
	_ =	strace $0x90000049  }
0xb3: {  	s29 =	simm.s32 $0x9;
	_ =	strace $0x8000004B  }
0xb4: {  	_ =	swait.ge [sflag:s29], $0x1  }
0xb5: {  	[sflag:s29] =	ssyncadd.s32 $0xFFFFFFFF  }
0xb6: {  	_ =	strace $0x9000004B  }
0xb7: {  	_ =	sfence  }
0xb8: {  	s30 =	sld [smem:$0x0];
	_ =	sdelay $0x2  }
0xb9: {  	s31 =	sshll.u32 s1, $0xD;
	s1 =	sshrl.u32 s1, $0x2  }
0xba: {  	s3 =	sand.u32 $0x4000, s31;
	s1 =	sadd.s32 s1, s30  }
0xbb: {  	s0 =	sor.u32 s3, s0;
	s1 =	sshll.u32 s1, $0x11  }
0xbc: {  	s0 =	sor.u32 s1, s0  }
0xbd: {  	s0 =	sadd.s32 $0x8F2B, s0  }
0xbe: {  	[sflag:s0] =	ssyncadd.remote.s32 $0x1  }
0xbf: {  	_ =	sfence.sel $0xFFFF  }
0xc0: {  	[dreg:$0x0] =	wrdreg $0xFFFFFFFF;
	(pc) =	sbr.abs _section_cstart, $3  }
0xc1: {  	[dreg:$0x1] =	wrdreg $0xFFFFFFFF  }
0xc2: {  	_ =	task.clear_ibuf [dreg:s7], $0x2FFFF;
	_ =	strace $0x9FFFFFFF  }
0xc3: {  	(tm) =	ssettm $0x7FFFFFFF  }
tec
execute0_lowered:
.L_overlay_start_1:
0x0: {  	(tag) =	ssettag $0x1  }
0x1: {  	s1 =	rddreg [dreg:$0x0]  }
0x2: {  	s0 =	rddreg [dreg:$0x1]  }
0x3: {  	s3 =	rddreg [dreg:$0x2];
	s4 =	simm.s32 $0x0;
	s5 =	srdreg.scid  }
0x4: {  	s2 =	stileid.u32;
	s20 =	simm.s32 $0x18F00;
	s21 =	simm.s32 $0x2  }
0x5: {  	s22 =	simm.s32 $0x14000;
	s24 =	simm.s32 $0x60;
	s29 =	simm.s32 $0x18DC0  }
0x6: {  	s30 =	simm.s32 $0x10;
	s31 =	simm.s32 $0x16700;
	s23 =	simm.s32 $0x0  }
0x7: {  	[smem:$0x7FF] =	sst s4;
	s7 =	sand.u32 $0x1, s5;
	s25 =	smul.u32 $0x50000, s2  }
0x8: {  	s13 =	sadd.s32 $0x2C00, s0;
	s14 =	sadd.s32 $0xCA00, s0;
	s12 =	smul.u32 $0x2710, s2  }
0x9: {  	s5 =	sadd.s32 $0x8DA00, s0;
	s17 =	smul.u32 $0x14000, s2;
	s0 =	simm.s32 $0x18E20  }
0xa: {  	_ =	strace $0x8000004A;
	s6 =	ssub.s32 $0x2, s7;
	p0 =	seq.s32 s7, $0x1  }
0xb: {  	s8 =	sshrl.u32 s6, $0x1;
	s9 =	sshrl.u32 s25, $0x2;
	s16 =	sshrl.u32 s12, $0x3  }
0xc: {  	s28 =	sshrl.u32 s17, $0x3;
	s25 =	simm.s32 $0x1;
	s26 =	ssub.s32 s6, s8  }
0xd: {  	s6 =	sadd.s32 s9, s3;
	s15 =	sadd.s32 s13, s16;
	s18 =	sadd.s32 $0x4E20, s16  }
0xe: {  	s16 =	sadd.s32 s14, s16;
	s7 =	sadd.s32 $0x3000, s6;
	s8 =	sadd.s32 $0x6000, s6  }
.Ltmp0:
0xf: {  	s9 =	sadd.s32 $0x9000, s6;
	s10 =	sadd.s32 $0xC000, s6;
	(pc) =	sbr.rel .LBB2_1-.Ltmp0, $4  }
0x10: {  	s11 =	sadd.s32 $0xF000, s6;
	s12 =	sadd.s32 $0x12000, s6;
	[dreg:$0x4] =	wrdreg s15  }
0x11: {  	s13 =	sadd.s32 s13, s18;
	s15 =	smul.u32 $0x2800, s2;
	[dreg:$0x6] =	wrdreg s16  }
0x12: {  	s17 =	sadd.s32 s14, s18;
	s18 =	sadd.s32 $0x28000, s28;
	s19 =	smax.u32 s26, $0x1  }
0x13: {  	v0 =	vimm.f32 $0.0e+00;
	s26 =	simm.s32 $0x1BF00;
	[dreg:$0x5] =	wrdreg s13;
	s13 =	simm.s32 $0x18E80  }
.LBB2_9:
0x14: {  	[sflag:s21] =	ssyncadd.s32 $0xFFFFD000;
	s14 =	smov.u32 s18  }
.LBB2_10:
0x15: {  	_ =	swait.ge [sflag:s25], $0x3000  }
0x16: {  	[sflag:s25] =	ssyncset.done $0x0  }
0x17: {  	s16 =	simm.s32 $0x166A0;
	[sflag:s25] =	ssyncadd.s32 $0xFFFFD000  }
0x18: {  	[tilespmem:s26], [sflag:$0x1] =	stream.indirect.gather [hbm4b:s1+s24], $0x80, s16, s24, $0xb8;
	[tilespmem:$0x1EF00] =	vst v63  }
0x19: {  	_ = 	snop  }
0x1a: {  	[spmem:s3] =	stream.indirect.scatter.add.f32 [tilespmem:s20], [sflag:$0x2], $0x80, s29, s24, $0xb8;
	[tilespmem:$0x1EF00] =	vst v63  }
0x1b: {  	_ =	swait.ge [sflag:s21], $0x3000  }
0x1c: {  	[sflag:s21] =	ssyncset.done $0x0  }
0x1d: {  	[sflag:s21] =	ssyncadd.s32 $0xFFFFD000  }
0x1e: {  	_ =	swait.ge [sflag:s25], $0x3000  }
0x1f: {  	[sflag:s25] =	ssyncset.done $0x0  }
0x20: {  	[sflag:s25] =	ssyncadd.s32 $0xFFFFD000  }
0x21: {  	[tilespmem:s20], [sflag:$0x1] =	stream.indirect.gather [hbm4b:s1+s30], $0x80, s31, s30, $0xb8;
	[tilespmem:$0x1EF00] =	vst v63  }
0x22: {  	_ = 	snop  }
0x23: {  	[spmem:s3] =	stream.indirect.scatter.add.f32 [tilespmem:s26], [sflag:$0x2], $0x80, s0, s24, $0xb8;
	[tilespmem:$0x1EF00] =	vst v63  }
0x24: {  	_ =	swait.ge [sflag:s21], $0x3000  }
0x25: {  	[sflag:s21] =	ssyncset.done $0x0  }
0x26: {  	[sflag:s21] =	ssyncadd.s32 $0xFFFFD000  }
0x27: {  	_ =	swait.ge [sflag:s25], $0x800  }
0x28: {  	[sflag:s25] =	ssyncset.done $0x0  }
0x29: {  	[sflag:s25] =	ssyncadd.s32 $0xFFFFF800  }
0x2a: {  	[spmem:s3] =	stream.indirect.scatter.add.f32 [tilespmem:s20], [sflag:$0x2], $0x80, s13, s30, $0xb8;
	[tilespmem:$0x1EF00] =	vst v63  }
0x2b: {  	s14 =	sadd.s32 s5, s14;
	_ =	swait.ge [sflag:s21], $0x800  }
0x2c: {  	s28 =	sshll.u32 s2, $0x6;
	s23 =	sadd.s32 $0x1, s23;
	[sflag:s21] =	ssyncset.done $0x0  }
0x2d: {  	p1 =	sne.s32 s23, s19;
	s16 =	sor.u32 $0x1C02, s28;
	[sflag:s21] =	ssyncadd.s32 $0xFFFFF800  }
.Ltmp1:
0x2e: {  	s28 =	sshrl.u32 s6, $0x3;
	[bflag:$0x0] =	sbarrier.arrive $0xFFFF;
	(pc) =	sbr.rel @!p1 .LBB2_11-.Ltmp1, $4  }
0x2f: {  	[hbm:s14], [sflag:s16] =	dma.local [spmem:s28], $0x2800  }
0x30: {  	_ =	swait.ge [sflag:s21], $0x2800  }
0x31: {  	[sflag:s21] =	ssyncset.done $0x0  }
0x32: {  	[sflag:s21] =	ssyncadd.s32 $0xFFFFD800  }
.LBB2_1:
.Ltmp2:
0x33: {  	(pc) =	sbr.rel @!p0 .LBB2_2-.Ltmp2, $2  }
0x34: {  	_ =	sdelay $0x2  }
0x35: {  	s14 =	sshra.s32 s4, $0x2;
	s16 =	sadd.s32 $0x200, s4  }
.LBB2_6:
0x36: {  	p1 =	sne.s32 s16, $0xBE00;
	[tilespmem:s14+$0x18F70] =	vst v0  }
0x37: {  	[tilespmem:s14+$0x18F00] =	vst v0  }
0x38: {  	[tilespmem:s14+$0x18F10] =	vst v0  }
.Ltmp3:
0x39: {  	[tilespmem:s14+$0x18F20] =	vst v0;
	(pc) =	sbr.rel @p1 .LBB2_6-.Ltmp3, $4  }
0x3a: {  	[tilespmem:s14+$0x18F30] =	vst v0  }
0x3b: {  	[tilespmem:s14+$0x18F40] =	vst v0  }
0x3c: {  	[tilespmem:s14+$0x18F50] =	vst v0  }
0x3d: {  	[tilespmem:s14+$0x18F60] =	vst v0;
	s14 =	sshra.s32 s16, $0x2;
	s16 =	sadd.s32 $0x200, s16  }
0x3e: {  	[tilespmem:s14+$0x18F70] =	vst v0  }
0x3f: {  	[tilespmem:s14+$0x18F00] =	vst v0  }
0x40: {  	[tilespmem:s14+$0x18F10] =	vst v0  }
0x41: {  	[tilespmem:s14+$0x18F20] =	vst v0  }
0x42: {  	[tilespmem:s14+$0x18F30] =	vst v0  }
0x43: {  	[tilespmem:s14+$0x18F40] =	vst v0  }
0x44: {  	[tilespmem:s14+$0x18F50] =	vst v0  }
0x45: {  	[tilespmem:s14+$0x18F60] =	vst v0  }
0x46: {  	[spmem:s6] =	stream.linear.scatter [tilespmem:s20], [sflag:$0x2], $0x3000, $0x38;
	[tilespmem:$0x1EF00] =	vst v63  }
0x47: {  	_ =	swait.ge [sflag:s21], $0x3000  }
0x48: {  	[sflag:s21] =	ssyncset.done $0x0  }
0x49: {  	[sflag:s21] =	ssyncadd.s32 $0xFFFFD000  }
0x4a: {  	[spmem:s7] =	stream.linear.scatter [tilespmem:s20], [sflag:$0x2], $0x3000, $0x38;
	[tilespmem:$0x1EF00] =	vst v63  }
0x4b: {  	_ =	swait.ge [sflag:s21], $0x3000  }
0x4c: {  	[sflag:s21] =	ssyncset.done $0x0  }
0x4d: {  	[sflag:s21] =	ssyncadd.s32 $0xFFFFD000  }
0x4e: {  	[spmem:s8] =	stream.linear.scatter [tilespmem:s20], [sflag:$0x2], $0x3000, $0x38;
	[tilespmem:$0x1EF00] =	vst v63  }
0x4f: {  	_ =	swait.ge [sflag:s21], $0x3000  }
0x50: {  	[sflag:s21] =	ssyncset.done $0x0  }
0x51: {  	[sflag:s21] =	ssyncadd.s32 $0xFFFFD000  }
0x52: {  	[spmem:s9] =	stream.linear.scatter [tilespmem:s20], [sflag:$0x2], $0x3000, $0x38;
	[tilespmem:$0x1EF00] =	vst v63  }
0x53: {  	_ =	swait.ge [sflag:s21], $0x3000  }
0x54: {  	[sflag:s21] =	ssyncset.done $0x0  }
0x55: {  	[sflag:s21] =	ssyncadd.s32 $0xFFFFD000  }
0x56: {  	[spmem:s10] =	stream.linear.scatter [tilespmem:s20], [sflag:$0x2], $0x3000, $0x38;
	[tilespmem:$0x1EF00] =	vst v63  }
0x57: {  	_ =	swait.ge [sflag:s21], $0x3000  }
0x58: {  	[sflag:s21] =	ssyncset.done $0x0  }
0x59: {  	[sflag:s21] =	ssyncadd.s32 $0xFFFFD000  }
0x5a: {  	[spmem:s11] =	stream.linear.scatter [tilespmem:s20], [sflag:$0x2], $0x3000, $0x38;
	[tilespmem:$0x1EF00] =	vst v63  }
0x5b: {  	_ =	swait.ge [sflag:s21], $0x3000  }
0x5c: {  	[sflag:s21] =	ssyncset.done $0x0  }
0x5d: {  	[sflag:s21] =	ssyncadd.s32 $0xFFFFD000  }
0x5e: {  	[spmem:s12] =	stream.linear.scatter [tilespmem:s20], [sflag:$0x2], $0x2000, $0x38;
	[tilespmem:$0x1EF00] =	vst v63  }
0x5f: {  	_ =	swait.ge [sflag:s21], $0x2000  }
0x60: {  	[sflag:s21] =	ssyncset.done $0x0  }
0x61: {  	s14 =	simm.s32 $0x0;
	s16 =	rddreg [dreg:$0x6];
	[sflag:s21] =	ssyncadd.s32 $0xFFFFE000  }
0x62: {  	[tilespmem:s22], [sflag:$0x2] =	stream.linear.gather [hbm4b:s16+s14], $0x2710, $0x38;
	[tilespmem:$0x1EF00] =	vst v63  }
0x63: {  	_ =	swait.ge [sflag:s21], $0x2710  }
0x64: {  	[sflag:s21] =	ssyncset.done $0x0  }
0x65: {  	s28 =	simm.s32 $0x16780;
	[sflag:s21] =	ssyncadd.s32 $0xFFFFD8F0  }
0x66: {  	[tilespmem:s28], [sflag:$0x2] =	stream.linear.gather [hbm4b:s17+s14], $0x2710, $0x38;
	[tilespmem:$0x1EF00] =	vst v63  }
0x67: {  	_ =	swait.ge [sflag:s21], $0x2710  }
0x68: {  	[sflag:s21] =	ssyncset.done $0x0  }
0x69: {  	[sflag:s21] =	ssyncadd.s32 $0xFFFFD8F0  }
0x6a: {  	[bflag:$0x0] =	sbarrier.arrive $0xFFFF  }
0x6b: {  	[tilespmem:s20], [sflag:$0x1] =	stream.indirect.gather [hbm4b:s1+s24], $0x80, s22, s24, $0xb8;
	[tilespmem:$0x1EF00] =	vst v63  }
0x6c: {  	_ =	swait.ge [sflag:s25], $0x3000  }
0x6d: {  	[sflag:s25] =	ssyncset.done $0x0  }
0x6e: {  	s16 =	simm.s32 $0x14060;
	[sflag:s25] =	ssyncadd.s32 $0xFFFFD000  }
0x6f: {  	[tilespmem:s26], [sflag:$0x1] =	stream.indirect.gather [hbm4b:s1+s24], $0x80, s16, s24, $0xb8;
	[tilespmem:$0x1EF00] =	vst v63  }
0x70: {  	s28 =	simm.s32 $0x16780  }
0x71: {  	[spmem:s3] =	stream.indirect.scatter.add.f32 [tilespmem:s20], [sflag:$0x2], $0x80, s28, s24, $0xb8;
	[tilespmem:$0x1EF00] =	vst v63  }
0x72: {  	_ =	swait.ge [sflag:s21], $0x3000  }
0x73: {  	[sflag:s21] =	ssyncset.done $0x0  }
0x74: {  	[sflag:s21] =	ssyncadd.s32 $0xFFFFD000  }
0x75: {  	_ =	swait.ge [sflag:s25], $0x3000  }
0x76: {  	[sflag:s25] =	ssyncset.done $0x0  }
0x77: {  	s16 =	simm.s32 $0x140C0;
	[sflag:s25] =	ssyncadd.s32 $0xFFFFD000  }
0x78: {  	[tilespmem:s20], [sflag:$0x1] =	stream.indirect.gather [hbm4b:s1+s24], $0x80, s16, s24, $0xb8;
	[tilespmem:$0x1EF00] =	vst v63  }
0x79: {  	s28 =	simm.s32 $0x167E0  }
0x7a: {  	[spmem:s3] =	stream.indirect.scatter.add.f32 [tilespmem:s26], [sflag:$0x2], $0x80, s28, s24, $0xb8;
	[tilespmem:$0x1EF00] =	vst v63  }
0x7b: {  	_ =	swait.ge [sflag:s21], $0x3000  }
0x7c: {  	s14 =	simm.s32 $0x300;
	[sflag:s21] =	ssyncset.done $0x0  }
.LBB2_8:
0x7d: {  	p1 =	sne.s32 s14, $0x9600  }
0x7e: {  	[sflag:s21] =	ssyncadd.s32 $0xFFFFD000;
	s16 =	smov.u32 s14;
	s14 =	sadd.s32 $0x300, s14  }
0x7f: {  	_ = 	snop  }
0x80: {  	_ =	swait.ge [sflag:s25], $0x3000  }
0x81: {  	s16 =	sshra.s32 s16, $0x2;
	[sflag:s25] =	ssyncset.done $0x0  }
0x82: {  	s28 =	sadd.s32 $0x14060, s16;
	[sflag:s25] =	ssyncadd.s32 $0xFFFFD000  }
0x83: {  	[tilespmem:s26], [sflag:$0x1] =	stream.indirect.gather [hbm4b:s1+s24], $0x80, s28, s24, $0xb8;
	[tilespmem:$0x1EF00] =	vst v63  }
0x84: {  	s28 =	sadd.s32 $0x16780, s16  }
0x85: {  	[spmem:s3] =	stream.indirect.scatter.add.f32 [tilespmem:s20], [sflag:$0x2], $0x80, s28, s24, $0xb8;
	[tilespmem:$0x1EF00] =	vst v63  }
0x86: {  	_ =	swait.ge [sflag:s21], $0x3000  }
0x87: {  	[sflag:s21] =	ssyncset.done $0x0  }
0x88: {  	[sflag:s21] =	ssyncadd.s32 $0xFFFFD000  }
0x89: {  	_ =	swait.ge [sflag:s25], $0x3000  }
0x8a: {  	[sflag:s25] =	ssyncset.done $0x0  }
0x8b: {  	s28 =	sadd.s32 $0x140C0, s16;
	[sflag:s25] =	ssyncadd.s32 $0xFFFFD000  }
0x8c: {  	[tilespmem:s20], [sflag:$0x1] =	stream.indirect.gather [hbm4b:s1+s24], $0x80, s28, s24, $0xb8;
	[tilespmem:$0x1EF00] =	vst v63  }
.Ltmp4:
0x8d: {  	_ = 	snop;
	(pc) =	sbr.rel @p1 .LBB2_8-.Ltmp4, $4  }
0x8e: {  	s16 =	sadd.s32 $0x167E0, s16  }
0x8f: {  	[spmem:s3] =	stream.indirect.scatter.add.f32 [tilespmem:s26], [sflag:$0x2], $0x80, s16, s24, $0xb8;
	[tilespmem:$0x1EF00] =	vst v63  }
0x90: {  	_ =	swait.ge [sflag:s21], $0x3000  }
0x91: {  	[sflag:s21] =	ssyncset.done $0x0  }
.Ltmp5:
0x92: {  	_ = 	snop;
	(pc) =	sbr.rel .LBB2_9-.Ltmp5, $1  }
0x93: {  	_ =	sdelay $0x3  }
.LBB2_2:
0x94: {  	p1 =	sne.s32 s16, $0xBE00;
	[tilespmem:s14+$0x18F70] =	vst v0  }
0x95: {  	[tilespmem:s14+$0x18F00] =	vst v0  }
0x96: {  	[tilespmem:s14+$0x18F10] =	vst v0  }
.Ltmp6:
0x97: {  	[tilespmem:s14+$0x18F20] =	vst v0;
	(pc) =	sbr.rel @p1 .LBB2_2-.Ltmp6, $4  }
0x98: {  	[tilespmem:s14+$0x18F30] =	vst v0  }
0x99: {  	[tilespmem:s14+$0x18F40] =	vst v0  }
0x9a: {  	[tilespmem:s14+$0x18F50] =	vst v0  }
0x9b: {  	[tilespmem:s14+$0x18F60] =	vst v0;
	s14 =	sshra.s32 s16, $0x2;
	s16 =	sadd.s32 $0x200, s16  }
0x9c: {  	[tilespmem:s14+$0x18F70] =	vst v0  }
0x9d: {  	[tilespmem:s14+$0x18F00] =	vst v0  }
0x9e: {  	[tilespmem:s14+$0x18F10] =	vst v0  }
0x9f: {  	[tilespmem:s14+$0x18F20] =	vst v0  }
0xa0: {  	[tilespmem:s14+$0x18F30] =	vst v0  }
0xa1: {  	[tilespmem:s14+$0x18F40] =	vst v0  }
0xa2: {  	[tilespmem:s14+$0x18F50] =	vst v0  }
0xa3: {  	[tilespmem:s14+$0x18F60] =	vst v0  }
0xa4: {  	[spmem:s6] =	stream.linear.scatter [tilespmem:s20], [sflag:$0x2], $0x3000, $0x38;
	[tilespmem:$0x1EF00] =	vst v63  }
0xa5: {  	_ =	swait.ge [sflag:s21], $0x3000  }
0xa6: {  	[sflag:s21] =	ssyncset.done $0x0  }
0xa7: {  	[sflag:s21] =	ssyncadd.s32 $0xFFFFD000  }
0xa8: {  	[spmem:s7] =	stream.linear.scatter [tilespmem:s20], [sflag:$0x2], $0x3000, $0x38;
	[tilespmem:$0x1EF00] =	vst v63  }
0xa9: {  	_ =	swait.ge [sflag:s21], $0x3000  }
0xaa: {  	[sflag:s21] =	ssyncset.done $0x0  }
0xab: {  	[sflag:s21] =	ssyncadd.s32 $0xFFFFD000  }
0xac: {  	[spmem:s8] =	stream.linear.scatter [tilespmem:s20], [sflag:$0x2], $0x3000, $0x38;
	[tilespmem:$0x1EF00] =	vst v63  }
0xad: {  	_ =	swait.ge [sflag:s21], $0x3000  }
0xae: {  	[sflag:s21] =	ssyncset.done $0x0  }
0xaf: {  	[sflag:s21] =	ssyncadd.s32 $0xFFFFD000  }
0xb0: {  	[spmem:s9] =	stream.linear.scatter [tilespmem:s20], [sflag:$0x2], $0x3000, $0x38;
	[tilespmem:$0x1EF00] =	vst v63  }
0xb1: {  	_ =	swait.ge [sflag:s21], $0x3000  }
0xb2: {  	[sflag:s21] =	ssyncset.done $0x0  }
0xb3: {  	[sflag:s21] =	ssyncadd.s32 $0xFFFFD000  }
0xb4: {  	[spmem:s10] =	stream.linear.scatter [tilespmem:s20], [sflag:$0x2], $0x3000, $0x38;
	[tilespmem:$0x1EF00] =	vst v63  }
0xb5: {  	_ =	swait.ge [sflag:s21], $0x3000  }
0xb6: {  	[sflag:s21] =	ssyncset.done $0x0  }
0xb7: {  	[sflag:s21] =	ssyncadd.s32 $0xFFFFD000  }
0xb8: {  	[spmem:s11] =	stream.linear.scatter [tilespmem:s20], [sflag:$0x2], $0x3000, $0x38;
	[tilespmem:$0x1EF00] =	vst v63  }
0xb9: {  	_ =	swait.ge [sflag:s21], $0x3000  }
0xba: {  	[sflag:s21] =	ssyncset.done $0x0  }
0xbb: {  	[sflag:s21] =	ssyncadd.s32 $0xFFFFD000  }
0xbc: {  	[spmem:s12] =	stream.linear.scatter [tilespmem:s20], [sflag:$0x2], $0x2000, $0x38;
	[tilespmem:$0x1EF00] =	vst v63  }
0xbd: {  	_ =	swait.ge [sflag:s21], $0x2000  }
0xbe: {  	[sflag:s21] =	ssyncset.done $0x0  }
0xbf: {  	s14 =	simm.s32 $0x0;
	s16 =	rddreg [dreg:$0x4];
	[sflag:s21] =	ssyncadd.s32 $0xFFFFE000  }
0xc0: {  	[tilespmem:s22], [sflag:$0x2] =	stream.linear.gather [hbm4b:s16+s14], $0x2710, $0x38;
	[tilespmem:$0x1EF00] =	vst v63  }
0xc1: {  	_ =	swait.ge [sflag:s21], $0x2710  }
0xc2: {  	[sflag:s21] =	ssyncset.done $0x0  }
0xc3: {  	s28 =	simm.s32 $0x16780;
	s16 =	rddreg [dreg:$0x5];
	[sflag:s21] =	ssyncadd.s32 $0xFFFFD8F0  }
0xc4: {  	[tilespmem:s28], [sflag:$0x2] =	stream.linear.gather [hbm4b:s16+s14], $0x2710, $0x38;
	[tilespmem:$0x1EF00] =	vst v63  }
0xc5: {  	_ =	swait.ge [sflag:s21], $0x2710  }
0xc6: {  	[sflag:s21] =	ssyncset.done $0x0  }
0xc7: {  	[sflag:s21] =	ssyncadd.s32 $0xFFFFD8F0  }
0xc8: {  	[bflag:$0x0] =	sbarrier.arrive $0xFFFF  }
0xc9: {  	[tilespmem:s20], [sflag:$0x1] =	stream.indirect.gather [hbm4b:s1+s24], $0x80, s22, s24, $0xb8;
	[tilespmem:$0x1EF00] =	vst v63  }
0xca: {  	_ =	swait.ge [sflag:s25], $0x3000  }
0xcb: {  	[sflag:s25] =	ssyncset.done $0x0  }
0xcc: {  	s16 =	simm.s32 $0x14060;
	[sflag:s25] =	ssyncadd.s32 $0xFFFFD000  }
0xcd: {  	[tilespmem:s26], [sflag:$0x1] =	stream.indirect.gather [hbm4b:s1+s24], $0x80, s16, s24, $0xb8;
	[tilespmem:$0x1EF00] =	vst v63  }
0xce: {  	s28 =	simm.s32 $0x16780  }
0xcf: {  	[spmem:s3] =	stream.indirect.scatter.add.f32 [tilespmem:s20], [sflag:$0x2], $0x80, s28, s24, $0xb8;
	[tilespmem:$0x1EF00] =	vst v63  }
0xd0: {  	_ =	swait.ge [sflag:s21], $0x3000  }
0xd1: {  	[sflag:s21] =	ssyncset.done $0x0  }
0xd2: {  	[sflag:s21] =	ssyncadd.s32 $0xFFFFD000  }
0xd3: {  	_ =	swait.ge [sflag:s25], $0x3000  }
0xd4: {  	[sflag:s25] =	ssyncset.done $0x0  }
0xd5: {  	s16 =	simm.s32 $0x140C0;
	[sflag:s25] =	ssyncadd.s32 $0xFFFFD000  }
0xd6: {  	[tilespmem:s20], [sflag:$0x1] =	stream.indirect.gather [hbm4b:s1+s24], $0x80, s16, s24, $0xb8;
	[tilespmem:$0x1EF00] =	vst v63  }
0xd7: {  	s28 =	simm.s32 $0x167E0  }
0xd8: {  	[spmem:s3] =	stream.indirect.scatter.add.f32 [tilespmem:s26], [sflag:$0x2], $0x80, s28, s24, $0xb8;
	[tilespmem:$0x1EF00] =	vst v63  }
0xd9: {  	_ =	swait.ge [sflag:s21], $0x3000  }
0xda: {  	s14 =	simm.s32 $0x300;
	[sflag:s21] =	ssyncset.done $0x0  }
.LBB2_4:
0xdb: {  	p1 =	seq.s32 s14, $0x9600  }
0xdc: {  	[sflag:s21] =	ssyncadd.s32 $0xFFFFD000;
	s16 =	smov.u32 s14;
	s14 =	sadd.s32 $0x300, s14  }
0xdd: {  	_ = 	snop  }
0xde: {  	_ =	swait.ge [sflag:s25], $0x3000  }
0xdf: {  	s16 =	sshra.s32 s16, $0x2;
	[sflag:s25] =	ssyncset.done $0x0  }
0xe0: {  	s28 =	sadd.s32 $0x14060, s16;
	[sflag:s25] =	ssyncadd.s32 $0xFFFFD000  }
0xe1: {  	[tilespmem:s26], [sflag:$0x1] =	stream.indirect.gather [hbm4b:s1+s24], $0x80, s28, s24, $0xb8;
	[tilespmem:$0x1EF00] =	vst v63  }
0xe2: {  	s28 =	sadd.s32 $0x16780, s16  }
0xe3: {  	[spmem:s3] =	stream.indirect.scatter.add.f32 [tilespmem:s20], [sflag:$0x2], $0x80, s28, s24, $0xb8;
	[tilespmem:$0x1EF00] =	vst v63  }
0xe4: {  	_ =	swait.ge [sflag:s21], $0x3000  }
0xe5: {  	[sflag:s21] =	ssyncset.done $0x0  }
0xe6: {  	[sflag:s21] =	ssyncadd.s32 $0xFFFFD000  }
0xe7: {  	_ =	swait.ge [sflag:s25], $0x3000  }
0xe8: {  	[sflag:s25] =	ssyncset.done $0x0  }
0xe9: {  	s28 =	sadd.s32 $0x140C0, s16;
	[sflag:s25] =	ssyncadd.s32 $0xFFFFD000  }
0xea: {  	[tilespmem:s20], [sflag:$0x1] =	stream.indirect.gather [hbm4b:s1+s24], $0x80, s28, s24, $0xb8;
	[tilespmem:$0x1EF00] =	vst v63  }
.Ltmp7:
0xeb: {  	_ = 	snop;
	(pc) =	sbr.rel @!p1 .LBB2_4-.Ltmp7, $4  }
0xec: {  	s16 =	sadd.s32 $0x167E0, s16  }
0xed: {  	[spmem:s3] =	stream.indirect.scatter.add.f32 [tilespmem:s26], [sflag:$0x2], $0x80, s16, s24, $0xb8;
	[tilespmem:$0x1EF00] =	vst v63  }
0xee: {  	_ =	swait.ge [sflag:s21], $0x3000  }
0xef: {  	[sflag:s21] =	ssyncset.done $0x0  }
.Ltmp8:
0xf0: {  	(pc) =	sbr.rel .LBB2_10-.Ltmp8, $2  }
0xf1: {  	_ =	sdelay $0x2  }
0xf2: {  	[sflag:s21] =	ssyncadd.s32 $0xFFFFD000;
	s14 =	smov.u32 s15  }
.LBB2_11:
0xf3: {  	_ =	sfence.sel $0x180000  }
0xf4: {  	[bflag:$0x0] =	sbarrier.arrive $0xFFFF  }
0xf5: {  	_ =	strace $0x9000004A  }
0xf6: {  	[bflag:$0x2] =	sbarrier.arrive $0xFFFF  }
0xf7: {  	p0 =	sne.s32 s2, $0x0;
	s0 =	rddreg [dreg:$0x3]  }
0xf8: {  	s0 =	sadd.s32 @!p0 $0x100000, s0  }
0xf9: {  	[sflag:s0] =	ssyncadd.tile.s32 @!p0 $0x1;
	_ =	shalt  }
.Lfunc_end2:
_tile_overlayer_lowered:
.L_overlay_start_2:
0xfa: {  	(tag) =	ssettag $0x2  }
0xfb: {  	s0 =	rddreg [dreg:$0x0];
	s2 =	stileid.u32  }
0xfc: {  	s1 =	rddreg [dreg:$0x1];
	p0 =	sne.s32 s2, $0x0  }
0xfd: {  	s3 =	rddreg [dreg:$0x2];
	[bflag:$0x3] =	sbarrier.arrive $0xFFFF;
	s2 =	simm.s32 @!p0 $0x1C02  }
0xfe: {  	[timem:s3], [sflag:s2] =	dma.local @!p0 [hbm:s0], s1  }
0xff: {  	s0 =	simm.s32 @!p0 $0x2  }
0x100: {  	_ =	swait.ge @!p0 [sflag:s0], s1  }
0x101: {  	s1 =	ssub.s32 @!p0 $0x0, s1;
	[sflag:s0] =	ssyncset.done @!p0 $0x0  }
0x102: {  	[sflag:s0] =	ssyncadd.s32 @!p0 s1  }
0x103: {  	[bflag:$0x3] =	sbarrier.arrive $0xFFFF  }
0x104: {  	_ =	shalt  }

// kernel: kernel.7.cloned.1.call-start
scs
__scs_entry_jumppad:
0x0: {  	(pc) =	sbr.rel $0x88, $3  }
0x1: {  	(tag) =	ssettag $0x0;
	lr =	simm.s32 $0x1  }
0x2: {  	[smem:$0x3F92] =	sst lr;
	_ =	strace $0xD0000000  }
0x3: {  	_ = 	snop  }
0x4: {  	_ = 	snop  }
0x5: {  	_ = 	snop  }
0x6: {  	_ = 	snop  }
0x7: {  	_ = 	snop  }
__scs_overlays_trampoline_lowered:
0x8: {  	[smem:$0x3FA1] =	sst s0  }
0x9: {  	[smem:$0x3FA2] =	sst s1  }
0xa: {  	[smem:$0x3FA3] =	sst s2  }
0xb: {  	[smem:$0x3FA4] =	sst s3  }
0xc: {  	[smem:$0x3FA5] =	sst s4  }
0xd: {  	[smem:$0x3FA6] =	sst s5  }
0xe: {  	[smem:$0x3FA7] =	sst s6  }
0xf: {  	[smem:$0x3FA8] =	sst s7  }
0x10: {  	[smem:$0x3FA9] =	sst s8  }
0x11: {  	[smem:$0x3FAA] =	sst s9;
	s0 =	simm.s32 @!p0 $0x0  }
0x12: {  	s1 =	sld [smem:$0x3F90];
	s0 =	simm.s32 @p0 $0x1  }
0x13: {  	[smem:$0x3FAB] =	sst s0;
	s0 =	simm.s32 @!p1 $0x0  }
0x14: {  	s2 =	sld [smem:$0x3F8F];
	s0 =	simm.s32 @p1 $0x1  }
0x15: {  	[smem:$0x3FAC] =	sst s0;
	s0 =	simm.s32 @!p2 $0x0  }
0x16: {  	s3 =	sld [smem:$0x3FDB];
	s0 =	simm.s32 @p2 $0x1  }
0x17: {  	s4 =	simm.s32 $0x1BF5;
	[smem:$0x3FAE] =	sst s0  }
0x18: {  	s0 =	sld [smem:$0x3F91];
	_ =	swait.ge [sflag:s4], $0x0  }
0x19: {  	s7 =	sld [smem:$0x3F92]  }
0x1a: {  	s8 =	sadd.s32 $0xFFFFE003, lr  }
0x1b: {  	s9 =	sadd.s32 $0xFFFFFEF7, lr;
	s5 =	simm.s32 $0xFFFFFFFF;
	p2 =	slt.u32 s8, $0xFFFFF086  }
0x1c: {  	p1 =	slt.u32 s9, $0xF7A;
	s5 =	simm.s32 @!p2 $0x0  }
0x1d: {  	s5 =	simm.s32 @p1 $0x1;
	p0 =	seq.s32 s7, s2  }
0x1e: {  	s7 =	smul.u32 @!p0 $0xF7A, s2;
	p2 =	seq.s32 @!p0 s5, $0x0  }
0x1f: {  	s9 =	smul.u32 $0xF7A, s1;
	s8 =	simm.s32 @!p0 $0x1BF5;
	p2 =	por !p2, p0  }
0x20: {  	[sflag:s8] =	ssyncset.s32 @!p0 $0xFFFFF086;
	s6 =	sadd.s32 @!p0 s3, s7;
	s7 =	simm.s32 @!p0 $0x108  }
0x21: {  	s3 =	sadd.s32 s3, s9;
	s6 =	sadd.s32 @!p0 $0x88, s6;
	s7 =	simm.s32 @p2 $0x1082  }
0x22: {  	[simem:s7], [sflag:s8] =	dma.local @!p0 [hbm:s6], $0xF7A  }
0x23: {  	s9 =	sor.u32 $0xD0000000, s2;
	s6 =	simm.s32 $0x108;
	_ =	swait.ge @!p0 [sflag:s8], $0x0  }
0x24: {  	s3 =	sadd.s32 $0x88, s3;
	s6 =	simm.s32 @!p1 $0x1082;
	[sflag:s4] =	ssyncset.s32 $0xFFFFF086  }
0x25: {  	[simem:s6], [sflag:s4] =	dma.local [hbm:s3], $0xF7A  }
0x26: {  	[smem:$0x3F92] =	sst s1;
	(tag) =	ssettag s2;
	_ =	strace s9  }
0x27: {  	s1 =	sld [smem:$0x3FA2]  }
0x28: {  	s2 =	sld [smem:$0x3FA3]  }
0x29: {  	s4 =	sld [smem:$0x3FA5]  }
0x2a: {  	p0 =	seq.s32 s5, $0x0;
	s5 =	sld [smem:$0x3FA6]  }
0x2b: {  	s6 =	sld [smem:$0x3FA7]  }
0x2c: {  	s7 =	sld [smem:$0x3FA8]  }
0x2d: {  	s3 =	simm.s32 $0x108;
	s8 =	sld [smem:$0x3FA9]  }
0x2e: {  	s3 =	simm.s32 @!p0 $0x1082;
	s9 =	sld [smem:$0x3FAA]  }
0x2f: {  	lr =	sadd.s32 s0, s3;
	s0 =	sld [smem:$0x3FA1]  }
0x30: {  	s3 =	sld [smem:$0x3FA4]  }
0x31: {  	[smem:$0x3FAD] =	sst s10  }
0x32: {  	s10 =	sld [smem:$0x3FAB];
	_ =	sdelay $0x3  }
0x33: {  	p0 =	seq.s32 s10, $0x1;
	s10 =	sld [smem:$0x3FAD];
	_ =	sdelay $0x3  }
0x34: {  	[smem:$0x3FAD] =	sst s10  }
0x35: {  	s10 =	sld [smem:$0x3FAC];
	_ =	sdelay $0x3  }
0x36: {  	p1 =	seq.s32 s10, $0x1;
	s10 =	sld [smem:$0x3FAD];
	_ =	sdelay $0x3  }
0x37: {  	[smem:$0x3FAD] =	sst s10  }
0x38: {  	s10 =	sld [smem:$0x3FAE]  }
0x39: {  	_ = 	snop;
	(pc) =	sbr.ind lr, $3  }
0x3a: {  	_ = 	snop  }
0x3b: {  	_ = 	snop  }
0x3c: {  	p2 =	seq.s32 s10, $0x1;
	s10 =	sld [smem:$0x3FAD]  }
0x3d: {  	_ =	shalt  }
0x3e: {  	_ =	shalt  }
0x3f: {  	_ =	shalt  }
0x40: {  	_ =	shalt  }
0x41: {  	_ =	shalt  }
0x42: {  	_ =	shalt  }
0x43: {  	_ =	shalt  }
0x44: {  	_ =	shalt  }
0x45: {  	_ =	shalt  }
0x46: {  	_ =	shalt  }
0x47: {  	_ =	shalt  }
0x48: {  	_ =	shalt  }
0x49: {  	_ =	shalt  }
0x4a: {  	_ =	shalt  }
0x4b: {  	_ =	shalt  }
0x4c: {  	_ =	shalt  }
0x4d: {  	_ =	shalt  }
0x4e: {  	_ =	shalt  }
0x4f: {  	_ =	shalt  }
0x50: {  	_ =	shalt  }
0x51: {  	_ =	shalt  }
0x52: {  	_ =	shalt  }
0x53: {  	_ =	shalt  }
0x54: {  	_ =	shalt  }
0x55: {  	_ =	shalt  }
0x56: {  	_ =	shalt  }
0x57: {  	_ =	shalt  }
0x58: {  	_ =	shalt  }
0x59: {  	_ =	shalt  }
0x5a: {  	_ =	shalt  }
0x5b: {  	_ =	shalt  }
0x5c: {  	_ =	shalt  }
0x5d: {  	_ =	shalt  }
0x5e: {  	_ =	shalt  }
0x5f: {  	_ =	shalt  }
0x60: {  	_ =	shalt  }
0x61: {  	_ =	shalt  }
0x62: {  	_ =	shalt  }
0x63: {  	_ =	shalt  }
0x64: {  	_ =	shalt  }
0x65: {  	_ =	shalt  }
0x66: {  	_ =	shalt  }
0x67: {  	_ =	shalt  }
0x68: {  	_ =	shalt  }
0x69: {  	_ =	shalt  }
0x6a: {  	_ =	shalt  }
0x6b: {  	_ =	shalt  }
0x6c: {  	_ =	shalt  }
0x6d: {  	_ =	shalt  }
0x6e: {  	_ =	shalt  }
0x6f: {  	_ =	shalt  }
0x70: {  	_ =	shalt  }
0x71: {  	_ =	shalt  }
0x72: {  	_ =	shalt  }
0x73: {  	_ =	shalt  }
0x74: {  	_ =	shalt  }
0x75: {  	_ =	shalt  }
0x76: {  	_ =	shalt  }
0x77: {  	_ =	shalt  }
0x78: {  	_ =	shalt  }
0x79: {  	_ =	shalt  }
0x7a: {  	_ =	shalt  }
0x7b: {  	_ =	shalt  }
0x7c: {  	_ =	shalt  }
0x7d: {  	_ =	shalt  }
0x7e: {  	_ =	shalt  }
0x7f: {  	_ =	shalt  }
0x80: {  	_ =	shalt  }
0x81: {  	_ =	shalt  }
0x82: {  	_ =	shalt  }
0x83: {  	_ =	shalt  }
0x84: {  	_ =	shalt  }
0x85: {  	_ =	shalt  }
0x86: {  	_ =	shalt  }
0x87: {  	_ =	shalt  }
.Lfunc_end0:
.L_simem_size_0:
called_computation_lowered:
.L_overlay_start_0:
0x88: {  	s2 =	sld [smem:$0x3FD9]  }
0x89: {  	s3 =	sld [smem:$0x3FFE];
	_ =	sdelay $0x1  }
0x8a: {  	s1 =	srdreg.scid  }
0x8b: {  	s0 =	sand.u32 $0x1, s1  }
0x8c: {  	s17 =	sshll.u32 s0, $0xA;
	s2 =	sadd.s32 s3, s2  }
0x8d: {  	s2 =	sadd.s32 s2, s17  }
0x8e: {  	[smem:$0x3FB9] =	sst s2  }
0x8f: {  	_ = 	snop  }
0x90: {  	s2 =	sld [smem:$0x3FD0];
	(tm) =	ssettm $0x1  }
0x91: {  	s18 =	sld [smem:$0x3FFB];
	_ =	sdelay $0x3  }
0x92: {  	_ =	strace s18  }
0x93: {  	s3 =	sld [smem:$0x3FFC];
	_ =	sdelay $0x3  }
0x94: {  	_ =	strace s3  }
0x95: {  	s3 =	sld [smem:$0x3FFD];
	_ =	sdelay $0x3  }
0x96: {  	_ =	strace s3  }
0x97: {  	_ =	strace $0x8FFFFFFF  }
0x98: {  	s19 =	sld [smem:$0x3FDB];
	_ =	sdelay $0x1  }
0x99: {  	s4 =	simm.s32 $_scs_section_size  }
0x9a: {  	s5 =	simm.s32 $_size__tile_overlayer_lowered;
	s6 =	simm.s32 $_tile_overlayer_lowered  }
0x9b: {  	s22 =	simm.s32 $0x1BFF;
	s21 =	sshll.u32 s6, $0x1;
	s3 =	sadd.s32 s4, s19  }
0x9c: {  	s7 =	simm.s32 $0x0;
	s20 =	sshll.u32 s5, $0x1;
	s5 =	sadd.s32 s21, s3  }
0x9d: {  	[timem:s7], [sflag:s22] =	dma.local [hbm:s5], s20  }
0x9e: {  	_ =	swait.ge [sflag:s22], s20  }
0x9f: {  	s4 =	ssub.s32 $0x0, s20;
	[sflag:s22] =	ssyncset.done $0x0  }
0xa0: {  	[sflag:s22] =	ssyncadd.s32 s4;
	_ =	sdelay $0x1  }
0xa1: {  	s23 =	simm.s32 $0x1B8B  }
0xa2: {  	_ =	swait.ge [sflag:s23], $0x1  }
0xa3: {  	[sflag:s23] =	ssyncset.done $0x0  }
0xa4: {  	s25 =	simm.s32 $0x1B8E;
	s24 =	sld [smem:$0x3FFE];
	[sflag:s23] =	ssyncadd.s32 $0xFFFFFFFF  }
0xa5: {  	s26 =	simm.s32 $execute0_lowered;
	[smem:$0x3FD2] =	sst s25  }
0xa6: {  	s5 =	sshll.u32 s26, $0x1;
	_ =	strace $0x80000046;
	[dreg:$0x1] =	wrdreg $0xFFFFFFFF  }
0xa7: {  	s28 =	simm.s32 $_size_execute0_lowered;
	s3 =	sadd.s32 s3, s5;
	[dreg:$0x0] =	wrdreg $0x0  }
0xa8: {  	s5 =	sshll.u32 s28, $0x1;
	[dreg:$0x2] =	wrdreg s3  }
0xa9: {  	[dreg:$0x3] =	wrdreg s5  }
0xaa: {  	[dreg:$0x4] =	wrdreg $0xC0  }
0xab: {  	_ =	task [dreg:s7], $0x5FFFF  }
0xac: {  	[dreg:$0x1] =	wrdreg $0xFFFFFFFF  }
0xad: {  	[dreg:$0x0] =	wrdreg $0x60  }
0xae: {  	[dreg:$0x2] =	wrdreg s2  }
0xaf: {  	[dreg:$0x3] =	wrdreg s24  }
0xb0: {  	[dreg:$0x4] =	wrdreg $0x0  }
0xb1: {  	[dreg:$0x5] =	wrdreg $0x9  }
0xb2: {  	_ =	task.clear_ibuf [dreg:s7], $0x6FFFF;
	_ =	strace $0x90000046  }
0xb3: {  	s29 =	simm.s32 $0x9;
	_ =	strace $0x80000048  }
0xb4: {  	_ =	swait.ge [sflag:s29], $0x1  }
0xb5: {  	[sflag:s29] =	ssyncadd.s32 $0xFFFFFFFF  }
0xb6: {  	_ =	strace $0x90000048  }
0xb7: {  	_ =	sfence  }
0xb8: {  	s30 =	sld [smem:$0x0];
	_ =	sdelay $0x2  }
0xb9: {  	s31 =	sshll.u32 s1, $0xD;
	s1 =	sshrl.u32 s1, $0x2  }
0xba: {  	s3 =	sand.u32 $0x4000, s31;
	s1 =	sadd.s32 s1, s30  }
0xbb: {  	s0 =	sor.u32 s3, s0;
	s1 =	sshll.u32 s1, $0x11  }
0xbc: {  	s0 =	sor.u32 s1, s0  }
0xbd: {  	s0 =	sadd.s32 $0x8F2B, s0  }
0xbe: {  	[sflag:s0] =	ssyncadd.remote.s32 $0x1  }
0xbf: {  	_ =	sfence.sel $0xFFFF  }
0xc0: {  	[dreg:$0x0] =	wrdreg $0xFFFFFFFF;
	(pc) =	sbr.abs _section_cstart, $3  }
0xc1: {  	[dreg:$0x1] =	wrdreg $0xFFFFFFFF  }
0xc2: {  	_ =	task.clear_ibuf [dreg:s7], $0x2FFFF;
	_ =	strace $0x9FFFFFFF  }
0xc3: {  	(tm) =	ssettm $0x7FFFFFFF  }
tec
execute0_lowered:
.L_overlay_start_1:
0x0: {  	(tag) =	ssettag $0x1  }
0x1: {  	s1 =	rddreg [dreg:$0x0]  }
0x2: {  	s0 =	rddreg [dreg:$0x1]  }
0x3: {  	s2 =	rddreg [dreg:$0x2];
	s4 =	simm.s32 $0x0  }
0x4: {  	s5 =	srdreg.scid;
	s3 =	stileid.u32;
	s21 =	simm.s32 $0x18F00  }
0x5: {  	s22 =	simm.s32 $0x2;
	s23 =	simm.s32 $0x14000;
	s25 =	simm.s32 $0x60  }
0x6: {  	s28 =	simm.s32 $0x1BF00;
	s30 =	simm.s32 $0x18DC0;
	s31 =	simm.s32 $0x10  }
0x7: {  	s24 =	simm.s32 $0x18E80;
	[smem:$0x7FF] =	sst s4;
	s6 =	smul.u32 $0x50000, s3  }
0x8: {  	s8 =	sand.u32 $0x1, s5;
	s5 =	sadd.s32 $0x16800, s0;
	s13 =	smul.u32 $0x2710, s3  }
0x9: {  	s14 =	sadd.s32 $0x2C00, s0;
	s15 =	sadd.s32 $0xCA00, s0;
	s18 =	smul.u32 $0x14000, s3  }
0xa: {  	_ =	strace $0x80000047;
	s7 =	ssub.s32 $0x2, s8;
	p0 =	seq.s32 s8, $0x1  }
0xb: {  	s9 =	sshrl.u32 s7, $0x1;
	s10 =	sshrl.u32 s6, $0x2;
	s6 =	sadd.s32 $0x3DA00, s0  }
0xc: {  	s17 =	sshrl.u32 s13, $0x3;
	s29 =	sshrl.u32 s18, $0x3;
	s0 =	simm.s32 $0x16700  }
0xd: {  	s26 =	ssub.s32 s7, s9;
	s7 =	sadd.s32 s10, s2;
	s16 =	sadd.s32 s14, s17  }
0xe: {  	s19 =	sadd.s32 $0x4E20, s17;
	s17 =	sadd.s32 s15, s17;
	s8 =	sadd.s32 $0x3000, s7  }
0xf: {  	s9 =	sadd.s32 $0x6000, s7;
	s10 =	sadd.s32 $0x9000, s7;
	s11 =	sadd.s32 $0xC000, s7  }
.Ltmp0:
0x10: {  	s12 =	sadd.s32 $0xF000, s7;
	s13 =	sadd.s32 $0x12000, s7;
	(pc) =	sbr.rel .LBB2_1-.Ltmp0, $4  }
0x11: {  	[dreg:$0x4] =	wrdreg s16;
	s14 =	sadd.s32 s14, s19;
	s16 =	smul.u32 $0x2800, s3  }
0x12: {  	[dreg:$0x6] =	wrdreg s17;
	s15 =	sadd.s32 s15, s19;
	s19 =	sadd.s32 $0x28000, s29  }
0x13: {  	s20 =	smax.u32 s26, $0x1;
	s26 =	simm.s32 $0x1;
	[dreg:$0x5] =	wrdreg s14  }
0x14: {  	v0 =	vimm.f32 $0.0e+00;
	[dreg:$0x7] =	wrdreg s15;
	s14 =	simm.s32 $0x18E20;
	s15 =	simm.s32 $0x0  }
.LBB2_9:
0x15: {  	[sflag:s22] =	ssyncadd.s32 $0xFFFFD000;
	s29 =	smov.u32 s5;
	s17 =	smov.u32 s19  }
.LBB2_10:
0x16: {  	_ =	swait.ge [sflag:s26], $0x3000  }
0x17: {  	[sflag:s26] =	ssyncset.done $0x0  }
0x18: {  	s18 =	simm.s32 $0x166A0;
	[sflag:s26] =	ssyncadd.s32 $0xFFFFD000  }
0x19: {  	[tilespmem:s28], [sflag:$0x1] =	stream.indirect.gather [hbm4b:s29+s25], $0x80, s18, s25, $0xb8;
	[tilespmem:$0x1EF00] =	vst v63  }
0x1a: {  	_ = 	snop  }
0x1b: {  	[spmem:s2] =	stream.indirect.scatter.add.f32 [tilespmem:s21], [sflag:$0x2], $0x80, s30, s25, $0xb8;
	[tilespmem:$0x1EF00] =	vst v63  }
0x1c: {  	_ =	swait.ge [sflag:s22], $0x3000  }
0x1d: {  	[sflag:s22] =	ssyncset.done $0x0  }
0x1e: {  	[sflag:s22] =	ssyncadd.s32 $0xFFFFD000  }
0x1f: {  	_ =	swait.ge [sflag:s26], $0x3000  }
0x20: {  	[sflag:s26] =	ssyncset.done $0x0  }
0x21: {  	[sflag:s26] =	ssyncadd.s32 $0xFFFFD000  }
0x22: {  	[tilespmem:s21], [sflag:$0x1] =	stream.indirect.gather [hbm4b:s29+s31], $0x80, s0, s31, $0xb8;
	[tilespmem:$0x1EF00] =	vst v63  }
0x23: {  	_ = 	snop  }
0x24: {  	[spmem:s2] =	stream.indirect.scatter.add.f32 [tilespmem:s28], [sflag:$0x2], $0x80, s14, s25, $0xb8;
	[tilespmem:$0x1EF00] =	vst v63  }
0x25: {  	_ =	swait.ge [sflag:s22], $0x3000  }
0x26: {  	[sflag:s22] =	ssyncset.done $0x0  }
0x27: {  	[sflag:s22] =	ssyncadd.s32 $0xFFFFD000  }
0x28: {  	_ =	swait.ge [sflag:s26], $0x800  }
0x29: {  	[sflag:s26] =	ssyncset.done $0x0  }
0x2a: {  	[sflag:s26] =	ssyncadd.s32 $0xFFFFF800  }
0x2b: {  	[spmem:s2] =	stream.indirect.scatter.add.f32 [tilespmem:s21], [sflag:$0x2], $0x80, s24, s31, $0xb8;
	[tilespmem:$0x1EF00] =	vst v63  }
0x2c: {  	s17 =	sadd.s32 s6, s17;
	_ =	swait.ge [sflag:s22], $0x800  }
0x2d: {  	s15 =	sadd.s32 $0x1, s15;
	s29 =	sshll.u32 s3, $0x6;
	[sflag:s22] =	ssyncset.done $0x0  }
0x2e: {  	p1 =	sne.s32 s15, s20;
	s18 =	sor.u32 $0x1C02, s29;
	[sflag:s22] =	ssyncadd.s32 $0xFFFFF800  }
.Ltmp1:
0x2f: {  	s29 =	sshrl.u32 s7, $0x3;
	[bflag:$0x0] =	sbarrier.arrive $0xFFFF;
	(pc) =	sbr.rel @!p1 .LBB2_11-.Ltmp1, $4  }
0x30: {  	[hbm:s17], [sflag:s18] =	dma.local [spmem:s29], $0x2800  }
0x31: {  	_ =	swait.ge [sflag:s22], $0x2800  }
0x32: {  	[sflag:s22] =	ssyncset.done $0x0  }
0x33: {  	[sflag:s22] =	ssyncadd.s32 $0xFFFFD800  }
.LBB2_1:
.Ltmp2:
0x34: {  	(pc) =	sbr.rel @!p0 .LBB2_2-.Ltmp2, $2  }
0x35: {  	_ =	sdelay $0x2  }
0x36: {  	s17 =	sshra.s32 s4, $0x2;
	s29 =	sadd.s32 $0x200, s4  }
.LBB2_6:
0x37: {  	p1 =	sne.s32 s29, $0xBE00;
	[tilespmem:s17+$0x18F70] =	vst v0  }
0x38: {  	[tilespmem:s17+$0x18F00] =	vst v0  }
0x39: {  	[tilespmem:s17+$0x18F10] =	vst v0  }
.Ltmp3:
0x3a: {  	[tilespmem:s17+$0x18F20] =	vst v0;
	(pc) =	sbr.rel @p1 .LBB2_6-.Ltmp3, $4  }
0x3b: {  	[tilespmem:s17+$0x18F30] =	vst v0  }
0x3c: {  	[tilespmem:s17+$0x18F40] =	vst v0  }
0x3d: {  	[tilespmem:s17+$0x18F50] =	vst v0  }
0x3e: {  	[tilespmem:s17+$0x18F60] =	vst v0;
	s17 =	sshra.s32 s29, $0x2;
	s29 =	sadd.s32 $0x200, s29  }
0x3f: {  	[tilespmem:s17+$0x18F70] =	vst v0  }
0x40: {  	[tilespmem:s17+$0x18F00] =	vst v0  }
0x41: {  	[tilespmem:s17+$0x18F10] =	vst v0  }
0x42: {  	[tilespmem:s17+$0x18F20] =	vst v0  }
0x43: {  	[tilespmem:s17+$0x18F30] =	vst v0  }
0x44: {  	[tilespmem:s17+$0x18F40] =	vst v0  }
0x45: {  	[tilespmem:s17+$0x18F50] =	vst v0  }
0x46: {  	[tilespmem:s17+$0x18F60] =	vst v0  }
0x47: {  	[spmem:s7] =	stream.linear.scatter [tilespmem:s21], [sflag:$0x2], $0x3000, $0x38;
	[tilespmem:$0x1EF00] =	vst v63  }
0x48: {  	_ =	swait.ge [sflag:s22], $0x3000  }
0x49: {  	[sflag:s22] =	ssyncset.done $0x0  }
0x4a: {  	[sflag:s22] =	ssyncadd.s32 $0xFFFFD000  }
0x4b: {  	[spmem:s8] =	stream.linear.scatter [tilespmem:s21], [sflag:$0x2], $0x3000, $0x38;
	[tilespmem:$0x1EF00] =	vst v63  }
0x4c: {  	_ =	swait.ge [sflag:s22], $0x3000  }
0x4d: {  	[sflag:s22] =	ssyncset.done $0x0  }
0x4e: {  	[sflag:s22] =	ssyncadd.s32 $0xFFFFD000  }
0x4f: {  	[spmem:s9] =	stream.linear.scatter [tilespmem:s21], [sflag:$0x2], $0x3000, $0x38;
	[tilespmem:$0x1EF00] =	vst v63  }
0x50: {  	_ =	swait.ge [sflag:s22], $0x3000  }
0x51: {  	[sflag:s22] =	ssyncset.done $0x0  }
0x52: {  	[sflag:s22] =	ssyncadd.s32 $0xFFFFD000  }
0x53: {  	[spmem:s10] =	stream.linear.scatter [tilespmem:s21], [sflag:$0x2], $0x3000, $0x38;
	[tilespmem:$0x1EF00] =	vst v63  }
0x54: {  	_ =	swait.ge [sflag:s22], $0x3000  }
0x55: {  	[sflag:s22] =	ssyncset.done $0x0  }
0x56: {  	[sflag:s22] =	ssyncadd.s32 $0xFFFFD000  }
0x57: {  	[spmem:s11] =	stream.linear.scatter [tilespmem:s21], [sflag:$0x2], $0x3000, $0x38;
	[tilespmem:$0x1EF00] =	vst v63  }
0x58: {  	_ =	swait.ge [sflag:s22], $0x3000  }
0x59: {  	[sflag:s22] =	ssyncset.done $0x0  }
0x5a: {  	[sflag:s22] =	ssyncadd.s32 $0xFFFFD000  }
0x5b: {  	[spmem:s12] =	stream.linear.scatter [tilespmem:s21], [sflag:$0x2], $0x3000, $0x38;
	[tilespmem:$0x1EF00] =	vst v63  }
0x5c: {  	_ =	swait.ge [sflag:s22], $0x3000  }
0x5d: {  	[sflag:s22] =	ssyncset.done $0x0  }
0x5e: {  	[sflag:s22] =	ssyncadd.s32 $0xFFFFD000  }
0x5f: {  	[spmem:s13] =	stream.linear.scatter [tilespmem:s21], [sflag:$0x2], $0x2000, $0x38;
	[tilespmem:$0x1EF00] =	vst v63  }
0x60: {  	_ =	swait.ge [sflag:s22], $0x2000  }
0x61: {  	[sflag:s22] =	ssyncset.done $0x0  }
0x62: {  	s17 =	simm.s32 $0x0;
	s18 =	rddreg [dreg:$0x6];
	[sflag:s22] =	ssyncadd.s32 $0xFFFFE000  }
0x63: {  	[tilespmem:s23], [sflag:$0x2] =	stream.linear.gather [hbm4b:s18+s17], $0x2710, $0x38;
	[tilespmem:$0x1EF00] =	vst v63  }
0x64: {  	_ =	swait.ge [sflag:s22], $0x2710  }
0x65: {  	[sflag:s22] =	ssyncset.done $0x0  }
0x66: {  	s29 =	simm.s32 $0x16780;
	s18 =	rddreg [dreg:$0x7];
	[sflag:s22] =	ssyncadd.s32 $0xFFFFD8F0  }
0x67: {  	[tilespmem:s29], [sflag:$0x2] =	stream.linear.gather [hbm4b:s18+s17], $0x2710, $0x38;
	[tilespmem:$0x1EF00] =	vst v63  }
0x68: {  	_ =	swait.ge [sflag:s22], $0x2710  }
0x69: {  	[sflag:s22] =	ssyncset.done $0x0  }
0x6a: {  	[sflag:s22] =	ssyncadd.s32 $0xFFFFD8F0  }
0x6b: {  	[bflag:$0x0] =	sbarrier.arrive $0xFFFF  }
0x6c: {  	[tilespmem:s21], [sflag:$0x1] =	stream.indirect.gather [hbm4b:s5+s25], $0x80, s23, s25, $0xb8;
	[tilespmem:$0x1EF00] =	vst v63  }
0x6d: {  	_ =	swait.ge [sflag:s26], $0x3000  }
0x6e: {  	[sflag:s26] =	ssyncset.done $0x0  }
0x6f: {  	s18 =	simm.s32 $0x14060;
	[sflag:s26] =	ssyncadd.s32 $0xFFFFD000  }
0x70: {  	[tilespmem:s28], [sflag:$0x1] =	stream.indirect.gather [hbm4b:s5+s25], $0x80, s18, s25, $0xb8;
	[tilespmem:$0x1EF00] =	vst v63  }
0x71: {  	s29 =	simm.s32 $0x16780  }
0x72: {  	[spmem:s2] =	stream.indirect.scatter.add.f32 [tilespmem:s21], [sflag:$0x2], $0x80, s29, s25, $0xb8;
	[tilespmem:$0x1EF00] =	vst v63  }
0x73: {  	_ =	swait.ge [sflag:s22], $0x3000  }
0x74: {  	[sflag:s22] =	ssyncset.done $0x0  }
0x75: {  	[sflag:s22] =	ssyncadd.s32 $0xFFFFD000  }
0x76: {  	_ =	swait.ge [sflag:s26], $0x3000  }
0x77: {  	[sflag:s26] =	ssyncset.done $0x0  }
0x78: {  	s18 =	simm.s32 $0x140C0;
	[sflag:s26] =	ssyncadd.s32 $0xFFFFD000  }
0x79: {  	[tilespmem:s21], [sflag:$0x1] =	stream.indirect.gather [hbm4b:s5+s25], $0x80, s18, s25, $0xb8;
	[tilespmem:$0x1EF00] =	vst v63  }
0x7a: {  	s29 =	simm.s32 $0x167E0  }
0x7b: {  	[spmem:s2] =	stream.indirect.scatter.add.f32 [tilespmem:s28], [sflag:$0x2], $0x80, s29, s25, $0xb8;
	[tilespmem:$0x1EF00] =	vst v63  }
0x7c: {  	_ =	swait.ge [sflag:s22], $0x3000  }
0x7d: {  	s17 =	simm.s32 $0x300;
	[sflag:s22] =	ssyncset.done $0x0  }
.LBB2_8:
0x7e: {  	p1 =	sne.s32 s17, $0x9600  }
0x7f: {  	[sflag:s22] =	ssyncadd.s32 $0xFFFFD000;
	s18 =	smov.u32 s17;
	s17 =	sadd.s32 $0x300, s17  }
0x80: {  	_ = 	snop  }
0x81: {  	_ =	swait.ge [sflag:s26], $0x3000  }
0x82: {  	s18 =	sshra.s32 s18, $0x2;
	[sflag:s26] =	ssyncset.done $0x0  }
0x83: {  	s29 =	sadd.s32 $0x14060, s18;
	[sflag:s26] =	ssyncadd.s32 $0xFFFFD000  }
0x84: {  	[tilespmem:s28], [sflag:$0x1] =	stream.indirect.gather [hbm4b:s5+s25], $0x80, s29, s25, $0xb8;
	[tilespmem:$0x1EF00] =	vst v63  }
0x85: {  	s29 =	sadd.s32 $0x16780, s18  }
0x86: {  	[spmem:s2] =	stream.indirect.scatter.add.f32 [tilespmem:s21], [sflag:$0x2], $0x80, s29, s25, $0xb8;
	[tilespmem:$0x1EF00] =	vst v63  }
0x87: {  	_ =	swait.ge [sflag:s22], $0x3000  }
0x88: {  	[sflag:s22] =	ssyncset.done $0x0  }
0x89: {  	[sflag:s22] =	ssyncadd.s32 $0xFFFFD000  }
0x8a: {  	_ =	swait.ge [sflag:s26], $0x3000  }
0x8b: {  	[sflag:s26] =	ssyncset.done $0x0  }
0x8c: {  	s29 =	sadd.s32 $0x140C0, s18;
	[sflag:s26] =	ssyncadd.s32 $0xFFFFD000  }
0x8d: {  	[tilespmem:s21], [sflag:$0x1] =	stream.indirect.gather [hbm4b:s5+s25], $0x80, s29, s25, $0xb8;
	[tilespmem:$0x1EF00] =	vst v63  }
.Ltmp4:
0x8e: {  	_ = 	snop;
	(pc) =	sbr.rel @p1 .LBB2_8-.Ltmp4, $4  }
0x8f: {  	s18 =	sadd.s32 $0x167E0, s18  }
0x90: {  	[spmem:s2] =	stream.indirect.scatter.add.f32 [tilespmem:s28], [sflag:$0x2], $0x80, s18, s25, $0xb8;
	[tilespmem:$0x1EF00] =	vst v63  }
0x91: {  	_ =	swait.ge [sflag:s22], $0x3000  }
0x92: {  	[sflag:s22] =	ssyncset.done $0x0  }
.Ltmp5:
0x93: {  	_ = 	snop;
	(pc) =	sbr.rel .LBB2_9-.Ltmp5, $1  }
0x94: {  	_ =	sdelay $0x3  }
.LBB2_2:
0x95: {  	p1 =	sne.s32 s29, $0xBE00;
	[tilespmem:s17+$0x18F70] =	vst v0  }
0x96: {  	[tilespmem:s17+$0x18F00] =	vst v0  }
0x97: {  	[tilespmem:s17+$0x18F10] =	vst v0  }
.Ltmp6:
0x98: {  	[tilespmem:s17+$0x18F20] =	vst v0;
	(pc) =	sbr.rel @p1 .LBB2_2-.Ltmp6, $4  }
0x99: {  	[tilespmem:s17+$0x18F30] =	vst v0  }
0x9a: {  	[tilespmem:s17+$0x18F40] =	vst v0  }
0x9b: {  	[tilespmem:s17+$0x18F50] =	vst v0  }
0x9c: {  	[tilespmem:s17+$0x18F60] =	vst v0;
	s17 =	sshra.s32 s29, $0x2;
	s29 =	sadd.s32 $0x200, s29  }
0x9d: {  	[tilespmem:s17+$0x18F70] =	vst v0  }
0x9e: {  	[tilespmem:s17+$0x18F00] =	vst v0  }
0x9f: {  	[tilespmem:s17+$0x18F10] =	vst v0  }
0xa0: {  	[tilespmem:s17+$0x18F20] =	vst v0  }
0xa1: {  	[tilespmem:s17+$0x18F30] =	vst v0  }
0xa2: {  	[tilespmem:s17+$0x18F40] =	vst v0  }
0xa3: {  	[tilespmem:s17+$0x18F50] =	vst v0  }
0xa4: {  	[tilespmem:s17+$0x18F60] =	vst v0  }
0xa5: {  	[spmem:s7] =	stream.linear.scatter [tilespmem:s21], [sflag:$0x2], $0x3000, $0x38;
	[tilespmem:$0x1EF00] =	vst v63  }
0xa6: {  	_ =	swait.ge [sflag:s22], $0x3000  }
0xa7: {  	[sflag:s22] =	ssyncset.done $0x0  }
0xa8: {  	[sflag:s22] =	ssyncadd.s32 $0xFFFFD000  }
0xa9: {  	[spmem:s8] =	stream.linear.scatter [tilespmem:s21], [sflag:$0x2], $0x3000, $0x38;
	[tilespmem:$0x1EF00] =	vst v63  }
0xaa: {  	_ =	swait.ge [sflag:s22], $0x3000  }
0xab: {  	[sflag:s22] =	ssyncset.done $0x0  }
0xac: {  	[sflag:s22] =	ssyncadd.s32 $0xFFFFD000  }
0xad: {  	[spmem:s9] =	stream.linear.scatter [tilespmem:s21], [sflag:$0x2], $0x3000, $0x38;
	[tilespmem:$0x1EF00] =	vst v63  }
0xae: {  	_ =	swait.ge [sflag:s22], $0x3000  }
0xaf: {  	[sflag:s22] =	ssyncset.done $0x0  }
0xb0: {  	[sflag:s22] =	ssyncadd.s32 $0xFFFFD000  }
0xb1: {  	[spmem:s10] =	stream.linear.scatter [tilespmem:s21], [sflag:$0x2], $0x3000, $0x38;
	[tilespmem:$0x1EF00] =	vst v63  }
0xb2: {  	_ =	swait.ge [sflag:s22], $0x3000  }
0xb3: {  	[sflag:s22] =	ssyncset.done $0x0  }
0xb4: {  	[sflag:s22] =	ssyncadd.s32 $0xFFFFD000  }
0xb5: {  	[spmem:s11] =	stream.linear.scatter [tilespmem:s21], [sflag:$0x2], $0x3000, $0x38;
	[tilespmem:$0x1EF00] =	vst v63  }
0xb6: {  	_ =	swait.ge [sflag:s22], $0x3000  }
0xb7: {  	[sflag:s22] =	ssyncset.done $0x0  }
0xb8: {  	[sflag:s22] =	ssyncadd.s32 $0xFFFFD000  }
0xb9: {  	[spmem:s12] =	stream.linear.scatter [tilespmem:s21], [sflag:$0x2], $0x3000, $0x38;
	[tilespmem:$0x1EF00] =	vst v63  }
0xba: {  	_ =	swait.ge [sflag:s22], $0x3000  }
0xbb: {  	[sflag:s22] =	ssyncset.done $0x0  }
0xbc: {  	[sflag:s22] =	ssyncadd.s32 $0xFFFFD000  }
0xbd: {  	[spmem:s13] =	stream.linear.scatter [tilespmem:s21], [sflag:$0x2], $0x2000, $0x38;
	[tilespmem:$0x1EF00] =	vst v63  }
0xbe: {  	_ =	swait.ge [sflag:s22], $0x2000  }
0xbf: {  	[sflag:s22] =	ssyncset.done $0x0  }
0xc0: {  	s17 =	simm.s32 $0x0;
	s18 =	rddreg [dreg:$0x4];
	[sflag:s22] =	ssyncadd.s32 $0xFFFFE000  }
0xc1: {  	[tilespmem:s23], [sflag:$0x2] =	stream.linear.gather [hbm4b:s18+s17], $0x2710, $0x38;
	[tilespmem:$0x1EF00] =	vst v63  }
0xc2: {  	_ =	swait.ge [sflag:s22], $0x2710  }
0xc3: {  	[sflag:s22] =	ssyncset.done $0x0  }
0xc4: {  	s29 =	simm.s32 $0x16780;
	s18 =	rddreg [dreg:$0x5];
	[sflag:s22] =	ssyncadd.s32 $0xFFFFD8F0  }
0xc5: {  	[tilespmem:s29], [sflag:$0x2] =	stream.linear.gather [hbm4b:s18+s17], $0x2710, $0x38;
	[tilespmem:$0x1EF00] =	vst v63  }
0xc6: {  	_ =	swait.ge [sflag:s22], $0x2710  }
0xc7: {  	[sflag:s22] =	ssyncset.done $0x0  }
0xc8: {  	[sflag:s22] =	ssyncadd.s32 $0xFFFFD8F0  }
0xc9: {  	[bflag:$0x0] =	sbarrier.arrive $0xFFFF  }
0xca: {  	[tilespmem:s21], [sflag:$0x1] =	stream.indirect.gather [hbm4b:s1+s25], $0x80, s23, s25, $0xb8;
	[tilespmem:$0x1EF00] =	vst v63  }
0xcb: {  	_ =	swait.ge [sflag:s26], $0x3000  }
0xcc: {  	[sflag:s26] =	ssyncset.done $0x0  }
0xcd: {  	s18 =	simm.s32 $0x14060;
	[sflag:s26] =	ssyncadd.s32 $0xFFFFD000  }
0xce: {  	[tilespmem:s28], [sflag:$0x1] =	stream.indirect.gather [hbm4b:s1+s25], $0x80, s18, s25, $0xb8;
	[tilespmem:$0x1EF00] =	vst v63  }
0xcf: {  	s29 =	simm.s32 $0x16780  }
0xd0: {  	[spmem:s2] =	stream.indirect.scatter.add.f32 [tilespmem:s21], [sflag:$0x2], $0x80, s29, s25, $0xb8;
	[tilespmem:$0x1EF00] =	vst v63  }
0xd1: {  	_ =	swait.ge [sflag:s22], $0x3000  }
0xd2: {  	[sflag:s22] =	ssyncset.done $0x0  }
0xd3: {  	[sflag:s22] =	ssyncadd.s32 $0xFFFFD000  }
0xd4: {  	_ =	swait.ge [sflag:s26], $0x3000  }
0xd5: {  	[sflag:s26] =	ssyncset.done $0x0  }
0xd6: {  	s18 =	simm.s32 $0x140C0;
	[sflag:s26] =	ssyncadd.s32 $0xFFFFD000  }
0xd7: {  	[tilespmem:s21], [sflag:$0x1] =	stream.indirect.gather [hbm4b:s1+s25], $0x80, s18, s25, $0xb8;
	[tilespmem:$0x1EF00] =	vst v63  }
0xd8: {  	s29 =	simm.s32 $0x167E0  }
0xd9: {  	[spmem:s2] =	stream.indirect.scatter.add.f32 [tilespmem:s28], [sflag:$0x2], $0x80, s29, s25, $0xb8;
	[tilespmem:$0x1EF00] =	vst v63  }
0xda: {  	_ =	swait.ge [sflag:s22], $0x3000  }
0xdb: {  	s17 =	simm.s32 $0x300;
	[sflag:s22] =	ssyncset.done $0x0  }
.LBB2_4:
0xdc: {  	p1 =	seq.s32 s17, $0x9600  }
0xdd: {  	[sflag:s22] =	ssyncadd.s32 $0xFFFFD000;
	s29 =	smov.u32 s17;
	s17 =	sadd.s32 $0x300, s17  }
0xde: {  	_ = 	snop  }
0xdf: {  	_ =	swait.ge [sflag:s26], $0x3000  }
0xe0: {  	s29 =	sshra.s32 s29, $0x2;
	[sflag:s26] =	ssyncset.done $0x0  }
0xe1: {  	s18 =	sadd.s32 $0x14060, s29;
	[sflag:s26] =	ssyncadd.s32 $0xFFFFD000  }
0xe2: {  	[tilespmem:s28], [sflag:$0x1] =	stream.indirect.gather [hbm4b:s1+s25], $0x80, s18, s25, $0xb8;
	[tilespmem:$0x1EF00] =	vst v63  }
0xe3: {  	s18 =	sadd.s32 $0x16780, s29  }
0xe4: {  	[spmem:s2] =	stream.indirect.scatter.add.f32 [tilespmem:s21], [sflag:$0x2], $0x80, s18, s25, $0xb8;
	[tilespmem:$0x1EF00] =	vst v63  }
0xe5: {  	_ =	swait.ge [sflag:s22], $0x3000  }
0xe6: {  	[sflag:s22] =	ssyncset.done $0x0  }
0xe7: {  	[sflag:s22] =	ssyncadd.s32 $0xFFFFD000  }
0xe8: {  	_ =	swait.ge [sflag:s26], $0x3000  }
0xe9: {  	[sflag:s26] =	ssyncset.done $0x0  }
0xea: {  	s18 =	sadd.s32 $0x140C0, s29;
	[sflag:s26] =	ssyncadd.s32 $0xFFFFD000  }
0xeb: {  	[tilespmem:s21], [sflag:$0x1] =	stream.indirect.gather [hbm4b:s1+s25], $0x80, s18, s25, $0xb8;
	[tilespmem:$0x1EF00] =	vst v63  }
.Ltmp7:
0xec: {  	_ = 	snop;
	(pc) =	sbr.rel @!p1 .LBB2_4-.Ltmp7, $4  }
0xed: {  	s18 =	sadd.s32 $0x167E0, s29  }
0xee: {  	[spmem:s2] =	stream.indirect.scatter.add.f32 [tilespmem:s28], [sflag:$0x2], $0x80, s18, s25, $0xb8;
	[tilespmem:$0x1EF00] =	vst v63  }
0xef: {  	_ =	swait.ge [sflag:s22], $0x3000  }
0xf0: {  	[sflag:s22] =	ssyncset.done $0x0  }
.Ltmp8:
0xf1: {  	(pc) =	sbr.rel .LBB2_10-.Ltmp8, $2  }
0xf2: {  	_ =	sdelay $0x2  }
0xf3: {  	[sflag:s22] =	ssyncadd.s32 $0xFFFFD000;
	s29 =	smov.u32 s1;
	s17 =	smov.u32 s16  }
.LBB2_11:
0xf4: {  	_ =	sfence.sel $0x180000  }
0xf5: {  	[bflag:$0x0] =	sbarrier.arrive $0xFFFF  }
0xf6: {  	_ =	strace $0x90000047  }
0xf7: {  	[bflag:$0x2] =	sbarrier.arrive $0xFFFF  }
0xf8: {  	p0 =	sne.s32 s3, $0x0;
	s0 =	rddreg [dreg:$0x3]  }
0xf9: {  	s0 =	sadd.s32 @!p0 $0x100000, s0  }
0xfa: {  	[sflag:s0] =	ssyncadd.tile.s32 @!p0 $0x1;
	_ =	shalt  }
.Lfunc_end2:
_tile_overlayer_lowered:
.L_overlay_start_2:
0xfb: {  	(tag) =	ssettag $0x2  }
0xfc: {  	s0 =	rddreg [dreg:$0x0];
	s2 =	stileid.u32  }
0xfd: {  	s1 =	rddreg [dreg:$0x1];
	p0 =	sne.s32 s2, $0x0  }
0xfe: {  	s3 =	rddreg [dreg:$0x2];
	[bflag:$0x3] =	sbarrier.arrive $0xFFFF;
	s2 =	simm.s32 @!p0 $0x1C02  }
0xff: {  	[timem:s3], [sflag:s2] =	dma.local @!p0 [hbm:s0], s1  }
0x100: {  	s0 =	simm.s32 @!p0 $0x2  }
0x101: {  	_ =	swait.ge @!p0 [sflag:s0], s1  }
0x102: {  	s1 =	ssub.s32 @!p0 $0x0, s1;
	[sflag:s0] =	ssyncset.done @!p0 $0x0  }
0x103: {  	[sflag:s0] =	ssyncadd.s32 @!p0 s1  }
0x104: {  	[bflag:$0x3] =	sbarrier.arrive $0xFFFF  }
0x105: {  	_ =	shalt  }

</sc_bundles>
